<compile_context>
chip_gen: v7x
topology: tpu7x:2x2x1
jax: 0.10.2.dev20260603
libtpu: 0.0.44.dev20260713+nightly
codegen_flags: <defaults>
</compile_context>

<pallas_src>
import functools

import jax
import jax.numpy as jnp
from jax import lax
from jax.experimental import pallas as pl
from jax.experimental.pallas import tpu as pltpu
from jax.experimental.pallas import tpu_sc as plsc

BATCH = 16384
EMBED_DIM = 32
IDS = 1000000

_info = plsc.get_sparse_core_info()
_NC, _NS = _info.num_cores, _info.num_subcores
_NW = _NC * _NS
_IDS_PER_W = IDS // _NW
_CHUNK = 640
_NCHUNKS = 50
_SPAN = _CHUNK * _NCHUNKS
_MAIN = (IDS // 128) * 128
_TAIL = IDS - _MAIN
_CHUNK_ELEMS = _CHUNK * EMBED_DIM
_NSLOTS = 512
_LISTN = BATCH + 16


@functools.partial(
    pl.kernel,
    mesh=plsc.VectorSubcoreMesh(core_axis_name="c", subcore_axis_name="s"),
    out_type=jax.ShapeDtypeStruct((BATCH * EMBED_DIM,), jnp.float32),
    scratch_types=[
        pltpu.VMEM((_LISTN,), jnp.int32),
        pltpu.VMEM((_LISTN,), jnp.int32),
        pltpu.VMEM((_LISTN,), jnp.int32),
        pltpu.VMEM((_LISTN,), jnp.int32),
        pltpu.VMEM((2, EMBED_DIM // 8, 8, _CHUNK), jnp.float32),
        pltpu.VMEM((_NSLOTS * EMBED_DIM,), jnp.float32),
        pltpu.VMEM((_TAIL * EMBED_DIM,), jnp.float32),
        pltpu.SemaphoreType.DMA,
        pltpu.SemaphoreType.DMA,
        pltpu.SemaphoreType.DMA,
    ],
    compiler_params=pltpu.CompilerParams(needs_layout_passes=False),
)
def _gather_kernel(
    x_hbm, tabT_hbm, tail_hbm, out_hbm,
    cc_v, jlist, rlist, cj_v, chunk_v, slots_v, tail_v, semA, semB, semS,
):
    c_ax = lax.axis_index("c")
    s_ax = lax.axis_index("s")
    w = c_ax * _NS + s_ax

    lo_id = w * _IDS_PER_W
    hi_id = lo_id + _IDS_PER_W
    lo_stage = jnp.minimum((lo_id // 128) * 128, _MAIN - _SPAN)

    iota16 = lax.iota(jnp.int32, 16)

    pltpu.sync_copy(x_hbm, cc_v.at[pl.ds(0, BATCH)])
    pltpu.sync_copy(tail_hbm, tail_v)

    def bbody(k, ptr):
        xv = cc_v[pl.ds(k * 16, 16)]
        jv = iota16 + k * 16
        m = (xv >= lo_id) & (xv < hi_id)
        plsc.store_compressed(jlist.at[pl.ds(ptr, 16)], jv, mask=m)
        plsc.store_compressed(rlist.at[pl.ds(ptr, 16)], xv, mask=m)
        return ptr + plsc.all_reduce_population_count(m)[0]

    nmatch = lax.fori_loop(0, BATCH // 16, bbody, 0)
    rlist[pl.ds(nmatch, 16)] = jnp.full((16,), 2**31 - 1, jnp.int32)
    jlist[pl.ds(nmatch, 16)] = jnp.zeros((16,), jnp.int32)
    ngroups = lax.shift_right_logical(nmatch + 15, 4)

    def start_chunk(cidx, parity):
        off = pl.multiple_of(lo_stage + cidx * _CHUNK, 128)

        @pl.when(parity == 0)
        def _():
            for t in range(EMBED_DIM // 8):
                pltpu.async_copy(
                    tabT_hbm.at[t, :, pl.ds(off, _CHUNK)], chunk_v.at[0, t], semA
                )

        @pl.when(parity == 1)
        def _():
            for t in range(EMBED_DIM // 8):
                pltpu.async_copy(
                    tabT_hbm.at[t, :, pl.ds(off, _CHUNK)], chunk_v.at[1, t], semB
                )

    def wait_chunk(parity):
        def drain(sem):
            pltpu.make_async_copy(
                out_hbm.at[pl.ds(0, _NSLOTS * EMBED_DIM)], slots_v, sem
            ).wait()
            pltpu.make_async_copy(
                out_hbm.at[pl.ds(0, 4096)], slots_v.at[pl.ds(0, 4096)], sem
            ).wait()

        @pl.when(parity == 0)
        def _():
            drain(semA)

        @pl.when(parity == 1)
        def _():
            drain(semB)

    def extract(nm, gather_dim, carry):
        nq = lax.shift_right_logical(nm + 15, 4)

        def qbody(q, carry2):
            cnt2, pending2 = carry2
            drain = pending2 >= 16384

            @pl.when(drain)
            def _():
                pltpu.make_async_copy(
                    out_hbm.at[pl.ds(0, 2048)],
                    slots_v.at[pl.ds(0, 2048)],
                    semS,
                ).wait()

            pending2 = pending2 - jnp.where(drain, 8192, 0)
            colv = cc_v[pl.ds(q * 16, 16)]
            jv = cj_v[pl.ds(q * 16, 16)]
            slotv = lax.rem(cnt2 + iota16, _NSLOTS) * EMBED_DIM
            for d in range(EMBED_DIM):
                v = gather_dim(d, colv)
                plsc.store_scatter(slots_v, [slotv + d], v)
            for l in range(16):
                valid = q * 16 + l < nm

                @pl.when(valid)
                def _():
                    slot_l = lax.rem(cnt2 + l, _NSLOTS) * EMBED_DIM
                    pltpu.async_copy(
                        slots_v.at[pl.ds(slot_l, EMBED_DIM)],
                        out_hbm.at[pl.ds(jv[l] * EMBED_DIM, EMBED_DIM)],
                        semS,
                    )

                pending2 = pending2 + jnp.where(valid, 128, 0)
            cnt2 = cnt2 + jnp.minimum(16, nm - q * 16)
            return cnt2, pending2

        return lax.fori_loop(0, nq, qbody, carry)

    def compact(lo, hi):
        def sbody(g, p):
            jv = jlist[pl.ds(g * 16, 16)]
            rv = rlist[pl.ds(g * 16, 16)]
            m = (rv >= lo) & (rv < hi)
            plsc.store_compressed(cj_v.at[pl.ds(p, 16)], jv, mask=m)
            plsc.store_compressed(cc_v.at[pl.ds(p, 16)], rv - lo, mask=m)
            return p + plsc.all_reduce_population_count(m)[0]

        nm = lax.fori_loop(0, ngroups, sbody, 0)
        cc_v[pl.ds(nm, 16)] = jnp.zeros((16,), jnp.int32)
        return nm

    start_chunk(0, 0)

    def cbody(c, carry):
        parity = c & 1

        @pl.when(c + 1 < _NCHUNKS)
        def _():
            start_chunk(c + 1, (c + 1) & 1)

        off = lo_stage + c * _CHUNK
        nm = compact(off, off + _CHUNK)
        wait_chunk(parity)
        pv = jnp.broadcast_to(parity, (16,))

        def gather_dim(d, colv):
            return plsc.load_gather(
                chunk_v,
                [
                    pv,
                    jnp.full((16,), d // 8, jnp.int32),
                    jnp.full((16,), d % 8, jnp.int32),
                    colv,
                ],
            )

        return extract(nm, gather_dim, carry)

    carry_m = lax.fori_loop(0, _NCHUNKS, cbody, (0, 0))

    nm_t = compact(_MAIN, IDS)

    def gather_tail(d, colv):
        return plsc.load_gather(tail_v, [colv + d * _TAIL])

    _, pending_f = extract(nm_t, gather_tail, carry_m)

    def dbody(i, _):
        pltpu.make_async_copy(
            out_hbm.at[pl.ds(0, EMBED_DIM)],
            slots_v.at[pl.ds(0, EMBED_DIM)],
            semS,
        ).wait()
        return 0

    lax.fori_loop(0, pending_f // 128, dbody, 0)


def kernel(x, table):
    tabT = table.T
    tail = jnp.asarray(tabT[:, _MAIN:]).reshape(-1)
    tabT3 = tabT.reshape(EMBED_DIM // 8, 8, IDS)
    flat = _gather_kernel(x.astype(jnp.int32), tabT3, tail)
    return flat.reshape(BATCH, EMBED_DIM)

# --- scband reference (transcript-rebuilt; emitter-appended) ---
"""Pipeline reference for scband-latent-factor-mapper-47828755808661 (READ-ONLY COPY).

The authoritative reference and input builder live on the scoring server;
editing this copy changes nothing except your own understanding.
"""

import jax, jax.numpy as jnp
import numpy as np

ID_NUM = 1000000
EMBED_DIM = 32
BATCH = 16384

def setup_inputs(seed: int = 0) -> dict:
    key = jax.random.key(seed)
    k_idx, k_tab = jax.random.split(key)
    x = jax.random.randint(k_idx, (BATCH,), 0, ID_NUM, dtype=jnp.int64 if jax.config.jax_enable_x64 else jnp.int32)
    # Keras Embedding default init: uniform(-0.05, 0.05)
    table = jax.random.uniform(k_tab, (ID_NUM, EMBED_DIM), dtype=jnp.float32, minval=-0.05, maxval=0.05)
    return {"x": x, "table": table}

def reference(x, table):
    # LatentFactorMapper.call: embedding lookup
    return jnp.take(table, x, axis=0)

if __name__ == "__main__":
    import jax
    _d = setup_inputs()
    print(jax.jit(kernel)(*tuple(_d.values())))

</pallas_src>

<mosaic_0001>
#map = affine_map<(d0, d1) -> (0)>
#map1 = affine_map<(d0, d1) -> (0, 0, 0)>
module attributes {stable_mosaic.version = 14 : i64} {
  func.func @_gather_kernel(%arg0: i32, %arg1: i32, %arg2: memref<16384xi32, #tpu.memory_space<hbm>>, %arg3: memref<4x8x1000000xf32, #tpu.memory_space<hbm>>, %arg4: memref<2048xf32, #tpu.memory_space<hbm>>, %arg5: memref<524288xf32, #tpu.memory_space<hbm>>, %arg6: memref<16400xi32, #tpu.memory_space<vmem>>, %arg7: memref<16400xi32, #tpu.memory_space<vmem>>, %arg8: memref<16400xi32, #tpu.memory_space<vmem>>, %arg9: memref<16400xi32, #tpu.memory_space<vmem>>, %arg10: memref<2x4x8x640xf32, #tpu.memory_space<vmem>>, %arg11: memref<16384xf32, #tpu.memory_space<vmem>>, %arg12: memref<2048xf32, #tpu.memory_space<vmem>>, %arg13: memref<!tpu.dma_semaphore, #tpu.memory_space<semaphore_mem>>, %arg14: memref<!tpu.dma_semaphore, #tpu.memory_space<semaphore_mem>>, %arg15: memref<!tpu.dma_semaphore, #tpu.memory_space<semaphore_mem>>) attributes {dimension_semantics = [#tpu.dimension_semantics<core_parallel>, #tpu.dimension_semantics<subcore_parallel>], iteration_bounds = array<i64: 2, 16>, scalar_prefetch = 0 : i64, scratch_operands = 10 : i64, tpu.core_type = #tpu.core_type<sc_vector_subcore>, window_params = [{transform_indices = #map}, {transform_indices = #map1}, {transform_indices = #map}, {transform_indices = #map}]} {
    %mul3A = arith.constant 16 : i32
    %mul3A_0 = arith.muli %arg0, %mul3A : i32
    %add3A = arith.addi %mul3A_0, %arg1 : i32
    %mul3A_1 = arith.constant 31250 : i32
    %mul3A_2 = arith.muli %add3A, %mul3A_1 : i32
    %add3A_3 = arith.constant 31250 : i32
    %add3A_4 = arith.addi %mul3A_2, %add3A_3 : i32
    %jit3A = arith.constant 128 : i32
    %div3A = arith.divsi %mul3A_2, %jit3A : i32
    %sign3A = arith.constant 0 : i32
    %sign3A_5 = arith.cmpi sgt, %mul3A_2, %sign3A : i32
    %sign3A_6 = arith.extui %sign3A_5 : i1 to i32
    %sign3A_7 = arith.constant 0 : i32
    %sign3A_8 = arith.cmpi slt, %mul3A_2, %sign3A_7 : i32
    %sign3A_9 = arith.extui %sign3A_8 : i1 to i32
    %sign3A_10 = arith.subi %sign3A_6, %sign3A_9 : i32
    %sign3A_11 = arith.constant 0 : i32
    %sign3A_12 = arith.cmpi sgt, %jit3A, %sign3A_11 : i32
    %sign3A_13 = arith.extui %sign3A_12 : i1 to i32
    %sign3A_14 = arith.constant 0 : i32
    %sign3A_15 = arith.cmpi slt, %jit3A, %sign3A_14 : i32
    %sign3A_16 = arith.extui %sign3A_15 : i1 to i32
    %sign3A_17 = arith.subi %sign3A_13, %sign3A_16 : i32
    %ne3A = arith.cmpi ne, %sign3A_10, %sign3A_17 : i32
    %rem3A = arith.remsi %mul3A_2, %jit3A : i32
    %ne3A_18 = arith.constant 0 : i32
    %ne3A_19 = arith.cmpi ne, %rem3A, %ne3A_18 : i32
    %and3A = arith.andi %ne3A, %ne3A_19 : i1
    %sub3A = arith.constant 1 : i32
    %sub3A_20 = arith.subi %div3A, %sub3A : i32
    %select_n3A = arith.select %and3A, %sub3A_20, %div3A : i32
    %mul3A_21 = arith.constant 128 : i32
    %mul3A_22 = arith.muli %select_n3A, %mul3A_21 : i32
    %min3A = arith.constant 967936 : i32
    %min3A_23 = arith.minsi %mul3A_22, %min3A : i32
    %iota3A = tpu.iota {dimensions = array<i32: 0>} : vector<16xi32>
    "tpu.region"() ({
      %run_scoped3A = tpu.sem_alloc : memref<!tpu.dma_semaphore, #tpu.memory_space<semaphore_mem>>
      %dma_start3A_182 = arith.constant 0 : i32
      %dma_start3A_183 = tpu.memref_slice %arg6[%dma_start3A_182] : memref<16400xi32, #tpu.memory_space<vmem>> -> memref<16384xi32, #tpu.memory_space<vmem>>
      %dma_start3A_184 = arith.constant 0 : i32
      %dma_start3A_185 = tpu.memref_slice %arg6[%dma_start3A_184] : memref<16400xi32, #tpu.memory_space<vmem>> -> memref<16384xi32, #tpu.memory_space<vmem>>
      tpu.enqueue_dma source(%arg2 : memref<16384xi32, #tpu.memory_space<hbm>>) target(%dma_start3A_185 : memref<16384xi32, #tpu.memory_space<vmem>>) target_semaphore(%run_scoped3A : memref<!tpu.dma_semaphore, #tpu.memory_space<semaphore_mem>>)
      %dma_wait3A = arith.constant 0 : i32
      %dma_wait3A_186 = tpu.memref_slice %arg6[%dma_wait3A] : memref<16400xi32, #tpu.memory_space<vmem>> -> memref<16384xi32, #tpu.memory_space<vmem>>
      %dma_wait3A_187 = arith.constant 0 : i32
      %dma_wait3A_188 = tpu.memref_slice %arg6[%dma_wait3A_187] : memref<16400xi32, #tpu.memory_space<vmem>> -> memref<16384xi32, #tpu.memory_space<vmem>>
      tpu.wait_dma2 semaphore(%run_scoped3A : memref<!tpu.dma_semaphore, #tpu.memory_space<semaphore_mem>>) src(%arg2 : memref<16384xi32, #tpu.memory_space<hbm>>) dst(%dma_wait3A_188 : memref<16384xi32, #tpu.memory_space<vmem>>)
      tpu.yield
    }) : () -> ()
    "tpu.region"() ({
      %run_scoped3A = tpu.sem_alloc : memref<!tpu.dma_semaphore, #tpu.memory_space<semaphore_mem>>
      tpu.enqueue_dma source(%arg4 : memref<2048xf32, #tpu.memory_space<hbm>>) target(%arg12 : memref<2048xf32, #tpu.memory_space<vmem>>) target_semaphore(%run_scoped3A : memref<!tpu.dma_semaphore, #tpu.memory_space<semaphore_mem>>)
      tpu.wait_dma2 semaphore(%run_scoped3A : memref<!tpu.dma_semaphore, #tpu.memory_space<semaphore_mem>>) src(%arg4 : memref<2048xf32, #tpu.memory_space<hbm>>) dst(%arg12 : memref<2048xf32, #tpu.memory_space<vmem>>)
      tpu.yield
    }) : () -> ()
    %scan3A = arith.constant 0 : i32
    %scan3A_24 = arith.constant 0 : i32
    %scan3A_25 = arith.constant 1024 : i32
    %scan3A_26 = arith.addi %scan3A_24, %scan3A_25 : i32
    %scan3A_27 = arith.constant 1 : i32
    %scan3A_28 = scf.for %scan3A_182 = %scan3A_24 to %scan3A_26 step %scan3A_27 iter_args(%scan3A_183 = %scan3A) -> (i32)  : i32 {
      %mul3A_184 = arith.constant 16 : i32
      %mul3A_185 = arith.muli %scan3A_182, %mul3A_184 : i32
      %get3A = arith.index_cast %mul3A_185 : i32 to index
      %get3A_186 = tpu.vector_load %arg6[%get3A] {strides = array<i32>} : memref<16400xi32, #tpu.memory_space<vmem>>, vector<16xi32>,
      %mul3A_187 = arith.constant 16 : i32
      %mul3A_188 = arith.muli %scan3A_182, %mul3A_187 : i32
      %add3A_189 = vector.broadcast %mul3A_188 : i32 to vector<16xi32>
      %add3A_190 = arith.addi %iota3A, %add3A_189 : vector<16xi32>
      %ge3A = vector.broadcast %mul3A_2 : i32 to vector<16xi32>
      %ge3A_191 = arith.cmpi sge, %get3A_186, %ge3A : vector<16xi32>
      %lt3A = vector.broadcast %add3A_4 : i32 to vector<16xi32>
      %lt3A_192 = arith.cmpi slt, %get3A_186, %lt3A : vector<16xi32>
      %and3A_193 = arith.andi %ge3A_191, %lt3A_192 : vector<16xi1>
      %swap3A_194 = arith.index_cast %scan3A_183 : i32 to index
      %swap3A_195 = tpu.vector_load %arg7[%swap3A_194] masked %and3A_193 {strides = array<i32>} : memref<16400xi32, #tpu.memory_space<vmem>>, vector<16xi32>, vector<16xi1>
      tpu.vector_store %arg7[%swap3A_194], %add3A_190 masked %and3A_193 {strides = array<i32>} : memref<16400xi32, #tpu.memory_space<vmem>>, vector<16xi32>, vector<16xi1>
      %swap3A_196 = arith.index_cast %scan3A_183 : i32 to index
      %swap3A_197 = tpu.vector_load %arg8[%swap3A_196] masked %and3A_193 {strides = array<i32>} : memref<16400xi32, #tpu.memory_space<vmem>>, vector<16xi32>, vector<16xi1>
      tpu.vector_store %arg8[%swap3A_196], %get3A_186 masked %and3A_193 {strides = array<i32>} : memref<16400xi32, #tpu.memory_space<vmem>>, vector<16xi32>, vector<16xi1>
      %all_reduce_population_count3A = tpu.all_reduce %and3A_193 {dim = 0 : i64, kind = #tpu.reduction_kind<sum>} : vector<16xi1> -> vector<16xi32>
      %slice3A = vector.extract_strided_slice %all_reduce_population_count3A {offsets = [0], sizes = [1], strides = [1]} : vector<16xi32> to vector<1xi32>
      %squeeze3A = vector.extract %slice3A[0] : i32 from vector<1xi32>
      %add3A_198 = arith.addi %scan3A_183, %squeeze3A : i32
      scf.yield %add3A_198 : i32
    }
    %scan3A_29 = arith.constant 1024 : i32
    %broadcast_in_dim3A = arith.constant 2147483647 : i32
    %broadcast_in_dim3A_30 = vector.broadcast %broadcast_in_dim3A : i32 to vector<16xi32>
    %swap3A = arith.index_cast %scan3A_28 : i32 to index
    %swap3A_31 = tpu.vector_load %arg8[%swap3A] {strides = array<i32>} : memref<16400xi32, #tpu.memory_space<vmem>>, vector<16xi32>,
    tpu.vector_store %arg8[%swap3A], %broadcast_in_dim3A_30 {strides = array<i32>} : memref<16400xi32, #tpu.memory_space<vmem>>, vector<16xi32>,
    %broadcast_in_dim3A_32 = arith.constant 0 : i32
    %broadcast_in_dim3A_33 = vector.broadcast %broadcast_in_dim3A_32 : i32 to vector<16xi32>
    %swap3A_34 = arith.index_cast %scan3A_28 : i32 to index
    %swap3A_35 = tpu.vector_load %arg7[%swap3A_34] {strides = array<i32>} : memref<16400xi32, #tpu.memory_space<vmem>>, vector<16xi32>,
    tpu.vector_store %arg7[%swap3A_34], %broadcast_in_dim3A_33 {strides = array<i32>} : memref<16400xi32, #tpu.memory_space<vmem>>, vector<16xi32>,
    %add3A_36 = arith.constant 15 : i32
    %add3A_37 = arith.addi %scan3A_28, %add3A_36 : i32
    %shift_right_logical3A = arith.constant 4 : i32
    %shift_right_logical3A_38 = arith.shrui %add3A_37, %shift_right_logical3A : i32
    %add3A_39 = arith.constant 0 : i32
    %add3A_40 = arith.addi %min3A_23, %add3A_39 : i32
    %multiple_of3A = tpu.assume_multiple %add3A_40, 128 : i32
    %dma_start3A = arith.constant 0 : i32
    %dma_start3A_41 = arith.constant 0 : i32
    %dma_start3A_42 = arith.constant 0 : i32
    %dma_start3A_43 = arith.constant 0 : i32
    %dma_start3A_44 = arith.constant 0 : i32
    %dma_start3A_45 = tpu.memref_slice %arg10[%dma_start3A_41, %dma_start3A_42, %dma_start3A_43, %dma_start3A_44] : memref<2x4x8x640xf32, #tpu.memory_space<vmem>> -> memref<1x1x8x640xf32, #tpu.memory_space<vmem>>
    %dma_start3A_46 = tpu.memref_squeeze %dma_start3A_45 : memref<1x1x8x640xf32, #tpu.memory_space<vmem>> -> memref<8x640xf32, #tpu.memory_space<vmem>>
    %dma_start3A_47 = arith.constant 0 : i32
    %dma_start3A_48 = tpu.memref_slice %arg3[%dma_start3A, %dma_start3A_47, %multiple_of3A] : memref<4x8x1000000xf32, #tpu.memory_space<hbm>> -> memref<1x8x640xf32, #tpu.memory_space<hbm>>
    %dma_start3A_49 = tpu.memref_squeeze %dma_start3A_48 : memref<1x8x640xf32, #tpu.memory_space<hbm>> -> memref<8x640xf32, #tpu.memory_space<hbm>>
    %dma_start3A_50 = arith.constant 0 : i32
    %dma_start3A_51 = arith.constant 0 : i32
    %dma_start3A_52 = tpu.memref_slice %arg10[%dma_start3A_41, %dma_start3A_42, %dma_start3A_50, %dma_start3A_51] : memref<2x4x8x640xf32, #tpu.memory_space<vmem>> -> memref<1x1x8x640xf32, #tpu.memory_space<vmem>>
    %dma_start3A_53 = tpu.memref_squeeze %dma_start3A_52 : memref<1x1x8x640xf32, #tpu.memory_space<vmem>> -> memref<8x640xf32, #tpu.memory_space<vmem>>
    %dma_start3A_54 = arith.constant 0 : i32
    %dma_start3A_55 = tpu.memref_slice %arg3[%dma_start3A, %dma_start3A_54, %multiple_of3A] : memref<4x8x1000000xf32, #tpu.memory_space<hbm>> -> memref<1x8x640xf32, #tpu.memory_space<hbm>>
    %dma_start3A_56 = tpu.memref_squeeze %dma_start3A_55 : memref<1x8x640xf32, #tpu.memory_space<hbm>> -> memref<8x640xf32, #tpu.memory_space<hbm>>
    tpu.enqueue_dma source(%dma_start3A_56 : memref<8x640xf32, #tpu.memory_space<hbm>>) target(%dma_start3A_53 : memref<8x640xf32, #tpu.memory_space<vmem>>) target_semaphore(%arg13 : memref<!tpu.dma_semaphore, #tpu.memory_space<semaphore_mem>>)
    %dma_start3A_57 = arith.constant 1 : i32
    %dma_start3A_58 = arith.constant 0 : i32
    %dma_start3A_59 = arith.constant 1 : i32
    %dma_start3A_60 = arith.constant 0 : i32
    %dma_start3A_61 = arith.constant 0 : i32
    %dma_start3A_62 = tpu.memref_slice %arg10[%dma_start3A_58, %dma_start3A_59, %dma_start3A_60, %dma_start3A_61] : memref<2x4x8x640xf32, #tpu.memory_space<vmem>> -> memref<1x1x8x640xf32, #tpu.memory_space<vmem>>
    %dma_start3A_63 = tpu.memref_squeeze %dma_start3A_62 : memref<1x1x8x640xf32, #tpu.memory_space<vmem>> -> memref<8x640xf32, #tpu.memory_space<vmem>>
    %dma_start3A_64 = arith.constant 0 : i32
    %dma_start3A_65 = tpu.memref_slice %arg3[%dma_start3A_57, %dma_start3A_64, %multiple_of3A] : memref<4x8x1000000xf32, #tpu.memory_space<hbm>> -> memref<1x8x640xf32, #tpu.memory_space<hbm>>
    %dma_start3A_66 = tpu.memref_squeeze %dma_start3A_65 : memref<1x8x640xf32, #tpu.memory_space<hbm>> -> memref<8x640xf32, #tpu.memory_space<hbm>>
    %dma_start3A_67 = arith.constant 0 : i32
    %dma_start3A_68 = arith.constant 0 : i32
    %dma_start3A_69 = tpu.memref_slice %arg10[%dma_start3A_58, %dma_start3A_59, %dma_start3A_67, %dma_start3A_68] : memref<2x4x8x640xf32, #tpu.memory_space<vmem>> -> memref<1x1x8x640xf32, #tpu.memory_space<vmem>>
    %dma_start3A_70 = tpu.memref_squeeze %dma_start3A_69 : memref<1x1x8x640xf32, #tpu.memory_space<vmem>> -> memref<8x640xf32, #tpu.memory_space<vmem>>
    %dma_start3A_71 = arith.constant 0 : i32
    %dma_start3A_72 = tpu.memref_slice %arg3[%dma_start3A_57, %dma_start3A_71, %multiple_of3A] : memref<4x8x1000000xf32, #tpu.memory_space<hbm>> -> memref<1x8x640xf32, #tpu.memory_space<hbm>>
    %dma_start3A_73 = tpu.memref_squeeze %dma_start3A_72 : memref<1x8x640xf32, #tpu.memory_space<hbm>> -> memref<8x640xf32, #tpu.memory_space<hbm>>
    tpu.enqueue_dma source(%dma_start3A_73 : memref<8x640xf32, #tpu.memory_space<hbm>>) target(%dma_start3A_70 : memref<8x640xf32, #tpu.memory_space<vmem>>) target_semaphore(%arg13 : memref<!tpu.dma_semaphore, #tpu.memory_space<semaphore_mem>>)
    %dma_start3A_74 = arith.constant 2 : i32
    %dma_start3A_75 = arith.constant 0 : i32
    %dma_start3A_76 = arith.constant 2 : i32
    %dma_start3A_77 = arith.constant 0 : i32
    %dma_start3A_78 = arith.constant 0 : i32
    %dma_start3A_79 = tpu.memref_slice %arg10[%dma_start3A_75, %dma_start3A_76, %dma_start3A_77, %dma_start3A_78] : memref<2x4x8x640xf32, #tpu.memory_space<vmem>> -> memref<1x1x8x640xf32, #tpu.memory_space<vmem>>
    %dma_start3A_80 = tpu.memref_squeeze %dma_start3A_79 : memref<1x1x8x640xf32, #tpu.memory_space<vmem>> -> memref<8x640xf32, #tpu.memory_space<vmem>>
    %dma_start3A_81 = arith.constant 0 : i32
    %dma_start3A_82 = tpu.memref_slice %arg3[%dma_start3A_74, %dma_start3A_81, %multiple_of3A] : memref<4x8x1000000xf32, #tpu.memory_space<hbm>> -> memref<1x8x640xf32, #tpu.memory_space<hbm>>
    %dma_start3A_83 = tpu.memref_squeeze %dma_start3A_82 : memref<1x8x640xf32, #tpu.memory_space<hbm>> -> memref<8x640xf32, #tpu.memory_space<hbm>>
    %dma_start3A_84 = arith.constant 0 : i32
    %dma_start3A_85 = arith.constant 0 : i32
    %dma_start3A_86 = tpu.memref_slice %arg10[%dma_start3A_75, %dma_start3A_76, %dma_start3A_84, %dma_start3A_85] : memref<2x4x8x640xf32, #tpu.memory_space<vmem>> -> memref<1x1x8x640xf32, #tpu.memory_space<vmem>>
    %dma_start3A_87 = tpu.memref_squeeze %dma_start3A_86 : memref<1x1x8x640xf32, #tpu.memory_space<vmem>> -> memref<8x640xf32, #tpu.memory_space<vmem>>
    %dma_start3A_88 = arith.constant 0 : i32
    %dma_start3A_89 = tpu.memref_slice %arg3[%dma_start3A_74, %dma_start3A_88, %multiple_of3A] : memref<4x8x1000000xf32, #tpu.memory_space<hbm>> -> memref<1x8x640xf32, #tpu.memory_space<hbm>>
    %dma_start3A_90 = tpu.memref_squeeze %dma_start3A_89 : memref<1x8x640xf32, #tpu.memory_space<hbm>> -> memref<8x640xf32, #tpu.memory_space<hbm>>
    tpu.enqueue_dma source(%dma_start3A_90 : memref<8x640xf32, #tpu.memory_space<hbm>>) target(%dma_start3A_87 : memref<8x640xf32, #tpu.memory_space<vmem>>) target_semaphore(%arg13 : memref<!tpu.dma_semaphore, #tpu.memory_space<semaphore_mem>>)
    %dma_start3A_91 = arith.constant 3 : i32
    %dma_start3A_92 = arith.constant 0 : i32
    %dma_start3A_93 = arith.constant 3 : i32
    %dma_start3A_94 = arith.constant 0 : i32
    %dma_start3A_95 = arith.constant 0 : i32
    %dma_start3A_96 = tpu.memref_slice %arg10[%dma_start3A_92, %dma_start3A_93, %dma_start3A_94, %dma_start3A_95] : memref<2x4x8x640xf32, #tpu.memory_space<vmem>> -> memref<1x1x8x640xf32, #tpu.memory_space<vmem>>
    %dma_start3A_97 = tpu.memref_squeeze %dma_start3A_96 : memref<1x1x8x640xf32, #tpu.memory_space<vmem>> -> memref<8x640xf32, #tpu.memory_space<vmem>>
    %dma_start3A_98 = arith.constant 0 : i32
    %dma_start3A_99 = tpu.memref_slice %arg3[%dma_start3A_91, %dma_start3A_98, %multiple_of3A] : memref<4x8x1000000xf32, #tpu.memory_space<hbm>> -> memref<1x8x640xf32, #tpu.memory_space<hbm>>
    %dma_start3A_100 = tpu.memref_squeeze %dma_start3A_99 : memref<1x8x640xf32, #tpu.memory_space<hbm>> -> memref<8x640xf32, #tpu.memory_space<hbm>>
    %dma_start3A_101 = arith.constant 0 : i32
    %dma_start3A_102 = arith.constant 0 : i32
    %dma_start3A_103 = tpu.memref_slice %arg10[%dma_start3A_92, %dma_start3A_93, %dma_start3A_101, %dma_start3A_102] : memref<2x4x8x640xf32, #tpu.memory_space<vmem>> -> memref<1x1x8x640xf32, #tpu.memory_space<vmem>>
    %dma_start3A_104 = tpu.memref_squeeze %dma_start3A_103 : memref<1x1x8x640xf32, #tpu.memory_space<vmem>> -> memref<8x640xf32, #tpu.memory_space<vmem>>
    %dma_start3A_105 = arith.constant 0 : i32
    %dma_start3A_106 = tpu.memref_slice %arg3[%dma_start3A_91, %dma_start3A_105, %multiple_of3A] : memref<4x8x1000000xf32, #tpu.memory_space<hbm>> -> memref<1x8x640xf32, #tpu.memory_space<hbm>>
    %dma_start3A_107 = tpu.memref_squeeze %dma_start3A_106 : memref<1x8x640xf32, #tpu.memory_space<hbm>> -> memref<8x640xf32, #tpu.memory_space<hbm>>
    tpu.enqueue_dma source(%dma_start3A_107 : memref<8x640xf32, #tpu.memory_space<hbm>>) target(%dma_start3A_104 : memref<8x640xf32, #tpu.memory_space<vmem>>) target_semaphore(%arg13 : memref<!tpu.dma_semaphore, #tpu.memory_space<semaphore_mem>>)
    %scan3A_108 = arith.constant 0 : i32
    %scan3A_109 = arith.constant 0 : i32
    %scan3A_110 = arith.constant 0 : i32
    %scan3A_111 = arith.constant 50 : i32
    %scan3A_112 = arith.addi %scan3A_110, %scan3A_111 : i32
    %scan3A_113 = arith.constant 1 : i32
    %scan3A_114:2 = scf.for %scan3A_182 = %scan3A_110 to %scan3A_112 step %scan3A_113 iter_args(%scan3A_183 = %scan3A_108, %scan3A_184 = %scan3A_109) -> (i32, i32)  : i32 {
      %and3A_185 = arith.constant 1 : i32
      %and3A_186 = arith.andi %scan3A_182, %and3A_185 : i32
      %add3A_187 = arith.constant 1 : i32
      %add3A_188 = arith.addi %scan3A_182, %add3A_187 : i32
      %lt3A = arith.constant 50 : i32
      %lt3A_189 = arith.cmpi slt, %add3A_188, %lt3A : i32
      %convert_element_type3A = arith.extui %lt3A_189 : i1 to i32
      %cond3A = arith.constant 0 : i32
      %cond3A_190 = arith.cmpi ne, %convert_element_type3A, %cond3A : i32
      scf.if %cond3A_190 {
        %add3A_237 = arith.constant 1 : i32
        %add3A_238 = arith.addi %scan3A_182, %add3A_237 : i32
        %add3A_239 = arith.constant 1 : i32
        %add3A_240 = arith.addi %scan3A_182, %add3A_239 : i32
        %and3A_241 = arith.constant 1 : i32
        %and3A_242 = arith.andi %add3A_240, %and3A_241 : i32
        %mul3A_243 = arith.constant 640 : i32
        %mul3A_244 = arith.muli %add3A_238, %mul3A_243 : i32
        %add3A_245 = arith.addi %min3A_23, %mul3A_244 : i32
        %multiple_of3A_246 = tpu.assume_multiple %add3A_245, 128 : i32
        %eq3A_247 = arith.constant 0 : i32
        %eq3A_248 = arith.cmpi eq, %and3A_242, %eq3A_247 : i32
        %convert_element_type3A_249 = arith.extui %eq3A_248 : i1 to i32
        %cond3A_250 = arith.constant 0 : i32
        %cond3A_251 = arith.cmpi ne, %convert_element_type3A_249, %cond3A_250 : i32
        scf.if %cond3A_251 {
          %dma_start3A_257 = arith.constant 0 : i32
          %dma_start3A_258 = arith.constant 0 : i32
          %dma_start3A_259 = arith.constant 0 : i32
          %dma_start3A_260 = arith.constant 0 : i32
          %dma_start3A_261 = arith.constant 0 : i32
          %dma_start3A_262 = tpu.memref_slice %arg10[%dma_start3A_258, %dma_start3A_259, %dma_start3A_260, %dma_start3A_261] : memref<2x4x8x640xf32, #tpu.memory_space<vmem>> -> memref<1x1x8x640xf32, #tpu.memory_space<vmem>>
          %dma_start3A_263 = tpu.memref_squeeze %dma_start3A_262 : memref<1x1x8x640xf32, #tpu.memory_space<vmem>> -> memref<8x640xf32, #tpu.memory_space<vmem>>
          %dma_start3A_264 = arith.constant 0 : i32
          %dma_start3A_265 = tpu.memref_slice %arg3[%dma_start3A_257, %dma_start3A_264, %multiple_of3A_246] : memref<4x8x1000000xf32, #tpu.memory_space<hbm>> -> memref<1x8x640xf32, #tpu.memory_space<hbm>>
          %dma_start3A_266 = tpu.memref_squeeze %dma_start3A_265 : memref<1x8x640xf32, #tpu.memory_space<hbm>> -> memref<8x640xf32, #tpu.memory_space<hbm>>
          %dma_start3A_267 = arith.constant 0 : i32
          %dma_start3A_268 = arith.constant 0 : i32
          %dma_start3A_269 = tpu.memref_slice %arg10[%dma_start3A_258, %dma_start3A_259, %dma_start3A_267, %dma_start3A_268] : memref<2x4x8x640xf32, #tpu.memory_space<vmem>> -> memref<1x1x8x640xf32, #tpu.memory_space<vmem>>
          %dma_start3A_270 = tpu.memref_squeeze %dma_start3A_269 : memref<1x1x8x640xf32, #tpu.memory_space<vmem>> -> memref<8x640xf32, #tpu.memory_space<vmem>>
          %dma_start3A_271 = arith.constant 0 : i32
          %dma_start3A_272 = tpu.memref_slice %arg3[%dma_start3A_257, %dma_start3A_271, %multiple_of3A_246] : memref<4x8x1000000xf32, #tpu.memory_space<hbm>> -> memref<1x8x640xf32, #tpu.memory_space<hbm>>
          %dma_start3A_273 = tpu.memref_squeeze %dma_start3A_272 : memref<1x8x640xf32, #tpu.memory_space<hbm>> -> memref<8x640xf32, #tpu.memory_space<hbm>>
          tpu.enqueue_dma source(%dma_start3A_273 : memref<8x640xf32, #tpu.memory_space<hbm>>) target(%dma_start3A_270 : memref<8x640xf32, #tpu.memory_space<vmem>>) target_semaphore(%arg13 : memref<!tpu.dma_semaphore, #tpu.memory_space<semaphore_mem>>)
          %dma_start3A_274 = arith.constant 1 : i32
          %dma_start3A_275 = arith.constant 0 : i32
          %dma_start3A_276 = arith.constant 1 : i32
          %dma_start3A_277 = arith.constant 0 : i32
          %dma_start3A_278 = arith.constant 0 : i32
          %dma_start3A_279 = tpu.memref_slice %arg10[%dma_start3A_275, %dma_start3A_276, %dma_start3A_277, %dma_start3A_278] : memref<2x4x8x640xf32, #tpu.memory_space<vmem>> -> memref<1x1x8x640xf32, #tpu.memory_space<vmem>>
          %dma_start3A_280 = tpu.memref_squeeze %dma_start3A_279 : memref<1x1x8x640xf32, #tpu.memory_space<vmem>> -> memref<8x640xf32, #tpu.memory_space<vmem>>
          %dma_start3A_281 = arith.constant 0 : i32
          %dma_start3A_282 = tpu.memref_slice %arg3[%dma_start3A_274, %dma_start3A_281, %multiple_of3A_246] : memref<4x8x1000000xf32, #tpu.memory_space<hbm>> -> memref<1x8x640xf32, #tpu.memory_space<hbm>>
          %dma_start3A_283 = tpu.memref_squeeze %dma_start3A_282 : memref<1x8x640xf32, #tpu.memory_space<hbm>> -> memref<8x640xf32, #tpu.memory_space<hbm>>
          %dma_start3A_284 = arith.constant 0 : i32
          %dma_start3A_285 = arith.constant 0 : i32
          %dma_start3A_286 = tpu.memref_slice %arg10[%dma_start3A_275, %dma_start3A_276, %dma_start3A_284, %dma_start3A_285] : memref<2x4x8x640xf32, #tpu.memory_space<vmem>> -> memref<1x1x8x640xf32, #tpu.memory_space<vmem>>
          %dma_start3A_287 = tpu.memref_squeeze %dma_start3A_286 : memref<1x1x8x640xf32, #tpu.memory_space<vmem>> -> memref<8x640xf32, #tpu.memory_space<vmem>>
          %dma_start3A_288 = arith.constant 0 : i32
          %dma_start3A_289 = tpu.memref_slice %arg3[%dma_start3A_274, %dma_start3A_288, %multiple_of3A_246] : memref<4x8x1000000xf32, #tpu.memory_space<hbm>> -> memref<1x8x640xf32, #tpu.memory_space<hbm>>
          %dma_start3A_290 = tpu.memref_squeeze %dma_start3A_289 : memref<1x8x640xf32, #tpu.memory_space<hbm>> -> memref<8x640xf32, #tpu.memory_space<hbm>>
          tpu.enqueue_dma source(%dma_start3A_290 : memref<8x640xf32, #tpu.memory_space<hbm>>) target(%dma_start3A_287 : memref<8x640xf32, #tpu.memory_space<vmem>>) target_semaphore(%arg13 : memref<!tpu.dma_semaphore, #tpu.memory_space<semaphore_mem>>)
          %dma_start3A_291 = arith.constant 2 : i32
          %dma_start3A_292 = arith.constant 0 : i32
          %dma_start3A_293 = arith.constant 2 : i32
          %dma_start3A_294 = arith.constant 0 : i32
          %dma_start3A_295 = arith.constant 0 : i32
          %dma_start3A_296 = tpu.memref_slice %arg10[%dma_start3A_292, %dma_start3A_293, %dma_start3A_294, %dma_start3A_295] : memref<2x4x8x640xf32, #tpu.memory_space<vmem>> -> memref<1x1x8x640xf32, #tpu.memory_space<vmem>>
          %dma_start3A_297 = tpu.memref_squeeze %dma_start3A_296 : memref<1x1x8x640xf32, #tpu.memory_space<vmem>> -> memref<8x640xf32, #tpu.memory_space<vmem>>
          %dma_start3A_298 = arith.constant 0 : i32
          %dma_start3A_299 = tpu.memref_slice %arg3[%dma_start3A_291, %dma_start3A_298, %multiple_of3A_246] : memref<4x8x1000000xf32, #tpu.memory_space<hbm>> -> memref<1x8x640xf32, #tpu.memory_space<hbm>>
          %dma_start3A_300 = tpu.memref_squeeze %dma_start3A_299 : memref<1x8x640xf32, #tpu.memory_space<hbm>> -> memref<8x640xf32, #tpu.memory_space<hbm>>
          %dma_start3A_301 = arith.constant 0 : i32
          %dma_start3A_302 = arith.constant 0 : i32
          %dma_start3A_303 = tpu.memref_slice %arg10[%dma_start3A_292, %dma_start3A_293, %dma_start3A_301, %dma_start3A_302] : memref<2x4x8x640xf32, #tpu.memory_space<vmem>> -> memref<1x1x8x640xf32, #tpu.memory_space<vmem>>
          %dma_start3A_304 = tpu.memref_squeeze %dma_start3A_303 : memref<1x1x8x640xf32, #tpu.memory_space<vmem>> -> memref<8x640xf32, #tpu.memory_space<vmem>>
          %dma_start3A_305 = arith.constant 0 : i32
          %dma_start3A_306 = tpu.memref_slice %arg3[%dma_start3A_291, %dma_start3A_305, %multiple_of3A_246] : memref<4x8x1000000xf32, #tpu.memory_space<hbm>> -> memref<1x8x640xf32, #tpu.memory_space<hbm>>
          %dma_start3A_307 = tpu.memref_squeeze %dma_start3A_306 : memref<1x8x640xf32, #tpu.memory_space<hbm>> -> memref<8x640xf32, #tpu.memory_space<hbm>>
          tpu.enqueue_dma source(%dma_start3A_307 : memref<8x640xf32, #tpu.memory_space<hbm>>) target(%dma_start3A_304 : memref<8x640xf32, #tpu.memory_space<vmem>>) target_semaphore(%arg13 : memref<!tpu.dma_semaphore, #tpu.memory_space<semaphore_mem>>)
          %dma_start3A_308 = arith.constant 3 : i32
          %dma_start3A_309 = arith.constant 0 : i32
          %dma_start3A_310 = arith.constant 3 : i32
          %dma_start3A_311 = arith.constant 0 : i32
          %dma_start3A_312 = arith.constant 0 : i32
          %dma_start3A_313 = tpu.memref_slice %arg10[%dma_start3A_309, %dma_start3A_310, %dma_start3A_311, %dma_start3A_312] : memref<2x4x8x640xf32, #tpu.memory_space<vmem>> -> memref<1x1x8x640xf32, #tpu.memory_space<vmem>>
          %dma_start3A_314 = tpu.memref_squeeze %dma_start3A_313 : memref<1x1x8x640xf32, #tpu.memory_space<vmem>> -> memref<8x640xf32, #tpu.memory_space<vmem>>
          %dma_start3A_315 = arith.constant 0 : i32
          %dma_start3A_316 = tpu.memref_slice %arg3[%dma_start3A_308, %dma_start3A_315, %multiple_of3A_246] : memref<4x8x1000000xf32, #tpu.memory_space<hbm>> -> memref<1x8x640xf32, #tpu.memory_space<hbm>>
          %dma_start3A_317 = tpu.memref_squeeze %dma_start3A_316 : memref<1x8x640xf32, #tpu.memory_space<hbm>> -> memref<8x640xf32, #tpu.memory_space<hbm>>
          %dma_start3A_318 = arith.constant 0 : i32
          %dma_start3A_319 = arith.constant 0 : i32
          %dma_start3A_320 = tpu.memref_slice %arg10[%dma_start3A_309, %dma_start3A_310, %dma_start3A_318, %dma_start3A_319] : memref<2x4x8x640xf32, #tpu.memory_space<vmem>> -> memref<1x1x8x640xf32, #tpu.memory_space<vmem>>
          %dma_start3A_321 = tpu.memref_squeeze %dma_start3A_320 : memref<1x1x8x640xf32, #tpu.memory_space<vmem>> -> memref<8x640xf32, #tpu.memory_space<vmem>>
          %dma_start3A_322 = arith.constant 0 : i32
          %dma_start3A_323 = tpu.memref_slice %arg3[%dma_start3A_308, %dma_start3A_322, %multiple_of3A_246] : memref<4x8x1000000xf32, #tpu.memory_space<hbm>> -> memref<1x8x640xf32, #tpu.memory_space<hbm>>
          %dma_start3A_324 = tpu.memref_squeeze %dma_start3A_323 : memref<1x8x640xf32, #tpu.memory_space<hbm>> -> memref<8x640xf32, #tpu.memory_space<hbm>>
          tpu.enqueue_dma source(%dma_start3A_324 : memref<8x640xf32, #tpu.memory_space<hbm>>) target(%dma_start3A_321 : memref<8x640xf32, #tpu.memory_space<vmem>>) target_semaphore(%arg13 : memref<!tpu.dma_semaphore, #tpu.memory_space<semaphore_mem>>)
        } else {
        }
        %eq3A_252 = arith.constant 1 : i32
        %eq3A_253 = arith.cmpi eq, %and3A_242, %eq3A_252 : i32
        %convert_element_type3A_254 = arith.extui %eq3A_253 : i1 to i32
        %cond3A_255 = arith.constant 0 : i32
        %cond3A_256 = arith.cmpi ne, %convert_element_type3A_254, %cond3A_255 : i32
        scf.if %cond3A_256 {
          %dma_start3A_257 = arith.constant 0 : i32
          %dma_start3A_258 = arith.constant 1 : i32
          %dma_start3A_259 = arith.constant 0 : i32
          %dma_start3A_260 = arith.constant 0 : i32
          %dma_start3A_261 = arith.constant 0 : i32
          %dma_start3A_262 = tpu.memref_slice %arg10[%dma_start3A_258, %dma_start3A_259, %dma_start3A_260, %dma_start3A_261] : memref<2x4x8x640xf32, #tpu.memory_space<vmem>> -> memref<1x1x8x640xf32, #tpu.memory_space<vmem>>
          %dma_start3A_263 = tpu.memref_squeeze %dma_start3A_262 : memref<1x1x8x640xf32, #tpu.memory_space<vmem>> -> memref<8x640xf32, #tpu.memory_space<vmem>>
          %dma_start3A_264 = arith.constant 0 : i32
          %dma_start3A_265 = tpu.memref_slice %arg3[%dma_start3A_257, %dma_start3A_264, %multiple_of3A_246] : memref<4x8x1000000xf32, #tpu.memory_space<hbm>> -> memref<1x8x640xf32, #tpu.memory_space<hbm>>
          %dma_start3A_266 = tpu.memref_squeeze %dma_start3A_265 : memref<1x8x640xf32, #tpu.memory_space<hbm>> -> memref<8x640xf32, #tpu.memory_space<hbm>>
          %dma_start3A_267 = arith.constant 0 : i32
          %dma_start3A_268 = arith.constant 0 : i32
          %dma_start3A_269 = tpu.memref_slice %arg10[%dma_start3A_258, %dma_start3A_259, %dma_start3A_267, %dma_start3A_268] : memref<2x4x8x640xf32, #tpu.memory_space<vmem>> -> memref<1x1x8x640xf32, #tpu.memory_space<vmem>>
          %dma_start3A_270 = tpu.memref_squeeze %dma_start3A_269 : memref<1x1x8x640xf32, #tpu.memory_space<vmem>> -> memref<8x640xf32, #tpu.memory_space<vmem>>
          %dma_start3A_271 = arith.constant 0 : i32
          %dma_start3A_272 = tpu.memref_slice %arg3[%dma_start3A_257, %dma_start3A_271, %multiple_of3A_246] : memref<4x8x1000000xf32, #tpu.memory_space<hbm>> -> memref<1x8x640xf32, #tpu.memory_space<hbm>>
          %dma_start3A_273 = tpu.memref_squeeze %dma_start3A_272 : memref<1x8x640xf32, #tpu.memory_space<hbm>> -> memref<8x640xf32, #tpu.memory_space<hbm>>
          tpu.enqueue_dma source(%dma_start3A_273 : memref<8x640xf32, #tpu.memory_space<hbm>>) target(%dma_start3A_270 : memref<8x640xf32, #tpu.memory_space<vmem>>) target_semaphore(%arg14 : memref<!tpu.dma_semaphore, #tpu.memory_space<semaphore_mem>>)
          %dma_start3A_274 = arith.constant 1 : i32
          %dma_start3A_275 = arith.constant 1 : i32
          %dma_start3A_276 = arith.constant 1 : i32
          %dma_start3A_277 = arith.constant 0 : i32
          %dma_start3A_278 = arith.constant 0 : i32
          %dma_start3A_279 = tpu.memref_slice %arg10[%dma_start3A_275, %dma_start3A_276, %dma_start3A_277, %dma_start3A_278] : memref<2x4x8x640xf32, #tpu.memory_space<vmem>> -> memref<1x1x8x640xf32, #tpu.memory_space<vmem>>
          %dma_start3A_280 = tpu.memref_squeeze %dma_start3A_279 : memref<1x1x8x640xf32, #tpu.memory_space<vmem>> -> memref<8x640xf32, #tpu.memory_space<vmem>>
          %dma_start3A_281 = arith.constant 0 : i32
          %dma_start3A_282 = tpu.memref_slice %arg3[%dma_start3A_274, %dma_start3A_281, %multiple_of3A_246] : memref<4x8x1000000xf32, #tpu.memory_space<hbm>> -> memref<1x8x640xf32, #tpu.memory_space<hbm>>
          %dma_start3A_283 = tpu.memref_squeeze %dma_start3A_282 : memref<1x8x640xf32, #tpu.memory_space<hbm>> -> memref<8x640xf32, #tpu.memory_space<hbm>>
          %dma_start3A_284 = arith.constant 0 : i32
          %dma_start3A_285 = arith.constant 0 : i32
          %dma_start3A_286 = tpu.memref_slice %arg10[%dma_start3A_275, %dma_start3A_276, %dma_start3A_284, %dma_start3A_285] : memref<2x4x8x640xf32, #tpu.memory_space<vmem>> -> memref<1x1x8x640xf32, #tpu.memory_space<vmem>>
          %dma_start3A_287 = tpu.memref_squeeze %dma_start3A_286 : memref<1x1x8x640xf32, #tpu.memory_space<vmem>> -> memref<8x640xf32, #tpu.memory_space<vmem>>
          %dma_start3A_288 = arith.constant 0 : i32
          %dma_start3A_289 = tpu.memref_slice %arg3[%dma_start3A_274, %dma_start3A_288, %multiple_of3A_246] : memref<4x8x1000000xf32, #tpu.memory_space<hbm>> -> memref<1x8x640xf32, #tpu.memory_space<hbm>>
          %dma_start3A_290 = tpu.memref_squeeze %dma_start3A_289 : memref<1x8x640xf32, #tpu.memory_space<hbm>> -> memref<8x640xf32, #tpu.memory_space<hbm>>
          tpu.enqueue_dma source(%dma_start3A_290 : memref<8x640xf32, #tpu.memory_space<hbm>>) target(%dma_start3A_287 : memref<8x640xf32, #tpu.memory_space<vmem>>) target_semaphore(%arg14 : memref<!tpu.dma_semaphore, #tpu.memory_space<semaphore_mem>>)
          %dma_start3A_291 = arith.constant 2 : i32
          %dma_start3A_292 = arith.constant 1 : i32
          %dma_start3A_293 = arith.constant 2 : i32
          %dma_start3A_294 = arith.constant 0 : i32
          %dma_start3A_295 = arith.constant 0 : i32
          %dma_start3A_296 = tpu.memref_slice %arg10[%dma_start3A_292, %dma_start3A_293, %dma_start3A_294, %dma_start3A_295] : memref<2x4x8x640xf32, #tpu.memory_space<vmem>> -> memref<1x1x8x640xf32, #tpu.memory_space<vmem>>
          %dma_start3A_297 = tpu.memref_squeeze %dma_start3A_296 : memref<1x1x8x640xf32, #tpu.memory_space<vmem>> -> memref<8x640xf32, #tpu.memory_space<vmem>>
          %dma_start3A_298 = arith.constant 0 : i32
          %dma_start3A_299 = tpu.memref_slice %arg3[%dma_start3A_291, %dma_start3A_298, %multiple_of3A_246] : memref<4x8x1000000xf32, #tpu.memory_space<hbm>> -> memref<1x8x640xf32, #tpu.memory_space<hbm>>
          %dma_start3A_300 = tpu.memref_squeeze %dma_start3A_299 : memref<1x8x640xf32, #tpu.memory_space<hbm>> -> memref<8x640xf32, #tpu.memory_space<hbm>>
          %dma_start3A_301 = arith.constant 0 : i32
          %dma_start3A_302 = arith.constant 0 : i32
          %dma_start3A_303 = tpu.memref_slice %arg10[%dma_start3A_292, %dma_start3A_293, %dma_start3A_301, %dma_start3A_302] : memref<2x4x8x640xf32, #tpu.memory_space<vmem>> -> memref<1x1x8x640xf32, #tpu.memory_space<vmem>>
          %dma_start3A_304 = tpu.memref_squeeze %dma_start3A_303 : memref<1x1x8x640xf32, #tpu.memory_space<vmem>> -> memref<8x640xf32, #tpu.memory_space<vmem>>
          %dma_start3A_305 = arith.constant 0 : i32
          %dma_start3A_306 = tpu.memref_slice %arg3[%dma_start3A_291, %dma_start3A_305, %multiple_of3A_246] : memref<4x8x1000000xf32, #tpu.memory_space<hbm>> -> memref<1x8x640xf32, #tpu.memory_space<hbm>>
          %dma_start3A_307 = tpu.memref_squeeze %dma_start3A_306 : memref<1x8x640xf32, #tpu.memory_space<hbm>> -> memref<8x640xf32, #tpu.memory_space<hbm>>
          tpu.enqueue_dma source(%dma_start3A_307 : memref<8x640xf32, #tpu.memory_space<hbm>>) target(%dma_start3A_304 : memref<8x640xf32, #tpu.memory_space<vmem>>) target_semaphore(%arg14 : memref<!tpu.dma_semaphore, #tpu.memory_space<semaphore_mem>>)
          %dma_start3A_308 = arith.constant 3 : i32
          %dma_start3A_309 = arith.constant 1 : i32
          %dma_start3A_310 = arith.constant 3 : i32
          %dma_start3A_311 = arith.constant 0 : i32
          %dma_start3A_312 = arith.constant 0 : i32
          %dma_start3A_313 = tpu.memref_slice %arg10[%dma_start3A_309, %dma_start3A_310, %dma_start3A_311, %dma_start3A_312] : memref<2x4x8x640xf32, #tpu.memory_space<vmem>> -> memref<1x1x8x640xf32, #tpu.memory_space<vmem>>
          %dma_start3A_314 = tpu.memref_squeeze %dma_start3A_313 : memref<1x1x8x640xf32, #tpu.memory_space<vmem>> -> memref<8x640xf32, #tpu.memory_space<vmem>>
          %dma_start3A_315 = arith.constant 0 : i32
          %dma_start3A_316 = tpu.memref_slice %arg3[%dma_start3A_308, %dma_start3A_315, %multiple_of3A_246] : memref<4x8x1000000xf32, #tpu.memory_space<hbm>> -> memref<1x8x640xf32, #tpu.memory_space<hbm>>
          %dma_start3A_317 = tpu.memref_squeeze %dma_start3A_316 : memref<1x8x640xf32, #tpu.memory_space<hbm>> -> memref<8x640xf32, #tpu.memory_space<hbm>>
          %dma_start3A_318 = arith.constant 0 : i32
          %dma_start3A_319 = arith.constant 0 : i32
          %dma_start3A_320 = tpu.memref_slice %arg10[%dma_start3A_309, %dma_start3A_310, %dma_start3A_318, %dma_start3A_319] : memref<2x4x8x640xf32, #tpu.memory_space<vmem>> -> memref<1x1x8x640xf32, #tpu.memory_space<vmem>>
          %dma_start3A_321 = tpu.memref_squeeze %dma_start3A_320 : memref<1x1x8x640xf32, #tpu.memory_space<vmem>> -> memref<8x640xf32, #tpu.memory_space<vmem>>
          %dma_start3A_322 = arith.constant 0 : i32
          %dma_start3A_323 = tpu.memref_slice %arg3[%dma_start3A_308, %dma_start3A_322, %multiple_of3A_246] : memref<4x8x1000000xf32, #tpu.memory_space<hbm>> -> memref<1x8x640xf32, #tpu.memory_space<hbm>>
          %dma_start3A_324 = tpu.memref_squeeze %dma_start3A_323 : memref<1x8x640xf32, #tpu.memory_space<hbm>> -> memref<8x640xf32, #tpu.memory_space<hbm>>
          tpu.enqueue_dma source(%dma_start3A_324 : memref<8x640xf32, #tpu.memory_space<hbm>>) target(%dma_start3A_321 : memref<8x640xf32, #tpu.memory_space<vmem>>) target_semaphore(%arg14 : memref<!tpu.dma_semaphore, #tpu.memory_space<semaphore_mem>>)
        } else {
        }
      } else {
      }
      %mul3A_191 = arith.constant 640 : i32
      %mul3A_192 = arith.muli %scan3A_182, %mul3A_191 : i32
      %add3A_193 = arith.addi %min3A_23, %mul3A_192 : i32
      %add3A_194 = arith.constant 640 : i32
      %add3A_195 = arith.addi %add3A_193, %add3A_194 : i32
      %while3A_196 = arith.constant 0 : i32
      %while3A_197 = arith.constant 0 : i32
      %while3A_198 = arith.subi %shift_right_logical3A_38, %while3A_196 : i32
      %while3A_199 = arith.addi %while3A_196, %while3A_198 : i32
      %while3A_200 = arith.constant 1 : i32
      %while3A_201 = arith.divsi %while3A_198, %while3A_200 : i32
      %while3A_202 = arith.muli %while3A_201, %while3A_200 : i32
      %while3A_203 = arith.addi %while3A_196, %while3A_202 : i32
      %while3A_204 = arith.constant 1 : i32
      %while3A_205 = scf.for %while3A_237 = %while3A_196 to %while3A_203 step %while3A_204 iter_args(%while3A_238 = %while3A_197) -> (i32)  : i32 {
        %mul3A_239 = arith.constant 16 : i32
        %mul3A_240 = arith.muli %while3A_237, %mul3A_239 : i32
        %get3A = arith.index_cast %mul3A_240 : i32 to index
        %get3A_241 = tpu.vector_load %arg7[%get3A] {strides = array<i32>} : memref<16400xi32, #tpu.memory_space<vmem>>, vector<16xi32>,
        %mul3A_242 = arith.constant 16 : i32
        %mul3A_243 = arith.muli %while3A_237, %mul3A_242 : i32
        %get3A_244 = arith.index_cast %mul3A_243 : i32 to index
        %get3A_245 = tpu.vector_load %arg8[%get3A_244] {strides = array<i32>} : memref<16400xi32, #tpu.memory_space<vmem>>, vector<16xi32>,
        %ge3A = vector.broadcast %add3A_193 : i32 to vector<16xi32>
        %ge3A_246 = arith.cmpi sge, %get3A_245, %ge3A : vector<16xi32>
        %lt3A_247 = vector.broadcast %add3A_195 : i32 to vector<16xi32>
        %lt3A_248 = arith.cmpi slt, %get3A_245, %lt3A_247 : vector<16xi32>
        %and3A_249 = arith.andi %ge3A_246, %lt3A_248 : vector<16xi1>
        %swap3A_250 = arith.index_cast %while3A_238 : i32 to index
        %swap3A_251 = tpu.vector_load %arg9[%swap3A_250] masked %and3A_249 {strides = array<i32>} : memref<16400xi32, #tpu.memory_space<vmem>>, vector<16xi32>, vector<16xi1>
        tpu.vector_store %arg9[%swap3A_250], %get3A_241 masked %and3A_249 {strides = array<i32>} : memref<16400xi32, #tpu.memory_space<vmem>>, vector<16xi32>, vector<16xi1>
        %sub3A_252 = vector.broadcast %add3A_193 : i32 to vector<16xi32>
        %sub3A_253 = arith.subi %get3A_245, %sub3A_252 : vector<16xi32>
        %swap3A_254 = arith.index_cast %while3A_238 : i32 to index
        %swap3A_255 = tpu.vector_load %arg6[%swap3A_254] masked %and3A_249 {strides = array<i32>} : memref<16400xi32, #tpu.memory_space<vmem>>, vector<16xi32>, vector<16xi1>
        tpu.vector_store %arg6[%swap3A_254], %sub3A_253 masked %and3A_249 {strides = array<i32>} : memref<16400xi32, #tpu.memory_space<vmem>>, vector<16xi32>, vector<16xi1>
        %all_reduce_population_count3A = tpu.all_reduce %and3A_249 {dim = 0 : i64, kind = #tpu.reduction_kind<sum>} : vector<16xi1> -> vector<16xi32>
        %slice3A = vector.extract_strided_slice %all_reduce_population_count3A {offsets = [0], sizes = [1], strides = [1]} : vector<16xi32> to vector<1xi32>
        %squeeze3A = vector.extract %slice3A[0] : i32 from vector<1xi32>
        %add3A_256 = arith.addi %while3A_238, %squeeze3A : i32
        scf.yield %add3A_256 : i32
      }
      %while3A_206 = arith.constant 1 : i32
      %while3A_207 = scf.for %while3A_237 = %while3A_203 to %while3A_199 step %while3A_206 iter_args(%while3A_238 = %while3A_205) -> (i32)  : i32 {
        %mul3A_239 = arith.constant 16 : i32
        %mul3A_240 = arith.muli %while3A_237, %mul3A_239 : i32
        %get3A = arith.index_cast %mul3A_240 : i32 to index
        %get3A_241 = tpu.vector_load %arg7[%get3A] {strides = array<i32>} : memref<16400xi32, #tpu.memory_space<vmem>>, vector<16xi32>,
        %mul3A_242 = arith.constant 16 : i32
        %mul3A_243 = arith.muli %while3A_237, %mul3A_242 : i32
        %get3A_244 = arith.index_cast %mul3A_243 : i32 to index
        %get3A_245 = tpu.vector_load %arg8[%get3A_244] {strides = array<i32>} : memref<16400xi32, #tpu.memory_space<vmem>>, vector<16xi32>,
        %ge3A = vector.broadcast %add3A_193 : i32 to vector<16xi32>
        %ge3A_246 = arith.cmpi sge, %get3A_245, %ge3A : vector<16xi32>
        %lt3A_247 = vector.broadcast %add3A_195 : i32 to vector<16xi32>
        %lt3A_248 = arith.cmpi slt, %get3A_245, %lt3A_247 : vector<16xi32>
        %and3A_249 = arith.andi %ge3A_246, %lt3A_248 : vector<16xi1>
        %swap3A_250 = arith.index_cast %while3A_238 : i32 to index
        %swap3A_251 = tpu.vector_load %arg9[%swap3A_250] masked %and3A_249 {strides = array<i32>} : memref<16400xi32, #tpu.memory_space<vmem>>, vector<16xi32>, vector<16xi1>
        tpu.vector_store %arg9[%swap3A_250], %get3A_241 masked %and3A_249 {strides = array<i32>} : memref<16400xi32, #tpu.memory_space<vmem>>, vector<16xi32>, vector<16xi1>
        %sub3A_252 = vector.broadcast %add3A_193 : i32 to vector<16xi32>
        %sub3A_253 = arith.subi %get3A_245, %sub3A_252 : vector<16xi32>
        %swap3A_254 = arith.index_cast %while3A_238 : i32 to index
        %swap3A_255 = tpu.vector_load %arg6[%swap3A_254] masked %and3A_249 {strides = array<i32>} : memref<16400xi32, #tpu.memory_space<vmem>>, vector<16xi32>, vector<16xi1>
        tpu.vector_store %arg6[%swap3A_254], %sub3A_253 masked %and3A_249 {strides = array<i32>} : memref<16400xi32, #tpu.memory_space<vmem>>, vector<16xi32>, vector<16xi1>
        %all_reduce_population_count3A = tpu.all_reduce %and3A_249 {dim = 0 : i64, kind = #tpu.reduction_kind<sum>} : vector<16xi1> -> vector<16xi32>
        %slice3A = vector.extract_strided_slice %all_reduce_population_count3A {offsets = [0], sizes = [1], strides = [1]} : vector<16xi32> to vector<1xi32>
        %squeeze3A = vector.extract %slice3A[0] : i32 from vector<1xi32>
        %add3A_256 = arith.addi %while3A_238, %squeeze3A : i32
        scf.yield %add3A_256 : i32
      }
      %broadcast_in_dim3A_208 = arith.constant 0 : i32
      %broadcast_in_dim3A_209 = vector.broadcast %broadcast_in_dim3A_208 : i32 to vector<16xi32>
      %swap3A_210 = arith.index_cast %while3A_207 : i32 to index
      %swap3A_211 = tpu.vector_load %arg6[%swap3A_210] {strides = array<i32>} : memref<16400xi32, #tpu.memory_space<vmem>>, vector<16xi32>,
      tpu.vector_store %arg6[%swap3A_210], %broadcast_in_dim3A_209 {strides = array<i32>} : memref<16400xi32, #tpu.memory_space<vmem>>, vector<16xi32>,
      %eq3A = arith.constant 0 : i32
      %eq3A_212 = arith.cmpi eq, %and3A_186, %eq3A : i32
      %convert_element_type3A_213 = arith.extui %eq3A_212 : i1 to i32
      %cond3A_214 = arith.constant 0 : i32
      %cond3A_215 = arith.cmpi ne, %convert_element_type3A_213, %cond3A_214 : i32
      scf.if %cond3A_215 {
        %dma_wait3A = arith.constant 0 : i32
        %dma_wait3A_237 = tpu.memref_slice %arg5[%dma_wait3A] : memref<524288xf32, #tpu.memory_space<hbm>> -> memref<16384xf32, #tpu.memory_space<hbm>>
        %dma_wait3A_238 = arith.constant 0 : i32
        %dma_wait3A_239 = tpu.memref_slice %arg5[%dma_wait3A_238] : memref<524288xf32, #tpu.memory_space<hbm>> -> memref<16384xf32, #tpu.memory_space<hbm>>
        tpu.wait_dma2 semaphore(%arg13 : memref<!tpu.dma_semaphore, #tpu.memory_space<semaphore_mem>>) src(%dma_wait3A_239 : memref<16384xf32, #tpu.memory_space<hbm>>) dst(%arg11 : memref<16384xf32, #tpu.memory_space<vmem>>)
        %dma_wait3A_240 = arith.constant 0 : i32
        %dma_wait3A_241 = tpu.memref_slice %arg11[%dma_wait3A_240] : memref<16384xf32, #tpu.memory_space<vmem>> -> memref<4096xf32, #tpu.memory_space<vmem>>
        %dma_wait3A_242 = arith.constant 0 : i32
        %dma_wait3A_243 = tpu.memref_slice %arg5[%dma_wait3A_242] : memref<524288xf32, #tpu.memory_space<hbm>> -> memref<4096xf32, #tpu.memory_space<hbm>>
        %dma_wait3A_244 = arith.constant 0 : i32
        %dma_wait3A_245 = tpu.memref_slice %arg11[%dma_wait3A_244] : memref<16384xf32, #tpu.memory_space<vmem>> -> memref<4096xf32, #tpu.memory_space<vmem>>
        %dma_wait3A_246 = arith.constant 0 : i32
        %dma_wait3A_247 = tpu.memref_slice %arg5[%dma_wait3A_246] : memref<524288xf32, #tpu.memory_space<hbm>> -> memref<4096xf32, #tpu.memory_space<hbm>>
        tpu.wait_dma2 semaphore(%arg13 : memref<!tpu.dma_semaphore, #tpu.memory_space<semaphore_mem>>) src(%dma_wait3A_247 : memref<4096xf32, #tpu.memory_space<hbm>>) dst(%dma_wait3A_245 : memref<4096xf32, #tpu.memory_space<vmem>>)
      } else {
      }
      %eq3A_216 = arith.constant 1 : i32
      %eq3A_217 = arith.cmpi eq, %and3A_186, %eq3A_216 : i32
      %convert_element_type3A_218 = arith.extui %eq3A_217 : i1 to i32
      %cond3A_219 = arith.constant 0 : i32
      %cond3A_220 = arith.cmpi ne, %convert_element_type3A_218, %cond3A_219 : i32
      scf.if %cond3A_220 {
        %dma_wait3A = arith.constant 0 : i32
        %dma_wait3A_237 = tpu.memref_slice %arg5[%dma_wait3A] : memref<524288xf32, #tpu.memory_space<hbm>> -> memref<16384xf32, #tpu.memory_space<hbm>>
        %dma_wait3A_238 = arith.constant 0 : i32
        %dma_wait3A_239 = tpu.memref_slice %arg5[%dma_wait3A_238] : memref<524288xf32, #tpu.memory_space<hbm>> -> memref<16384xf32, #tpu.memory_space<hbm>>
        tpu.wait_dma2 semaphore(%arg14 : memref<!tpu.dma_semaphore, #tpu.memory_space<semaphore_mem>>) src(%dma_wait3A_239 : memref<16384xf32, #tpu.memory_space<hbm>>) dst(%arg11 : memref<16384xf32, #tpu.memory_space<vmem>>)
        %dma_wait3A_240 = arith.constant 0 : i32
        %dma_wait3A_241 = tpu.memref_slice %arg11[%dma_wait3A_240] : memref<16384xf32, #tpu.memory_space<vmem>> -> memref<4096xf32, #tpu.memory_space<vmem>>
        %dma_wait3A_242 = arith.constant 0 : i32
        %dma_wait3A_243 = tpu.memref_slice %arg5[%dma_wait3A_242] : memref<524288xf32, #tpu.memory_space<hbm>> -> memref<4096xf32, #tpu.memory_space<hbm>>
        %dma_wait3A_244 = arith.constant 0 : i32
        %dma_wait3A_245 = tpu.memref_slice %arg11[%dma_wait3A_244] : memref<16384xf32, #tpu.memory_space<vmem>> -> memref<4096xf32, #tpu.memory_space<vmem>>
        %dma_wait3A_246 = arith.constant 0 : i32
        %dma_wait3A_247 = tpu.memref_slice %arg5[%dma_wait3A_246] : memref<524288xf32, #tpu.memory_space<hbm>> -> memref<4096xf32, #tpu.memory_space<hbm>>
        tpu.wait_dma2 semaphore(%arg14 : memref<!tpu.dma_semaphore, #tpu.memory_space<semaphore_mem>>) src(%dma_wait3A_247 : memref<4096xf32, #tpu.memory_space<hbm>>) dst(%dma_wait3A_245 : memref<4096xf32, #tpu.memory_space<vmem>>)
      } else {
      }
      %broadcast_in_dim3A_221 = vector.broadcast %and3A_186 : i32 to vector<16xi32>
      %add3A_222 = arith.constant 15 : i32
      %add3A_223 = arith.addi %while3A_207, %add3A_222 : i32
      %shift_right_logical3A_224 = arith.constant 4 : i32
      %shift_right_logical3A_225 = arith.shrui %add3A_223, %shift_right_logical3A_224 : i32
      %while3A_226 = arith.constant 0 : i32
      %while3A_227 = arith.subi %shift_right_logical3A_225, %while3A_226 : i32
      %while3A_228 = arith.addi %while3A_226, %while3A_227 : i32
      %while3A_229 = arith.constant 1 : i32
      %while3A_230 = arith.divsi %while3A_227, %while3A_229 : i32
      %while3A_231 = arith.muli %while3A_230, %while3A_229 : i32
      %while3A_232 = arith.addi %while3A_226, %while3A_231 : i32
      %while3A_233 = arith.constant 1 : i32
      %while3A_234:2 = scf.for %while3A_237 = %while3A_226 to %while3A_232 step %while3A_233 iter_args(%while3A_238 = %scan3A_183, %while3A_239 = %scan3A_184) -> (i32, i32)  : i32 {
        %ge3A = arith.constant 16384 : i32
        %ge3A_240 = arith.cmpi sge, %while3A_239, %ge3A : i32
        %convert_element_type3A_241 = arith.extui %ge3A_240 : i1 to i32
        %cond3A_242 = arith.constant 0 : i32
        %cond3A_243 = arith.cmpi ne, %convert_element_type3A_241, %cond3A_242 : i32
        scf.if %cond3A_243 {
          %dma_wait3A = arith.constant 0 : i32
          %dma_wait3A_716 = tpu.memref_slice %arg11[%dma_wait3A] : memref<16384xf32, #tpu.memory_space<vmem>> -> memref<2048xf32, #tpu.memory_space<vmem>>
          %dma_wait3A_717 = arith.constant 0 : i32
          %dma_wait3A_718 = tpu.memref_slice %arg5[%dma_wait3A_717] : memref<524288xf32, #tpu.memory_space<hbm>> -> memref<2048xf32, #tpu.memory_space<hbm>>
          %dma_wait3A_719 = arith.constant 0 : i32
          %dma_wait3A_720 = tpu.memref_slice %arg11[%dma_wait3A_719] : memref<16384xf32, #tpu.memory_space<vmem>> -> memref<2048xf32, #tpu.memory_space<vmem>>
          %dma_wait3A_721 = arith.constant 0 : i32
          %dma_wait3A_722 = tpu.memref_slice %arg5[%dma_wait3A_721] : memref<524288xf32, #tpu.memory_space<hbm>> -> memref<2048xf32, #tpu.memory_space<hbm>>
          tpu.wait_dma2 semaphore(%arg15 : memref<!tpu.dma_semaphore, #tpu.memory_space<semaphore_mem>>) src(%dma_wait3A_722 : memref<2048xf32, #tpu.memory_space<hbm>>) dst(%dma_wait3A_720 : memref<2048xf32, #tpu.memory_space<vmem>>)
        } else {
        }
        %jit3A_244 = arith.constant 8192 : i32
        %jit3A_245 = arith.constant 0 : i32
        %select_n3A_246 = arith.select %ge3A_240, %jit3A_244, %jit3A_245 : i32
        %sub3A_247 = arith.subi %while3A_239, %select_n3A_246 : i32
        %mul3A_248 = arith.constant 16 : i32
        %mul3A_249 = arith.muli %while3A_237, %mul3A_248 : i32
        %get3A = arith.index_cast %mul3A_249 : i32 to index
        %get3A_250 = tpu.vector_load %arg6[%get3A] {strides = array<i32>} : memref<16400xi32, #tpu.memory_space<vmem>>, vector<16xi32>,
        %mul3A_251 = arith.constant 16 : i32
        %mul3A_252 = arith.muli %while3A_237, %mul3A_251 : i32
        %get3A_253 = arith.index_cast %mul3A_252 : i32 to index
        %get3A_254 = tpu.vector_load %arg9[%get3A_253] {strides = array<i32>} : memref<16400xi32, #tpu.memory_space<vmem>>, vector<16xi32>,
        %add3A_255 = vector.broadcast %while3A_238 : i32 to vector<16xi32>
        %add3A_256 = arith.addi %add3A_255, %iota3A : vector<16xi32>
        %rem3A_257 = arith.constant 512 : i32
        %rem3A_258 = vector.broadcast %rem3A_257 : i32 to vector<16xi32>
        %rem3A_259 = arith.remsi %add3A_256, %rem3A_258 : vector<16xi32>
        %mul3A_260 = arith.constant 32 : i32
        %mul3A_261 = vector.broadcast %mul3A_260 : i32 to vector<16xi32>
        %mul3A_262 = arith.muli %rem3A_259, %mul3A_261 : vector<16xi32>
        %broadcast_in_dim3A_263 = arith.constant 0 : i32
        %broadcast_in_dim3A_264 = vector.broadcast %broadcast_in_dim3A_263 : i32 to vector<16xi32>
        %broadcast_in_dim3A_265 = arith.constant 0 : i32
        %broadcast_in_dim3A_266 = vector.broadcast %broadcast_in_dim3A_265 : i32 to vector<16xi32>
        %gather3A = tpu.vector_load_idx %arg10[%broadcast_in_dim3A_221, %broadcast_in_dim3A_264, %broadcast_in_dim3A_266, %get3A_250] : memref<2x4x8x640xf32, #tpu.memory_space<vmem>>[vector<16xi32>, vector<16xi32>, vector<16xi32>, vector<16xi32>], vector<16xf32>,
        %add3A_267 = arith.constant 0 : i32
        %add3A_268 = vector.broadcast %add3A_267 : i32 to vector<16xi32>
        %add3A_269 = arith.addi %mul3A_262, %add3A_268 : vector<16xi32>
        tpu.vector_store_idx %arg11[%add3A_269], %gather3A : memref<16384xf32, #tpu.memory_space<vmem>>[vector<16xi32>], vector<16xf32>,
        %broadcast_in_dim3A_270 = arith.constant 0 : i32
        %broadcast_in_dim3A_271 = vector.broadcast %broadcast_in_dim3A_270 : i32 to vector<16xi32>
        %broadcast_in_dim3A_272 = arith.constant 1 : i32
        %broadcast_in_dim3A_273 = vector.broadcast %broadcast_in_dim3A_272 : i32 to vector<16xi32>
        %gather3A_274 = tpu.vector_load_idx %arg10[%broadcast_in_dim3A_221, %broadcast_in_dim3A_271, %broadcast_in_dim3A_273, %get3A_250] : memref<2x4x8x640xf32, #tpu.memory_space<vmem>>[vector<16xi32>, vector<16xi32>, vector<16xi32>, vector<16xi32>], vector<16xf32>,
        %add3A_275 = arith.constant 1 : i32
        %add3A_276 = vector.broadcast %add3A_275 : i32 to vector<16xi32>
        %add3A_277 = arith.addi %mul3A_262, %add3A_276 : vector<16xi32>
        tpu.vector_store_idx %arg11[%add3A_277], %gather3A_274 : memref<16384xf32, #tpu.memory_space<vmem>>[vector<16xi32>], vector<16xf32>,
        %broadcast_in_dim3A_278 = arith.constant 0 : i32
        %broadcast_in_dim3A_279 = vector.broadcast %broadcast_in_dim3A_278 : i32 to vector<16xi32>
        %broadcast_in_dim3A_280 = arith.constant 2 : i32
        %broadcast_in_dim3A_281 = vector.broadcast %broadcast_in_dim3A_280 : i32 to vector<16xi32>
        %gather3A_282 = tpu.vector_load_idx %arg10[%broadcast_in_dim3A_221, %broadcast_in_dim3A_279, %broadcast_in_dim3A_281, %get3A_250] : memref<2x4x8x640xf32, #tpu.memory_space<vmem>>[vector<16xi32>, vector<16xi32>, vector<16xi32>, vector<16xi32>], vector<16xf32>,
        %add3A_283 = arith.constant 2 : i32
        %add3A_284 = vector.broadcast %add3A_283 : i32 to vector<16xi32>
        %add3A_285 = arith.addi %mul3A_262, %add3A_284 : vector<16xi32>
        tpu.vector_store_idx %arg11[%add3A_285], %gather3A_282 : memref<16384xf32, #tpu.memory_space<vmem>>[vector<16xi32>], vector<16xf32>,
        %broadcast_in_dim3A_286 = arith.constant 0 : i32
        %broadcast_in_dim3A_287 = vector.broadcast %broadcast_in_dim3A_286 : i32 to vector<16xi32>
        %broadcast_in_dim3A_288 = arith.constant 3 : i32
        %broadcast_in_dim3A_289 = vector.broadcast %broadcast_in_dim3A_288 : i32 to vector<16xi32>
        %gather3A_290 = tpu.vector_load_idx %arg10[%broadcast_in_dim3A_221, %broadcast_in_dim3A_287, %broadcast_in_dim3A_289, %get3A_250] : memref<2x4x8x640xf32, #tpu.memory_space<vmem>>[vector<16xi32>, vector<16xi32>, vector<16xi32>, vector<16xi32>], vector<16xf32>,
        %add3A_291 = arith.constant 3 : i32
        %add3A_292 = vector.broadcast %add3A_291 : i32 to vector<16xi32>
        %add3A_293 = arith.addi %mul3A_262, %add3A_292 : vector<16xi32>
        tpu.vector_store_idx %arg11[%add3A_293], %gather3A_290 : memref<16384xf32, #tpu.memory_space<vmem>>[vector<16xi32>], vector<16xf32>,
        %broadcast_in_dim3A_294 = arith.constant 0 : i32
        %broadcast_in_dim3A_295 = vector.broadcast %broadcast_in_dim3A_294 : i32 to vector<16xi32>
        %broadcast_in_dim3A_296 = arith.constant 4 : i32
        %broadcast_in_dim3A_297 = vector.broadcast %broadcast_in_dim3A_296 : i32 to vector<16xi32>
        %gather3A_298 = tpu.vector_load_idx %arg10[%broadcast_in_dim3A_221, %broadcast_in_dim3A_295, %broadcast_in_dim3A_297, %get3A_250] : memref<2x4x8x640xf32, #tpu.memory_space<vmem>>[vector<16xi32>, vector<16xi32>, vector<16xi32>, vector<16xi32>], vector<16xf32>,
        %add3A_299 = arith.constant 4 : i32
        %add3A_300 = vector.broadcast %add3A_299 : i32 to vector<16xi32>
        %add3A_301 = arith.addi %mul3A_262, %add3A_300 : vector<16xi32>
        tpu.vector_store_idx %arg11[%add3A_301], %gather3A_298 : memref<16384xf32, #tpu.memory_space<vmem>>[vector<16xi32>], vector<16xf32>,
        %broadcast_in_dim3A_302 = arith.constant 0 : i32
        %broadcast_in_dim3A_303 = vector.broadcast %broadcast_in_dim3A_302 : i32 to vector<16xi32>
        %broadcast_in_dim3A_304 = arith.constant 5 : i32
        %broadcast_in_dim3A_305 = vector.broadcast %broadcast_in_dim3A_304 : i32 to vector<16xi32>
        %gather3A_306 = tpu.vector_load_idx %arg10[%broadcast_in_dim3A_221, %broadcast_in_dim3A_303, %broadcast_in_dim3A_305, %get3A_250] : memref<2x4x8x640xf32, #tpu.memory_space<vmem>>[vector<16xi32>, vector<16xi32>, vector<16xi32>, vector<16xi32>], vector<16xf32>,
        %add3A_307 = arith.constant 5 : i32
        %add3A_308 = vector.broadcast %add3A_307 : i32 to vector<16xi32>
        %add3A_309 = arith.addi %mul3A_262, %add3A_308 : vector<16xi32>
        tpu.vector_store_idx %arg11[%add3A_309], %gather3A_306 : memref<16384xf32, #tpu.memory_space<vmem>>[vector<16xi32>], vector<16xf32>,
        %broadcast_in_dim3A_310 = arith.constant 0 : i32
        %broadcast_in_dim3A_311 = vector.broadcast %broadcast_in_dim3A_310 : i32 to vector<16xi32>
        %broadcast_in_dim3A_312 = arith.constant 6 : i32
        %broadcast_in_dim3A_313 = vector.broadcast %broadcast_in_dim3A_312 : i32 to vector<16xi32>
        %gather3A_314 = tpu.vector_load_idx %arg10[%broadcast_in_dim3A_221, %broadcast_in_dim3A_311, %broadcast_in_dim3A_313, %get3A_250] : memref<2x4x8x640xf32, #tpu.memory_space<vmem>>[vector<16xi32>, vector<16xi32>, vector<16xi32>, vector<16xi32>], vector<16xf32>,
        %add3A_315 = arith.constant 6 : i32
        %add3A_316 = vector.broadcast %add3A_315 : i32 to vector<16xi32>
        %add3A_317 = arith.addi %mul3A_262, %add3A_316 : vector<16xi32>
        tpu.vector_store_idx %arg11[%add3A_317], %gather3A_314 : memref<16384xf32, #tpu.memory_space<vmem>>[vector<16xi32>], vector<16xf32>,
        %broadcast_in_dim3A_318 = arith.constant 0 : i32
        %broadcast_in_dim3A_319 = vector.broadcast %broadcast_in_dim3A_318 : i32 to vector<16xi32>
        %broadcast_in_dim3A_320 = arith.constant 7 : i32
        %broadcast_in_dim3A_321 = vector.broadcast %broadcast_in_dim3A_320 : i32 to vector<16xi32>
        %gather3A_322 = tpu.vector_load_idx %arg10[%broadcast_in_dim3A_221, %broadcast_in_dim3A_319, %broadcast_in_dim3A_321, %get3A_250] : memref<2x4x8x640xf32, #tpu.memory_space<vmem>>[vector<16xi32>, vector<16xi32>, vector<16xi32>, vector<16xi32>], vector<16xf32>,
        %add3A_323 = arith.constant 7 : i32
        %add3A_324 = vector.broadcast %add3A_323 : i32 to vector<16xi32>
        %add3A_325 = arith.addi %mul3A_262, %add3A_324 : vector<16xi32>
        tpu.vector_store_idx %arg11[%add3A_325], %gather3A_322 : memref<16384xf32, #tpu.memory_space<vmem>>[vector<16xi32>], vector<16xf32>,
        %broadcast_in_dim3A_326 = arith.constant 1 : i32
        %broadcast_in_dim3A_327 = vector.broadcast %broadcast_in_dim3A_326 : i32 to vector<16xi32>
        %broadcast_in_dim3A_328 = arith.constant 0 : i32
        %broadcast_in_dim3A_329 = vector.broadcast %broadcast_in_dim3A_328 : i32 to vector<16xi32>
        %gather3A_330 = tpu.vector_load_idx %arg10[%broadcast_in_dim3A_221, %broadcast_in_dim3A_327, %broadcast_in_dim3A_329, %get3A_250] : memref<2x4x8x640xf32, #tpu.memory_space<vmem>>[vector<16xi32>, vector<16xi32>, vector<16xi32>, vector<16xi32>], vector<16xf32>,
        %add3A_331 = arith.constant 8 : i32
        %add3A_332 = vector.broadcast %add3A_331 : i32 to vector<16xi32>
        %add3A_333 = arith.addi %mul3A_262, %add3A_332 : vector<16xi32>
        tpu.vector_store_idx %arg11[%add3A_333], %gather3A_330 : memref<16384xf32, #tpu.memory_space<vmem>>[vector<16xi32>], vector<16xf32>,
        %broadcast_in_dim3A_334 = arith.constant 1 : i32
        %broadcast_in_dim3A_335 = vector.broadcast %broadcast_in_dim3A_334 : i32 to vector<16xi32>
        %broadcast_in_dim3A_336 = arith.constant 1 : i32
        %broadcast_in_dim3A_337 = vector.broadcast %broadcast_in_dim3A_336 : i32 to vector<16xi32>
        %gather3A_338 = tpu.vector_load_idx %arg10[%broadcast_in_dim3A_221, %broadcast_in_dim3A_335, %broadcast_in_dim3A_337, %get3A_250] : memref<2x4x8x640xf32, #tpu.memory_space<vmem>>[vector<16xi32>, vector<16xi32>, vector<16xi32>, vector<16xi32>], vector<16xf32>,
        %add3A_339 = arith.constant 9 : i32
        %add3A_340 = vector.broadcast %add3A_339 : i32 to vector<16xi32>
        %add3A_341 = arith.addi %mul3A_262, %add3A_340 : vector<16xi32>
        tpu.vector_store_idx %arg11[%add3A_341], %gather3A_338 : memref<16384xf32, #tpu.memory_space<vmem>>[vector<16xi32>], vector<16xf32>,
        %broadcast_in_dim3A_342 = arith.constant 1 : i32
        %broadcast_in_dim3A_343 = vector.broadcast %broadcast_in_dim3A_342 : i32 to vector<16xi32>
        %broadcast_in_dim3A_344 = arith.constant 2 : i32
        %broadcast_in_dim3A_345 = vector.broadcast %broadcast_in_dim3A_344 : i32 to vector<16xi32>
        %gather3A_346 = tpu.vector_load_idx %arg10[%broadcast_in_dim3A_221, %broadcast_in_dim3A_343, %broadcast_in_dim3A_345, %get3A_250] : memref<2x4x8x640xf32, #tpu.memory_space<vmem>>[vector<16xi32>, vector<16xi32>, vector<16xi32>, vector<16xi32>], vector<16xf32>,
        %add3A_347 = arith.constant 10 : i32
        %add3A_348 = vector.broadcast %add3A_347 : i32 to vector<16xi32>
        %add3A_349 = arith.addi %mul3A_262, %add3A_348 : vector<16xi32>
        tpu.vector_store_idx %arg11[%add3A_349], %gather3A_346 : memref<16384xf32, #tpu.memory_space<vmem>>[vector<16xi32>], vector<16xf32>,
        %broadcast_in_dim3A_350 = arith.constant 1 : i32
        %broadcast_in_dim3A_351 = vector.broadcast %broadcast_in_dim3A_350 : i32 to vector<16xi32>
        %broadcast_in_dim3A_352 = arith.constant 3 : i32
        %broadcast_in_dim3A_353 = vector.broadcast %broadcast_in_dim3A_352 : i32 to vector<16xi32>
        %gather3A_354 = tpu.vector_load_idx %arg10[%broadcast_in_dim3A_221, %broadcast_in_dim3A_351, %broadcast_in_dim3A_353, %get3A_250] : memref<2x4x8x640xf32, #tpu.memory_space<vmem>>[vector<16xi32>, vector<16xi32>, vector<16xi32>, vector<16xi32>], vector<16xf32>,
        %add3A_355 = arith.constant 11 : i32
        %add3A_356 = vector.broadcast %add3A_355 : i32 to vector<16xi32>
        %add3A_357 = arith.addi %mul3A_262, %add3A_356 : vector<16xi32>
        tpu.vector_store_idx %arg11[%add3A_357], %gather3A_354 : memref<16384xf32, #tpu.memory_space<vmem>>[vector<16xi32>], vector<16xf32>,
        %broadcast_in_dim3A_358 = arith.constant 1 : i32
        %broadcast_in_dim3A_359 = vector.broadcast %broadcast_in_dim3A_358 : i32 to vector<16xi32>
        %broadcast_in_dim3A_360 = arith.constant 4 : i32
        %broadcast_in_dim3A_361 = vector.broadcast %broadcast_in_dim3A_360 : i32 to vector<16xi32>
        %gather3A_362 = tpu.vector_load_idx %arg10[%broadcast_in_dim3A_221, %broadcast_in_dim3A_359, %broadcast_in_dim3A_361, %get3A_250] : memref<2x4x8x640xf32, #tpu.memory_space<vmem>>[vector<16xi32>, vector<16xi32>, vector<16xi32>, vector<16xi32>], vector<16xf32>,
        %add3A_363 = arith.constant 12 : i32
        %add3A_364 = vector.broadcast %add3A_363 : i32 to vector<16xi32>
        %add3A_365 = arith.addi %mul3A_262, %add3A_364 : vector<16xi32>
        tpu.vector_store_idx %arg11[%add3A_365], %gather3A_362 : memref<16384xf32, #tpu.memory_space<vmem>>[vector<16xi32>], vector<16xf32>,
        %broadcast_in_dim3A_366 = arith.constant 1 : i32
        %broadcast_in_dim3A_367 = vector.broadcast %broadcast_in_dim3A_366 : i32 to vector<16xi32>
        %broadcast_in_dim3A_368 = arith.constant 5 : i32
        %broadcast_in_dim3A_369 = vector.broadcast %broadcast_in_dim3A_368 : i32 to vector<16xi32>
        %gather3A_370 = tpu.vector_load_idx %arg10[%broadcast_in_dim3A_221, %broadcast_in_dim3A_367, %broadcast_in_dim3A_369, %get3A_250] : memref<2x4x8x640xf32, #tpu.memory_space<vmem>>[vector<16xi32>, vector<16xi32>, vector<16xi32>, vector<16xi32>], vector<16xf32>,
        %add3A_371 = arith.constant 13 : i32
        %add3A_372 = vector.broadcast %add3A_371 : i32 to vector<16xi32>
        %add3A_373 = arith.addi %mul3A_262, %add3A_372 : vector<16xi32>
        tpu.vector_store_idx %arg11[%add3A_373], %gather3A_370 : memref<16384xf32, #tpu.memory_space<vmem>>[vector<16xi32>], vector<16xf32>,
        %broadcast_in_dim3A_374 = arith.constant 1 : i32
        %broadcast_in_dim3A_375 = vector.broadcast %broadcast_in_dim3A_374 : i32 to vector<16xi32>
        %broadcast_in_dim3A_376 = arith.constant 6 : i32
        %broadcast_in_dim3A_377 = vector.broadcast %broadcast_in_dim3A_376 : i32 to vector<16xi32>
        %gather3A_378 = tpu.vector_load_idx %arg10[%broadcast_in_dim3A_221, %broadcast_in_dim3A_375, %broadcast_in_dim3A_377, %get3A_250] : memref<2x4x8x640xf32, #tpu.memory_space<vmem>>[vector<16xi32>, vector<16xi32>, vector<16xi32>, vector<16xi32>], vector<16xf32>,
        %add3A_379 = arith.constant 14 : i32
        %add3A_380 = vector.broadcast %add3A_379 : i32 to vector<16xi32>
        %add3A_381 = arith.addi %mul3A_262, %add3A_380 : vector<16xi32>
        tpu.vector_store_idx %arg11[%add3A_381], %gather3A_378 : memref<16384xf32, #tpu.memory_space<vmem>>[vector<16xi32>], vector<16xf32>,
        %broadcast_in_dim3A_382 = arith.constant 1 : i32
        %broadcast_in_dim3A_383 = vector.broadcast %broadcast_in_dim3A_382 : i32 to vector<16xi32>
        %broadcast_in_dim3A_384 = arith.constant 7 : i32
        %broadcast_in_dim3A_385 = vector.broadcast %broadcast_in_dim3A_384 : i32 to vector<16xi32>
        %gather3A_386 = tpu.vector_load_idx %arg10[%broadcast_in_dim3A_221, %broadcast_in_dim3A_383, %broadcast_in_dim3A_385, %get3A_250] : memref<2x4x8x640xf32, #tpu.memory_space<vmem>>[vector<16xi32>, vector<16xi32>, vector<16xi32>, vector<16xi32>], vector<16xf32>,
        %add3A_387 = arith.constant 15 : i32
        %add3A_388 = vector.broadcast %add3A_387 : i32 to vector<16xi32>
        %add3A_389 = arith.addi %mul3A_262, %add3A_388 : vector<16xi32>
        tpu.vector_store_idx %arg11[%add3A_389], %gather3A_386 : memref<16384xf32, #tpu.memory_space<vmem>>[vector<16xi32>], vector<16xf32>,
        %broadcast_in_dim3A_390 = arith.constant 2 : i32
        %broadcast_in_dim3A_391 = vector.broadcast %broadcast_in_dim3A_390 : i32 to vector<16xi32>
        %broadcast_in_dim3A_392 = arith.constant 0 : i32
        %broadcast_in_dim3A_393 = vector.broadcast %broadcast_in_dim3A_392 : i32 to vector<16xi32>
        %gather3A_394 = tpu.vector_load_idx %arg10[%broadcast_in_dim3A_221, %broadcast_in_dim3A_391, %broadcast_in_dim3A_393, %get3A_250] : memref<2x4x8x640xf32, #tpu.memory_space<vmem>>[vector<16xi32>, vector<16xi32>, vector<16xi32>, vector<16xi32>], vector<16xf32>,
        %add3A_395 = arith.constant 16 : i32
        %add3A_396 = vector.broadcast %add3A_395 : i32 to vector<16xi32>
        %add3A_397 = arith.addi %mul3A_262, %add3A_396 : vector<16xi32>
        tpu.vector_store_idx %arg11[%add3A_397], %gather3A_394 : memref<16384xf32, #tpu.memory_space<vmem>>[vector<16xi32>], vector<16xf32>,
        %broadcast_in_dim3A_398 = arith.constant 2 : i32
        %broadcast_in_dim3A_399 = vector.broadcast %broadcast_in_dim3A_398 : i32 to vector<16xi32>
        %broadcast_in_dim3A_400 = arith.constant 1 : i32
        %broadcast_in_dim3A_401 = vector.broadcast %broadcast_in_dim3A_400 : i32 to vector<16xi32>
        %gather3A_402 = tpu.vector_load_idx %arg10[%broadcast_in_dim3A_221, %broadcast_in_dim3A_399, %broadcast_in_dim3A_401, %get3A_250] : memref<2x4x8x640xf32, #tpu.memory_space<vmem>>[vector<16xi32>, vector<16xi32>, vector<16xi32>, vector<16xi32>], vector<16xf32>,
        %add3A_403 = arith.constant 17 : i32
        %add3A_404 = vector.broadcast %add3A_403 : i32 to vector<16xi32>
        %add3A_405 = arith.addi %mul3A_262, %add3A_404 : vector<16xi32>
        tpu.vector_store_idx %arg11[%add3A_405], %gather3A_402 : memref<16384xf32, #tpu.memory_space<vmem>>[vector<16xi32>], vector<16xf32>,
        %broadcast_in_dim3A_406 = arith.constant 2 : i32
        %broadcast_in_dim3A_407 = vector.broadcast %broadcast_in_dim3A_406 : i32 to vector<16xi32>
        %broadcast_in_dim3A_408 = arith.constant 2 : i32
        %broadcast_in_dim3A_409 = vector.broadcast %broadcast_in_dim3A_408 : i32 to vector<16xi32>
        %gather3A_410 = tpu.vector_load_idx %arg10[%broadcast_in_dim3A_221, %broadcast_in_dim3A_407, %broadcast_in_dim3A_409, %get3A_250] : memref<2x4x8x640xf32, #tpu.memory_space<vmem>>[vector<16xi32>, vector<16xi32>, vector<16xi32>, vector<16xi32>], vector<16xf32>,
        %add3A_411 = arith.constant 18 : i32
        %add3A_412 = vector.broadcast %add3A_411 : i32 to vector<16xi32>
        %add3A_413 = arith.addi %mul3A_262, %add3A_412 : vector<16xi32>
        tpu.vector_store_idx %arg11[%add3A_413], %gather3A_410 : memref<16384xf32, #tpu.memory_space<vmem>>[vector<16xi32>], vector<16xf32>,
        %broadcast_in_dim3A_414 = arith.constant 2 : i32
        %broadcast_in_dim3A_415 = vector.broadcast %broadcast_in_dim3A_414 : i32 to vector<16xi32>
        %broadcast_in_dim3A_416 = arith.constant 3 : i32
        %broadcast_in_dim3A_417 = vector.broadcast %broadcast_in_dim3A_416 : i32 to vector<16xi32>
        %gather3A_418 = tpu.vector_load_idx %arg10[%broadcast_in_dim3A_221, %broadcast_in_dim3A_415, %broadcast_in_dim3A_417, %get3A_250] : memref<2x4x8x640xf32, #tpu.memory_space<vmem>>[vector<16xi32>, vector<16xi32>, vector<16xi32>, vector<16xi32>], vector<16xf32>,
        %add3A_419 = arith.constant 19 : i32
        %add3A_420 = vector.broadcast %add3A_419 : i32 to vector<16xi32>
        %add3A_421 = arith.addi %mul3A_262, %add3A_420 : vector<16xi32>
        tpu.vector_store_idx %arg11[%add3A_421], %gather3A_418 : memref<16384xf32, #tpu.memory_space<vmem>>[vector<16xi32>], vector<16xf32>,
        %broadcast_in_dim3A_422 = arith.constant 2 : i32
        %broadcast_in_dim3A_423 = vector.broadcast %broadcast_in_dim3A_422 : i32 to vector<16xi32>
        %broadcast_in_dim3A_424 = arith.constant 4 : i32
        %broadcast_in_dim3A_425 = vector.broadcast %broadcast_in_dim3A_424 : i32 to vector<16xi32>
        %gather3A_426 = tpu.vector_load_idx %arg10[%broadcast_in_dim3A_221, %broadcast_in_dim3A_423, %broadcast_in_dim3A_425, %get3A_250] : memref<2x4x8x640xf32, #tpu.memory_space<vmem>>[vector<16xi32>, vector<16xi32>, vector<16xi32>, vector<16xi32>], vector<16xf32>,
        %add3A_427 = arith.constant 20 : i32
        %add3A_428 = vector.broadcast %add3A_427 : i32 to vector<16xi32>
        %add3A_429 = arith.addi %mul3A_262, %add3A_428 : vector<16xi32>
        tpu.vector_store_idx %arg11[%add3A_429], %gather3A_426 : memref<16384xf32, #tpu.memory_space<vmem>>[vector<16xi32>], vector<16xf32>,
        %broadcast_in_dim3A_430 = arith.constant 2 : i32
        %broadcast_in_dim3A_431 = vector.broadcast %broadcast_in_dim3A_430 : i32 to vector<16xi32>
        %broadcast_in_dim3A_432 = arith.constant 5 : i32
        %broadcast_in_dim3A_433 = vector.broadcast %broadcast_in_dim3A_432 : i32 to vector<16xi32>
        %gather3A_434 = tpu.vector_load_idx %arg10[%broadcast_in_dim3A_221, %broadcast_in_dim3A_431, %broadcast_in_dim3A_433, %get3A_250] : memref<2x4x8x640xf32, #tpu.memory_space<vmem>>[vector<16xi32>, vector<16xi32>, vector<16xi32>, vector<16xi32>], vector<16xf32>,
        %add3A_435 = arith.constant 21 : i32
        %add3A_436 = vector.broadcast %add3A_435 : i32 to vector<16xi32>
        %add3A_437 = arith.addi %mul3A_262, %add3A_436 : vector<16xi32>
        tpu.vector_store_idx %arg11[%add3A_437], %gather3A_434 : memref<16384xf32, #tpu.memory_space<vmem>>[vector<16xi32>], vector<16xf32>,
        %broadcast_in_dim3A_438 = arith.constant 2 : i32
        %broadcast_in_dim3A_439 = vector.broadcast %broadcast_in_dim3A_438 : i32 to vector<16xi32>
        %broadcast_in_dim3A_440 = arith.constant 6 : i32
        %broadcast_in_dim3A_441 = vector.broadcast %broadcast_in_dim3A_440 : i32 to vector<16xi32>
        %gather3A_442 = tpu.vector_load_idx %arg10[%broadcast_in_dim3A_221, %broadcast_in_dim3A_439, %broadcast_in_dim3A_441, %get3A_250] : memref<2x4x8x640xf32, #tpu.memory_space<vmem>>[vector<16xi32>, vector<16xi32>, vector<16xi32>, vector<16xi32>], vector<16xf32>,
        %add3A_443 = arith.constant 22 : i32
        %add3A_444 = vector.broadcast %add3A_443 : i32 to vector<16xi32>
        %add3A_445 = arith.addi %mul3A_262, %add3A_444 : vector<16xi32>
        tpu.vector_store_idx %arg11[%add3A_445], %gather3A_442 : memref<16384xf32, #tpu.memory_space<vmem>>[vector<16xi32>], vector<16xf32>,
        %broadcast_in_dim3A_446 = arith.constant 2 : i32
        %broadcast_in_dim3A_447 = vector.broadcast %broadcast_in_dim3A_446 : i32 to vector<16xi32>
        %broadcast_in_dim3A_448 = arith.constant 7 : i32
        %broadcast_in_dim3A_449 = vector.broadcast %broadcast_in_dim3A_448 : i32 to vector<16xi32>
        %gather3A_450 = tpu.vector_load_idx %arg10[%broadcast_in_dim3A_221, %broadcast_in_dim3A_447, %broadcast_in_dim3A_449, %get3A_250] : memref<2x4x8x640xf32, #tpu.memory_space<vmem>>[vector<16xi32>, vector<16xi32>, vector<16xi32>, vector<16xi32>], vector<16xf32>,
        %add3A_451 = arith.constant 23 : i32
        %add3A_452 = vector.broadcast %add3A_451 : i32 to vector<16xi32>
        %add3A_453 = arith.addi %mul3A_262, %add3A_452 : vector<16xi32>
        tpu.vector_store_idx %arg11[%add3A_453], %gather3A_450 : memref<16384xf32, #tpu.memory_space<vmem>>[vector<16xi32>], vector<16xf32>,
        %broadcast_in_dim3A_454 = arith.constant 3 : i32
        %broadcast_in_dim3A_455 = vector.broadcast %broadcast_in_dim3A_454 : i32 to vector<16xi32>
        %broadcast_in_dim3A_456 = arith.constant 0 : i32
        %broadcast_in_dim3A_457 = vector.broadcast %broadcast_in_dim3A_456 : i32 to vector<16xi32>
        %gather3A_458 = tpu.vector_load_idx %arg10[%broadcast_in_dim3A_221, %broadcast_in_dim3A_455, %broadcast_in_dim3A_457, %get3A_250] : memref<2x4x8x640xf32, #tpu.memory_space<vmem>>[vector<16xi32>, vector<16xi32>, vector<16xi32>, vector<16xi32>], vector<16xf32>,
        %add3A_459 = arith.constant 24 : i32
        %add3A_460 = vector.broadcast %add3A_459 : i32 to vector<16xi32>
        %add3A_461 = arith.addi %mul3A_262, %add3A_460 : vector<16xi32>
        tpu.vector_store_idx %arg11[%add3A_461], %gather3A_458 : memref<16384xf32, #tpu.memory_space<vmem>>[vector<16xi32>], vector<16xf32>,
        %broadcast_in_dim3A_462 = arith.constant 3 : i32
        %broadcast_in_dim3A_463 = vector.broadcast %broadcast_in_dim3A_462 : i32 to vector<16xi32>
        %broadcast_in_dim3A_464 = arith.constant 1 : i32
        %broadcast_in_dim3A_465 = vector.broadcast %broadcast_in_dim3A_464 : i32 to vector<16xi32>
        %gather3A_466 = tpu.vector_load_idx %arg10[%broadcast_in_dim3A_221, %broadcast_in_dim3A_463, %broadcast_in_dim3A_465, %get3A_250] : memref<2x4x8x640xf32, #tpu.memory_space<vmem>>[vector<16xi32>, vector<16xi32>, vector<16xi32>, vector<16xi32>], vector<16xf32>,
        %add3A_467 = arith.constant 25 : i32
        %add3A_468 = vector.broadcast %add3A_467 : i32 to vector<16xi32>
        %add3A_469 = arith.addi %mul3A_262, %add3A_468 : vector<16xi32>
        tpu.vector_store_idx %arg11[%add3A_469], %gather3A_466 : memref<16384xf32, #tpu.memory_space<vmem>>[vector<16xi32>], vector<16xf32>,
        %broadcast_in_dim3A_470 = arith.constant 3 : i32
        %broadcast_in_dim3A_471 = vector.broadcast %broadcast_in_dim3A_470 : i32 to vector<16xi32>
        %broadcast_in_dim3A_472 = arith.constant 2 : i32
        %broadcast_in_dim3A_473 = vector.broadcast %broadcast_in_dim3A_472 : i32 to vector<16xi32>
        %gather3A_474 = tpu.vector_load_idx %arg10[%broadcast_in_dim3A_221, %broadcast_in_dim3A_471, %broadcast_in_dim3A_473, %get3A_250] : memref<2x4x8x640xf32, #tpu.memory_space<vmem>>[vector<16xi32>, vector<16xi32>, vector<16xi32>, vector<16xi32>], vector<16xf32>,
        %add3A_475 = arith.constant 26 : i32
        %add3A_476 = vector.broadcast %add3A_475 : i32 to vector<16xi32>
        %add3A_477 = arith.addi %mul3A_262, %add3A_476 : vector<16xi32>
        tpu.vector_store_idx %arg11[%add3A_477], %gather3A_474 : memref<16384xf32, #tpu.memory_space<vmem>>[vector<16xi32>], vector<16xf32>,
        %broadcast_in_dim3A_478 = arith.constant 3 : i32
        %broadcast_in_dim3A_479 = vector.broadcast %broadcast_in_dim3A_478 : i32 to vector<16xi32>
        %broadcast_in_dim3A_480 = arith.constant 3 : i32
        %broadcast_in_dim3A_481 = vector.broadcast %broadcast_in_dim3A_480 : i32 to vector<16xi32>
        %gather3A_482 = tpu.vector_load_idx %arg10[%broadcast_in_dim3A_221, %broadcast_in_dim3A_479, %broadcast_in_dim3A_481, %get3A_250] : memref<2x4x8x640xf32, #tpu.memory_space<vmem>>[vector<16xi32>, vector<16xi32>, vector<16xi32>, vector<16xi32>], vector<16xf32>,
        %add3A_483 = arith.constant 27 : i32
        %add3A_484 = vector.broadcast %add3A_483 : i32 to vector<16xi32>
        %add3A_485 = arith.addi %mul3A_262, %add3A_484 : vector<16xi32>
        tpu.vector_store_idx %arg11[%add3A_485], %gather3A_482 : memref<16384xf32, #tpu.memory_space<vmem>>[vector<16xi32>], vector<16xf32>,
        %broadcast_in_dim3A_486 = arith.constant 3 : i32
        %broadcast_in_dim3A_487 = vector.broadcast %broadcast_in_dim3A_486 : i32 to vector<16xi32>
        %broadcast_in_dim3A_488 = arith.constant 4 : i32
        %broadcast_in_dim3A_489 = vector.broadcast %broadcast_in_dim3A_488 : i32 to vector<16xi32>
        %gather3A_490 = tpu.vector_load_idx %arg10[%broadcast_in_dim3A_221, %broadcast_in_dim3A_487, %broadcast_in_dim3A_489, %get3A_250] : memref<2x4x8x640xf32, #tpu.memory_space<vmem>>[vector<16xi32>, vector<16xi32>, vector<16xi32>, vector<16xi32>], vector<16xf32>,
        %add3A_491 = arith.constant 28 : i32
        %add3A_492 = vector.broadcast %add3A_491 : i32 to vector<16xi32>
        %add3A_493 = arith.addi %mul3A_262, %add3A_492 : vector<16xi32>
        tpu.vector_store_idx %arg11[%add3A_493], %gather3A_490 : memref<16384xf32, #tpu.memory_space<vmem>>[vector<16xi32>], vector<16xf32>,
        %broadcast_in_dim3A_494 = arith.constant 3 : i32
        %broadcast_in_dim3A_495 = vector.broadcast %broadcast_in_dim3A_494 : i32 to vector<16xi32>
        %broadcast_in_dim3A_496 = arith.constant 5 : i32
        %broadcast_in_dim3A_497 = vector.broadcast %broadcast_in_dim3A_496 : i32 to vector<16xi32>
        %gather3A_498 = tpu.vector_load_idx %arg10[%broadcast_in_dim3A_221, %broadcast_in_dim3A_495, %broadcast_in_dim3A_497, %get3A_250] : memref<2x4x8x640xf32, #tpu.memory_space<vmem>>[vector<16xi32>, vector<16xi32>, vector<16xi32>, vector<16xi32>], vector<16xf32>,
        %add3A_499 = arith.constant 29 : i32
        %add3A_500 = vector.broadcast %add3A_499 : i32 to vector<16xi32>
        %add3A_501 = arith.addi %mul3A_262, %add3A_500 : vector<16xi32>
        tpu.vector_store_idx %arg11[%add3A_501], %gather3A_498 : memref<16384xf32, #tpu.memory_space<vmem>>[vector<16xi32>], vector<16xf32>,
        %broadcast_in_dim3A_502 = arith.constant 3 : i32
        %broadcast_in_dim3A_503 = vector.broadcast %broadcast_in_dim3A_502 : i32 to vector<16xi32>
        %broadcast_in_dim3A_504 = arith.constant 6 : i32
        %broadcast_in_dim3A_505 = vector.broadcast %broadcast_in_dim3A_504 : i32 to vector<16xi32>
        %gather3A_506 = tpu.vector_load_idx %arg10[%broadcast_in_dim3A_221, %broadcast_in_dim3A_503, %broadcast_in_dim3A_505, %get3A_250] : memref<2x4x8x640xf32, #tpu.memory_space<vmem>>[vector<16xi32>, vector<16xi32>, vector<16xi32>, vector<16xi32>], vector<16xf32>,
        %add3A_507 = arith.constant 30 : i32
        %add3A_508 = vector.broadcast %add3A_507 : i32 to vector<16xi32>
        %add3A_509 = arith.addi %mul3A_262, %add3A_508 : vector<16xi32>
        tpu.vector_store_idx %arg11[%add3A_509], %gather3A_506 : memref<16384xf32, #tpu.memory_space<vmem>>[vector<16xi32>], vector<16xf32>,
        %broadcast_in_dim3A_510 = arith.constant 3 : i32
        %broadcast_in_dim3A_511 = vector.broadcast %broadcast_in_dim3A_510 : i32 to vector<16xi32>
        %broadcast_in_dim3A_512 = arith.constant 7 : i32
        %broadcast_in_dim3A_513 = vector.broadcast %broadcast_in_dim3A_512 : i32 to vector<16xi32>
        %gather3A_514 = tpu.vector_load_idx %arg10[%broadcast_in_dim3A_221, %broadcast_in_dim3A_511, %broadcast_in_dim3A_513, %get3A_250] : memref<2x4x8x640xf32, #tpu.memory_space<vmem>>[vector<16xi32>, vector<16xi32>, vector<16xi32>, vector<16xi32>], vector<16xf32>,
        %add3A_515 = arith.constant 31 : i32
        %add3A_516 = vector.broadcast %add3A_515 : i32 to vector<16xi32>
        %add3A_517 = arith.addi %mul3A_262, %add3A_516 : vector<16xi32>
        tpu.vector_store_idx %arg11[%add3A_517], %gather3A_514 : memref<16384xf32, #tpu.memory_space<vmem>>[vector<16xi32>], vector<16xf32>,
        %mul3A_518 = arith.constant 16 : i32
        %mul3A_519 = arith.muli %while3A_237, %mul3A_518 : i32
        %add3A_520 = arith.constant 0 : i32
        %add3A_521 = arith.addi %mul3A_519, %add3A_520 : i32
        %lt3A_522 = arith.cmpi slt, %add3A_521, %while3A_207 : i32
        %convert_element_type3A_523 = arith.extui %lt3A_522 : i1 to i32
        %cond3A_524 = arith.constant 0 : i32
        %cond3A_525 = arith.cmpi ne, %convert_element_type3A_523, %cond3A_524 : i32
        scf.if %cond3A_525 {
          %add3A_716 = arith.constant 0 : i32
          %add3A_717 = arith.addi %while3A_238, %add3A_716 : i32
          %rem3A_718 = arith.constant 512 : i32
          %rem3A_719 = arith.remsi %add3A_717, %rem3A_718 : i32
          %mul3A_720 = arith.constant 32 : i32
          %mul3A_721 = arith.muli %rem3A_719, %mul3A_720 : i32
          %slice3A = vector.extract_strided_slice %get3A_254 {offsets = [0], sizes = [1], strides = [1]} : vector<16xi32> to vector<1xi32>
          %squeeze3A = vector.extract %slice3A[0] : i32 from vector<1xi32>
          %mul3A_722 = arith.constant 32 : i32
          %mul3A_723 = arith.muli %squeeze3A, %mul3A_722 : i32
          %dma_start3A_724 = tpu.memref_slice %arg11[%mul3A_721] : memref<16384xf32, #tpu.memory_space<vmem>> -> memref<32xf32, #tpu.memory_space<vmem>>
          %dma_start3A_725 = tpu.memref_slice %arg5[%mul3A_723] : memref<524288xf32, #tpu.memory_space<hbm>> -> memref<32xf32, #tpu.memory_space<hbm>>
          %dma_start3A_726 = tpu.memref_slice %arg5[%mul3A_723] : memref<524288xf32, #tpu.memory_space<hbm>> -> memref<32xf32, #tpu.memory_space<hbm>>
          %dma_start3A_727 = tpu.memref_slice %arg11[%mul3A_721] : memref<16384xf32, #tpu.memory_space<vmem>> -> memref<32xf32, #tpu.memory_space<vmem>>
          tpu.enqueue_dma source(%dma_start3A_727 : memref<32xf32, #tpu.memory_space<vmem>>) target(%dma_start3A_726 : memref<32xf32, #tpu.memory_space<hbm>>) target_semaphore(%arg15 : memref<!tpu.dma_semaphore, #tpu.memory_space<semaphore_mem>>)
        } else {
        }
        %jit3A_526 = arith.constant 128 : i32
        %jit3A_527 = arith.constant 0 : i32
        %select_n3A_528 = arith.select %lt3A_522, %jit3A_526, %jit3A_527 : i32
        %add3A_529 = arith.addi %sub3A_247, %select_n3A_528 : i32
        %mul3A_530 = arith.constant 16 : i32
        %mul3A_531 = arith.muli %while3A_237, %mul3A_530 : i32
        %add3A_532 = arith.constant 1 : i32
        %add3A_533 = arith.addi %mul3A_531, %add3A_532 : i32
        %lt3A_534 = arith.cmpi slt, %add3A_533, %while3A_207 : i32
        %convert_element_type3A_535 = arith.extui %lt3A_534 : i1 to i32
        %cond3A_536 = arith.constant 0 : i32
        %cond3A_537 = arith.cmpi ne, %convert_element_type3A_535, %cond3A_536 : i32
        scf.if %cond3A_537 {
          %add3A_716 = arith.constant 1 : i32
          %add3A_717 = arith.addi %while3A_238, %add3A_716 : i32
          %rem3A_718 = arith.constant 512 : i32
          %rem3A_719 = arith.remsi %add3A_717, %rem3A_718 : i32
          %mul3A_720 = arith.constant 32 : i32
          %mul3A_721 = arith.muli %rem3A_719, %mul3A_720 : i32
          %slice3A = vector.extract_strided_slice %get3A_254 {offsets = [1], sizes = [1], strides = [1]} : vector<16xi32> to vector<1xi32>
          %squeeze3A = vector.extract %slice3A[0] : i32 from vector<1xi32>
          %mul3A_722 = arith.constant 32 : i32
          %mul3A_723 = arith.muli %squeeze3A, %mul3A_722 : i32
          %dma_start3A_724 = tpu.memref_slice %arg11[%mul3A_721] : memref<16384xf32, #tpu.memory_space<vmem>> -> memref<32xf32, #tpu.memory_space<vmem>>
          %dma_start3A_725 = tpu.memref_slice %arg5[%mul3A_723] : memref<524288xf32, #tpu.memory_space<hbm>> -> memref<32xf32, #tpu.memory_space<hbm>>
          %dma_start3A_726 = tpu.memref_slice %arg5[%mul3A_723] : memref<524288xf32, #tpu.memory_space<hbm>> -> memref<32xf32, #tpu.memory_space<hbm>>
          %dma_start3A_727 = tpu.memref_slice %arg11[%mul3A_721] : memref<16384xf32, #tpu.memory_space<vmem>> -> memref<32xf32, #tpu.memory_space<vmem>>
          tpu.enqueue_dma source(%dma_start3A_727 : memref<32xf32, #tpu.memory_space<vmem>>) target(%dma_start3A_726 : memref<32xf32, #tpu.memory_space<hbm>>) target_semaphore(%arg15 : memref<!tpu.dma_semaphore, #tpu.memory_space<semaphore_mem>>)
        } else {
        }
        %jit3A_538 = arith.constant 128 : i32
        %jit3A_539 = arith.constant 0 : i32
        %select_n3A_540 = arith.select %lt3A_534, %jit3A_538, %jit3A_539 : i32
        %add3A_541 = arith.addi %add3A_529, %select_n3A_540 : i32
        %mul3A_542 = arith.constant 16 : i32
        %mul3A_543 = arith.muli %while3A_237, %mul3A_542 : i32
        %add3A_544 = arith.constant 2 : i32
        %add3A_545 = arith.addi %mul3A_543, %add3A_544 : i32
        %lt3A_546 = arith.cmpi slt, %add3A_545, %while3A_207 : i32
        %convert_element_type3A_547 = arith.extui %lt3A_546 : i1 to i32
        %cond3A_548 = arith.constant 0 : i32
        %cond3A_549 = arith.cmpi ne, %convert_element_type3A_547, %cond3A_548 : i32
        scf.if %cond3A_549 {
          %add3A_716 = arith.constant 2 : i32
          %add3A_717 = arith.addi %while3A_238, %add3A_716 : i32
          %rem3A_718 = arith.constant 512 : i32
          %rem3A_719 = arith.remsi %add3A_717, %rem3A_718 : i32
          %mul3A_720 = arith.constant 32 : i32
          %mul3A_721 = arith.muli %rem3A_719, %mul3A_720 : i32
          %slice3A = vector.extract_strided_slice %get3A_254 {offsets = [2], sizes = [1], strides = [1]} : vector<16xi32> to vector<1xi32>
          %squeeze3A = vector.extract %slice3A[0] : i32 from vector<1xi32>
          %mul3A_722 = arith.constant 32 : i32
          %mul3A_723 = arith.muli %squeeze3A, %mul3A_722 : i32
          %dma_start3A_724 = tpu.memref_slice %arg11[%mul3A_721] : memref<16384xf32, #tpu.memory_space<vmem>> -> memref<32xf32, #tpu.memory_space<vmem>>
          %dma_start3A_725 = tpu.memref_slice %arg5[%mul3A_723] : memref<524288xf32, #tpu.memory_space<hbm>> -> memref<32xf32, #tpu.memory_space<hbm>>
          %dma_start3A_726 = tpu.memref_slice %arg5[%mul3A_723] : memref<524288xf32, #tpu.memory_space<hbm>> -> memref<32xf32, #tpu.memory_space<hbm>>
          %dma_start3A_727 = tpu.memref_slice %arg11[%mul3A_721] : memref<16384xf32, #tpu.memory_space<vmem>> -> memref<32xf32, #tpu.memory_space<vmem>>
          tpu.enqueue_dma source(%dma_start3A_727 : memref<32xf32, #tpu.memory_space<vmem>>) target(%dma_start3A_726 : memref<32xf32, #tpu.memory_space<hbm>>) target_semaphore(%arg15 : memref<!tpu.dma_semaphore, #tpu.memory_space<semaphore_mem>>)
        } else {
        }
        %jit3A_550 = arith.constant 128 : i32
        %jit3A_551 = arith.constant 0 : i32
        %select_n3A_552 = arith.select %lt3A_546, %jit3A_550, %jit3A_551 : i32
        %add3A_553 = arith.addi %add3A_541, %select_n3A_552 : i32
        %mul3A_554 = arith.constant 16 : i32
        %mul3A_555 = arith.muli %while3A_237, %mul3A_554 : i32
        %add3A_556 = arith.constant 3 : i32
        %add3A_557 = arith.addi %mul3A_555, %add3A_556 : i32
        %lt3A_558 = arith.cmpi slt, %add3A_557, %while3A_207 : i32
        %convert_element_type3A_559 = arith.extui %lt3A_558 : i1 to i32
        %cond3A_560 = arith.constant 0 : i32
        %cond3A_561 = arith.cmpi ne, %convert_element_type3A_559, %cond3A_560 : i32
        scf.if %cond3A_561 {
          %add3A_716 = arith.constant 3 : i32
          %add3A_717 = arith.addi %while3A_238, %add3A_716 : i32
          %rem3A_718 = arith.constant 512 : i32
          %rem3A_719 = arith.remsi %add3A_717, %rem3A_718 : i32
          %mul3A_720 = arith.constant 32 : i32
          %mul3A_721 = arith.muli %rem3A_719, %mul3A_720 : i32
          %slice3A = vector.extract_strided_slice %get3A_254 {offsets = [3], sizes = [1], strides = [1]} : vector<16xi32> to vector<1xi32>
          %squeeze3A = vector.extract %slice3A[0] : i32 from vector<1xi32>
          %mul3A_722 = arith.constant 32 : i32
          %mul3A_723 = arith.muli %squeeze3A, %mul3A_722 : i32
          %dma_start3A_724 = tpu.memref_slice %arg11[%mul3A_721] : memref<16384xf32, #tpu.memory_space<vmem>> -> memref<32xf32, #tpu.memory_space<vmem>>
          %dma_start3A_725 = tpu.memref_slice %arg5[%mul3A_723] : memref<524288xf32, #tpu.memory_space<hbm>> -> memref<32xf32, #tpu.memory_space<hbm>>
          %dma_start3A_726 = tpu.memref_slice %arg5[%mul3A_723] : memref<524288xf32, #tpu.memory_space<hbm>> -> memref<32xf32, #tpu.memory_space<hbm>>
          %dma_start3A_727 = tpu.memref_slice %arg11[%mul3A_721] : memref<16384xf32, #tpu.memory_space<vmem>> -> memref<32xf32, #tpu.memory_space<vmem>>
          tpu.enqueue_dma source(%dma_start3A_727 : memref<32xf32, #tpu.memory_space<vmem>>) target(%dma_start3A_726 : memref<32xf32, #tpu.memory_space<hbm>>) target_semaphore(%arg15 : memref<!tpu.dma_semaphore, #tpu.memory_space<semaphore_mem>>)
        } else {
        }
        %jit3A_562 = arith.constant 128 : i32
        %jit3A_563 = arith.constant 0 : i32
        %select_n3A_564 = arith.select %lt3A_558, %jit3A_562, %jit3A_563 : i32
        %add3A_565 = arith.addi %add3A_553, %select_n3A_564 : i32
        %mul3A_566 = arith.constant 16 : i32
        %mul3A_567 = arith.muli %while3A_237, %mul3A_566 : i32
        %add3A_568 = arith.constant 4 : i32
        %add3A_569 = arith.addi %mul3A_567, %add3A_568 : i32
        %lt3A_570 = arith.cmpi slt, %add3A_569, %while3A_207 : i32
        %convert_element_type3A_571 = arith.extui %lt3A_570 : i1 to i32
        %cond3A_572 = arith.constant 0 : i32
        %cond3A_573 = arith.cmpi ne, %convert_element_type3A_571, %cond3A_572 : i32
        scf.if %cond3A_573 {
          %add3A_716 = arith.constant 4 : i32
          %add3A_717 = arith.addi %while3A_238, %add3A_716 : i32
          %rem3A_718 = arith.constant 512 : i32
          %rem3A_719 = arith.remsi %add3A_717, %rem3A_718 : i32
          %mul3A_720 = arith.constant 32 : i32
          %mul3A_721 = arith.muli %rem3A_719, %mul3A_720 : i32
          %slice3A = vector.extract_strided_slice %get3A_254 {offsets = [4], sizes = [1], strides = [1]} : vector<16xi32> to vector<1xi32>
          %squeeze3A = vector.extract %slice3A[0] : i32 from vector<1xi32>
          %mul3A_722 = arith.constant 32 : i32
          %mul3A_723 = arith.muli %squeeze3A, %mul3A_722 : i32
          %dma_start3A_724 = tpu.memref_slice %arg11[%mul3A_721] : memref<16384xf32, #tpu.memory_space<vmem>> -> memref<32xf32, #tpu.memory_space<vmem>>
          %dma_start3A_725 = tpu.memref_slice %arg5[%mul3A_723] : memref<524288xf32, #tpu.memory_space<hbm>> -> memref<32xf32, #tpu.memory_space<hbm>>
          %dma_start3A_726 = tpu.memref_slice %arg5[%mul3A_723] : memref<524288xf32, #tpu.memory_space<hbm>> -> memref<32xf32, #tpu.memory_space<hbm>>
          %dma_start3A_727 = tpu.memref_slice %arg11[%mul3A_721] : memref<16384xf32, #tpu.memory_space<vmem>> -> memref<32xf32, #tpu.memory_space<vmem>>
          tpu.enqueue_dma source(%dma_start3A_727 : memref<32xf32, #tpu.memory_space<vmem>>) target(%dma_start3A_726 : memref<32xf32, #tpu.memory_space<hbm>>) target_semaphore(%arg15 : memref<!tpu.dma_semaphore, #tpu.memory_space<semaphore_mem>>)
        } else {
        }
        %jit3A_574 = arith.constant 128 : i32
        %jit3A_575 = arith.constant 0 : i32
        %select_n3A_576 = arith.select %lt3A_570, %jit3A_574, %jit3A_575 : i32
        %add3A_577 = arith.addi %add3A_565, %select_n3A_576 : i32
        %mul3A_578 = arith.constant 16 : i32
        %mul3A_579 = arith.muli %while3A_237, %mul3A_578 : i32
        %add3A_580 = arith.constant 5 : i32
        %add3A_581 = arith.addi %mul3A_579, %add3A_580 : i32
        %lt3A_582 = arith.cmpi slt, %add3A_581, %while3A_207 : i32
        %convert_element_type3A_583 = arith.extui %lt3A_582 : i1 to i32
        %cond3A_584 = arith.constant 0 : i32
        %cond3A_585 = arith.cmpi ne, %convert_element_type3A_583, %cond3A_584 : i32
        scf.if %cond3A_585 {
          %add3A_716 = arith.constant 5 : i32
          %add3A_717 = arith.addi %while3A_238, %add3A_716 : i32
          %rem3A_718 = arith.constant 512 : i32
          %rem3A_719 = arith.remsi %add3A_717, %rem3A_718 : i32
          %mul3A_720 = arith.constant 32 : i32
          %mul3A_721 = arith.muli %rem3A_719, %mul3A_720 : i32
          %slice3A = vector.extract_strided_slice %get3A_254 {offsets = [5], sizes = [1], strides = [1]} : vector<16xi32> to vector<1xi32>
          %squeeze3A = vector.extract %slice3A[0] : i32 from vector<1xi32>
          %mul3A_722 = arith.constant 32 : i32
          %mul3A_723 = arith.muli %squeeze3A, %mul3A_722 : i32
          %dma_start3A_724 = tpu.memref_slice %arg11[%mul3A_721] : memref<16384xf32, #tpu.memory_space<vmem>> -> memref<32xf32, #tpu.memory_space<vmem>>
          %dma_start3A_725 = tpu.memref_slice %arg5[%mul3A_723] : memref<524288xf32, #tpu.memory_space<hbm>> -> memref<32xf32, #tpu.memory_space<hbm>>
          %dma_start3A_726 = tpu.memref_slice %arg5[%mul3A_723] : memref<524288xf32, #tpu.memory_space<hbm>> -> memref<32xf32, #tpu.memory_space<hbm>>
          %dma_start3A_727 = tpu.memref_slice %arg11[%mul3A_721] : memref<16384xf32, #tpu.memory_space<vmem>> -> memref<32xf32, #tpu.memory_space<vmem>>
          tpu.enqueue_dma source(%dma_start3A_727 : memref<32xf32, #tpu.memory_space<vmem>>) target(%dma_start3A_726 : memref<32xf32, #tpu.memory_space<hbm>>) target_semaphore(%arg15 : memref<!tpu.dma_semaphore, #tpu.memory_space<semaphore_mem>>)
        } else {
        }
        %jit3A_586 = arith.constant 128 : i32
        %jit3A_587 = arith.constant 0 : i32
        %select_n3A_588 = arith.select %lt3A_582, %jit3A_586, %jit3A_587 : i32
        %add3A_589 = arith.addi %add3A_577, %select_n3A_588 : i32
        %mul3A_590 = arith.constant 16 : i32
        %mul3A_591 = arith.muli %while3A_237, %mul3A_590 : i32
        %add3A_592 = arith.constant 6 : i32
        %add3A_593 = arith.addi %mul3A_591, %add3A_592 : i32
        %lt3A_594 = arith.cmpi slt, %add3A_593, %while3A_207 : i32
        %convert_element_type3A_595 = arith.extui %lt3A_594 : i1 to i32
        %cond3A_596 = arith.constant 0 : i32
        %cond3A_597 = arith.cmpi ne, %convert_element_type3A_595, %cond3A_596 : i32
        scf.if %cond3A_597 {
          %add3A_716 = arith.constant 6 : i32
          %add3A_717 = arith.addi %while3A_238, %add3A_716 : i32
          %rem3A_718 = arith.constant 512 : i32
          %rem3A_719 = arith.remsi %add3A_717, %rem3A_718 : i32
          %mul3A_720 = arith.constant 32 : i32
          %mul3A_721 = arith.muli %rem3A_719, %mul3A_720 : i32
          %slice3A = vector.extract_strided_slice %get3A_254 {offsets = [6], sizes = [1], strides = [1]} : vector<16xi32> to vector<1xi32>
          %squeeze3A = vector.extract %slice3A[0] : i32 from vector<1xi32>
          %mul3A_722 = arith.constant 32 : i32
          %mul3A_723 = arith.muli %squeeze3A, %mul3A_722 : i32
          %dma_start3A_724 = tpu.memref_slice %arg11[%mul3A_721] : memref<16384xf32, #tpu.memory_space<vmem>> -> memref<32xf32, #tpu.memory_space<vmem>>
          %dma_start3A_725 = tpu.memref_slice %arg5[%mul3A_723] : memref<524288xf32, #tpu.memory_space<hbm>> -> memref<32xf32, #tpu.memory_space<hbm>>
          %dma_start3A_726 = tpu.memref_slice %arg5[%mul3A_723] : memref<524288xf32, #tpu.memory_space<hbm>> -> memref<32xf32, #tpu.memory_space<hbm>>
          %dma_start3A_727 = tpu.memref_slice %arg11[%mul3A_721] : memref<16384xf32, #tpu.memory_space<vmem>> -> memref<32xf32, #tpu.memory_space<vmem>>
          tpu.enqueue_dma source(%dma_start3A_727 : memref<32xf32, #tpu.memory_space<vmem>>) target(%dma_start3A_726 : memref<32xf32, #tpu.memory_space<hbm>>) target_semaphore(%arg15 : memref<!tpu.dma_semaphore, #tpu.memory_space<semaphore_mem>>)
        } else {
        }
        %jit3A_598 = arith.constant 128 : i32
        %jit3A_599 = arith.constant 0 : i32
        %select_n3A_600 = arith.select %lt3A_594, %jit3A_598, %jit3A_599 : i32
        %add3A_601 = arith.addi %add3A_589, %select_n3A_600 : i32
        %mul3A_602 = arith.constant 16 : i32
        %mul3A_603 = arith.muli %while3A_237, %mul3A_602 : i32
        %add3A_604 = arith.constant 7 : i32
        %add3A_605 = arith.addi %mul3A_603, %add3A_604 : i32
        %lt3A_606 = arith.cmpi slt, %add3A_605, %while3A_207 : i32
        %convert_element_type3A_607 = arith.extui %lt3A_606 : i1 to i32
        %cond3A_608 = arith.constant 0 : i32
        %cond3A_609 = arith.cmpi ne, %convert_element_type3A_607, %cond3A_608 : i32
        scf.if %cond3A_609 {
          %add3A_716 = arith.constant 7 : i32
          %add3A_717 = arith.addi %while3A_238, %add3A_716 : i32
          %rem3A_718 = arith.constant 512 : i32
          %rem3A_719 = arith.remsi %add3A_717, %rem3A_718 : i32
          %mul3A_720 = arith.constant 32 : i32
          %mul3A_721 = arith.muli %rem3A_719, %mul3A_720 : i32
          %slice3A = vector.extract_strided_slice %get3A_254 {offsets = [7], sizes = [1], strides = [1]} : vector<16xi32> to vector<1xi32>
          %squeeze3A = vector.extract %slice3A[0] : i32 from vector<1xi32>
          %mul3A_722 = arith.constant 32 : i32
          %mul3A_723 = arith.muli %squeeze3A, %mul3A_722 : i32
          %dma_start3A_724 = tpu.memref_slice %arg11[%mul3A_721] : memref<16384xf32, #tpu.memory_space<vmem>> -> memref<32xf32, #tpu.memory_space<vmem>>
          %dma_start3A_725 = tpu.memref_slice %arg5[%mul3A_723] : memref<524288xf32, #tpu.memory_space<hbm>> -> memref<32xf32, #tpu.memory_space<hbm>>
          %dma_start3A_726 = tpu.memref_slice %arg5[%mul3A_723] : memref<524288xf32, #tpu.memory_space<hbm>> -> memref<32xf32, #tpu.memory_space<hbm>>
          %dma_start3A_727 = tpu.memref_slice %arg11[%mul3A_721] : memref<16384xf32, #tpu.memory_space<vmem>> -> memref<32xf32, #tpu.memory_space<vmem>>
          tpu.enqueue_dma source(%dma_start3A_727 : memref<32xf32, #tpu.memory_space<vmem>>) target(%dma_start3A_726 : memref<32xf32, #tpu.memory_space<hbm>>) target_semaphore(%arg15 : memref<!tpu.dma_semaphore, #tpu.memory_space<semaphore_mem>>)
        } else {
        }
        %jit3A_610 = arith.constant 128 : i32
        %jit3A_611 = arith.constant 0 : i32
        %select_n3A_612 = arith.select %lt3A_606, %jit3A_610, %jit3A_611 : i32
        %add3A_613 = arith.addi %add3A_601, %select_n3A_612 : i32
        %mul3A_614 = arith.constant 16 : i32
        %mul3A_615 = arith.muli %while3A_237, %mul3A_614 : i32
        %add3A_616 = arith.constant 8 : i32
        %add3A_617 = arith.addi %mul3A_615, %add3A_616 : i32
        %lt3A_618 = arith.cmpi slt, %add3A_617, %while3A_207 : i32
        %convert_element_type3A_619 = arith.extui %lt3A_618 : i1 to i32
        %cond3A_620 = arith.constant 0 : i32
        %cond3A_621 = arith.cmpi ne, %convert_element_type3A_619, %cond3A_620 : i32
        scf.if %cond3A_621 {
          %add3A_716 = arith.constant 8 : i32
          %add3A_717 = arith.addi %while3A_238, %add3A_716 : i32
          %rem3A_718 = arith.constant 512 : i32
          %rem3A_719 = arith.remsi %add3A_717, %rem3A_718 : i32
          %mul3A_720 = arith.constant 32 : i32
          %mul3A_721 = arith.muli %rem3A_719, %mul3A_720 : i32
          %slice3A = vector.extract_strided_slice %get3A_254 {offsets = [8], sizes = [1], strides = [1]} : vector<16xi32> to vector<1xi32>
          %squeeze3A = vector.extract %slice3A[0] : i32 from vector<1xi32>
          %mul3A_722 = arith.constant 32 : i32
          %mul3A_723 = arith.muli %squeeze3A, %mul3A_722 : i32
          %dma_start3A_724 = tpu.memref_slice %arg11[%mul3A_721] : memref<16384xf32, #tpu.memory_space<vmem>> -> memref<32xf32, #tpu.memory_space<vmem>>
          %dma_start3A_725 = tpu.memref_slice %arg5[%mul3A_723] : memref<524288xf32, #tpu.memory_space<hbm>> -> memref<32xf32, #tpu.memory_space<hbm>>
          %dma_start3A_726 = tpu.memref_slice %arg5[%mul3A_723] : memref<524288xf32, #tpu.memory_space<hbm>> -> memref<32xf32, #tpu.memory_space<hbm>>
          %dma_start3A_727 = tpu.memref_slice %arg11[%mul3A_721] : memref<16384xf32, #tpu.memory_space<vmem>> -> memref<32xf32, #tpu.memory_space<vmem>>
          tpu.enqueue_dma source(%dma_start3A_727 : memref<32xf32, #tpu.memory_space<vmem>>) target(%dma_start3A_726 : memref<32xf32, #tpu.memory_space<hbm>>) target_semaphore(%arg15 : memref<!tpu.dma_semaphore, #tpu.memory_space<semaphore_mem>>)
        } else {
        }
        %jit3A_622 = arith.constant 128 : i32
        %jit3A_623 = arith.constant 0 : i32
        %select_n3A_624 = arith.select %lt3A_618, %jit3A_622, %jit3A_623 : i32
        %add3A_625 = arith.addi %add3A_613, %select_n3A_624 : i32
        %mul3A_626 = arith.constant 16 : i32
        %mul3A_627 = arith.muli %while3A_237, %mul3A_626 : i32
        %add3A_628 = arith.constant 9 : i32
        %add3A_629 = arith.addi %mul3A_627, %add3A_628 : i32
        %lt3A_630 = arith.cmpi slt, %add3A_629, %while3A_207 : i32
        %convert_element_type3A_631 = arith.extui %lt3A_630 : i1 to i32
        %cond3A_632 = arith.constant 0 : i32
        %cond3A_633 = arith.cmpi ne, %convert_element_type3A_631, %cond3A_632 : i32
        scf.if %cond3A_633 {
          %add3A_716 = arith.constant 9 : i32
          %add3A_717 = arith.addi %while3A_238, %add3A_716 : i32
          %rem3A_718 = arith.constant 512 : i32
          %rem3A_719 = arith.remsi %add3A_717, %rem3A_718 : i32
          %mul3A_720 = arith.constant 32 : i32
          %mul3A_721 = arith.muli %rem3A_719, %mul3A_720 : i32
          %slice3A = vector.extract_strided_slice %get3A_254 {offsets = [9], sizes = [1], strides = [1]} : vector<16xi32> to vector<1xi32>
          %squeeze3A = vector.extract %slice3A[0] : i32 from vector<1xi32>
          %mul3A_722 = arith.constant 32 : i32
          %mul3A_723 = arith.muli %squeeze3A, %mul3A_722 : i32
          %dma_start3A_724 = tpu.memref_slice %arg11[%mul3A_721] : memref<16384xf32, #tpu.memory_space<vmem>> -> memref<32xf32, #tpu.memory_space<vmem>>
          %dma_start3A_725 = tpu.memref_slice %arg5[%mul3A_723] : memref<524288xf32, #tpu.memory_space<hbm>> -> memref<32xf32, #tpu.memory_space<hbm>>
          %dma_start3A_726 = tpu.memref_slice %arg5[%mul3A_723] : memref<524288xf32, #tpu.memory_space<hbm>> -> memref<32xf32, #tpu.memory_space<hbm>>
          %dma_start3A_727 = tpu.memref_slice %arg11[%mul3A_721] : memref<16384xf32, #tpu.memory_space<vmem>> -> memref<32xf32, #tpu.memory_space<vmem>>
          tpu.enqueue_dma source(%dma_start3A_727 : memref<32xf32, #tpu.memory_space<vmem>>) target(%dma_start3A_726 : memref<32xf32, #tpu.memory_space<hbm>>) target_semaphore(%arg15 : memref<!tpu.dma_semaphore, #tpu.memory_space<semaphore_mem>>)
        } else {
        }
        %jit3A_634 = arith.constant 128 : i32
        %jit3A_635 = arith.constant 0 : i32
        %select_n3A_636 = arith.select %lt3A_630, %jit3A_634, %jit3A_635 : i32
        %add3A_637 = arith.addi %add3A_625, %select_n3A_636 : i32
        %mul3A_638 = arith.constant 16 : i32
        %mul3A_639 = arith.muli %while3A_237, %mul3A_638 : i32
        %add3A_640 = arith.constant 10 : i32
        %add3A_641 = arith.addi %mul3A_639, %add3A_640 : i32
        %lt3A_642 = arith.cmpi slt, %add3A_641, %while3A_207 : i32
        %convert_element_type3A_643 = arith.extui %lt3A_642 : i1 to i32
        %cond3A_644 = arith.constant 0 : i32
        %cond3A_645 = arith.cmpi ne, %convert_element_type3A_643, %cond3A_644 : i32
        scf.if %cond3A_645 {
          %add3A_716 = arith.constant 10 : i32
          %add3A_717 = arith.addi %while3A_238, %add3A_716 : i32
          %rem3A_718 = arith.constant 512 : i32
          %rem3A_719 = arith.remsi %add3A_717, %rem3A_718 : i32
          %mul3A_720 = arith.constant 32 : i32
          %mul3A_721 = arith.muli %rem3A_719, %mul3A_720 : i32
          %slice3A = vector.extract_strided_slice %get3A_254 {offsets = [10], sizes = [1], strides = [1]} : vector<16xi32> to vector<1xi32>
          %squeeze3A = vector.extract %slice3A[0] : i32 from vector<1xi32>
          %mul3A_722 = arith.constant 32 : i32
          %mul3A_723 = arith.muli %squeeze3A, %mul3A_722 : i32
          %dma_start3A_724 = tpu.memref_slice %arg11[%mul3A_721] : memref<16384xf32, #tpu.memory_space<vmem>> -> memref<32xf32, #tpu.memory_space<vmem>>
          %dma_start3A_725 = tpu.memref_slice %arg5[%mul3A_723] : memref<524288xf32, #tpu.memory_space<hbm>> -> memref<32xf32, #tpu.memory_space<hbm>>
          %dma_start3A_726 = tpu.memref_slice %arg5[%mul3A_723] : memref<524288xf32, #tpu.memory_space<hbm>> -> memref<32xf32, #tpu.memory_space<hbm>>
          %dma_start3A_727 = tpu.memref_slice %arg11[%mul3A_721] : memref<16384xf32, #tpu.memory_space<vmem>> -> memref<32xf32, #tpu.memory_space<vmem>>
          tpu.enqueue_dma source(%dma_start3A_727 : memref<32xf32, #tpu.memory_space<vmem>>) target(%dma_start3A_726 : memref<32xf32, #tpu.memory_space<hbm>>) target_semaphore(%arg15 : memref<!tpu.dma_semaphore, #tpu.memory_space<semaphore_mem>>)
        } else {
        }
        %jit3A_646 = arith.constant 128 : i32
        %jit3A_647 = arith.constant 0 : i32
        %select_n3A_648 = arith.select %lt3A_642, %jit3A_646, %jit3A_647 : i32
        %add3A_649 = arith.addi %add3A_637, %select_n3A_648 : i32
        %mul3A_650 = arith.constant 16 : i32
        %mul3A_651 = arith.muli %while3A_237, %mul3A_650 : i32
        %add3A_652 = arith.constant 11 : i32
        %add3A_653 = arith.addi %mul3A_651, %add3A_652 : i32
        %lt3A_654 = arith.cmpi slt, %add3A_653, %while3A_207 : i32
        %convert_element_type3A_655 = arith.extui %lt3A_654 : i1 to i32
        %cond3A_656 = arith.constant 0 : i32
        %cond3A_657 = arith.cmpi ne, %convert_element_type3A_655, %cond3A_656 : i32
        scf.if %cond3A_657 {
          %add3A_716 = arith.constant 11 : i32
          %add3A_717 = arith.addi %while3A_238, %add3A_716 : i32
          %rem3A_718 = arith.constant 512 : i32
          %rem3A_719 = arith.remsi %add3A_717, %rem3A_718 : i32
          %mul3A_720 = arith.constant 32 : i32
          %mul3A_721 = arith.muli %rem3A_719, %mul3A_720 : i32
          %slice3A = vector.extract_strided_slice %get3A_254 {offsets = [11], sizes = [1], strides = [1]} : vector<16xi32> to vector<1xi32>
          %squeeze3A = vector.extract %slice3A[0] : i32 from vector<1xi32>
          %mul3A_722 = arith.constant 32 : i32
          %mul3A_723 = arith.muli %squeeze3A, %mul3A_722 : i32
          %dma_start3A_724 = tpu.memref_slice %arg11[%mul3A_721] : memref<16384xf32, #tpu.memory_space<vmem>> -> memref<32xf32, #tpu.memory_space<vmem>>
          %dma_start3A_725 = tpu.memref_slice %arg5[%mul3A_723] : memref<524288xf32, #tpu.memory_space<hbm>> -> memref<32xf32, #tpu.memory_space<hbm>>
          %dma_start3A_726 = tpu.memref_slice %arg5[%mul3A_723] : memref<524288xf32, #tpu.memory_space<hbm>> -> memref<32xf32, #tpu.memory_space<hbm>>
          %dma_start3A_727 = tpu.memref_slice %arg11[%mul3A_721] : memref<16384xf32, #tpu.memory_space<vmem>> -> memref<32xf32, #tpu.memory_space<vmem>>
          tpu.enqueue_dma source(%dma_start3A_727 : memref<32xf32, #tpu.memory_space<vmem>>) target(%dma_start3A_726 : memref<32xf32, #tpu.memory_space<hbm>>) target_semaphore(%arg15 : memref<!tpu.dma_semaphore, #tpu.memory_space<semaphore_mem>>)
        } else {
        }
        %jit3A_658 = arith.constant 128 : i32
        %jit3A_659 = arith.constant 0 : i32
        %select_n3A_660 = arith.select %lt3A_654, %jit3A_658, %jit3A_659 : i32
        %add3A_661 = arith.addi %add3A_649, %select_n3A_660 : i32
        %mul3A_662 = arith.constant 16 : i32
        %mul3A_663 = arith.muli %while3A_237, %mul3A_662 : i32
        %add3A_664 = arith.constant 12 : i32
        %add3A_665 = arith.addi %mul3A_663, %add3A_664 : i32
        %lt3A_666 = arith.cmpi slt, %add3A_665, %while3A_207 : i32
        %convert_element_type3A_667 = arith.extui %lt3A_666 : i1 to i32
        %cond3A_668 = arith.constant 0 : i32
        %cond3A_669 = arith.cmpi ne, %convert_element_type3A_667, %cond3A_668 : i32
        scf.if %cond3A_669 {
          %add3A_716 = arith.constant 12 : i32
          %add3A_717 = arith.addi %while3A_238, %add3A_716 : i32
          %rem3A_718 = arith.constant 512 : i32
          %rem3A_719 = arith.remsi %add3A_717, %rem3A_718 : i32
          %mul3A_720 = arith.constant 32 : i32
          %mul3A_721 = arith.muli %rem3A_719, %mul3A_720 : i32
          %slice3A = vector.extract_strided_slice %get3A_254 {offsets = [12], sizes = [1], strides = [1]} : vector<16xi32> to vector<1xi32>
          %squeeze3A = vector.extract %slice3A[0] : i32 from vector<1xi32>
          %mul3A_722 = arith.constant 32 : i32
          %mul3A_723 = arith.muli %squeeze3A, %mul3A_722 : i32
          %dma_start3A_724 = tpu.memref_slice %arg11[%mul3A_721] : memref<16384xf32, #tpu.memory_space<vmem>> -> memref<32xf32, #tpu.memory_space<vmem>>
          %dma_start3A_725 = tpu.memref_slice %arg5[%mul3A_723] : memref<524288xf32, #tpu.memory_space<hbm>> -> memref<32xf32, #tpu.memory_space<hbm>>
          %dma_start3A_726 = tpu.memref_slice %arg5[%mul3A_723] : memref<524288xf32, #tpu.memory_space<hbm>> -> memref<32xf32, #tpu.memory_space<hbm>>
          %dma_start3A_727 = tpu.memref_slice %arg11[%mul3A_721] : memref<16384xf32, #tpu.memory_space<vmem>> -> memref<32xf32, #tpu.memory_space<vmem>>
          tpu.enqueue_dma source(%dma_start3A_727 : memref<32xf32, #tpu.memory_space<vmem>>) target(%dma_start3A_726 : memref<32xf32, #tpu.memory_space<hbm>>) target_semaphore(%arg15 : memref<!tpu.dma_semaphore, #tpu.memory_space<semaphore_mem>>)
        } else {
        }
        %jit3A_670 = arith.constant 128 : i32
        %jit3A_671 = arith.constant 0 : i32
        %select_n3A_672 = arith.select %lt3A_666, %jit3A_670, %jit3A_671 : i32
        %add3A_673 = arith.addi %add3A_661, %select_n3A_672 : i32
        %mul3A_674 = arith.constant 16 : i32
        %mul3A_675 = arith.muli %while3A_237, %mul3A_674 : i32
        %add3A_676 = arith.constant 13 : i32
        %add3A_677 = arith.addi %mul3A_675, %add3A_676 : i32
        %lt3A_678 = arith.cmpi slt, %add3A_677, %while3A_207 : i32
        %convert_element_type3A_679 = arith.extui %lt3A_678 : i1 to i32
        %cond3A_680 = arith.constant 0 : i32
        %cond3A_681 = arith.cmpi ne, %convert_element_type3A_679, %cond3A_680 : i32
        scf.if %cond3A_681 {
          %add3A_716 = arith.constant 13 : i32
          %add3A_717 = arith.addi %while3A_238, %add3A_716 : i32
          %rem3A_718 = arith.constant 512 : i32
          %rem3A_719 = arith.remsi %add3A_717, %rem3A_718 : i32
          %mul3A_720 = arith.constant 32 : i32
          %mul3A_721 = arith.muli %rem3A_719, %mul3A_720 : i32
          %slice3A = vector.extract_strided_slice %get3A_254 {offsets = [13], sizes = [1], strides = [1]} : vector<16xi32> to vector<1xi32>
          %squeeze3A = vector.extract %slice3A[0] : i32 from vector<1xi32>
          %mul3A_722 = arith.constant 32 : i32
          %mul3A_723 = arith.muli %squeeze3A, %mul3A_722 : i32
          %dma_start3A_724 = tpu.memref_slice %arg11[%mul3A_721] : memref<16384xf32, #tpu.memory_space<vmem>> -> memref<32xf32, #tpu.memory_space<vmem>>
          %dma_start3A_725 = tpu.memref_slice %arg5[%mul3A_723] : memref<524288xf32, #tpu.memory_space<hbm>> -> memref<32xf32, #tpu.memory_space<hbm>>
          %dma_start3A_726 = tpu.memref_slice %arg5[%mul3A_723] : memref<524288xf32, #tpu.memory_space<hbm>> -> memref<32xf32, #tpu.memory_space<hbm>>
          %dma_start3A_727 = tpu.memref_slice %arg11[%mul3A_721] : memref<16384xf32, #tpu.memory_space<vmem>> -> memref<32xf32, #tpu.memory_space<vmem>>
          tpu.enqueue_dma source(%dma_start3A_727 : memref<32xf32, #tpu.memory_space<vmem>>) target(%dma_start3A_726 : memref<32xf32, #tpu.memory_space<hbm>>) target_semaphore(%arg15 : memref<!tpu.dma_semaphore, #tpu.memory_space<semaphore_mem>>)
        } else {
        }
        %jit3A_682 = arith.constant 128 : i32
        %jit3A_683 = arith.constant 0 : i32
        %select_n3A_684 = arith.select %lt3A_678, %jit3A_682, %jit3A_683 : i32
        %add3A_685 = arith.addi %add3A_673, %select_n3A_684 : i32
        %mul3A_686 = arith.constant 16 : i32
        %mul3A_687 = arith.muli %while3A_237, %mul3A_686 : i32
        %add3A_688 = arith.constant 14 : i32
        %add3A_689 = arith.addi %mul3A_687, %add3A_688 : i32
        %lt3A_690 = arith.cmpi slt, %add3A_689, %while3A_207 : i32
        %convert_element_type3A_691 = arith.extui %lt3A_690 : i1 to i32
        %cond3A_692 = arith.constant 0 : i32
        %cond3A_693 = arith.cmpi ne, %convert_element_type3A_691, %cond3A_692 : i32
        scf.if %cond3A_693 {
          %add3A_716 = arith.constant 14 : i32
          %add3A_717 = arith.addi %while3A_238, %add3A_716 : i32
          %rem3A_718 = arith.constant 512 : i32
          %rem3A_719 = arith.remsi %add3A_717, %rem3A_718 : i32
          %mul3A_720 = arith.constant 32 : i32
          %mul3A_721 = arith.muli %rem3A_719, %mul3A_720 : i32
          %slice3A = vector.extract_strided_slice %get3A_254 {offsets = [14], sizes = [1], strides = [1]} : vector<16xi32> to vector<1xi32>
          %squeeze3A = vector.extract %slice3A[0] : i32 from vector<1xi32>
          %mul3A_722 = arith.constant 32 : i32
          %mul3A_723 = arith.muli %squeeze3A, %mul3A_722 : i32
          %dma_start3A_724 = tpu.memref_slice %arg11[%mul3A_721] : memref<16384xf32, #tpu.memory_space<vmem>> -> memref<32xf32, #tpu.memory_space<vmem>>
          %dma_start3A_725 = tpu.memref_slice %arg5[%mul3A_723] : memref<524288xf32, #tpu.memory_space<hbm>> -> memref<32xf32, #tpu.memory_space<hbm>>
          %dma_start3A_726 = tpu.memref_slice %arg5[%mul3A_723] : memref<524288xf32, #tpu.memory_space<hbm>> -> memref<32xf32, #tpu.memory_space<hbm>>
          %dma_start3A_727 = tpu.memref_slice %arg11[%mul3A_721] : memref<16384xf32, #tpu.memory_space<vmem>> -> memref<32xf32, #tpu.memory_space<vmem>>
          tpu.enqueue_dma source(%dma_start3A_727 : memref<32xf32, #tpu.memory_space<vmem>>) target(%dma_start3A_726 : memref<32xf32, #tpu.memory_space<hbm>>) target_semaphore(%arg15 : memref<!tpu.dma_semaphore, #tpu.memory_space<semaphore_mem>>)
        } else {
        }
        %jit3A_694 = arith.constant 128 : i32
        %jit3A_695 = arith.constant 0 : i32
        %select_n3A_696 = arith.select %lt3A_690, %jit3A_694, %jit3A_695 : i32
        %add3A_697 = arith.addi %add3A_685, %select_n3A_696 : i32
        %mul3A_698 = arith.constant 16 : i32
        %mul3A_699 = arith.muli %while3A_237, %mul3A_698 : i32
        %add3A_700 = arith.constant 15 : i32
        %add3A_701 = arith.addi %mul3A_699, %add3A_700 : i32
        %lt3A_702 = arith.cmpi slt, %add3A_701, %while3A_207 : i32
        %convert_element_type3A_703 = arith.extui %lt3A_702 : i1 to i32
        %cond3A_704 = arith.constant 0 : i32
        %cond3A_705 = arith.cmpi ne, %convert_element_type3A_703, %cond3A_704 : i32
        scf.if %cond3A_705 {
          %add3A_716 = arith.constant 15 : i32
          %add3A_717 = arith.addi %while3A_238, %add3A_716 : i32
          %rem3A_718 = arith.constant 512 : i32
          %rem3A_719 = arith.remsi %add3A_717, %rem3A_718 : i32
          %mul3A_720 = arith.constant 32 : i32
          %mul3A_721 = arith.muli %rem3A_719, %mul3A_720 : i32
          %slice3A = vector.extract_strided_slice %get3A_254 {offsets = [15], sizes = [1], strides = [1]} : vector<16xi32> to vector<1xi32>
          %squeeze3A = vector.extract %slice3A[0] : i32 from vector<1xi32>
          %mul3A_722 = arith.constant 32 : i32
          %mul3A_723 = arith.muli %squeeze3A, %mul3A_722 : i32
          %dma_start3A_724 = tpu.memref_slice %arg11[%mul3A_721] : memref<16384xf32, #tpu.memory_space<vmem>> -> memref<32xf32, #tpu.memory_space<vmem>>
          %dma_start3A_725 = tpu.memref_slice %arg5[%mul3A_723] : memref<524288xf32, #tpu.memory_space<hbm>> -> memref<32xf32, #tpu.memory_space<hbm>>
          %dma_start3A_726 = tpu.memref_slice %arg5[%mul3A_723] : memref<524288xf32, #tpu.memory_space<hbm>> -> memref<32xf32, #tpu.memory_space<hbm>>
          %dma_start3A_727 = tpu.memref_slice %arg11[%mul3A_721] : memref<16384xf32, #tpu.memory_space<vmem>> -> memref<32xf32, #tpu.memory_space<vmem>>
          tpu.enqueue_dma source(%dma_start3A_727 : memref<32xf32, #tpu.memory_space<vmem>>) target(%dma_start3A_726 : memref<32xf32, #tpu.memory_space<hbm>>) target_semaphore(%arg15 : memref<!tpu.dma_semaphore, #tpu.memory_space<semaphore_mem>>)
        } else {
        }
        %jit3A_706 = arith.constant 128 : i32
        %jit3A_707 = arith.constant 0 : i32
        %select_n3A_708 = arith.select %lt3A_702, %jit3A_706, %jit3A_707 : i32
        %add3A_709 = arith.addi %add3A_697, %select_n3A_708 : i32
        %mul3A_710 = arith.constant 16 : i32
        %mul3A_711 = arith.muli %while3A_237, %mul3A_710 : i32
        %sub3A_712 = arith.subi %while3A_207, %mul3A_711 : i32
        %min3A_713 = arith.constant 16 : i32
        %min3A_714 = arith.minsi %min3A_713, %sub3A_712 : i32
        %add3A_715 = arith.addi %while3A_238, %min3A_714 : i32
        scf.yield %add3A_715, %add3A_709 : i32, i32
      }
      %while3A_235 = arith.constant 1 : i32
      %while3A_236:2 = scf.for %while3A_237 = %while3A_232 to %while3A_228 step %while3A_235 iter_args(%while3A_238 = %while3A_234#0, %while3A_239 = %while3A_234#1) -> (i32, i32)  : i32 {
        %ge3A = arith.constant 16384 : i32
        %ge3A_240 = arith.cmpi sge, %while3A_239, %ge3A : i32
        %convert_element_type3A_241 = arith.extui %ge3A_240 : i1 to i32
        %cond3A_242 = arith.constant 0 : i32
        %cond3A_243 = arith.cmpi ne, %convert_element_type3A_241, %cond3A_242 : i32
        scf.if %cond3A_243 {
          %dma_wait3A = arith.constant 0 : i32
          %dma_wait3A_716 = tpu.memref_slice %arg11[%dma_wait3A] : memref<16384xf32, #tpu.memory_space<vmem>> -> memref<2048xf32, #tpu.memory_space<vmem>>
          %dma_wait3A_717 = arith.constant 0 : i32
          %dma_wait3A_718 = tpu.memref_slice %arg5[%dma_wait3A_717] : memref<524288xf32, #tpu.memory_space<hbm>> -> memref<2048xf32, #tpu.memory_space<hbm>>
          %dma_wait3A_719 = arith.constant 0 : i32
          %dma_wait3A_720 = tpu.memref_slice %arg11[%dma_wait3A_719] : memref<16384xf32, #tpu.memory_space<vmem>> -> memref<2048xf32, #tpu.memory_space<vmem>>
          %dma_wait3A_721 = arith.constant 0 : i32
          %dma_wait3A_722 = tpu.memref_slice %arg5[%dma_wait3A_721] : memref<524288xf32, #tpu.memory_space<hbm>> -> memref<2048xf32, #tpu.memory_space<hbm>>
          tpu.wait_dma2 semaphore(%arg15 : memref<!tpu.dma_semaphore, #tpu.memory_space<semaphore_mem>>) src(%dma_wait3A_722 : memref<2048xf32, #tpu.memory_space<hbm>>) dst(%dma_wait3A_720 : memref<2048xf32, #tpu.memory_space<vmem>>)
        } else {
        }
        %jit3A_244 = arith.constant 8192 : i32
        %jit3A_245 = arith.constant 0 : i32
        %select_n3A_246 = arith.select %ge3A_240, %jit3A_244, %jit3A_245 : i32
        %sub3A_247 = arith.subi %while3A_239, %select_n3A_246 : i32
        %mul3A_248 = arith.constant 16 : i32
        %mul3A_249 = arith.muli %while3A_237, %mul3A_248 : i32
        %get3A = arith.index_cast %mul3A_249 : i32 to index
        %get3A_250 = tpu.vector_load %arg6[%get3A] {strides = array<i32>} : memref<16400xi32, #tpu.memory_space<vmem>>, vector<16xi32>,
        %mul3A_251 = arith.constant 16 : i32
        %mul3A_252 = arith.muli %while3A_237, %mul3A_251 : i32
        %get3A_253 = arith.index_cast %mul3A_252 : i32 to index
        %get3A_254 = tpu.vector_load %arg9[%get3A_253] {strides = array<i32>} : memref<16400xi32, #tpu.memory_space<vmem>>, vector<16xi32>,
        %add3A_255 = vector.broadcast %while3A_238 : i32 to vector<16xi32>
        %add3A_256 = arith.addi %add3A_255, %iota3A : vector<16xi32>
        %rem3A_257 = arith.constant 512 : i32
        %rem3A_258 = vector.broadcast %rem3A_257 : i32 to vector<16xi32>
        %rem3A_259 = arith.remsi %add3A_256, %rem3A_258 : vector<16xi32>
        %mul3A_260 = arith.constant 32 : i32
        %mul3A_261 = vector.broadcast %mul3A_260 : i32 to vector<16xi32>
        %mul3A_262 = arith.muli %rem3A_259, %mul3A_261 : vector<16xi32>
        %broadcast_in_dim3A_263 = arith.constant 0 : i32
        %broadcast_in_dim3A_264 = vector.broadcast %broadcast_in_dim3A_263 : i32 to vector<16xi32>
        %broadcast_in_dim3A_265 = arith.constant 0 : i32
        %broadcast_in_dim3A_266 = vector.broadcast %broadcast_in_dim3A_265 : i32 to vector<16xi32>
        %gather3A = tpu.vector_load_idx %arg10[%broadcast_in_dim3A_221, %broadcast_in_dim3A_264, %broadcast_in_dim3A_266, %get3A_250] : memref<2x4x8x640xf32, #tpu.memory_space<vmem>>[vector<16xi32>, vector<16xi32>, vector<16xi32>, vector<16xi32>], vector<16xf32>,
        %add3A_267 = arith.constant 0 : i32
        %add3A_268 = vector.broadcast %add3A_267 : i32 to vector<16xi32>
        %add3A_269 = arith.addi %mul3A_262, %add3A_268 : vector<16xi32>
        tpu.vector_store_idx %arg11[%add3A_269], %gather3A : memref<16384xf32, #tpu.memory_space<vmem>>[vector<16xi32>], vector<16xf32>,
        %broadcast_in_dim3A_270 = arith.constant 0 : i32
        %broadcast_in_dim3A_271 = vector.broadcast %broadcast_in_dim3A_270 : i32 to vector<16xi32>
        %broadcast_in_dim3A_272 = arith.constant 1 : i32
        %broadcast_in_dim3A_273 = vector.broadcast %broadcast_in_dim3A_272 : i32 to vector<16xi32>
        %gather3A_274 = tpu.vector_load_idx %arg10[%broadcast_in_dim3A_221, %broadcast_in_dim3A_271, %broadcast_in_dim3A_273, %get3A_250] : memref<2x4x8x640xf32, #tpu.memory_space<vmem>>[vector<16xi32>, vector<16xi32>, vector<16xi32>, vector<16xi32>], vector<16xf32>,
        %add3A_275 = arith.constant 1 : i32
        %add3A_276 = vector.broadcast %add3A_275 : i32 to vector<16xi32>
        %add3A_277 = arith.addi %mul3A_262, %add3A_276 : vector<16xi32>
        tpu.vector_store_idx %arg11[%add3A_277], %gather3A_274 : memref<16384xf32, #tpu.memory_space<vmem>>[vector<16xi32>], vector<16xf32>,
        %broadcast_in_dim3A_278 = arith.constant 0 : i32
        %broadcast_in_dim3A_279 = vector.broadcast %broadcast_in_dim3A_278 : i32 to vector<16xi32>
        %broadcast_in_dim3A_280 = arith.constant 2 : i32
        %broadcast_in_dim3A_281 = vector.broadcast %broadcast_in_dim3A_280 : i32 to vector<16xi32>
        %gather3A_282 = tpu.vector_load_idx %arg10[%broadcast_in_dim3A_221, %broadcast_in_dim3A_279, %broadcast_in_dim3A_281, %get3A_250] : memref<2x4x8x640xf32, #tpu.memory_space<vmem>>[vector<16xi32>, vector<16xi32>, vector<16xi32>, vector<16xi32>], vector<16xf32>,
        %add3A_283 = arith.constant 2 : i32
        %add3A_284 = vector.broadcast %add3A_283 : i32 to vector<16xi32>
        %add3A_285 = arith.addi %mul3A_262, %add3A_284 : vector<16xi32>
        tpu.vector_store_idx %arg11[%add3A_285], %gather3A_282 : memref<16384xf32, #tpu.memory_space<vmem>>[vector<16xi32>], vector<16xf32>,
        %broadcast_in_dim3A_286 = arith.constant 0 : i32
        %broadcast_in_dim3A_287 = vector.broadcast %broadcast_in_dim3A_286 : i32 to vector<16xi32>
        %broadcast_in_dim3A_288 = arith.constant 3 : i32
        %broadcast_in_dim3A_289 = vector.broadcast %broadcast_in_dim3A_288 : i32 to vector<16xi32>
        %gather3A_290 = tpu.vector_load_idx %arg10[%broadcast_in_dim3A_221, %broadcast_in_dim3A_287, %broadcast_in_dim3A_289, %get3A_250] : memref<2x4x8x640xf32, #tpu.memory_space<vmem>>[vector<16xi32>, vector<16xi32>, vector<16xi32>, vector<16xi32>], vector<16xf32>,
        %add3A_291 = arith.constant 3 : i32
        %add3A_292 = vector.broadcast %add3A_291 : i32 to vector<16xi32>
        %add3A_293 = arith.addi %mul3A_262, %add3A_292 : vector<16xi32>
        tpu.vector_store_idx %arg11[%add3A_293], %gather3A_290 : memref<16384xf32, #tpu.memory_space<vmem>>[vector<16xi32>], vector<16xf32>,
        %broadcast_in_dim3A_294 = arith.constant 0 : i32
        %broadcast_in_dim3A_295 = vector.broadcast %broadcast_in_dim3A_294 : i32 to vector<16xi32>
        %broadcast_in_dim3A_296 = arith.constant 4 : i32
        %broadcast_in_dim3A_297 = vector.broadcast %broadcast_in_dim3A_296 : i32 to vector<16xi32>
        %gather3A_298 = tpu.vector_load_idx %arg10[%broadcast_in_dim3A_221, %broadcast_in_dim3A_295, %broadcast_in_dim3A_297, %get3A_250] : memref<2x4x8x640xf32, #tpu.memory_space<vmem>>[vector<16xi32>, vector<16xi32>, vector<16xi32>, vector<16xi32>], vector<16xf32>,
        %add3A_299 = arith.constant 4 : i32
        %add3A_300 = vector.broadcast %add3A_299 : i32 to vector<16xi32>
        %add3A_301 = arith.addi %mul3A_262, %add3A_300 : vector<16xi32>
        tpu.vector_store_idx %arg11[%add3A_301], %gather3A_298 : memref<16384xf32, #tpu.memory_space<vmem>>[vector<16xi32>], vector<16xf32>,
        %broadcast_in_dim3A_302 = arith.constant 0 : i32
        %broadcast_in_dim3A_303 = vector.broadcast %broadcast_in_dim3A_302 : i32 to vector<16xi32>
        %broadcast_in_dim3A_304 = arith.constant 5 : i32
        %broadcast_in_dim3A_305 = vector.broadcast %broadcast_in_dim3A_304 : i32 to vector<16xi32>
        %gather3A_306 = tpu.vector_load_idx %arg10[%broadcast_in_dim3A_221, %broadcast_in_dim3A_303, %broadcast_in_dim3A_305, %get3A_250] : memref<2x4x8x640xf32, #tpu.memory_space<vmem>>[vector<16xi32>, vector<16xi32>, vector<16xi32>, vector<16xi32>], vector<16xf32>,
        %add3A_307 = arith.constant 5 : i32
        %add3A_308 = vector.broadcast %add3A_307 : i32 to vector<16xi32>
        %add3A_309 = arith.addi %mul3A_262, %add3A_308 : vector<16xi32>
        tpu.vector_store_idx %arg11[%add3A_309], %gather3A_306 : memref<16384xf32, #tpu.memory_space<vmem>>[vector<16xi32>], vector<16xf32>,
        %broadcast_in_dim3A_310 = arith.constant 0 : i32
        %broadcast_in_dim3A_311 = vector.broadcast %broadcast_in_dim3A_310 : i32 to vector<16xi32>
        %broadcast_in_dim3A_312 = arith.constant 6 : i32
        %broadcast_in_dim3A_313 = vector.broadcast %broadcast_in_dim3A_312 : i32 to vector<16xi32>
        %gather3A_314 = tpu.vector_load_idx %arg10[%broadcast_in_dim3A_221, %broadcast_in_dim3A_311, %broadcast_in_dim3A_313, %get3A_250] : memref<2x4x8x640xf32, #tpu.memory_space<vmem>>[vector<16xi32>, vector<16xi32>, vector<16xi32>, vector<16xi32>], vector<16xf32>,
        %add3A_315 = arith.constant 6 : i32
        %add3A_316 = vector.broadcast %add3A_315 : i32 to vector<16xi32>
        %add3A_317 = arith.addi %mul3A_262, %add3A_316 : vector<16xi32>
        tpu.vector_store_idx %arg11[%add3A_317], %gather3A_314 : memref<16384xf32, #tpu.memory_space<vmem>>[vector<16xi32>], vector<16xf32>,
        %broadcast_in_dim3A_318 = arith.constant 0 : i32
        %broadcast_in_dim3A_319 = vector.broadcast %broadcast_in_dim3A_318 : i32 to vector<16xi32>
        %broadcast_in_dim3A_320 = arith.constant 7 : i32
        %broadcast_in_dim3A_321 = vector.broadcast %broadcast_in_dim3A_320 : i32 to vector<16xi32>
        %gather3A_322 = tpu.vector_load_idx %arg10[%broadcast_in_dim3A_221, %broadcast_in_dim3A_319, %broadcast_in_dim3A_321, %get3A_250] : memref<2x4x8x640xf32, #tpu.memory_space<vmem>>[vector<16xi32>, vector<16xi32>, vector<16xi32>, vector<16xi32>], vector<16xf32>,
        %add3A_323 = arith.constant 7 : i32
        %add3A_324 = vector.broadcast %add3A_323 : i32 to vector<16xi32>
        %add3A_325 = arith.addi %mul3A_262, %add3A_324 : vector<16xi32>
        tpu.vector_store_idx %arg11[%add3A_325], %gather3A_322 : memref<16384xf32, #tpu.memory_space<vmem>>[vector<16xi32>], vector<16xf32>,
        %broadcast_in_dim3A_326 = arith.constant 1 : i32
        %broadcast_in_dim3A_327 = vector.broadcast %broadcast_in_dim3A_326 : i32 to vector<16xi32>
        %broadcast_in_dim3A_328 = arith.constant 0 : i32
        %broadcast_in_dim3A_329 = vector.broadcast %broadcast_in_dim3A_328 : i32 to vector<16xi32>
        %gather3A_330 = tpu.vector_load_idx %arg10[%broadcast_in_dim3A_221, %broadcast_in_dim3A_327, %broadcast_in_dim3A_329, %get3A_250] : memref<2x4x8x640xf32, #tpu.memory_space<vmem>>[vector<16xi32>, vector<16xi32>, vector<16xi32>, vector<16xi32>], vector<16xf32>,
        %add3A_331 = arith.constant 8 : i32
        %add3A_332 = vector.broadcast %add3A_331 : i32 to vector<16xi32>
        %add3A_333 = arith.addi %mul3A_262, %add3A_332 : vector<16xi32>
        tpu.vector_store_idx %arg11[%add3A_333], %gather3A_330 : memref<16384xf32, #tpu.memory_space<vmem>>[vector<16xi32>], vector<16xf32>,
        %broadcast_in_dim3A_334 = arith.constant 1 : i32
        %broadcast_in_dim3A_335 = vector.broadcast %broadcast_in_dim3A_334 : i32 to vector<16xi32>
        %broadcast_in_dim3A_336 = arith.constant 1 : i32
        %broadcast_in_dim3A_337 = vector.broadcast %broadcast_in_dim3A_336 : i32 to vector<16xi32>
        %gather3A_338 = tpu.vector_load_idx %arg10[%broadcast_in_dim3A_221, %broadcast_in_dim3A_335, %broadcast_in_dim3A_337, %get3A_250] : memref<2x4x8x640xf32, #tpu.memory_space<vmem>>[vector<16xi32>, vector<16xi32>, vector<16xi32>, vector<16xi32>], vector<16xf32>,
        %add3A_339 = arith.constant 9 : i32
        %add3A_340 = vector.broadcast %add3A_339 : i32 to vector<16xi32>
        %add3A_341 = arith.addi %mul3A_262, %add3A_340 : vector<16xi32>
        tpu.vector_store_idx %arg11[%add3A_341], %gather3A_338 : memref<16384xf32, #tpu.memory_space<vmem>>[vector<16xi32>], vector<16xf32>,
        %broadcast_in_dim3A_342 = arith.constant 1 : i32
        %broadcast_in_dim3A_343 = vector.broadcast %broadcast_in_dim3A_342 : i32 to vector<16xi32>
        %broadcast_in_dim3A_344 = arith.constant 2 : i32
        %broadcast_in_dim3A_345 = vector.broadcast %broadcast_in_dim3A_344 : i32 to vector<16xi32>
        %gather3A_346 = tpu.vector_load_idx %arg10[%broadcast_in_dim3A_221, %broadcast_in_dim3A_343, %broadcast_in_dim3A_345, %get3A_250] : memref<2x4x8x640xf32, #tpu.memory_space<vmem>>[vector<16xi32>, vector<16xi32>, vector<16xi32>, vector<16xi32>], vector<16xf32>,
        %add3A_347 = arith.constant 10 : i32
        %add3A_348 = vector.broadcast %add3A_347 : i32 to vector<16xi32>
        %add3A_349 = arith.addi %mul3A_262, %add3A_348 : vector<16xi32>
        tpu.vector_store_idx %arg11[%add3A_349], %gather3A_346 : memref<16384xf32, #tpu.memory_space<vmem>>[vector<16xi32>], vector<16xf32>,
        %broadcast_in_dim3A_350 = arith.constant 1 : i32
        %broadcast_in_dim3A_351 = vector.broadcast %broadcast_in_dim3A_350 : i32 to vector<16xi32>
        %broadcast_in_dim3A_352 = arith.constant 3 : i32
        %broadcast_in_dim3A_353 = vector.broadcast %broadcast_in_dim3A_352 : i32 to vector<16xi32>
        %gather3A_354 = tpu.vector_load_idx %arg10[%broadcast_in_dim3A_221, %broadcast_in_dim3A_351, %broadcast_in_dim3A_353, %get3A_250] : memref<2x4x8x640xf32, #tpu.memory_space<vmem>>[vector<16xi32>, vector<16xi32>, vector<16xi32>, vector<16xi32>], vector<16xf32>,
        %add3A_355 = arith.constant 11 : i32
        %add3A_356 = vector.broadcast %add3A_355 : i32 to vector<16xi32>
        %add3A_357 = arith.addi %mul3A_262, %add3A_356 : vector<16xi32>
        tpu.vector_store_idx %arg11[%add3A_357], %gather3A_354 : memref<16384xf32, #tpu.memory_space<vmem>>[vector<16xi32>], vector<16xf32>,
        %broadcast_in_dim3A_358 = arith.constant 1 : i32
        %broadcast_in_dim3A_359 = vector.broadcast %broadcast_in_dim3A_358 : i32 to vector<16xi32>
        %broadcast_in_dim3A_360 = arith.constant 4 : i32
        %broadcast_in_dim3A_361 = vector.broadcast %broadcast_in_dim3A_360 : i32 to vector<16xi32>
        %gather3A_362 = tpu.vector_load_idx %arg10[%broadcast_in_dim3A_221, %broadcast_in_dim3A_359, %broadcast_in_dim3A_361, %get3A_250] : memref<2x4x8x640xf32, #tpu.memory_space<vmem>>[vector<16xi32>, vector<16xi32>, vector<16xi32>, vector<16xi32>], vector<16xf32>,
        %add3A_363 = arith.constant 12 : i32
        %add3A_364 = vector.broadcast %add3A_363 : i32 to vector<16xi32>
        %add3A_365 = arith.addi %mul3A_262, %add3A_364 : vector<16xi32>
        tpu.vector_store_idx %arg11[%add3A_365], %gather3A_362 : memref<16384xf32, #tpu.memory_space<vmem>>[vector<16xi32>], vector<16xf32>,
        %broadcast_in_dim3A_366 = arith.constant 1 : i32
        %broadcast_in_dim3A_367 = vector.broadcast %broadcast_in_dim3A_366 : i32 to vector<16xi32>
        %broadcast_in_dim3A_368 = arith.constant 5 : i32
        %broadcast_in_dim3A_369 = vector.broadcast %broadcast_in_dim3A_368 : i32 to vector<16xi32>
        %gather3A_370 = tpu.vector_load_idx %arg10[%broadcast_in_dim3A_221, %broadcast_in_dim3A_367, %broadcast_in_dim3A_369, %get3A_250] : memref<2x4x8x640xf32, #tpu.memory_space<vmem>>[vector<16xi32>, vector<16xi32>, vector<16xi32>, vector<16xi32>], vector<16xf32>,
        %add3A_371 = arith.constant 13 : i32
        %add3A_372 = vector.broadcast %add3A_371 : i32 to vector<16xi32>
        %add3A_373 = arith.addi %mul3A_262, %add3A_372 : vector<16xi32>
        tpu.vector_store_idx %arg11[%add3A_373], %gather3A_370 : memref<16384xf32, #tpu.memory_space<vmem>>[vector<16xi32>], vector<16xf32>,
        %broadcast_in_dim3A_374 = arith.constant 1 : i32
        %broadcast_in_dim3A_375 = vector.broadcast %broadcast_in_dim3A_374 : i32 to vector<16xi32>
        %broadcast_in_dim3A_376 = arith.constant 6 : i32
        %broadcast_in_dim3A_377 = vector.broadcast %broadcast_in_dim3A_376 : i32 to vector<16xi32>
        %gather3A_378 = tpu.vector_load_idx %arg10[%broadcast_in_dim3A_221, %broadcast_in_dim3A_375, %broadcast_in_dim3A_377, %get3A_250] : memref<2x4x8x640xf32, #tpu.memory_space<vmem>>[vector<16xi32>, vector<16xi32>, vector<16xi32>, vector<16xi32>], vector<16xf32>,
        %add3A_379 = arith.constant 14 : i32
        %add3A_380 = vector.broadcast %add3A_379 : i32 to vector<16xi32>
        %add3A_381 = arith.addi %mul3A_262, %add3A_380 : vector<16xi32>
        tpu.vector_store_idx %arg11[%add3A_381], %gather3A_378 : memref<16384xf32, #tpu.memory_space<vmem>>[vector<16xi32>], vector<16xf32>,
        %broadcast_in_dim3A_382 = arith.constant 1 : i32
        %broadcast_in_dim3A_383 = vector.broadcast %broadcast_in_dim3A_382 : i32 to vector<16xi32>
        %broadcast_in_dim3A_384 = arith.constant 7 : i32
        %broadcast_in_dim3A_385 = vector.broadcast %broadcast_in_dim3A_384 : i32 to vector<16xi32>
        %gather3A_386 = tpu.vector_load_idx %arg10[%broadcast_in_dim3A_221, %broadcast_in_dim3A_383, %broadcast_in_dim3A_385, %get3A_250] : memref<2x4x8x640xf32, #tpu.memory_space<vmem>>[vector<16xi32>, vector<16xi32>, vector<16xi32>, vector<16xi32>], vector<16xf32>,
        %add3A_387 = arith.constant 15 : i32
        %add3A_388 = vector.broadcast %add3A_387 : i32 to vector<16xi32>
        %add3A_389 = arith.addi %mul3A_262, %add3A_388 : vector<16xi32>
        tpu.vector_store_idx %arg11[%add3A_389], %gather3A_386 : memref<16384xf32, #tpu.memory_space<vmem>>[vector<16xi32>], vector<16xf32>,
        %broadcast_in_dim3A_390 = arith.constant 2 : i32
        %broadcast_in_dim3A_391 = vector.broadcast %broadcast_in_dim3A_390 : i32 to vector<16xi32>
        %broadcast_in_dim3A_392 = arith.constant 0 : i32
        %broadcast_in_dim3A_393 = vector.broadcast %broadcast_in_dim3A_392 : i32 to vector<16xi32>
        %gather3A_394 = tpu.vector_load_idx %arg10[%broadcast_in_dim3A_221, %broadcast_in_dim3A_391, %broadcast_in_dim3A_393, %get3A_250] : memref<2x4x8x640xf32, #tpu.memory_space<vmem>>[vector<16xi32>, vector<16xi32>, vector<16xi32>, vector<16xi32>], vector<16xf32>,
        %add3A_395 = arith.constant 16 : i32
        %add3A_396 = vector.broadcast %add3A_395 : i32 to vector<16xi32>
        %add3A_397 = arith.addi %mul3A_262, %add3A_396 : vector<16xi32>
        tpu.vector_store_idx %arg11[%add3A_397], %gather3A_394 : memref<16384xf32, #tpu.memory_space<vmem>>[vector<16xi32>], vector<16xf32>,
        %broadcast_in_dim3A_398 = arith.constant 2 : i32
        %broadcast_in_dim3A_399 = vector.broadcast %broadcast_in_dim3A_398 : i32 to vector<16xi32>
        %broadcast_in_dim3A_400 = arith.constant 1 : i32
        %broadcast_in_dim3A_401 = vector.broadcast %broadcast_in_dim3A_400 : i32 to vector<16xi32>
        %gather3A_402 = tpu.vector_load_idx %arg10[%broadcast_in_dim3A_221, %broadcast_in_dim3A_399, %broadcast_in_dim3A_401, %get3A_250] : memref<2x4x8x640xf32, #tpu.memory_space<vmem>>[vector<16xi32>, vector<16xi32>, vector<16xi32>, vector<16xi32>], vector<16xf32>,
        %add3A_403 = arith.constant 17 : i32
        %add3A_404 = vector.broadcast %add3A_403 : i32 to vector<16xi32>
        %add3A_405 = arith.addi %mul3A_262, %add3A_404 : vector<16xi32>
        tpu.vector_store_idx %arg11[%add3A_405], %gather3A_402 : memref<16384xf32, #tpu.memory_space<vmem>>[vector<16xi32>], vector<16xf32>,
        %broadcast_in_dim3A_406 = arith.constant 2 : i32
        %broadcast_in_dim3A_407 = vector.broadcast %broadcast_in_dim3A_406 : i32 to vector<16xi32>
        %broadcast_in_dim3A_408 = arith.constant 2 : i32
        %broadcast_in_dim3A_409 = vector.broadcast %broadcast_in_dim3A_408 : i32 to vector<16xi32>
        %gather3A_410 = tpu.vector_load_idx %arg10[%broadcast_in_dim3A_221, %broadcast_in_dim3A_407, %broadcast_in_dim3A_409, %get3A_250] : memref<2x4x8x640xf32, #tpu.memory_space<vmem>>[vector<16xi32>, vector<16xi32>, vector<16xi32>, vector<16xi32>], vector<16xf32>,
        %add3A_411 = arith.constant 18 : i32
        %add3A_412 = vector.broadcast %add3A_411 : i32 to vector<16xi32>
        %add3A_413 = arith.addi %mul3A_262, %add3A_412 : vector<16xi32>
        tpu.vector_store_idx %arg11[%add3A_413], %gather3A_410 : memref<16384xf32, #tpu.memory_space<vmem>>[vector<16xi32>], vector<16xf32>,
        %broadcast_in_dim3A_414 = arith.constant 2 : i32
        %broadcast_in_dim3A_415 = vector.broadcast %broadcast_in_dim3A_414 : i32 to vector<16xi32>
        %broadcast_in_dim3A_416 = arith.constant 3 : i32
        %broadcast_in_dim3A_417 = vector.broadcast %broadcast_in_dim3A_416 : i32 to vector<16xi32>
        %gather3A_418 = tpu.vector_load_idx %arg10[%broadcast_in_dim3A_221, %broadcast_in_dim3A_415, %broadcast_in_dim3A_417, %get3A_250] : memref<2x4x8x640xf32, #tpu.memory_space<vmem>>[vector<16xi32>, vector<16xi32>, vector<16xi32>, vector<16xi32>], vector<16xf32>,
        %add3A_419 = arith.constant 19 : i32
        %add3A_420 = vector.broadcast %add3A_419 : i32 to vector<16xi32>
        %add3A_421 = arith.addi %mul3A_262, %add3A_420 : vector<16xi32>
        tpu.vector_store_idx %arg11[%add3A_421], %gather3A_418 : memref<16384xf32, #tpu.memory_space<vmem>>[vector<16xi32>], vector<16xf32>,
        %broadcast_in_dim3A_422 = arith.constant 2 : i32
        %broadcast_in_dim3A_423 = vector.broadcast %broadcast_in_dim3A_422 : i32 to vector<16xi32>
        %broadcast_in_dim3A_424 = arith.constant 4 : i32
        %broadcast_in_dim3A_425 = vector.broadcast %broadcast_in_dim3A_424 : i32 to vector<16xi32>
        %gather3A_426 = tpu.vector_load_idx %arg10[%broadcast_in_dim3A_221, %broadcast_in_dim3A_423, %broadcast_in_dim3A_425, %get3A_250] : memref<2x4x8x640xf32, #tpu.memory_space<vmem>>[vector<16xi32>, vector<16xi32>, vector<16xi32>, vector<16xi32>], vector<16xf32>,
        %add3A_427 = arith.constant 20 : i32
        %add3A_428 = vector.broadcast %add3A_427 : i32 to vector<16xi32>
        %add3A_429 = arith.addi %mul3A_262, %add3A_428 : vector<16xi32>
        tpu.vector_store_idx %arg11[%add3A_429], %gather3A_426 : memref<16384xf32, #tpu.memory_space<vmem>>[vector<16xi32>], vector<16xf32>,
        %broadcast_in_dim3A_430 = arith.constant 2 : i32
        %broadcast_in_dim3A_431 = vector.broadcast %broadcast_in_dim3A_430 : i32 to vector<16xi32>
        %broadcast_in_dim3A_432 = arith.constant 5 : i32
        %broadcast_in_dim3A_433 = vector.broadcast %broadcast_in_dim3A_432 : i32 to vector<16xi32>
        %gather3A_434 = tpu.vector_load_idx %arg10[%broadcast_in_dim3A_221, %broadcast_in_dim3A_431, %broadcast_in_dim3A_433, %get3A_250] : memref<2x4x8x640xf32, #tpu.memory_space<vmem>>[vector<16xi32>, vector<16xi32>, vector<16xi32>, vector<16xi32>], vector<16xf32>,
        %add3A_435 = arith.constant 21 : i32
        %add3A_436 = vector.broadcast %add3A_435 : i32 to vector<16xi32>
        %add3A_437 = arith.addi %mul3A_262, %add3A_436 : vector<16xi32>
        tpu.vector_store_idx %arg11[%add3A_437], %gather3A_434 : memref<16384xf32, #tpu.memory_space<vmem>>[vector<16xi32>], vector<16xf32>,
        %broadcast_in_dim3A_438 = arith.constant 2 : i32
        %broadcast_in_dim3A_439 = vector.broadcast %broadcast_in_dim3A_438 : i32 to vector<16xi32>
        %broadcast_in_dim3A_440 = arith.constant 6 : i32
        %broadcast_in_dim3A_441 = vector.broadcast %broadcast_in_dim3A_440 : i32 to vector<16xi32>
        %gather3A_442 = tpu.vector_load_idx %arg10[%broadcast_in_dim3A_221, %broadcast_in_dim3A_439, %broadcast_in_dim3A_441, %get3A_250] : memref<2x4x8x640xf32, #tpu.memory_space<vmem>>[vector<16xi32>, vector<16xi32>, vector<16xi32>, vector<16xi32>], vector<16xf32>,
        %add3A_443 = arith.constant 22 : i32
        %add3A_444 = vector.broadcast %add3A_443 : i32 to vector<16xi32>
        %add3A_445 = arith.addi %mul3A_262, %add3A_444 : vector<16xi32>
        tpu.vector_store_idx %arg11[%add3A_445], %gather3A_442 : memref<16384xf32, #tpu.memory_space<vmem>>[vector<16xi32>], vector<16xf32>,
        %broadcast_in_dim3A_446 = arith.constant 2 : i32
        %broadcast_in_dim3A_447 = vector.broadcast %broadcast_in_dim3A_446 : i32 to vector<16xi32>
        %broadcast_in_dim3A_448 = arith.constant 7 : i32
        %broadcast_in_dim3A_449 = vector.broadcast %broadcast_in_dim3A_448 : i32 to vector<16xi32>
        %gather3A_450 = tpu.vector_load_idx %arg10[%broadcast_in_dim3A_221, %broadcast_in_dim3A_447, %broadcast_in_dim3A_449, %get3A_250] : memref<2x4x8x640xf32, #tpu.memory_space<vmem>>[vector<16xi32>, vector<16xi32>, vector<16xi32>, vector<16xi32>], vector<16xf32>,
        %add3A_451 = arith.constant 23 : i32
        %add3A_452 = vector.broadcast %add3A_451 : i32 to vector<16xi32>
        %add3A_453 = arith.addi %mul3A_262, %add3A_452 : vector<16xi32>
        tpu.vector_store_idx %arg11[%add3A_453], %gather3A_450 : memref<16384xf32, #tpu.memory_space<vmem>>[vector<16xi32>], vector<16xf32>,
        %broadcast_in_dim3A_454 = arith.constant 3 : i32
        %broadcast_in_dim3A_455 = vector.broadcast %broadcast_in_dim3A_454 : i32 to vector<16xi32>
        %broadcast_in_dim3A_456 = arith.constant 0 : i32
        %broadcast_in_dim3A_457 = vector.broadcast %broadcast_in_dim3A_456 : i32 to vector<16xi32>
        %gather3A_458 = tpu.vector_load_idx %arg10[%broadcast_in_dim3A_221, %broadcast_in_dim3A_455, %broadcast_in_dim3A_457, %get3A_250] : memref<2x4x8x640xf32, #tpu.memory_space<vmem>>[vector<16xi32>, vector<16xi32>, vector<16xi32>, vector<16xi32>], vector<16xf32>,
        %add3A_459 = arith.constant 24 : i32
        %add3A_460 = vector.broadcast %add3A_459 : i32 to vector<16xi32>
        %add3A_461 = arith.addi %mul3A_262, %add3A_460 : vector<16xi32>
        tpu.vector_store_idx %arg11[%add3A_461], %gather3A_458 : memref<16384xf32, #tpu.memory_space<vmem>>[vector<16xi32>], vector<16xf32>,
        %broadcast_in_dim3A_462 = arith.constant 3 : i32
        %broadcast_in_dim3A_463 = vector.broadcast %broadcast_in_dim3A_462 : i32 to vector<16xi32>
        %broadcast_in_dim3A_464 = arith.constant 1 : i32
        %broadcast_in_dim3A_465 = vector.broadcast %broadcast_in_dim3A_464 : i32 to vector<16xi32>
        %gather3A_466 = tpu.vector_load_idx %arg10[%broadcast_in_dim3A_221, %broadcast_in_dim3A_463, %broadcast_in_dim3A_465, %get3A_250] : memref<2x4x8x640xf32, #tpu.memory_space<vmem>>[vector<16xi32>, vector<16xi32>, vector<16xi32>, vector<16xi32>], vector<16xf32>,
        %add3A_467 = arith.constant 25 : i32
        %add3A_468 = vector.broadcast %add3A_467 : i32 to vector<16xi32>
        %add3A_469 = arith.addi %mul3A_262, %add3A_468 : vector<16xi32>
        tpu.vector_store_idx %arg11[%add3A_469], %gather3A_466 : memref<16384xf32, #tpu.memory_space<vmem>>[vector<16xi32>], vector<16xf32>,
        %broadcast_in_dim3A_470 = arith.constant 3 : i32
        %broadcast_in_dim3A_471 = vector.broadcast %broadcast_in_dim3A_470 : i32 to vector<16xi32>
        %broadcast_in_dim3A_472 = arith.constant 2 : i32
        %broadcast_in_dim3A_473 = vector.broadcast %broadcast_in_dim3A_472 : i32 to vector<16xi32>
        %gather3A_474 = tpu.vector_load_idx %arg10[%broadcast_in_dim3A_221, %broadcast_in_dim3A_471, %broadcast_in_dim3A_473, %get3A_250] : memref<2x4x8x640xf32, #tpu.memory_space<vmem>>[vector<16xi32>, vector<16xi32>, vector<16xi32>, vector<16xi32>], vector<16xf32>,
        %add3A_475 = arith.constant 26 : i32
        %add3A_476 = vector.broadcast %add3A_475 : i32 to vector<16xi32>
        %add3A_477 = arith.addi %mul3A_262, %add3A_476 : vector<16xi32>
        tpu.vector_store_idx %arg11[%add3A_477], %gather3A_474 : memref<16384xf32, #tpu.memory_space<vmem>>[vector<16xi32>], vector<16xf32>,
        %broadcast_in_dim3A_478 = arith.constant 3 : i32
        %broadcast_in_dim3A_479 = vector.broadcast %broadcast_in_dim3A_478 : i32 to vector<16xi32>
        %broadcast_in_dim3A_480 = arith.constant 3 : i32
        %broadcast_in_dim3A_481 = vector.broadcast %broadcast_in_dim3A_480 : i32 to vector<16xi32>
        %gather3A_482 = tpu.vector_load_idx %arg10[%broadcast_in_dim3A_221, %broadcast_in_dim3A_479, %broadcast_in_dim3A_481, %get3A_250] : memref<2x4x8x640xf32, #tpu.memory_space<vmem>>[vector<16xi32>, vector<16xi32>, vector<16xi32>, vector<16xi32>], vector<16xf32>,
        %add3A_483 = arith.constant 27 : i32
        %add3A_484 = vector.broadcast %add3A_483 : i32 to vector<16xi32>
        %add3A_485 = arith.addi %mul3A_262, %add3A_484 : vector<16xi32>
        tpu.vector_store_idx %arg11[%add3A_485], %gather3A_482 : memref<16384xf32, #tpu.memory_space<vmem>>[vector<16xi32>], vector<16xf32>,
        %broadcast_in_dim3A_486 = arith.constant 3 : i32
        %broadcast_in_dim3A_487 = vector.broadcast %broadcast_in_dim3A_486 : i32 to vector<16xi32>
        %broadcast_in_dim3A_488 = arith.constant 4 : i32
        %broadcast_in_dim3A_489 = vector.broadcast %broadcast_in_dim3A_488 : i32 to vector<16xi32>
        %gather3A_490 = tpu.vector_load_idx %arg10[%broadcast_in_dim3A_221, %broadcast_in_dim3A_487, %broadcast_in_dim3A_489, %get3A_250] : memref<2x4x8x640xf32, #tpu.memory_space<vmem>>[vector<16xi32>, vector<16xi32>, vector<16xi32>, vector<16xi32>], vector<16xf32>,
        %add3A_491 = arith.constant 28 : i32
        %add3A_492 = vector.broadcast %add3A_491 : i32 to vector<16xi32>
        %add3A_493 = arith.addi %mul3A_262, %add3A_492 : vector<16xi32>
        tpu.vector_store_idx %arg11[%add3A_493], %gather3A_490 : memref<16384xf32, #tpu.memory_space<vmem>>[vector<16xi32>], vector<16xf32>,
        %broadcast_in_dim3A_494 = arith.constant 3 : i32
        %broadcast_in_dim3A_495 = vector.broadcast %broadcast_in_dim3A_494 : i32 to vector<16xi32>
        %broadcast_in_dim3A_496 = arith.constant 5 : i32
        %broadcast_in_dim3A_497 = vector.broadcast %broadcast_in_dim3A_496 : i32 to vector<16xi32>
        %gather3A_498 = tpu.vector_load_idx %arg10[%broadcast_in_dim3A_221, %broadcast_in_dim3A_495, %broadcast_in_dim3A_497, %get3A_250] : memref<2x4x8x640xf32, #tpu.memory_space<vmem>>[vector<16xi32>, vector<16xi32>, vector<16xi32>, vector<16xi32>], vector<16xf32>,
        %add3A_499 = arith.constant 29 : i32
        %add3A_500 = vector.broadcast %add3A_499 : i32 to vector<16xi32>
        %add3A_501 = arith.addi %mul3A_262, %add3A_500 : vector<16xi32>
        tpu.vector_store_idx %arg11[%add3A_501], %gather3A_498 : memref<16384xf32, #tpu.memory_space<vmem>>[vector<16xi32>], vector<16xf32>,
        %broadcast_in_dim3A_502 = arith.constant 3 : i32
        %broadcast_in_dim3A_503 = vector.broadcast %broadcast_in_dim3A_502 : i32 to vector<16xi32>
        %broadcast_in_dim3A_504 = arith.constant 6 : i32
        %broadcast_in_dim3A_505 = vector.broadcast %broadcast_in_dim3A_504 : i32 to vector<16xi32>
        %gather3A_506 = tpu.vector_load_idx %arg10[%broadcast_in_dim3A_221, %broadcast_in_dim3A_503, %broadcast_in_dim3A_505, %get3A_250] : memref<2x4x8x640xf32, #tpu.memory_space<vmem>>[vector<16xi32>, vector<16xi32>, vector<16xi32>, vector<16xi32>], vector<16xf32>,
        %add3A_507 = arith.constant 30 : i32
        %add3A_508 = vector.broadcast %add3A_507 : i32 to vector<16xi32>
        %add3A_509 = arith.addi %mul3A_262, %add3A_508 : vector<16xi32>
        tpu.vector_store_idx %arg11[%add3A_509], %gather3A_506 : memref<16384xf32, #tpu.memory_space<vmem>>[vector<16xi32>], vector<16xf32>,
        %broadcast_in_dim3A_510 = arith.constant 3 : i32
        %broadcast_in_dim3A_511 = vector.broadcast %broadcast_in_dim3A_510 : i32 to vector<16xi32>
        %broadcast_in_dim3A_512 = arith.constant 7 : i32
        %broadcast_in_dim3A_513 = vector.broadcast %broadcast_in_dim3A_512 : i32 to vector<16xi32>
        %gather3A_514 = tpu.vector_load_idx %arg10[%broadcast_in_dim3A_221, %broadcast_in_dim3A_511, %broadcast_in_dim3A_513, %get3A_250] : memref<2x4x8x640xf32, #tpu.memory_space<vmem>>[vector<16xi32>, vector<16xi32>, vector<16xi32>, vector<16xi32>], vector<16xf32>,
        %add3A_515 = arith.constant 31 : i32
        %add3A_516 = vector.broadcast %add3A_515 : i32 to vector<16xi32>
        %add3A_517 = arith.addi %mul3A_262, %add3A_516 : vector<16xi32>
        tpu.vector_store_idx %arg11[%add3A_517], %gather3A_514 : memref<16384xf32, #tpu.memory_space<vmem>>[vector<16xi32>], vector<16xf32>,
        %mul3A_518 = arith.constant 16 : i32
        %mul3A_519 = arith.muli %while3A_237, %mul3A_518 : i32
        %add3A_520 = arith.constant 0 : i32
        %add3A_521 = arith.addi %mul3A_519, %add3A_520 : i32
        %lt3A_522 = arith.cmpi slt, %add3A_521, %while3A_207 : i32
        %convert_element_type3A_523 = arith.extui %lt3A_522 : i1 to i32
        %cond3A_524 = arith.constant 0 : i32
        %cond3A_525 = arith.cmpi ne, %convert_element_type3A_523, %cond3A_524 : i32
        scf.if %cond3A_525 {
          %add3A_716 = arith.constant 0 : i32
          %add3A_717 = arith.addi %while3A_238, %add3A_716 : i32
          %rem3A_718 = arith.constant 512 : i32
          %rem3A_719 = arith.remsi %add3A_717, %rem3A_718 : i32
          %mul3A_720 = arith.constant 32 : i32
          %mul3A_721 = arith.muli %rem3A_719, %mul3A_720 : i32
          %slice3A = vector.extract_strided_slice %get3A_254 {offsets = [0], sizes = [1], strides = [1]} : vector<16xi32> to vector<1xi32>
          %squeeze3A = vector.extract %slice3A[0] : i32 from vector<1xi32>
          %mul3A_722 = arith.constant 32 : i32
          %mul3A_723 = arith.muli %squeeze3A, %mul3A_722 : i32
          %dma_start3A_724 = tpu.memref_slice %arg11[%mul3A_721] : memref<16384xf32, #tpu.memory_space<vmem>> -> memref<32xf32, #tpu.memory_space<vmem>>
          %dma_start3A_725 = tpu.memref_slice %arg5[%mul3A_723] : memref<524288xf32, #tpu.memory_space<hbm>> -> memref<32xf32, #tpu.memory_space<hbm>>
          %dma_start3A_726 = tpu.memref_slice %arg5[%mul3A_723] : memref<524288xf32, #tpu.memory_space<hbm>> -> memref<32xf32, #tpu.memory_space<hbm>>
          %dma_start3A_727 = tpu.memref_slice %arg11[%mul3A_721] : memref<16384xf32, #tpu.memory_space<vmem>> -> memref<32xf32, #tpu.memory_space<vmem>>
          tpu.enqueue_dma source(%dma_start3A_727 : memref<32xf32, #tpu.memory_space<vmem>>) target(%dma_start3A_726 : memref<32xf32, #tpu.memory_space<hbm>>) target_semaphore(%arg15 : memref<!tpu.dma_semaphore, #tpu.memory_space<semaphore_mem>>)
        } else {
        }
        %jit3A_526 = arith.constant 128 : i32
        %jit3A_527 = arith.constant 0 : i32
        %select_n3A_528 = arith.select %lt3A_522, %jit3A_526, %jit3A_527 : i32
        %add3A_529 = arith.addi %sub3A_247, %select_n3A_528 : i32
        %mul3A_530 = arith.constant 16 : i32
        %mul3A_531 = arith.muli %while3A_237, %mul3A_530 : i32
        %add3A_532 = arith.constant 1 : i32
        %add3A_533 = arith.addi %mul3A_531, %add3A_532 : i32
        %lt3A_534 = arith.cmpi slt, %add3A_533, %while3A_207 : i32
        %convert_element_type3A_535 = arith.extui %lt3A_534 : i1 to i32
        %cond3A_536 = arith.constant 0 : i32
        %cond3A_537 = arith.cmpi ne, %convert_element_type3A_535, %cond3A_536 : i32
        scf.if %cond3A_537 {
          %add3A_716 = arith.constant 1 : i32
          %add3A_717 = arith.addi %while3A_238, %add3A_716 : i32
          %rem3A_718 = arith.constant 512 : i32
          %rem3A_719 = arith.remsi %add3A_717, %rem3A_718 : i32
          %mul3A_720 = arith.constant 32 : i32
          %mul3A_721 = arith.muli %rem3A_719, %mul3A_720 : i32
          %slice3A = vector.extract_strided_slice %get3A_254 {offsets = [1], sizes = [1], strides = [1]} : vector<16xi32> to vector<1xi32>
          %squeeze3A = vector.extract %slice3A[0] : i32 from vector<1xi32>
          %mul3A_722 = arith.constant 32 : i32
          %mul3A_723 = arith.muli %squeeze3A, %mul3A_722 : i32
          %dma_start3A_724 = tpu.memref_slice %arg11[%mul3A_721] : memref<16384xf32, #tpu.memory_space<vmem>> -> memref<32xf32, #tpu.memory_space<vmem>>
          %dma_start3A_725 = tpu.memref_slice %arg5[%mul3A_723] : memref<524288xf32, #tpu.memory_space<hbm>> -> memref<32xf32, #tpu.memory_space<hbm>>
          %dma_start3A_726 = tpu.memref_slice %arg5[%mul3A_723] : memref<524288xf32, #tpu.memory_space<hbm>> -> memref<32xf32, #tpu.memory_space<hbm>>
          %dma_start3A_727 = tpu.memref_slice %arg11[%mul3A_721] : memref<16384xf32, #tpu.memory_space<vmem>> -> memref<32xf32, #tpu.memory_space<vmem>>
          tpu.enqueue_dma source(%dma_start3A_727 : memref<32xf32, #tpu.memory_space<vmem>>) target(%dma_start3A_726 : memref<32xf32, #tpu.memory_space<hbm>>) target_semaphore(%arg15 : memref<!tpu.dma_semaphore, #tpu.memory_space<semaphore_mem>>)
        } else {
        }
        %jit3A_538 = arith.constant 128 : i32
        %jit3A_539 = arith.constant 0 : i32
        %select_n3A_540 = arith.select %lt3A_534, %jit3A_538, %jit3A_539 : i32
        %add3A_541 = arith.addi %add3A_529, %select_n3A_540 : i32
        %mul3A_542 = arith.constant 16 : i32
        %mul3A_543 = arith.muli %while3A_237, %mul3A_542 : i32
        %add3A_544 = arith.constant 2 : i32
        %add3A_545 = arith.addi %mul3A_543, %add3A_544 : i32
        %lt3A_546 = arith.cmpi slt, %add3A_545, %while3A_207 : i32
        %convert_element_type3A_547 = arith.extui %lt3A_546 : i1 to i32
        %cond3A_548 = arith.constant 0 : i32
        %cond3A_549 = arith.cmpi ne, %convert_element_type3A_547, %cond3A_548 : i32
        scf.if %cond3A_549 {
          %add3A_716 = arith.constant 2 : i32
          %add3A_717 = arith.addi %while3A_238, %add3A_716 : i32
          %rem3A_718 = arith.constant 512 : i32
          %rem3A_719 = arith.remsi %add3A_717, %rem3A_718 : i32
          %mul3A_720 = arith.constant 32 : i32
          %mul3A_721 = arith.muli %rem3A_719, %mul3A_720 : i32
          %slice3A = vector.extract_strided_slice %get3A_254 {offsets = [2], sizes = [1], strides = [1]} : vector<16xi32> to vector<1xi32>
          %squeeze3A = vector.extract %slice3A[0] : i32 from vector<1xi32>
          %mul3A_722 = arith.constant 32 : i32
          %mul3A_723 = arith.muli %squeeze3A, %mul3A_722 : i32
          %dma_start3A_724 = tpu.memref_slice %arg11[%mul3A_721] : memref<16384xf32, #tpu.memory_space<vmem>> -> memref<32xf32, #tpu.memory_space<vmem>>
          %dma_start3A_725 = tpu.memref_slice %arg5[%mul3A_723] : memref<524288xf32, #tpu.memory_space<hbm>> -> memref<32xf32, #tpu.memory_space<hbm>>
          %dma_start3A_726 = tpu.memref_slice %arg5[%mul3A_723] : memref<524288xf32, #tpu.memory_space<hbm>> -> memref<32xf32, #tpu.memory_space<hbm>>
          %dma_start3A_727 = tpu.memref_slice %arg11[%mul3A_721] : memref<16384xf32, #tpu.memory_space<vmem>> -> memref<32xf32, #tpu.memory_space<vmem>>
          tpu.enqueue_dma source(%dma_start3A_727 : memref<32xf32, #tpu.memory_space<vmem>>) target(%dma_start3A_726 : memref<32xf32, #tpu.memory_space<hbm>>) target_semaphore(%arg15 : memref<!tpu.dma_semaphore, #tpu.memory_space<semaphore_mem>>)
        } else {
        }
        %jit3A_550 = arith.constant 128 : i32
        %jit3A_551 = arith.constant 0 : i32
        %select_n3A_552 = arith.select %lt3A_546, %jit3A_550, %jit3A_551 : i32
        %add3A_553 = arith.addi %add3A_541, %select_n3A_552 : i32
        %mul3A_554 = arith.constant 16 : i32
        %mul3A_555 = arith.muli %while3A_237, %mul3A_554 : i32
        %add3A_556 = arith.constant 3 : i32
        %add3A_557 = arith.addi %mul3A_555, %add3A_556 : i32
        %lt3A_558 = arith.cmpi slt, %add3A_557, %while3A_207 : i32
        %convert_element_type3A_559 = arith.extui %lt3A_558 : i1 to i32
        %cond3A_560 = arith.constant 0 : i32
        %cond3A_561 = arith.cmpi ne, %convert_element_type3A_559, %cond3A_560 : i32
        scf.if %cond3A_561 {
          %add3A_716 = arith.constant 3 : i32
          %add3A_717 = arith.addi %while3A_238, %add3A_716 : i32
          %rem3A_718 = arith.constant 512 : i32
          %rem3A_719 = arith.remsi %add3A_717, %rem3A_718 : i32
          %mul3A_720 = arith.constant 32 : i32
          %mul3A_721 = arith.muli %rem3A_719, %mul3A_720 : i32
          %slice3A = vector.extract_strided_slice %get3A_254 {offsets = [3], sizes = [1], strides = [1]} : vector<16xi32> to vector<1xi32>
          %squeeze3A = vector.extract %slice3A[0] : i32 from vector<1xi32>
          %mul3A_722 = arith.constant 32 : i32
          %mul3A_723 = arith.muli %squeeze3A, %mul3A_722 : i32
          %dma_start3A_724 = tpu.memref_slice %arg11[%mul3A_721] : memref<16384xf32, #tpu.memory_space<vmem>> -> memref<32xf32, #tpu.memory_space<vmem>>
          %dma_start3A_725 = tpu.memref_slice %arg5[%mul3A_723] : memref<524288xf32, #tpu.memory_space<hbm>> -> memref<32xf32, #tpu.memory_space<hbm>>
          %dma_start3A_726 = tpu.memref_slice %arg5[%mul3A_723] : memref<524288xf32, #tpu.memory_space<hbm>> -> memref<32xf32, #tpu.memory_space<hbm>>
          %dma_start3A_727 = tpu.memref_slice %arg11[%mul3A_721] : memref<16384xf32, #tpu.memory_space<vmem>> -> memref<32xf32, #tpu.memory_space<vmem>>
          tpu.enqueue_dma source(%dma_start3A_727 : memref<32xf32, #tpu.memory_space<vmem>>) target(%dma_start3A_726 : memref<32xf32, #tpu.memory_space<hbm>>) target_semaphore(%arg15 : memref<!tpu.dma_semaphore, #tpu.memory_space<semaphore_mem>>)
        } else {
        }
        %jit3A_562 = arith.constant 128 : i32
        %jit3A_563 = arith.constant 0 : i32
        %select_n3A_564 = arith.select %lt3A_558, %jit3A_562, %jit3A_563 : i32
        %add3A_565 = arith.addi %add3A_553, %select_n3A_564 : i32
        %mul3A_566 = arith.constant 16 : i32
        %mul3A_567 = arith.muli %while3A_237, %mul3A_566 : i32
        %add3A_568 = arith.constant 4 : i32
        %add3A_569 = arith.addi %mul3A_567, %add3A_568 : i32
        %lt3A_570 = arith.cmpi slt, %add3A_569, %while3A_207 : i32
        %convert_element_type3A_571 = arith.extui %lt3A_570 : i1 to i32
        %cond3A_572 = arith.constant 0 : i32
        %cond3A_573 = arith.cmpi ne, %convert_element_type3A_571, %cond3A_572 : i32
        scf.if %cond3A_573 {
          %add3A_716 = arith.constant 4 : i32
          %add3A_717 = arith.addi %while3A_238, %add3A_716 : i32
          %rem3A_718 = arith.constant 512 : i32
          %rem3A_719 = arith.remsi %add3A_717, %rem3A_718 : i32
          %mul3A_720 = arith.constant 32 : i32
          %mul3A_721 = arith.muli %rem3A_719, %mul3A_720 : i32
          %slice3A = vector.extract_strided_slice %get3A_254 {offsets = [4], sizes = [1], strides = [1]} : vector<16xi32> to vector<1xi32>
          %squeeze3A = vector.extract %slice3A[0] : i32 from vector<1xi32>
          %mul3A_722 = arith.constant 32 : i32
          %mul3A_723 = arith.muli %squeeze3A, %mul3A_722 : i32
          %dma_start3A_724 = tpu.memref_slice %arg11[%mul3A_721] : memref<16384xf32, #tpu.memory_space<vmem>> -> memref<32xf32, #tpu.memory_space<vmem>>
          %dma_start3A_725 = tpu.memref_slice %arg5[%mul3A_723] : memref<524288xf32, #tpu.memory_space<hbm>> -> memref<32xf32, #tpu.memory_space<hbm>>
          %dma_start3A_726 = tpu.memref_slice %arg5[%mul3A_723] : memref<524288xf32, #tpu.memory_space<hbm>> -> memref<32xf32, #tpu.memory_space<hbm>>
          %dma_start3A_727 = tpu.memref_slice %arg11[%mul3A_721] : memref<16384xf32, #tpu.memory_space<vmem>> -> memref<32xf32, #tpu.memory_space<vmem>>
          tpu.enqueue_dma source(%dma_start3A_727 : memref<32xf32, #tpu.memory_space<vmem>>) target(%dma_start3A_726 : memref<32xf32, #tpu.memory_space<hbm>>) target_semaphore(%arg15 : memref<!tpu.dma_semaphore, #tpu.memory_space<semaphore_mem>>)
        } else {
        }
        %jit3A_574 = arith.constant 128 : i32
        %jit3A_575 = arith.constant 0 : i32
        %select_n3A_576 = arith.select %lt3A_570, %jit3A_574, %jit3A_575 : i32
        %add3A_577 = arith.addi %add3A_565, %select_n3A_576 : i32
        %mul3A_578 = arith.constant 16 : i32
        %mul3A_579 = arith.muli %while3A_237, %mul3A_578 : i32
        %add3A_580 = arith.constant 5 : i32
        %add3A_581 = arith.addi %mul3A_579, %add3A_580 : i32
        %lt3A_582 = arith.cmpi slt, %add3A_581, %while3A_207 : i32
        %convert_element_type3A_583 = arith.extui %lt3A_582 : i1 to i32
        %cond3A_584 = arith.constant 0 : i32
        %cond3A_585 = arith.cmpi ne, %convert_element_type3A_583, %cond3A_584 : i32
        scf.if %cond3A_585 {
          %add3A_716 = arith.constant 5 : i32
          %add3A_717 = arith.addi %while3A_238, %add3A_716 : i32
          %rem3A_718 = arith.constant 512 : i32
          %rem3A_719 = arith.remsi %add3A_717, %rem3A_718 : i32
          %mul3A_720 = arith.constant 32 : i32
          %mul3A_721 = arith.muli %rem3A_719, %mul3A_720 : i32
          %slice3A = vector.extract_strided_slice %get3A_254 {offsets = [5], sizes = [1], strides = [1]} : vector<16xi32> to vector<1xi32>
          %squeeze3A = vector.extract %slice3A[0] : i32 from vector<1xi32>
          %mul3A_722 = arith.constant 32 : i32
          %mul3A_723 = arith.muli %squeeze3A, %mul3A_722 : i32
          %dma_start3A_724 = tpu.memref_slice %arg11[%mul3A_721] : memref<16384xf32, #tpu.memory_space<vmem>> -> memref<32xf32, #tpu.memory_space<vmem>>
          %dma_start3A_725 = tpu.memref_slice %arg5[%mul3A_723] : memref<524288xf32, #tpu.memory_space<hbm>> -> memref<32xf32, #tpu.memory_space<hbm>>
          %dma_start3A_726 = tpu.memref_slice %arg5[%mul3A_723] : memref<524288xf32, #tpu.memory_space<hbm>> -> memref<32xf32, #tpu.memory_space<hbm>>
          %dma_start3A_727 = tpu.memref_slice %arg11[%mul3A_721] : memref<16384xf32, #tpu.memory_space<vmem>> -> memref<32xf32, #tpu.memory_space<vmem>>
          tpu.enqueue_dma source(%dma_start3A_727 : memref<32xf32, #tpu.memory_space<vmem>>) target(%dma_start3A_726 : memref<32xf32, #tpu.memory_space<hbm>>) target_semaphore(%arg15 : memref<!tpu.dma_semaphore, #tpu.memory_space<semaphore_mem>>)
        } else {
        }
        %jit3A_586 = arith.constant 128 : i32
        %jit3A_587 = arith.constant 0 : i32
        %select_n3A_588 = arith.select %lt3A_582, %jit3A_586, %jit3A_587 : i32
        %add3A_589 = arith.addi %add3A_577, %select_n3A_588 : i32
        %mul3A_590 = arith.constant 16 : i32
        %mul3A_591 = arith.muli %while3A_237, %mul3A_590 : i32
        %add3A_592 = arith.constant 6 : i32
        %add3A_593 = arith.addi %mul3A_591, %add3A_592 : i32
        %lt3A_594 = arith.cmpi slt, %add3A_593, %while3A_207 : i32
        %convert_element_type3A_595 = arith.extui %lt3A_594 : i1 to i32
        %cond3A_596 = arith.constant 0 : i32
        %cond3A_597 = arith.cmpi ne, %convert_element_type3A_595, %cond3A_596 : i32
        scf.if %cond3A_597 {
          %add3A_716 = arith.constant 6 : i32
          %add3A_717 = arith.addi %while3A_238, %add3A_716 : i32
          %rem3A_718 = arith.constant 512 : i32
          %rem3A_719 = arith.remsi %add3A_717, %rem3A_718 : i32
          %mul3A_720 = arith.constant 32 : i32
          %mul3A_721 = arith.muli %rem3A_719, %mul3A_720 : i32
          %slice3A = vector.extract_strided_slice %get3A_254 {offsets = [6], sizes = [1], strides = [1]} : vector<16xi32> to vector<1xi32>
          %squeeze3A = vector.extract %slice3A[0] : i32 from vector<1xi32>
          %mul3A_722 = arith.constant 32 : i32
          %mul3A_723 = arith.muli %squeeze3A, %mul3A_722 : i32
          %dma_start3A_724 = tpu.memref_slice %arg11[%mul3A_721] : memref<16384xf32, #tpu.memory_space<vmem>> -> memref<32xf32, #tpu.memory_space<vmem>>
          %dma_start3A_725 = tpu.memref_slice %arg5[%mul3A_723] : memref<524288xf32, #tpu.memory_space<hbm>> -> memref<32xf32, #tpu.memory_space<hbm>>
          %dma_start3A_726 = tpu.memref_slice %arg5[%mul3A_723] : memref<524288xf32, #tpu.memory_space<hbm>> -> memref<32xf32, #tpu.memory_space<hbm>>
          %dma_start3A_727 = tpu.memref_slice %arg11[%mul3A_721] : memref<16384xf32, #tpu.memory_space<vmem>> -> memref<32xf32, #tpu.memory_space<vmem>>
          tpu.enqueue_dma source(%dma_start3A_727 : memref<32xf32, #tpu.memory_space<vmem>>) target(%dma_start3A_726 : memref<32xf32, #tpu.memory_space<hbm>>) target_semaphore(%arg15 : memref<!tpu.dma_semaphore, #tpu.memory_space<semaphore_mem>>)
        } else {
        }
        %jit3A_598 = arith.constant 128 : i32
        %jit3A_599 = arith.constant 0 : i32
        %select_n3A_600 = arith.select %lt3A_594, %jit3A_598, %jit3A_599 : i32
        %add3A_601 = arith.addi %add3A_589, %select_n3A_600 : i32
        %mul3A_602 = arith.constant 16 : i32
        %mul3A_603 = arith.muli %while3A_237, %mul3A_602 : i32
        %add3A_604 = arith.constant 7 : i32
        %add3A_605 = arith.addi %mul3A_603, %add3A_604 : i32
        %lt3A_606 = arith.cmpi slt, %add3A_605, %while3A_207 : i32
        %convert_element_type3A_607 = arith.extui %lt3A_606 : i1 to i32
        %cond3A_608 = arith.constant 0 : i32
        %cond3A_609 = arith.cmpi ne, %convert_element_type3A_607, %cond3A_608 : i32
        scf.if %cond3A_609 {
          %add3A_716 = arith.constant 7 : i32
          %add3A_717 = arith.addi %while3A_238, %add3A_716 : i32
          %rem3A_718 = arith.constant 512 : i32
          %rem3A_719 = arith.remsi %add3A_717, %rem3A_718 : i32
          %mul3A_720 = arith.constant 32 : i32
          %mul3A_721 = arith.muli %rem3A_719, %mul3A_720 : i32
          %slice3A = vector.extract_strided_slice %get3A_254 {offsets = [7], sizes = [1], strides = [1]} : vector<16xi32> to vector<1xi32>
          %squeeze3A = vector.extract %slice3A[0] : i32 from vector<1xi32>
          %mul3A_722 = arith.constant 32 : i32
          %mul3A_723 = arith.muli %squeeze3A, %mul3A_722 : i32
          %dma_start3A_724 = tpu.memref_slice %arg11[%mul3A_721] : memref<16384xf32, #tpu.memory_space<vmem>> -> memref<32xf32, #tpu.memory_space<vmem>>
          %dma_start3A_725 = tpu.memref_slice %arg5[%mul3A_723] : memref<524288xf32, #tpu.memory_space<hbm>> -> memref<32xf32, #tpu.memory_space<hbm>>
          %dma_start3A_726 = tpu.memref_slice %arg5[%mul3A_723] : memref<524288xf32, #tpu.memory_space<hbm>> -> memref<32xf32, #tpu.memory_space<hbm>>
          %dma_start3A_727 = tpu.memref_slice %arg11[%mul3A_721] : memref<16384xf32, #tpu.memory_space<vmem>> -> memref<32xf32, #tpu.memory_space<vmem>>
          tpu.enqueue_dma source(%dma_start3A_727 : memref<32xf32, #tpu.memory_space<vmem>>) target(%dma_start3A_726 : memref<32xf32, #tpu.memory_space<hbm>>) target_semaphore(%arg15 : memref<!tpu.dma_semaphore, #tpu.memory_space<semaphore_mem>>)
        } else {
        }
        %jit3A_610 = arith.constant 128 : i32
        %jit3A_611 = arith.constant 0 : i32
        %select_n3A_612 = arith.select %lt3A_606, %jit3A_610, %jit3A_611 : i32
        %add3A_613 = arith.addi %add3A_601, %select_n3A_612 : i32
        %mul3A_614 = arith.constant 16 : i32
        %mul3A_615 = arith.muli %while3A_237, %mul3A_614 : i32
        %add3A_616 = arith.constant 8 : i32
        %add3A_617 = arith.addi %mul3A_615, %add3A_616 : i32
        %lt3A_618 = arith.cmpi slt, %add3A_617, %while3A_207 : i32
        %convert_element_type3A_619 = arith.extui %lt3A_618 : i1 to i32
        %cond3A_620 = arith.constant 0 : i32
        %cond3A_621 = arith.cmpi ne, %convert_element_type3A_619, %cond3A_620 : i32
        scf.if %cond3A_621 {
          %add3A_716 = arith.constant 8 : i32
          %add3A_717 = arith.addi %while3A_238, %add3A_716 : i32
          %rem3A_718 = arith.constant 512 : i32
          %rem3A_719 = arith.remsi %add3A_717, %rem3A_718 : i32
          %mul3A_720 = arith.constant 32 : i32
          %mul3A_721 = arith.muli %rem3A_719, %mul3A_720 : i32
          %slice3A = vector.extract_strided_slice %get3A_254 {offsets = [8], sizes = [1], strides = [1]} : vector<16xi32> to vector<1xi32>
          %squeeze3A = vector.extract %slice3A[0] : i32 from vector<1xi32>
          %mul3A_722 = arith.constant 32 : i32
          %mul3A_723 = arith.muli %squeeze3A, %mul3A_722 : i32
          %dma_start3A_724 = tpu.memref_slice %arg11[%mul3A_721] : memref<16384xf32, #tpu.memory_space<vmem>> -> memref<32xf32, #tpu.memory_space<vmem>>
          %dma_start3A_725 = tpu.memref_slice %arg5[%mul3A_723] : memref<524288xf32, #tpu.memory_space<hbm>> -> memref<32xf32, #tpu.memory_space<hbm>>
          %dma_start3A_726 = tpu.memref_slice %arg5[%mul3A_723] : memref<524288xf32, #tpu.memory_space<hbm>> -> memref<32xf32, #tpu.memory_space<hbm>>
          %dma_start3A_727 = tpu.memref_slice %arg11[%mul3A_721] : memref<16384xf32, #tpu.memory_space<vmem>> -> memref<32xf32, #tpu.memory_space<vmem>>
          tpu.enqueue_dma source(%dma_start3A_727 : memref<32xf32, #tpu.memory_space<vmem>>) target(%dma_start3A_726 : memref<32xf32, #tpu.memory_space<hbm>>) target_semaphore(%arg15 : memref<!tpu.dma_semaphore, #tpu.memory_space<semaphore_mem>>)
        } else {
        }
        %jit3A_622 = arith.constant 128 : i32
        %jit3A_623 = arith.constant 0 : i32
        %select_n3A_624 = arith.select %lt3A_618, %jit3A_622, %jit3A_623 : i32
        %add3A_625 = arith.addi %add3A_613, %select_n3A_624 : i32
        %mul3A_626 = arith.constant 16 : i32
        %mul3A_627 = arith.muli %while3A_237, %mul3A_626 : i32
        %add3A_628 = arith.constant 9 : i32
        %add3A_629 = arith.addi %mul3A_627, %add3A_628 : i32
        %lt3A_630 = arith.cmpi slt, %add3A_629, %while3A_207 : i32
        %convert_element_type3A_631 = arith.extui %lt3A_630 : i1 to i32
        %cond3A_632 = arith.constant 0 : i32
        %cond3A_633 = arith.cmpi ne, %convert_element_type3A_631, %cond3A_632 : i32
        scf.if %cond3A_633 {
          %add3A_716 = arith.constant 9 : i32
          %add3A_717 = arith.addi %while3A_238, %add3A_716 : i32
          %rem3A_718 = arith.constant 512 : i32
          %rem3A_719 = arith.remsi %add3A_717, %rem3A_718 : i32
          %mul3A_720 = arith.constant 32 : i32
          %mul3A_721 = arith.muli %rem3A_719, %mul3A_720 : i32
          %slice3A = vector.extract_strided_slice %get3A_254 {offsets = [9], sizes = [1], strides = [1]} : vector<16xi32> to vector<1xi32>
          %squeeze3A = vector.extract %slice3A[0] : i32 from vector<1xi32>
          %mul3A_722 = arith.constant 32 : i32
          %mul3A_723 = arith.muli %squeeze3A, %mul3A_722 : i32
          %dma_start3A_724 = tpu.memref_slice %arg11[%mul3A_721] : memref<16384xf32, #tpu.memory_space<vmem>> -> memref<32xf32, #tpu.memory_space<vmem>>
          %dma_start3A_725 = tpu.memref_slice %arg5[%mul3A_723] : memref<524288xf32, #tpu.memory_space<hbm>> -> memref<32xf32, #tpu.memory_space<hbm>>
          %dma_start3A_726 = tpu.memref_slice %arg5[%mul3A_723] : memref<524288xf32, #tpu.memory_space<hbm>> -> memref<32xf32, #tpu.memory_space<hbm>>
          %dma_start3A_727 = tpu.memref_slice %arg11[%mul3A_721] : memref<16384xf32, #tpu.memory_space<vmem>> -> memref<32xf32, #tpu.memory_space<vmem>>
          tpu.enqueue_dma source(%dma_start3A_727 : memref<32xf32, #tpu.memory_space<vmem>>) target(%dma_start3A_726 : memref<32xf32, #tpu.memory_space<hbm>>) target_semaphore(%arg15 : memref<!tpu.dma_semaphore, #tpu.memory_space<semaphore_mem>>)
        } else {
        }
        %jit3A_634 = arith.constant 128 : i32
        %jit3A_635 = arith.constant 0 : i32
        %select_n3A_636 = arith.select %lt3A_630, %jit3A_634, %jit3A_635 : i32
        %add3A_637 = arith.addi %add3A_625, %select_n3A_636 : i32
        %mul3A_638 = arith.constant 16 : i32
        %mul3A_639 = arith.muli %while3A_237, %mul3A_638 : i32
        %add3A_640 = arith.constant 10 : i32
        %add3A_641 = arith.addi %mul3A_639, %add3A_640 : i32
        %lt3A_642 = arith.cmpi slt, %add3A_641, %while3A_207 : i32
        %convert_element_type3A_643 = arith.extui %lt3A_642 : i1 to i32
        %cond3A_644 = arith.constant 0 : i32
        %cond3A_645 = arith.cmpi ne, %convert_element_type3A_643, %cond3A_644 : i32
        scf.if %cond3A_645 {
          %add3A_716 = arith.constant 10 : i32
          %add3A_717 = arith.addi %while3A_238, %add3A_716 : i32
          %rem3A_718 = arith.constant 512 : i32
          %rem3A_719 = arith.remsi %add3A_717, %rem3A_718 : i32
          %mul3A_720 = arith.constant 32 : i32
          %mul3A_721 = arith.muli %rem3A_719, %mul3A_720 : i32
          %slice3A = vector.extract_strided_slice %get3A_254 {offsets = [10], sizes = [1], strides = [1]} : vector<16xi32> to vector<1xi32>
          %squeeze3A = vector.extract %slice3A[0] : i32 from vector<1xi32>
          %mul3A_722 = arith.constant 32 : i32
          %mul3A_723 = arith.muli %squeeze3A, %mul3A_722 : i32
          %dma_start3A_724 = tpu.memref_slice %arg11[%mul3A_721] : memref<16384xf32, #tpu.memory_space<vmem>> -> memref<32xf32, #tpu.memory_space<vmem>>
          %dma_start3A_725 = tpu.memref_slice %arg5[%mul3A_723] : memref<524288xf32, #tpu.memory_space<hbm>> -> memref<32xf32, #tpu.memory_space<hbm>>
          %dma_start3A_726 = tpu.memref_slice %arg5[%mul3A_723] : memref<524288xf32, #tpu.memory_space<hbm>> -> memref<32xf32, #tpu.memory_space<hbm>>
          %dma_start3A_727 = tpu.memref_slice %arg11[%mul3A_721] : memref<16384xf32, #tpu.memory_space<vmem>> -> memref<32xf32, #tpu.memory_space<vmem>>
          tpu.enqueue_dma source(%dma_start3A_727 : memref<32xf32, #tpu.memory_space<vmem>>) target(%dma_start3A_726 : memref<32xf32, #tpu.memory_space<hbm>>) target_semaphore(%arg15 : memref<!tpu.dma_semaphore, #tpu.memory_space<semaphore_mem>>)
        } else {
        }
        %jit3A_646 = arith.constant 128 : i32
        %jit3A_647 = arith.constant 0 : i32
        %select_n3A_648 = arith.select %lt3A_642, %jit3A_646, %jit3A_647 : i32
        %add3A_649 = arith.addi %add3A_637, %select_n3A_648 : i32
        %mul3A_650 = arith.constant 16 : i32
        %mul3A_651 = arith.muli %while3A_237, %mul3A_650 : i32
        %add3A_652 = arith.constant 11 : i32
        %add3A_653 = arith.addi %mul3A_651, %add3A_652 : i32
        %lt3A_654 = arith.cmpi slt, %add3A_653, %while3A_207 : i32
        %convert_element_type3A_655 = arith.extui %lt3A_654 : i1 to i32
        %cond3A_656 = arith.constant 0 : i32
        %cond3A_657 = arith.cmpi ne, %convert_element_type3A_655, %cond3A_656 : i32
        scf.if %cond3A_657 {
          %add3A_716 = arith.constant 11 : i32
          %add3A_717 = arith.addi %while3A_238, %add3A_716 : i32
          %rem3A_718 = arith.constant 512 : i32
          %rem3A_719 = arith.remsi %add3A_717, %rem3A_718 : i32
          %mul3A_720 = arith.constant 32 : i32
          %mul3A_721 = arith.muli %rem3A_719, %mul3A_720 : i32
          %slice3A = vector.extract_strided_slice %get3A_254 {offsets = [11], sizes = [1], strides = [1]} : vector<16xi32> to vector<1xi32>
          %squeeze3A = vector.extract %slice3A[0] : i32 from vector<1xi32>
          %mul3A_722 = arith.constant 32 : i32
          %mul3A_723 = arith.muli %squeeze3A, %mul3A_722 : i32
          %dma_start3A_724 = tpu.memref_slice %arg11[%mul3A_721] : memref<16384xf32, #tpu.memory_space<vmem>> -> memref<32xf32, #tpu.memory_space<vmem>>
          %dma_start3A_725 = tpu.memref_slice %arg5[%mul3A_723] : memref<524288xf32, #tpu.memory_space<hbm>> -> memref<32xf32, #tpu.memory_space<hbm>>
          %dma_start3A_726 = tpu.memref_slice %arg5[%mul3A_723] : memref<524288xf32, #tpu.memory_space<hbm>> -> memref<32xf32, #tpu.memory_space<hbm>>
          %dma_start3A_727 = tpu.memref_slice %arg11[%mul3A_721] : memref<16384xf32, #tpu.memory_space<vmem>> -> memref<32xf32, #tpu.memory_space<vmem>>
          tpu.enqueue_dma source(%dma_start3A_727 : memref<32xf32, #tpu.memory_space<vmem>>) target(%dma_start3A_726 : memref<32xf32, #tpu.memory_space<hbm>>) target_semaphore(%arg15 : memref<!tpu.dma_semaphore, #tpu.memory_space<semaphore_mem>>)
        } else {
        }
        %jit3A_658 = arith.constant 128 : i32
        %jit3A_659 = arith.constant 0 : i32
        %select_n3A_660 = arith.select %lt3A_654, %jit3A_658, %jit3A_659 : i32
        %add3A_661 = arith.addi %add3A_649, %select_n3A_660 : i32
        %mul3A_662 = arith.constant 16 : i32
        %mul3A_663 = arith.muli %while3A_237, %mul3A_662 : i32
        %add3A_664 = arith.constant 12 : i32
        %add3A_665 = arith.addi %mul3A_663, %add3A_664 : i32
        %lt3A_666 = arith.cmpi slt, %add3A_665, %while3A_207 : i32
        %convert_element_type3A_667 = arith.extui %lt3A_666 : i1 to i32
        %cond3A_668 = arith.constant 0 : i32
        %cond3A_669 = arith.cmpi ne, %convert_element_type3A_667, %cond3A_668 : i32
        scf.if %cond3A_669 {
          %add3A_716 = arith.constant 12 : i32
          %add3A_717 = arith.addi %while3A_238, %add3A_716 : i32
          %rem3A_718 = arith.constant 512 : i32
          %rem3A_719 = arith.remsi %add3A_717, %rem3A_718 : i32
          %mul3A_720 = arith.constant 32 : i32
          %mul3A_721 = arith.muli %rem3A_719, %mul3A_720 : i32
          %slice3A = vector.extract_strided_slice %get3A_254 {offsets = [12], sizes = [1], strides = [1]} : vector<16xi32> to vector<1xi32>
          %squeeze3A = vector.extract %slice3A[0] : i32 from vector<1xi32>
          %mul3A_722 = arith.constant 32 : i32
          %mul3A_723 = arith.muli %squeeze3A, %mul3A_722 : i32
          %dma_start3A_724 = tpu.memref_slice %arg11[%mul3A_721] : memref<16384xf32, #tpu.memory_space<vmem>> -> memref<32xf32, #tpu.memory_space<vmem>>
          %dma_start3A_725 = tpu.memref_slice %arg5[%mul3A_723] : memref<524288xf32, #tpu.memory_space<hbm>> -> memref<32xf32, #tpu.memory_space<hbm>>
          %dma_start3A_726 = tpu.memref_slice %arg5[%mul3A_723] : memref<524288xf32, #tpu.memory_space<hbm>> -> memref<32xf32, #tpu.memory_space<hbm>>
          %dma_start3A_727 = tpu.memref_slice %arg11[%mul3A_721] : memref<16384xf32, #tpu.memory_space<vmem>> -> memref<32xf32, #tpu.memory_space<vmem>>
          tpu.enqueue_dma source(%dma_start3A_727 : memref<32xf32, #tpu.memory_space<vmem>>) target(%dma_start3A_726 : memref<32xf32, #tpu.memory_space<hbm>>) target_semaphore(%arg15 : memref<!tpu.dma_semaphore, #tpu.memory_space<semaphore_mem>>)
        } else {
        }
        %jit3A_670 = arith.constant 128 : i32
        %jit3A_671 = arith.constant 0 : i32
        %select_n3A_672 = arith.select %lt3A_666, %jit3A_670, %jit3A_671 : i32
        %add3A_673 = arith.addi %add3A_661, %select_n3A_672 : i32
        %mul3A_674 = arith.constant 16 : i32
        %mul3A_675 = arith.muli %while3A_237, %mul3A_674 : i32
        %add3A_676 = arith.constant 13 : i32
        %add3A_677 = arith.addi %mul3A_675, %add3A_676 : i32
        %lt3A_678 = arith.cmpi slt, %add3A_677, %while3A_207 : i32
        %convert_element_type3A_679 = arith.extui %lt3A_678 : i1 to i32
        %cond3A_680 = arith.constant 0 : i32
        %cond3A_681 = arith.cmpi ne, %convert_element_type3A_679, %cond3A_680 : i32
        scf.if %cond3A_681 {
          %add3A_716 = arith.constant 13 : i32
          %add3A_717 = arith.addi %while3A_238, %add3A_716 : i32
          %rem3A_718 = arith.constant 512 : i32
          %rem3A_719 = arith.remsi %add3A_717, %rem3A_718 : i32
          %mul3A_720 = arith.constant 32 : i32
          %mul3A_721 = arith.muli %rem3A_719, %mul3A_720 : i32
          %slice3A = vector.extract_strided_slice %get3A_254 {offsets = [13], sizes = [1], strides = [1]} : vector<16xi32> to vector<1xi32>
          %squeeze3A = vector.extract %slice3A[0] : i32 from vector<1xi32>
          %mul3A_722 = arith.constant 32 : i32
          %mul3A_723 = arith.muli %squeeze3A, %mul3A_722 : i32
          %dma_start3A_724 = tpu.memref_slice %arg11[%mul3A_721] : memref<16384xf32, #tpu.memory_space<vmem>> -> memref<32xf32, #tpu.memory_space<vmem>>
          %dma_start3A_725 = tpu.memref_slice %arg5[%mul3A_723] : memref<524288xf32, #tpu.memory_space<hbm>> -> memref<32xf32, #tpu.memory_space<hbm>>
          %dma_start3A_726 = tpu.memref_slice %arg5[%mul3A_723] : memref<524288xf32, #tpu.memory_space<hbm>> -> memref<32xf32, #tpu.memory_space<hbm>>
          %dma_start3A_727 = tpu.memref_slice %arg11[%mul3A_721] : memref<16384xf32, #tpu.memory_space<vmem>> -> memref<32xf32, #tpu.memory_space<vmem>>
          tpu.enqueue_dma source(%dma_start3A_727 : memref<32xf32, #tpu.memory_space<vmem>>) target(%dma_start3A_726 : memref<32xf32, #tpu.memory_space<hbm>>) target_semaphore(%arg15 : memref<!tpu.dma_semaphore, #tpu.memory_space<semaphore_mem>>)
        } else {
        }
        %jit3A_682 = arith.constant 128 : i32
        %jit3A_683 = arith.constant 0 : i32
        %select_n3A_684 = arith.select %lt3A_678, %jit3A_682, %jit3A_683 : i32
        %add3A_685 = arith.addi %add3A_673, %select_n3A_684 : i32
        %mul3A_686 = arith.constant 16 : i32
        %mul3A_687 = arith.muli %while3A_237, %mul3A_686 : i32
        %add3A_688 = arith.constant 14 : i32
        %add3A_689 = arith.addi %mul3A_687, %add3A_688 : i32
        %lt3A_690 = arith.cmpi slt, %add3A_689, %while3A_207 : i32
        %convert_element_type3A_691 = arith.extui %lt3A_690 : i1 to i32
        %cond3A_692 = arith.constant 0 : i32
        %cond3A_693 = arith.cmpi ne, %convert_element_type3A_691, %cond3A_692 : i32
        scf.if %cond3A_693 {
          %add3A_716 = arith.constant 14 : i32
          %add3A_717 = arith.addi %while3A_238, %add3A_716 : i32
          %rem3A_718 = arith.constant 512 : i32
          %rem3A_719 = arith.remsi %add3A_717, %rem3A_718 : i32
          %mul3A_720 = arith.constant 32 : i32
          %mul3A_721 = arith.muli %rem3A_719, %mul3A_720 : i32
          %slice3A = vector.extract_strided_slice %get3A_254 {offsets = [14], sizes = [1], strides = [1]} : vector<16xi32> to vector<1xi32>
          %squeeze3A = vector.extract %slice3A[0] : i32 from vector<1xi32>
          %mul3A_722 = arith.constant 32 : i32
          %mul3A_723 = arith.muli %squeeze3A, %mul3A_722 : i32
          %dma_start3A_724 = tpu.memref_slice %arg11[%mul3A_721] : memref<16384xf32, #tpu.memory_space<vmem>> -> memref<32xf32, #tpu.memory_space<vmem>>
          %dma_start3A_725 = tpu.memref_slice %arg5[%mul3A_723] : memref<524288xf32, #tpu.memory_space<hbm>> -> memref<32xf32, #tpu.memory_space<hbm>>
          %dma_start3A_726 = tpu.memref_slice %arg5[%mul3A_723] : memref<524288xf32, #tpu.memory_space<hbm>> -> memref<32xf32, #tpu.memory_space<hbm>>
          %dma_start3A_727 = tpu.memref_slice %arg11[%mul3A_721] : memref<16384xf32, #tpu.memory_space<vmem>> -> memref<32xf32, #tpu.memory_space<vmem>>
          tpu.enqueue_dma source(%dma_start3A_727 : memref<32xf32, #tpu.memory_space<vmem>>) target(%dma_start3A_726 : memref<32xf32, #tpu.memory_space<hbm>>) target_semaphore(%arg15 : memref<!tpu.dma_semaphore, #tpu.memory_space<semaphore_mem>>)
        } else {
        }
        %jit3A_694 = arith.constant 128 : i32
        %jit3A_695 = arith.constant 0 : i32
        %select_n3A_696 = arith.select %lt3A_690, %jit3A_694, %jit3A_695 : i32
        %add3A_697 = arith.addi %add3A_685, %select_n3A_696 : i32
        %mul3A_698 = arith.constant 16 : i32
        %mul3A_699 = arith.muli %while3A_237, %mul3A_698 : i32
        %add3A_700 = arith.constant 15 : i32
        %add3A_701 = arith.addi %mul3A_699, %add3A_700 : i32
        %lt3A_702 = arith.cmpi slt, %add3A_701, %while3A_207 : i32
        %convert_element_type3A_703 = arith.extui %lt3A_702 : i1 to i32
        %cond3A_704 = arith.constant 0 : i32
        %cond3A_705 = arith.cmpi ne, %convert_element_type3A_703, %cond3A_704 : i32
        scf.if %cond3A_705 {
          %add3A_716 = arith.constant 15 : i32
          %add3A_717 = arith.addi %while3A_238, %add3A_716 : i32
          %rem3A_718 = arith.constant 512 : i32
          %rem3A_719 = arith.remsi %add3A_717, %rem3A_718 : i32
          %mul3A_720 = arith.constant 32 : i32
          %mul3A_721 = arith.muli %rem3A_719, %mul3A_720 : i32
          %slice3A = vector.extract_strided_slice %get3A_254 {offsets = [15], sizes = [1], strides = [1]} : vector<16xi32> to vector<1xi32>
          %squeeze3A = vector.extract %slice3A[0] : i32 from vector<1xi32>
          %mul3A_722 = arith.constant 32 : i32
          %mul3A_723 = arith.muli %squeeze3A, %mul3A_722 : i32
          %dma_start3A_724 = tpu.memref_slice %arg11[%mul3A_721] : memref<16384xf32, #tpu.memory_space<vmem>> -> memref<32xf32, #tpu.memory_space<vmem>>
          %dma_start3A_725 = tpu.memref_slice %arg5[%mul3A_723] : memref<524288xf32, #tpu.memory_space<hbm>> -> memref<32xf32, #tpu.memory_space<hbm>>
          %dma_start3A_726 = tpu.memref_slice %arg5[%mul3A_723] : memref<524288xf32, #tpu.memory_space<hbm>> -> memref<32xf32, #tpu.memory_space<hbm>>
          %dma_start3A_727 = tpu.memref_slice %arg11[%mul3A_721] : memref<16384xf32, #tpu.memory_space<vmem>> -> memref<32xf32, #tpu.memory_space<vmem>>
          tpu.enqueue_dma source(%dma_start3A_727 : memref<32xf32, #tpu.memory_space<vmem>>) target(%dma_start3A_726 : memref<32xf32, #tpu.memory_space<hbm>>) target_semaphore(%arg15 : memref<!tpu.dma_semaphore, #tpu.memory_space<semaphore_mem>>)
        } else {
        }
        %jit3A_706 = arith.constant 128 : i32
        %jit3A_707 = arith.constant 0 : i32
        %select_n3A_708 = arith.select %lt3A_702, %jit3A_706, %jit3A_707 : i32
        %add3A_709 = arith.addi %add3A_697, %select_n3A_708 : i32
        %mul3A_710 = arith.constant 16 : i32
        %mul3A_711 = arith.muli %while3A_237, %mul3A_710 : i32
        %sub3A_712 = arith.subi %while3A_207, %mul3A_711 : i32
        %min3A_713 = arith.constant 16 : i32
        %min3A_714 = arith.minsi %min3A_713, %sub3A_712 : i32
        %add3A_715 = arith.addi %while3A_238, %min3A_714 : i32
        scf.yield %add3A_715, %add3A_709 : i32, i32
      }
      scf.yield %while3A_236#0, %while3A_236#1 : i32, i32
    }
    %scan3A_115 = arith.constant 50 : i32
    %while3A = arith.constant 0 : i32
    %while3A_116 = arith.constant 0 : i32
    %while3A_117 = arith.subi %shift_right_logical3A_38, %while3A : i32
    %while3A_118 = arith.addi %while3A, %while3A_117 : i32
    %while3A_119 = arith.constant 1 : i32
    %while3A_120 = arith.divsi %while3A_117, %while3A_119 : i32
    %while3A_121 = arith.muli %while3A_120, %while3A_119 : i32
    %while3A_122 = arith.addi %while3A, %while3A_121 : i32
    %while3A_123 = arith.constant 1 : i32
    %while3A_124 = scf.for %while3A_182 = %while3A to %while3A_122 step %while3A_123 iter_args(%while3A_183 = %while3A_116) -> (i32)  : i32 {
      %mul3A_184 = arith.constant 16 : i32
      %mul3A_185 = arith.muli %while3A_182, %mul3A_184 : i32
      %get3A = arith.index_cast %mul3A_185 : i32 to index
      %get3A_186 = tpu.vector_load %arg7[%get3A] {strides = array<i32>} : memref<16400xi32, #tpu.memory_space<vmem>>, vector<16xi32>,
      %mul3A_187 = arith.constant 16 : i32
      %mul3A_188 = arith.muli %while3A_182, %mul3A_187 : i32
      %get3A_189 = arith.index_cast %mul3A_188 : i32 to index
      %get3A_190 = tpu.vector_load %arg8[%get3A_189] {strides = array<i32>} : memref<16400xi32, #tpu.memory_space<vmem>>, vector<16xi32>,
      %ge3A = arith.constant 999936 : i32
      %ge3A_191 = vector.broadcast %ge3A : i32 to vector<16xi32>
      %ge3A_192 = arith.cmpi sge, %get3A_190, %ge3A_191 : vector<16xi32>
      %lt3A = arith.constant 1000000 : i32
      %lt3A_193 = vector.broadcast %lt3A : i32 to vector<16xi32>
      %lt3A_194 = arith.cmpi slt, %get3A_190, %lt3A_193 : vector<16xi32>
      %and3A_195 = arith.andi %ge3A_192, %lt3A_194 : vector<16xi1>
      %swap3A_196 = arith.index_cast %while3A_183 : i32 to index
      %swap3A_197 = tpu.vector_load %arg9[%swap3A_196] masked %and3A_195 {strides = array<i32>} : memref<16400xi32, #tpu.memory_space<vmem>>, vector<16xi32>, vector<16xi1>
      tpu.vector_store %arg9[%swap3A_196], %get3A_186 masked %and3A_195 {strides = array<i32>} : memref<16400xi32, #tpu.memory_space<vmem>>, vector<16xi32>, vector<16xi1>
      %sub3A_198 = arith.constant 999936 : i32
      %sub3A_199 = vector.broadcast %sub3A_198 : i32 to vector<16xi32>
      %sub3A_200 = arith.subi %get3A_190, %sub3A_199 : vector<16xi32>
      %swap3A_201 = arith.index_cast %while3A_183 : i32 to index
      %swap3A_202 = tpu.vector_load %arg6[%swap3A_201] masked %and3A_195 {strides = array<i32>} : memref<16400xi32, #tpu.memory_space<vmem>>, vector<16xi32>, vector<16xi1>
      tpu.vector_store %arg6[%swap3A_201], %sub3A_200 masked %and3A_195 {strides = array<i32>} : memref<16400xi32, #tpu.memory_space<vmem>>, vector<16xi32>, vector<16xi1>
      %all_reduce_population_count3A = tpu.all_reduce %and3A_195 {dim = 0 : i64, kind = #tpu.reduction_kind<sum>} : vector<16xi1> -> vector<16xi32>
      %slice3A = vector.extract_strided_slice %all_reduce_population_count3A {offsets = [0], sizes = [1], strides = [1]} : vector<16xi32> to vector<1xi32>
      %squeeze3A = vector.extract %slice3A[0] : i32 from vector<1xi32>
      %add3A_203 = arith.addi %while3A_183, %squeeze3A : i32
      scf.yield %add3A_203 : i32
    }
    %while3A_125 = arith.constant 1 : i32
    %while3A_126 = scf.for %while3A_182 = %while3A_122 to %while3A_118 step %while3A_125 iter_args(%while3A_183 = %while3A_124) -> (i32)  : i32 {
      %mul3A_184 = arith.constant 16 : i32
      %mul3A_185 = arith.muli %while3A_182, %mul3A_184 : i32
      %get3A = arith.index_cast %mul3A_185 : i32 to index
      %get3A_186 = tpu.vector_load %arg7[%get3A] {strides = array<i32>} : memref<16400xi32, #tpu.memory_space<vmem>>, vector<16xi32>,
      %mul3A_187 = arith.constant 16 : i32
      %mul3A_188 = arith.muli %while3A_182, %mul3A_187 : i32
      %get3A_189 = arith.index_cast %mul3A_188 : i32 to index
      %get3A_190 = tpu.vector_load %arg8[%get3A_189] {strides = array<i32>} : memref<16400xi32, #tpu.memory_space<vmem>>, vector<16xi32>,
      %ge3A = arith.constant 999936 : i32
      %ge3A_191 = vector.broadcast %ge3A : i32 to vector<16xi32>
      %ge3A_192 = arith.cmpi sge, %get3A_190, %ge3A_191 : vector<16xi32>
      %lt3A = arith.constant 1000000 : i32
      %lt3A_193 = vector.broadcast %lt3A : i32 to vector<16xi32>
      %lt3A_194 = arith.cmpi slt, %get3A_190, %lt3A_193 : vector<16xi32>
      %and3A_195 = arith.andi %ge3A_192, %lt3A_194 : vector<16xi1>
      %swap3A_196 = arith.index_cast %while3A_183 : i32 to index
      %swap3A_197 = tpu.vector_load %arg9[%swap3A_196] masked %and3A_195 {strides = array<i32>} : memref<16400xi32, #tpu.memory_space<vmem>>, vector<16xi32>, vector<16xi1>
      tpu.vector_store %arg9[%swap3A_196], %get3A_186 masked %and3A_195 {strides = array<i32>} : memref<16400xi32, #tpu.memory_space<vmem>>, vector<16xi32>, vector<16xi1>
      %sub3A_198 = arith.constant 999936 : i32
      %sub3A_199 = vector.broadcast %sub3A_198 : i32 to vector<16xi32>
      %sub3A_200 = arith.subi %get3A_190, %sub3A_199 : vector<16xi32>
      %swap3A_201 = arith.index_cast %while3A_183 : i32 to index
      %swap3A_202 = tpu.vector_load %arg6[%swap3A_201] masked %and3A_195 {strides = array<i32>} : memref<16400xi32, #tpu.memory_space<vmem>>, vector<16xi32>, vector<16xi1>
      tpu.vector_store %arg6[%swap3A_201], %sub3A_200 masked %and3A_195 {strides = array<i32>} : memref<16400xi32, #tpu.memory_space<vmem>>, vector<16xi32>, vector<16xi1>
      %all_reduce_population_count3A = tpu.all_reduce %and3A_195 {dim = 0 : i64, kind = #tpu.reduction_kind<sum>} : vector<16xi1> -> vector<16xi32>
      %slice3A = vector.extract_strided_slice %all_reduce_population_count3A {offsets = [0], sizes = [1], strides = [1]} : vector<16xi32> to vector<1xi32>
      %squeeze3A = vector.extract %slice3A[0] : i32 from vector<1xi32>
      %add3A_203 = arith.addi %while3A_183, %squeeze3A : i32
      scf.yield %add3A_203 : i32
    }
    %broadcast_in_dim3A_127 = arith.constant 0 : i32
    %broadcast_in_dim3A_128 = vector.broadcast %broadcast_in_dim3A_127 : i32 to vector<16xi32>
    %swap3A_129 = arith.index_cast %while3A_126 : i32 to index
    %swap3A_130 = tpu.vector_load %arg6[%swap3A_129] {strides = array<i32>} : memref<16400xi32, #tpu.memory_space<vmem>>, vector<16xi32>,
    tpu.vector_store %arg6[%swap3A_129], %broadcast_in_dim3A_128 {strides = array<i32>} : memref<16400xi32, #tpu.memory_space<vmem>>, vector<16xi32>,
    %add3A_131 = arith.constant 15 : i32
    %add3A_132 = arith.addi %while3A_126, %add3A_131 : i32
    %shift_right_logical3A_133 = arith.constant 4 : i32
    %shift_right_logical3A_134 = arith.shrui %add3A_132, %shift_right_logical3A_133 : i32
    %while3A_135 = arith.constant 0 : i32
    %while3A_136 = arith.subi %shift_right_logical3A_134, %while3A_135 : i32
    %while3A_137 = arith.addi %while3A_135, %while3A_136 : i32
    %while3A_138 = arith.constant 1 : i32
    %while3A_139 = arith.divsi %while3A_136, %while3A_138 : i32
    %while3A_140 = arith.muli %while3A_139, %while3A_138 : i32
    %while3A_141 = arith.addi %while3A_135, %while3A_140 : i32
    %while3A_142 = arith.constant 1 : i32
    %while3A_143:2 = scf.for %while3A_182 = %while3A_135 to %while3A_141 step %while3A_142 iter_args(%while3A_183 = %scan3A_114#0, %while3A_184 = %scan3A_114#1) -> (i32, i32)  : i32 {
      %ge3A = arith.constant 16384 : i32
      %ge3A_185 = arith.cmpi sge, %while3A_184, %ge3A : i32
      %convert_element_type3A = arith.extui %ge3A_185 : i1 to i32
      %cond3A = arith.constant 0 : i32
      %cond3A_186 = arith.cmpi ne, %convert_element_type3A, %cond3A : i32
      scf.if %cond3A_186 {
        %dma_wait3A = arith.constant 0 : i32
        %dma_wait3A_626 = tpu.memref_slice %arg11[%dma_wait3A] : memref<16384xf32, #tpu.memory_space<vmem>> -> memref<2048xf32, #tpu.memory_space<vmem>>
        %dma_wait3A_627 = arith.constant 0 : i32
        %dma_wait3A_628 = tpu.memref_slice %arg5[%dma_wait3A_627] : memref<524288xf32, #tpu.memory_space<hbm>> -> memref<2048xf32, #tpu.memory_space<hbm>>
        %dma_wait3A_629 = arith.constant 0 : i32
        %dma_wait3A_630 = tpu.memref_slice %arg11[%dma_wait3A_629] : memref<16384xf32, #tpu.memory_space<vmem>> -> memref<2048xf32, #tpu.memory_space<vmem>>
        %dma_wait3A_631 = arith.constant 0 : i32
        %dma_wait3A_632 = tpu.memref_slice %arg5[%dma_wait3A_631] : memref<524288xf32, #tpu.memory_space<hbm>> -> memref<2048xf32, #tpu.memory_space<hbm>>
        tpu.wait_dma2 semaphore(%arg15 : memref<!tpu.dma_semaphore, #tpu.memory_space<semaphore_mem>>) src(%dma_wait3A_632 : memref<2048xf32, #tpu.memory_space<hbm>>) dst(%dma_wait3A_630 : memref<2048xf32, #tpu.memory_space<vmem>>)
      } else {
      }
      %jit3A_187 = arith.constant 8192 : i32
      %jit3A_188 = arith.constant 0 : i32
      %select_n3A_189 = arith.select %ge3A_185, %jit3A_187, %jit3A_188 : i32
      %sub3A_190 = arith.subi %while3A_184, %select_n3A_189 : i32
      %mul3A_191 = arith.constant 16 : i32
      %mul3A_192 = arith.muli %while3A_182, %mul3A_191 : i32
      %get3A = arith.index_cast %mul3A_192 : i32 to index
      %get3A_193 = tpu.vector_load %arg6[%get3A] {strides = array<i32>} : memref<16400xi32, #tpu.memory_space<vmem>>, vector<16xi32>,
      %mul3A_194 = arith.constant 16 : i32
      %mul3A_195 = arith.muli %while3A_182, %mul3A_194 : i32
      %get3A_196 = arith.index_cast %mul3A_195 : i32 to index
      %get3A_197 = tpu.vector_load %arg9[%get3A_196] {strides = array<i32>} : memref<16400xi32, #tpu.memory_space<vmem>>, vector<16xi32>,
      %add3A_198 = vector.broadcast %while3A_183 : i32 to vector<16xi32>
      %add3A_199 = arith.addi %add3A_198, %iota3A : vector<16xi32>
      %rem3A_200 = arith.constant 512 : i32
      %rem3A_201 = vector.broadcast %rem3A_200 : i32 to vector<16xi32>
      %rem3A_202 = arith.remsi %add3A_199, %rem3A_201 : vector<16xi32>
      %mul3A_203 = arith.constant 32 : i32
      %mul3A_204 = vector.broadcast %mul3A_203 : i32 to vector<16xi32>
      %mul3A_205 = arith.muli %rem3A_202, %mul3A_204 : vector<16xi32>
      %add3A_206 = arith.constant 0 : i32
      %add3A_207 = vector.broadcast %add3A_206 : i32 to vector<16xi32>
      %add3A_208 = arith.addi %get3A_193, %add3A_207 : vector<16xi32>
      %gather3A = tpu.vector_load_idx %arg12[%add3A_208] : memref<2048xf32, #tpu.memory_space<vmem>>[vector<16xi32>], vector<16xf32>,
      %add3A_209 = arith.constant 0 : i32
      %add3A_210 = vector.broadcast %add3A_209 : i32 to vector<16xi32>
      %add3A_211 = arith.addi %mul3A_205, %add3A_210 : vector<16xi32>
      tpu.vector_store_idx %arg11[%add3A_211], %gather3A : memref<16384xf32, #tpu.memory_space<vmem>>[vector<16xi32>], vector<16xf32>,
      %add3A_212 = arith.constant 64 : i32
      %add3A_213 = vector.broadcast %add3A_212 : i32 to vector<16xi32>
      %add3A_214 = arith.addi %get3A_193, %add3A_213 : vector<16xi32>
      %gather3A_215 = tpu.vector_load_idx %arg12[%add3A_214] : memref<2048xf32, #tpu.memory_space<vmem>>[vector<16xi32>], vector<16xf32>,
      %add3A_216 = arith.constant 1 : i32
      %add3A_217 = vector.broadcast %add3A_216 : i32 to vector<16xi32>
      %add3A_218 = arith.addi %mul3A_205, %add3A_217 : vector<16xi32>
      tpu.vector_store_idx %arg11[%add3A_218], %gather3A_215 : memref<16384xf32, #tpu.memory_space<vmem>>[vector<16xi32>], vector<16xf32>,
      %add3A_219 = arith.constant 128 : i32
      %add3A_220 = vector.broadcast %add3A_219 : i32 to vector<16xi32>
      %add3A_221 = arith.addi %get3A_193, %add3A_220 : vector<16xi32>
      %gather3A_222 = tpu.vector_load_idx %arg12[%add3A_221] : memref<2048xf32, #tpu.memory_space<vmem>>[vector<16xi32>], vector<16xf32>,
      %add3A_223 = arith.constant 2 : i32
      %add3A_224 = vector.broadcast %add3A_223 : i32 to vector<16xi32>
      %add3A_225 = arith.addi %mul3A_205, %add3A_224 : vector<16xi32>
      tpu.vector_store_idx %arg11[%add3A_225], %gather3A_222 : memref<16384xf32, #tpu.memory_space<vmem>>[vector<16xi32>], vector<16xf32>,
      %add3A_226 = arith.constant 192 : i32
      %add3A_227 = vector.broadcast %add3A_226 : i32 to vector<16xi32>
      %add3A_228 = arith.addi %get3A_193, %add3A_227 : vector<16xi32>
      %gather3A_229 = tpu.vector_load_idx %arg12[%add3A_228] : memref<2048xf32, #tpu.memory_space<vmem>>[vector<16xi32>], vector<16xf32>,
      %add3A_230 = arith.constant 3 : i32
      %add3A_231 = vector.broadcast %add3A_230 : i32 to vector<16xi32>
      %add3A_232 = arith.addi %mul3A_205, %add3A_231 : vector<16xi32>
      tpu.vector_store_idx %arg11[%add3A_232], %gather3A_229 : memref<16384xf32, #tpu.memory_space<vmem>>[vector<16xi32>], vector<16xf32>,
      %add3A_233 = arith.constant 256 : i32
      %add3A_234 = vector.broadcast %add3A_233 : i32 to vector<16xi32>
      %add3A_235 = arith.addi %get3A_193, %add3A_234 : vector<16xi32>
      %gather3A_236 = tpu.vector_load_idx %arg12[%add3A_235] : memref<2048xf32, #tpu.memory_space<vmem>>[vector<16xi32>], vector<16xf32>,
      %add3A_237 = arith.constant 4 : i32
      %add3A_238 = vector.broadcast %add3A_237 : i32 to vector<16xi32>
      %add3A_239 = arith.addi %mul3A_205, %add3A_238 : vector<16xi32>
      tpu.vector_store_idx %arg11[%add3A_239], %gather3A_236 : memref<16384xf32, #tpu.memory_space<vmem>>[vector<16xi32>], vector<16xf32>,
      %add3A_240 = arith.constant 320 : i32
      %add3A_241 = vector.broadcast %add3A_240 : i32 to vector<16xi32>
      %add3A_242 = arith.addi %get3A_193, %add3A_241 : vector<16xi32>
      %gather3A_243 = tpu.vector_load_idx %arg12[%add3A_242] : memref<2048xf32, #tpu.memory_space<vmem>>[vector<16xi32>], vector<16xf32>,
      %add3A_244 = arith.constant 5 : i32
      %add3A_245 = vector.broadcast %add3A_244 : i32 to vector<16xi32>
      %add3A_246 = arith.addi %mul3A_205, %add3A_245 : vector<16xi32>
      tpu.vector_store_idx %arg11[%add3A_246], %gather3A_243 : memref<16384xf32, #tpu.memory_space<vmem>>[vector<16xi32>], vector<16xf32>,
      %add3A_247 = arith.constant 384 : i32
      %add3A_248 = vector.broadcast %add3A_247 : i32 to vector<16xi32>
      %add3A_249 = arith.addi %get3A_193, %add3A_248 : vector<16xi32>
      %gather3A_250 = tpu.vector_load_idx %arg12[%add3A_249] : memref<2048xf32, #tpu.memory_space<vmem>>[vector<16xi32>], vector<16xf32>,
      %add3A_251 = arith.constant 6 : i32
      %add3A_252 = vector.broadcast %add3A_251 : i32 to vector<16xi32>
      %add3A_253 = arith.addi %mul3A_205, %add3A_252 : vector<16xi32>
      tpu.vector_store_idx %arg11[%add3A_253], %gather3A_250 : memref<16384xf32, #tpu.memory_space<vmem>>[vector<16xi32>], vector<16xf32>,
      %add3A_254 = arith.constant 448 : i32
      %add3A_255 = vector.broadcast %add3A_254 : i32 to vector<16xi32>
      %add3A_256 = arith.addi %get3A_193, %add3A_255 : vector<16xi32>
      %gather3A_257 = tpu.vector_load_idx %arg12[%add3A_256] : memref<2048xf32, #tpu.memory_space<vmem>>[vector<16xi32>], vector<16xf32>,
      %add3A_258 = arith.constant 7 : i32
      %add3A_259 = vector.broadcast %add3A_258 : i32 to vector<16xi32>
      %add3A_260 = arith.addi %mul3A_205, %add3A_259 : vector<16xi32>
      tpu.vector_store_idx %arg11[%add3A_260], %gather3A_257 : memref<16384xf32, #tpu.memory_space<vmem>>[vector<16xi32>], vector<16xf32>,
      %add3A_261 = arith.constant 512 : i32
      %add3A_262 = vector.broadcast %add3A_261 : i32 to vector<16xi32>
      %add3A_263 = arith.addi %get3A_193, %add3A_262 : vector<16xi32>
      %gather3A_264 = tpu.vector_load_idx %arg12[%add3A_263] : memref<2048xf32, #tpu.memory_space<vmem>>[vector<16xi32>], vector<16xf32>,
      %add3A_265 = arith.constant 8 : i32
      %add3A_266 = vector.broadcast %add3A_265 : i32 to vector<16xi32>
      %add3A_267 = arith.addi %mul3A_205, %add3A_266 : vector<16xi32>
      tpu.vector_store_idx %arg11[%add3A_267], %gather3A_264 : memref<16384xf32, #tpu.memory_space<vmem>>[vector<16xi32>], vector<16xf32>,
      %add3A_268 = arith.constant 576 : i32
      %add3A_269 = vector.broadcast %add3A_268 : i32 to vector<16xi32>
      %add3A_270 = arith.addi %get3A_193, %add3A_269 : vector<16xi32>
      %gather3A_271 = tpu.vector_load_idx %arg12[%add3A_270] : memref<2048xf32, #tpu.memory_space<vmem>>[vector<16xi32>], vector<16xf32>,
      %add3A_272 = arith.constant 9 : i32
      %add3A_273 = vector.broadcast %add3A_272 : i32 to vector<16xi32>
      %add3A_274 = arith.addi %mul3A_205, %add3A_273 : vector<16xi32>
      tpu.vector_store_idx %arg11[%add3A_274], %gather3A_271 : memref<16384xf32, #tpu.memory_space<vmem>>[vector<16xi32>], vector<16xf32>,
      %add3A_275 = arith.constant 640 : i32
      %add3A_276 = vector.broadcast %add3A_275 : i32 to vector<16xi32>
      %add3A_277 = arith.addi %get3A_193, %add3A_276 : vector<16xi32>
      %gather3A_278 = tpu.vector_load_idx %arg12[%add3A_277] : memref<2048xf32, #tpu.memory_space<vmem>>[vector<16xi32>], vector<16xf32>,
      %add3A_279 = arith.constant 10 : i32
      %add3A_280 = vector.broadcast %add3A_279 : i32 to vector<16xi32>
      %add3A_281 = arith.addi %mul3A_205, %add3A_280 : vector<16xi32>
      tpu.vector_store_idx %arg11[%add3A_281], %gather3A_278 : memref<16384xf32, #tpu.memory_space<vmem>>[vector<16xi32>], vector<16xf32>,
      %add3A_282 = arith.constant 704 : i32
      %add3A_283 = vector.broadcast %add3A_282 : i32 to vector<16xi32>
      %add3A_284 = arith.addi %get3A_193, %add3A_283 : vector<16xi32>
      %gather3A_285 = tpu.vector_load_idx %arg12[%add3A_284] : memref<2048xf32, #tpu.memory_space<vmem>>[vector<16xi32>], vector<16xf32>,
      %add3A_286 = arith.constant 11 : i32
      %add3A_287 = vector.broadcast %add3A_286 : i32 to vector<16xi32>
      %add3A_288 = arith.addi %mul3A_205, %add3A_287 : vector<16xi32>
      tpu.vector_store_idx %arg11[%add3A_288], %gather3A_285 : memref<16384xf32, #tpu.memory_space<vmem>>[vector<16xi32>], vector<16xf32>,
      %add3A_289 = arith.constant 768 : i32
      %add3A_290 = vector.broadcast %add3A_289 : i32 to vector<16xi32>
      %add3A_291 = arith.addi %get3A_193, %add3A_290 : vector<16xi32>
      %gather3A_292 = tpu.vector_load_idx %arg12[%add3A_291] : memref<2048xf32, #tpu.memory_space<vmem>>[vector<16xi32>], vector<16xf32>,
      %add3A_293 = arith.constant 12 : i32
      %add3A_294 = vector.broadcast %add3A_293 : i32 to vector<16xi32>
      %add3A_295 = arith.addi %mul3A_205, %add3A_294 : vector<16xi32>
      tpu.vector_store_idx %arg11[%add3A_295], %gather3A_292 : memref<16384xf32, #tpu.memory_space<vmem>>[vector<16xi32>], vector<16xf32>,
      %add3A_296 = arith.constant 832 : i32
      %add3A_297 = vector.broadcast %add3A_296 : i32 to vector<16xi32>
      %add3A_298 = arith.addi %get3A_193, %add3A_297 : vector<16xi32>
      %gather3A_299 = tpu.vector_load_idx %arg12[%add3A_298] : memref<2048xf32, #tpu.memory_space<vmem>>[vector<16xi32>], vector<16xf32>,
      %add3A_300 = arith.constant 13 : i32
      %add3A_301 = vector.broadcast %add3A_300 : i32 to vector<16xi32>
      %add3A_302 = arith.addi %mul3A_205, %add3A_301 : vector<16xi32>
      tpu.vector_store_idx %arg11[%add3A_302], %gather3A_299 : memref<16384xf32, #tpu.memory_space<vmem>>[vector<16xi32>], vector<16xf32>,
      %add3A_303 = arith.constant 896 : i32
      %add3A_304 = vector.broadcast %add3A_303 : i32 to vector<16xi32>
      %add3A_305 = arith.addi %get3A_193, %add3A_304 : vector<16xi32>
      %gather3A_306 = tpu.vector_load_idx %arg12[%add3A_305] : memref<2048xf32, #tpu.memory_space<vmem>>[vector<16xi32>], vector<16xf32>,
      %add3A_307 = arith.constant 14 : i32
      %add3A_308 = vector.broadcast %add3A_307 : i32 to vector<16xi32>
      %add3A_309 = arith.addi %mul3A_205, %add3A_308 : vector<16xi32>
      tpu.vector_store_idx %arg11[%add3A_309], %gather3A_306 : memref<16384xf32, #tpu.memory_space<vmem>>[vector<16xi32>], vector<16xf32>,
      %add3A_310 = arith.constant 960 : i32
      %add3A_311 = vector.broadcast %add3A_310 : i32 to vector<16xi32>
      %add3A_312 = arith.addi %get3A_193, %add3A_311 : vector<16xi32>
      %gather3A_313 = tpu.vector_load_idx %arg12[%add3A_312] : memref<2048xf32, #tpu.memory_space<vmem>>[vector<16xi32>], vector<16xf32>,
      %add3A_314 = arith.constant 15 : i32
      %add3A_315 = vector.broadcast %add3A_314 : i32 to vector<16xi32>
      %add3A_316 = arith.addi %mul3A_205, %add3A_315 : vector<16xi32>
      tpu.vector_store_idx %arg11[%add3A_316], %gather3A_313 : memref<16384xf32, #tpu.memory_space<vmem>>[vector<16xi32>], vector<16xf32>,
      %add3A_317 = arith.constant 1024 : i32
      %add3A_318 = vector.broadcast %add3A_317 : i32 to vector<16xi32>
      %add3A_319 = arith.addi %get3A_193, %add3A_318 : vector<16xi32>
      %gather3A_320 = tpu.vector_load_idx %arg12[%add3A_319] : memref<2048xf32, #tpu.memory_space<vmem>>[vector<16xi32>], vector<16xf32>,
      %add3A_321 = arith.constant 16 : i32
      %add3A_322 = vector.broadcast %add3A_321 : i32 to vector<16xi32>
      %add3A_323 = arith.addi %mul3A_205, %add3A_322 : vector<16xi32>
      tpu.vector_store_idx %arg11[%add3A_323], %gather3A_320 : memref<16384xf32, #tpu.memory_space<vmem>>[vector<16xi32>], vector<16xf32>,
      %add3A_324 = arith.constant 1088 : i32
      %add3A_325 = vector.broadcast %add3A_324 : i32 to vector<16xi32>
      %add3A_326 = arith.addi %get3A_193, %add3A_325 : vector<16xi32>
      %gather3A_327 = tpu.vector_load_idx %arg12[%add3A_326] : memref<2048xf32, #tpu.memory_space<vmem>>[vector<16xi32>], vector<16xf32>,
      %add3A_328 = arith.constant 17 : i32
      %add3A_329 = vector.broadcast %add3A_328 : i32 to vector<16xi32>
      %add3A_330 = arith.addi %mul3A_205, %add3A_329 : vector<16xi32>
      tpu.vector_store_idx %arg11[%add3A_330], %gather3A_327 : memref<16384xf32, #tpu.memory_space<vmem>>[vector<16xi32>], vector<16xf32>,
      %add3A_331 = arith.constant 1152 : i32
      %add3A_332 = vector.broadcast %add3A_331 : i32 to vector<16xi32>
      %add3A_333 = arith.addi %get3A_193, %add3A_332 : vector<16xi32>
      %gather3A_334 = tpu.vector_load_idx %arg12[%add3A_333] : memref<2048xf32, #tpu.memory_space<vmem>>[vector<16xi32>], vector<16xf32>,
      %add3A_335 = arith.constant 18 : i32
      %add3A_336 = vector.broadcast %add3A_335 : i32 to vector<16xi32>
      %add3A_337 = arith.addi %mul3A_205, %add3A_336 : vector<16xi32>
      tpu.vector_store_idx %arg11[%add3A_337], %gather3A_334 : memref<16384xf32, #tpu.memory_space<vmem>>[vector<16xi32>], vector<16xf32>,
      %add3A_338 = arith.constant 1216 : i32
      %add3A_339 = vector.broadcast %add3A_338 : i32 to vector<16xi32>
      %add3A_340 = arith.addi %get3A_193, %add3A_339 : vector<16xi32>
      %gather3A_341 = tpu.vector_load_idx %arg12[%add3A_340] : memref<2048xf32, #tpu.memory_space<vmem>>[vector<16xi32>], vector<16xf32>,
      %add3A_342 = arith.constant 19 : i32
      %add3A_343 = vector.broadcast %add3A_342 : i32 to vector<16xi32>
      %add3A_344 = arith.addi %mul3A_205, %add3A_343 : vector<16xi32>
      tpu.vector_store_idx %arg11[%add3A_344], %gather3A_341 : memref<16384xf32, #tpu.memory_space<vmem>>[vector<16xi32>], vector<16xf32>,
      %add3A_345 = arith.constant 1280 : i32
      %add3A_346 = vector.broadcast %add3A_345 : i32 to vector<16xi32>
      %add3A_347 = arith.addi %get3A_193, %add3A_346 : vector<16xi32>
      %gather3A_348 = tpu.vector_load_idx %arg12[%add3A_347] : memref<2048xf32, #tpu.memory_space<vmem>>[vector<16xi32>], vector<16xf32>,
      %add3A_349 = arith.constant 20 : i32
      %add3A_350 = vector.broadcast %add3A_349 : i32 to vector<16xi32>
      %add3A_351 = arith.addi %mul3A_205, %add3A_350 : vector<16xi32>
      tpu.vector_store_idx %arg11[%add3A_351], %gather3A_348 : memref<16384xf32, #tpu.memory_space<vmem>>[vector<16xi32>], vector<16xf32>,
      %add3A_352 = arith.constant 1344 : i32
      %add3A_353 = vector.broadcast %add3A_352 : i32 to vector<16xi32>
      %add3A_354 = arith.addi %get3A_193, %add3A_353 : vector<16xi32>
      %gather3A_355 = tpu.vector_load_idx %arg12[%add3A_354] : memref<2048xf32, #tpu.memory_space<vmem>>[vector<16xi32>], vector<16xf32>,
      %add3A_356 = arith.constant 21 : i32
      %add3A_357 = vector.broadcast %add3A_356 : i32 to vector<16xi32>
      %add3A_358 = arith.addi %mul3A_205, %add3A_357 : vector<16xi32>
      tpu.vector_store_idx %arg11[%add3A_358], %gather3A_355 : memref<16384xf32, #tpu.memory_space<vmem>>[vector<16xi32>], vector<16xf32>,
      %add3A_359 = arith.constant 1408 : i32
      %add3A_360 = vector.broadcast %add3A_359 : i32 to vector<16xi32>
      %add3A_361 = arith.addi %get3A_193, %add3A_360 : vector<16xi32>
      %gather3A_362 = tpu.vector_load_idx %arg12[%add3A_361] : memref<2048xf32, #tpu.memory_space<vmem>>[vector<16xi32>], vector<16xf32>,
      %add3A_363 = arith.constant 22 : i32
      %add3A_364 = vector.broadcast %add3A_363 : i32 to vector<16xi32>
      %add3A_365 = arith.addi %mul3A_205, %add3A_364 : vector<16xi32>
      tpu.vector_store_idx %arg11[%add3A_365], %gather3A_362 : memref<16384xf32, #tpu.memory_space<vmem>>[vector<16xi32>], vector<16xf32>,
      %add3A_366 = arith.constant 1472 : i32
      %add3A_367 = vector.broadcast %add3A_366 : i32 to vector<16xi32>
      %add3A_368 = arith.addi %get3A_193, %add3A_367 : vector<16xi32>
      %gather3A_369 = tpu.vector_load_idx %arg12[%add3A_368] : memref<2048xf32, #tpu.memory_space<vmem>>[vector<16xi32>], vector<16xf32>,
      %add3A_370 = arith.constant 23 : i32
      %add3A_371 = vector.broadcast %add3A_370 : i32 to vector<16xi32>
      %add3A_372 = arith.addi %mul3A_205, %add3A_371 : vector<16xi32>
      tpu.vector_store_idx %arg11[%add3A_372], %gather3A_369 : memref<16384xf32, #tpu.memory_space<vmem>>[vector<16xi32>], vector<16xf32>,
      %add3A_373 = arith.constant 1536 : i32
      %add3A_374 = vector.broadcast %add3A_373 : i32 to vector<16xi32>
      %add3A_375 = arith.addi %get3A_193, %add3A_374 : vector<16xi32>
      %gather3A_376 = tpu.vector_load_idx %arg12[%add3A_375] : memref<2048xf32, #tpu.memory_space<vmem>>[vector<16xi32>], vector<16xf32>,
      %add3A_377 = arith.constant 24 : i32
      %add3A_378 = vector.broadcast %add3A_377 : i32 to vector<16xi32>
      %add3A_379 = arith.addi %mul3A_205, %add3A_378 : vector<16xi32>
      tpu.vector_store_idx %arg11[%add3A_379], %gather3A_376 : memref<16384xf32, #tpu.memory_space<vmem>>[vector<16xi32>], vector<16xf32>,
      %add3A_380 = arith.constant 1600 : i32
      %add3A_381 = vector.broadcast %add3A_380 : i32 to vector<16xi32>
      %add3A_382 = arith.addi %get3A_193, %add3A_381 : vector<16xi32>
      %gather3A_383 = tpu.vector_load_idx %arg12[%add3A_382] : memref<2048xf32, #tpu.memory_space<vmem>>[vector<16xi32>], vector<16xf32>,
      %add3A_384 = arith.constant 25 : i32
      %add3A_385 = vector.broadcast %add3A_384 : i32 to vector<16xi32>
      %add3A_386 = arith.addi %mul3A_205, %add3A_385 : vector<16xi32>
      tpu.vector_store_idx %arg11[%add3A_386], %gather3A_383 : memref<16384xf32, #tpu.memory_space<vmem>>[vector<16xi32>], vector<16xf32>,
      %add3A_387 = arith.constant 1664 : i32
      %add3A_388 = vector.broadcast %add3A_387 : i32 to vector<16xi32>
      %add3A_389 = arith.addi %get3A_193, %add3A_388 : vector<16xi32>
      %gather3A_390 = tpu.vector_load_idx %arg12[%add3A_389] : memref<2048xf32, #tpu.memory_space<vmem>>[vector<16xi32>], vector<16xf32>,
      %add3A_391 = arith.constant 26 : i32
      %add3A_392 = vector.broadcast %add3A_391 : i32 to vector<16xi32>
      %add3A_393 = arith.addi %mul3A_205, %add3A_392 : vector<16xi32>
      tpu.vector_store_idx %arg11[%add3A_393], %gather3A_390 : memref<16384xf32, #tpu.memory_space<vmem>>[vector<16xi32>], vector<16xf32>,
      %add3A_394 = arith.constant 1728 : i32
      %add3A_395 = vector.broadcast %add3A_394 : i32 to vector<16xi32>
      %add3A_396 = arith.addi %get3A_193, %add3A_395 : vector<16xi32>
      %gather3A_397 = tpu.vector_load_idx %arg12[%add3A_396] : memref<2048xf32, #tpu.memory_space<vmem>>[vector<16xi32>], vector<16xf32>,
      %add3A_398 = arith.constant 27 : i32
      %add3A_399 = vector.broadcast %add3A_398 : i32 to vector<16xi32>
      %add3A_400 = arith.addi %mul3A_205, %add3A_399 : vector<16xi32>
      tpu.vector_store_idx %arg11[%add3A_400], %gather3A_397 : memref<16384xf32, #tpu.memory_space<vmem>>[vector<16xi32>], vector<16xf32>,
      %add3A_401 = arith.constant 1792 : i32
      %add3A_402 = vector.broadcast %add3A_401 : i32 to vector<16xi32>
      %add3A_403 = arith.addi %get3A_193, %add3A_402 : vector<16xi32>
      %gather3A_404 = tpu.vector_load_idx %arg12[%add3A_403] : memref<2048xf32, #tpu.memory_space<vmem>>[vector<16xi32>], vector<16xf32>,
      %add3A_405 = arith.constant 28 : i32
      %add3A_406 = vector.broadcast %add3A_405 : i32 to vector<16xi32>
      %add3A_407 = arith.addi %mul3A_205, %add3A_406 : vector<16xi32>
      tpu.vector_store_idx %arg11[%add3A_407], %gather3A_404 : memref<16384xf32, #tpu.memory_space<vmem>>[vector<16xi32>], vector<16xf32>,
      %add3A_408 = arith.constant 1856 : i32
      %add3A_409 = vector.broadcast %add3A_408 : i32 to vector<16xi32>
      %add3A_410 = arith.addi %get3A_193, %add3A_409 : vector<16xi32>
      %gather3A_411 = tpu.vector_load_idx %arg12[%add3A_410] : memref<2048xf32, #tpu.memory_space<vmem>>[vector<16xi32>], vector<16xf32>,
      %add3A_412 = arith.constant 29 : i32
      %add3A_413 = vector.broadcast %add3A_412 : i32 to vector<16xi32>
      %add3A_414 = arith.addi %mul3A_205, %add3A_413 : vector<16xi32>
      tpu.vector_store_idx %arg11[%add3A_414], %gather3A_411 : memref<16384xf32, #tpu.memory_space<vmem>>[vector<16xi32>], vector<16xf32>,
      %add3A_415 = arith.constant 1920 : i32
      %add3A_416 = vector.broadcast %add3A_415 : i32 to vector<16xi32>
      %add3A_417 = arith.addi %get3A_193, %add3A_416 : vector<16xi32>
      %gather3A_418 = tpu.vector_load_idx %arg12[%add3A_417] : memref<2048xf32, #tpu.memory_space<vmem>>[vector<16xi32>], vector<16xf32>,
      %add3A_419 = arith.constant 30 : i32
      %add3A_420 = vector.broadcast %add3A_419 : i32 to vector<16xi32>
      %add3A_421 = arith.addi %mul3A_205, %add3A_420 : vector<16xi32>
      tpu.vector_store_idx %arg11[%add3A_421], %gather3A_418 : memref<16384xf32, #tpu.memory_space<vmem>>[vector<16xi32>], vector<16xf32>,
      %add3A_422 = arith.constant 1984 : i32
      %add3A_423 = vector.broadcast %add3A_422 : i32 to vector<16xi32>
      %add3A_424 = arith.addi %get3A_193, %add3A_423 : vector<16xi32>
      %gather3A_425 = tpu.vector_load_idx %arg12[%add3A_424] : memref<2048xf32, #tpu.memory_space<vmem>>[vector<16xi32>], vector<16xf32>,
      %add3A_426 = arith.constant 31 : i32
      %add3A_427 = vector.broadcast %add3A_426 : i32 to vector<16xi32>
      %add3A_428 = arith.addi %mul3A_205, %add3A_427 : vector<16xi32>
      tpu.vector_store_idx %arg11[%add3A_428], %gather3A_425 : memref<16384xf32, #tpu.memory_space<vmem>>[vector<16xi32>], vector<16xf32>,
      %mul3A_429 = arith.constant 16 : i32
      %mul3A_430 = arith.muli %while3A_182, %mul3A_429 : i32
      %add3A_431 = arith.constant 0 : i32
      %add3A_432 = arith.addi %mul3A_430, %add3A_431 : i32
      %lt3A = arith.cmpi slt, %add3A_432, %while3A_126 : i32
      %convert_element_type3A_433 = arith.extui %lt3A : i1 to i32
      %cond3A_434 = arith.constant 0 : i32
      %cond3A_435 = arith.cmpi ne, %convert_element_type3A_433, %cond3A_434 : i32
      scf.if %cond3A_435 {
        %add3A_626 = arith.constant 0 : i32
        %add3A_627 = arith.addi %while3A_183, %add3A_626 : i32
        %rem3A_628 = arith.constant 512 : i32
        %rem3A_629 = arith.remsi %add3A_627, %rem3A_628 : i32
        %mul3A_630 = arith.constant 32 : i32
        %mul3A_631 = arith.muli %rem3A_629, %mul3A_630 : i32
        %slice3A = vector.extract_strided_slice %get3A_197 {offsets = [0], sizes = [1], strides = [1]} : vector<16xi32> to vector<1xi32>
        %squeeze3A = vector.extract %slice3A[0] : i32 from vector<1xi32>
        %mul3A_632 = arith.constant 32 : i32
        %mul3A_633 = arith.muli %squeeze3A, %mul3A_632 : i32
        %dma_start3A_634 = tpu.memref_slice %arg11[%mul3A_631] : memref<16384xf32, #tpu.memory_space<vmem>> -> memref<32xf32, #tpu.memory_space<vmem>>
        %dma_start3A_635 = tpu.memref_slice %arg5[%mul3A_633] : memref<524288xf32, #tpu.memory_space<hbm>> -> memref<32xf32, #tpu.memory_space<hbm>>
        %dma_start3A_636 = tpu.memref_slice %arg5[%mul3A_633] : memref<524288xf32, #tpu.memory_space<hbm>> -> memref<32xf32, #tpu.memory_space<hbm>>
        %dma_start3A_637 = tpu.memref_slice %arg11[%mul3A_631] : memref<16384xf32, #tpu.memory_space<vmem>> -> memref<32xf32, #tpu.memory_space<vmem>>
        tpu.enqueue_dma source(%dma_start3A_637 : memref<32xf32, #tpu.memory_space<vmem>>) target(%dma_start3A_636 : memref<32xf32, #tpu.memory_space<hbm>>) target_semaphore(%arg15 : memref<!tpu.dma_semaphore, #tpu.memory_space<semaphore_mem>>)
      } else {
      }
      %jit3A_436 = arith.constant 128 : i32
      %jit3A_437 = arith.constant 0 : i32
      %select_n3A_438 = arith.select %lt3A, %jit3A_436, %jit3A_437 : i32
      %add3A_439 = arith.addi %sub3A_190, %select_n3A_438 : i32
      %mul3A_440 = arith.constant 16 : i32
      %mul3A_441 = arith.muli %while3A_182, %mul3A_440 : i32
      %add3A_442 = arith.constant 1 : i32
      %add3A_443 = arith.addi %mul3A_441, %add3A_442 : i32
      %lt3A_444 = arith.cmpi slt, %add3A_443, %while3A_126 : i32
      %convert_element_type3A_445 = arith.extui %lt3A_444 : i1 to i32
      %cond3A_446 = arith.constant 0 : i32
      %cond3A_447 = arith.cmpi ne, %convert_element_type3A_445, %cond3A_446 : i32
      scf.if %cond3A_447 {
        %add3A_626 = arith.constant 1 : i32
        %add3A_627 = arith.addi %while3A_183, %add3A_626 : i32
        %rem3A_628 = arith.constant 512 : i32
        %rem3A_629 = arith.remsi %add3A_627, %rem3A_628 : i32
        %mul3A_630 = arith.constant 32 : i32
        %mul3A_631 = arith.muli %rem3A_629, %mul3A_630 : i32
        %slice3A = vector.extract_strided_slice %get3A_197 {offsets = [1], sizes = [1], strides = [1]} : vector<16xi32> to vector<1xi32>
        %squeeze3A = vector.extract %slice3A[0] : i32 from vector<1xi32>
        %mul3A_632 = arith.constant 32 : i32
        %mul3A_633 = arith.muli %squeeze3A, %mul3A_632 : i32
        %dma_start3A_634 = tpu.memref_slice %arg11[%mul3A_631] : memref<16384xf32, #tpu.memory_space<vmem>> -> memref<32xf32, #tpu.memory_space<vmem>>
        %dma_start3A_635 = tpu.memref_slice %arg5[%mul3A_633] : memref<524288xf32, #tpu.memory_space<hbm>> -> memref<32xf32, #tpu.memory_space<hbm>>
        %dma_start3A_636 = tpu.memref_slice %arg5[%mul3A_633] : memref<524288xf32, #tpu.memory_space<hbm>> -> memref<32xf32, #tpu.memory_space<hbm>>
        %dma_start3A_637 = tpu.memref_slice %arg11[%mul3A_631] : memref<16384xf32, #tpu.memory_space<vmem>> -> memref<32xf32, #tpu.memory_space<vmem>>
        tpu.enqueue_dma source(%dma_start3A_637 : memref<32xf32, #tpu.memory_space<vmem>>) target(%dma_start3A_636 : memref<32xf32, #tpu.memory_space<hbm>>) target_semaphore(%arg15 : memref<!tpu.dma_semaphore, #tpu.memory_space<semaphore_mem>>)
      } else {
      }
      %jit3A_448 = arith.constant 128 : i32
      %jit3A_449 = arith.constant 0 : i32
      %select_n3A_450 = arith.select %lt3A_444, %jit3A_448, %jit3A_449 : i32
      %add3A_451 = arith.addi %add3A_439, %select_n3A_450 : i32
      %mul3A_452 = arith.constant 16 : i32
      %mul3A_453 = arith.muli %while3A_182, %mul3A_452 : i32
      %add3A_454 = arith.constant 2 : i32
      %add3A_455 = arith.addi %mul3A_453, %add3A_454 : i32
      %lt3A_456 = arith.cmpi slt, %add3A_455, %while3A_126 : i32
      %convert_element_type3A_457 = arith.extui %lt3A_456 : i1 to i32
      %cond3A_458 = arith.constant 0 : i32
      %cond3A_459 = arith.cmpi ne, %convert_element_type3A_457, %cond3A_458 : i32
      scf.if %cond3A_459 {
        %add3A_626 = arith.constant 2 : i32
        %add3A_627 = arith.addi %while3A_183, %add3A_626 : i32
        %rem3A_628 = arith.constant 512 : i32
        %rem3A_629 = arith.remsi %add3A_627, %rem3A_628 : i32
        %mul3A_630 = arith.constant 32 : i32
        %mul3A_631 = arith.muli %rem3A_629, %mul3A_630 : i32
        %slice3A = vector.extract_strided_slice %get3A_197 {offsets = [2], sizes = [1], strides = [1]} : vector<16xi32> to vector<1xi32>
        %squeeze3A = vector.extract %slice3A[0] : i32 from vector<1xi32>
        %mul3A_632 = arith.constant 32 : i32
        %mul3A_633 = arith.muli %squeeze3A, %mul3A_632 : i32
        %dma_start3A_634 = tpu.memref_slice %arg11[%mul3A_631] : memref<16384xf32, #tpu.memory_space<vmem>> -> memref<32xf32, #tpu.memory_space<vmem>>
        %dma_start3A_635 = tpu.memref_slice %arg5[%mul3A_633] : memref<524288xf32, #tpu.memory_space<hbm>> -> memref<32xf32, #tpu.memory_space<hbm>>
        %dma_start3A_636 = tpu.memref_slice %arg5[%mul3A_633] : memref<524288xf32, #tpu.memory_space<hbm>> -> memref<32xf32, #tpu.memory_space<hbm>>
        %dma_start3A_637 = tpu.memref_slice %arg11[%mul3A_631] : memref<16384xf32, #tpu.memory_space<vmem>> -> memref<32xf32, #tpu.memory_space<vmem>>
        tpu.enqueue_dma source(%dma_start3A_637 : memref<32xf32, #tpu.memory_space<vmem>>) target(%dma_start3A_636 : memref<32xf32, #tpu.memory_space<hbm>>) target_semaphore(%arg15 : memref<!tpu.dma_semaphore, #tpu.memory_space<semaphore_mem>>)
      } else {
      }
      %jit3A_460 = arith.constant 128 : i32
      %jit3A_461 = arith.constant 0 : i32
      %select_n3A_462 = arith.select %lt3A_456, %jit3A_460, %jit3A_461 : i32
      %add3A_463 = arith.addi %add3A_451, %select_n3A_462 : i32
      %mul3A_464 = arith.constant 16 : i32
      %mul3A_465 = arith.muli %while3A_182, %mul3A_464 : i32
      %add3A_466 = arith.constant 3 : i32
      %add3A_467 = arith.addi %mul3A_465, %add3A_466 : i32
      %lt3A_468 = arith.cmpi slt, %add3A_467, %while3A_126 : i32
      %convert_element_type3A_469 = arith.extui %lt3A_468 : i1 to i32
      %cond3A_470 = arith.constant 0 : i32
      %cond3A_471 = arith.cmpi ne, %convert_element_type3A_469, %cond3A_470 : i32
      scf.if %cond3A_471 {
        %add3A_626 = arith.constant 3 : i32
        %add3A_627 = arith.addi %while3A_183, %add3A_626 : i32
        %rem3A_628 = arith.constant 512 : i32
        %rem3A_629 = arith.remsi %add3A_627, %rem3A_628 : i32
        %mul3A_630 = arith.constant 32 : i32
        %mul3A_631 = arith.muli %rem3A_629, %mul3A_630 : i32
        %slice3A = vector.extract_strided_slice %get3A_197 {offsets = [3], sizes = [1], strides = [1]} : vector<16xi32> to vector<1xi32>
        %squeeze3A = vector.extract %slice3A[0] : i32 from vector<1xi32>
        %mul3A_632 = arith.constant 32 : i32
        %mul3A_633 = arith.muli %squeeze3A, %mul3A_632 : i32
        %dma_start3A_634 = tpu.memref_slice %arg11[%mul3A_631] : memref<16384xf32, #tpu.memory_space<vmem>> -> memref<32xf32, #tpu.memory_space<vmem>>
        %dma_start3A_635 = tpu.memref_slice %arg5[%mul3A_633] : memref<524288xf32, #tpu.memory_space<hbm>> -> memref<32xf32, #tpu.memory_space<hbm>>
        %dma_start3A_636 = tpu.memref_slice %arg5[%mul3A_633] : memref<524288xf32, #tpu.memory_space<hbm>> -> memref<32xf32, #tpu.memory_space<hbm>>
        %dma_start3A_637 = tpu.memref_slice %arg11[%mul3A_631] : memref<16384xf32, #tpu.memory_space<vmem>> -> memref<32xf32, #tpu.memory_space<vmem>>
        tpu.enqueue_dma source(%dma_start3A_637 : memref<32xf32, #tpu.memory_space<vmem>>) target(%dma_start3A_636 : memref<32xf32, #tpu.memory_space<hbm>>) target_semaphore(%arg15 : memref<!tpu.dma_semaphore, #tpu.memory_space<semaphore_mem>>)
      } else {
      }
      %jit3A_472 = arith.constant 128 : i32
      %jit3A_473 = arith.constant 0 : i32
      %select_n3A_474 = arith.select %lt3A_468, %jit3A_472, %jit3A_473 : i32
      %add3A_475 = arith.addi %add3A_463, %select_n3A_474 : i32
      %mul3A_476 = arith.constant 16 : i32
      %mul3A_477 = arith.muli %while3A_182, %mul3A_476 : i32
      %add3A_478 = arith.constant 4 : i32
      %add3A_479 = arith.addi %mul3A_477, %add3A_478 : i32
      %lt3A_480 = arith.cmpi slt, %add3A_479, %while3A_126 : i32
      %convert_element_type3A_481 = arith.extui %lt3A_480 : i1 to i32
      %cond3A_482 = arith.constant 0 : i32
      %cond3A_483 = arith.cmpi ne, %convert_element_type3A_481, %cond3A_482 : i32
      scf.if %cond3A_483 {
        %add3A_626 = arith.constant 4 : i32
        %add3A_627 = arith.addi %while3A_183, %add3A_626 : i32
        %rem3A_628 = arith.constant 512 : i32
        %rem3A_629 = arith.remsi %add3A_627, %rem3A_628 : i32
        %mul3A_630 = arith.constant 32 : i32
        %mul3A_631 = arith.muli %rem3A_629, %mul3A_630 : i32
        %slice3A = vector.extract_strided_slice %get3A_197 {offsets = [4], sizes = [1], strides = [1]} : vector<16xi32> to vector<1xi32>
        %squeeze3A = vector.extract %slice3A[0] : i32 from vector<1xi32>
        %mul3A_632 = arith.constant 32 : i32
        %mul3A_633 = arith.muli %squeeze3A, %mul3A_632 : i32
        %dma_start3A_634 = tpu.memref_slice %arg11[%mul3A_631] : memref<16384xf32, #tpu.memory_space<vmem>> -> memref<32xf32, #tpu.memory_space<vmem>>
        %dma_start3A_635 = tpu.memref_slice %arg5[%mul3A_633] : memref<524288xf32, #tpu.memory_space<hbm>> -> memref<32xf32, #tpu.memory_space<hbm>>
        %dma_start3A_636 = tpu.memref_slice %arg5[%mul3A_633] : memref<524288xf32, #tpu.memory_space<hbm>> -> memref<32xf32, #tpu.memory_space<hbm>>
        %dma_start3A_637 = tpu.memref_slice %arg11[%mul3A_631] : memref<16384xf32, #tpu.memory_space<vmem>> -> memref<32xf32, #tpu.memory_space<vmem>>
        tpu.enqueue_dma source(%dma_start3A_637 : memref<32xf32, #tpu.memory_space<vmem>>) target(%dma_start3A_636 : memref<32xf32, #tpu.memory_space<hbm>>) target_semaphore(%arg15 : memref<!tpu.dma_semaphore, #tpu.memory_space<semaphore_mem>>)
      } else {
      }
      %jit3A_484 = arith.constant 128 : i32
      %jit3A_485 = arith.constant 0 : i32
      %select_n3A_486 = arith.select %lt3A_480, %jit3A_484, %jit3A_485 : i32
      %add3A_487 = arith.addi %add3A_475, %select_n3A_486 : i32
      %mul3A_488 = arith.constant 16 : i32
      %mul3A_489 = arith.muli %while3A_182, %mul3A_488 : i32
      %add3A_490 = arith.constant 5 : i32
      %add3A_491 = arith.addi %mul3A_489, %add3A_490 : i32
      %lt3A_492 = arith.cmpi slt, %add3A_491, %while3A_126 : i32
      %convert_element_type3A_493 = arith.extui %lt3A_492 : i1 to i32
      %cond3A_494 = arith.constant 0 : i32
      %cond3A_495 = arith.cmpi ne, %convert_element_type3A_493, %cond3A_494 : i32
      scf.if %cond3A_495 {
        %add3A_626 = arith.constant 5 : i32
        %add3A_627 = arith.addi %while3A_183, %add3A_626 : i32
        %rem3A_628 = arith.constant 512 : i32
        %rem3A_629 = arith.remsi %add3A_627, %rem3A_628 : i32
        %mul3A_630 = arith.constant 32 : i32
        %mul3A_631 = arith.muli %rem3A_629, %mul3A_630 : i32
        %slice3A = vector.extract_strided_slice %get3A_197 {offsets = [5], sizes = [1], strides = [1]} : vector<16xi32> to vector<1xi32>
        %squeeze3A = vector.extract %slice3A[0] : i32 from vector<1xi32>
        %mul3A_632 = arith.constant 32 : i32
        %mul3A_633 = arith.muli %squeeze3A, %mul3A_632 : i32
        %dma_start3A_634 = tpu.memref_slice %arg11[%mul3A_631] : memref<16384xf32, #tpu.memory_space<vmem>> -> memref<32xf32, #tpu.memory_space<vmem>>
        %dma_start3A_635 = tpu.memref_slice %arg5[%mul3A_633] : memref<524288xf32, #tpu.memory_space<hbm>> -> memref<32xf32, #tpu.memory_space<hbm>>
        %dma_start3A_636 = tpu.memref_slice %arg5[%mul3A_633] : memref<524288xf32, #tpu.memory_space<hbm>> -> memref<32xf32, #tpu.memory_space<hbm>>
        %dma_start3A_637 = tpu.memref_slice %arg11[%mul3A_631] : memref<16384xf32, #tpu.memory_space<vmem>> -> memref<32xf32, #tpu.memory_space<vmem>>
        tpu.enqueue_dma source(%dma_start3A_637 : memref<32xf32, #tpu.memory_space<vmem>>) target(%dma_start3A_636 : memref<32xf32, #tpu.memory_space<hbm>>) target_semaphore(%arg15 : memref<!tpu.dma_semaphore, #tpu.memory_space<semaphore_mem>>)
      } else {
      }
      %jit3A_496 = arith.constant 128 : i32
      %jit3A_497 = arith.constant 0 : i32
      %select_n3A_498 = arith.select %lt3A_492, %jit3A_496, %jit3A_497 : i32
      %add3A_499 = arith.addi %add3A_487, %select_n3A_498 : i32
      %mul3A_500 = arith.constant 16 : i32
      %mul3A_501 = arith.muli %while3A_182, %mul3A_500 : i32
      %add3A_502 = arith.constant 6 : i32
      %add3A_503 = arith.addi %mul3A_501, %add3A_502 : i32
      %lt3A_504 = arith.cmpi slt, %add3A_503, %while3A_126 : i32
      %convert_element_type3A_505 = arith.extui %lt3A_504 : i1 to i32
      %cond3A_506 = arith.constant 0 : i32
      %cond3A_507 = arith.cmpi ne, %convert_element_type3A_505, %cond3A_506 : i32
      scf.if %cond3A_507 {
        %add3A_626 = arith.constant 6 : i32
        %add3A_627 = arith.addi %while3A_183, %add3A_626 : i32
        %rem3A_628 = arith.constant 512 : i32
        %rem3A_629 = arith.remsi %add3A_627, %rem3A_628 : i32
        %mul3A_630 = arith.constant 32 : i32
        %mul3A_631 = arith.muli %rem3A_629, %mul3A_630 : i32
        %slice3A = vector.extract_strided_slice %get3A_197 {offsets = [6], sizes = [1], strides = [1]} : vector<16xi32> to vector<1xi32>
        %squeeze3A = vector.extract %slice3A[0] : i32 from vector<1xi32>
        %mul3A_632 = arith.constant 32 : i32
        %mul3A_633 = arith.muli %squeeze3A, %mul3A_632 : i32
        %dma_start3A_634 = tpu.memref_slice %arg11[%mul3A_631] : memref<16384xf32, #tpu.memory_space<vmem>> -> memref<32xf32, #tpu.memory_space<vmem>>
        %dma_start3A_635 = tpu.memref_slice %arg5[%mul3A_633] : memref<524288xf32, #tpu.memory_space<hbm>> -> memref<32xf32, #tpu.memory_space<hbm>>
        %dma_start3A_636 = tpu.memref_slice %arg5[%mul3A_633] : memref<524288xf32, #tpu.memory_space<hbm>> -> memref<32xf32, #tpu.memory_space<hbm>>
        %dma_start3A_637 = tpu.memref_slice %arg11[%mul3A_631] : memref<16384xf32, #tpu.memory_space<vmem>> -> memref<32xf32, #tpu.memory_space<vmem>>
        tpu.enqueue_dma source(%dma_start3A_637 : memref<32xf32, #tpu.memory_space<vmem>>) target(%dma_start3A_636 : memref<32xf32, #tpu.memory_space<hbm>>) target_semaphore(%arg15 : memref<!tpu.dma_semaphore, #tpu.memory_space<semaphore_mem>>)
      } else {
      }
      %jit3A_508 = arith.constant 128 : i32
      %jit3A_509 = arith.constant 0 : i32
      %select_n3A_510 = arith.select %lt3A_504, %jit3A_508, %jit3A_509 : i32
      %add3A_511 = arith.addi %add3A_499, %select_n3A_510 : i32
      %mul3A_512 = arith.constant 16 : i32
      %mul3A_513 = arith.muli %while3A_182, %mul3A_512 : i32
      %add3A_514 = arith.constant 7 : i32
      %add3A_515 = arith.addi %mul3A_513, %add3A_514 : i32
      %lt3A_516 = arith.cmpi slt, %add3A_515, %while3A_126 : i32
      %convert_element_type3A_517 = arith.extui %lt3A_516 : i1 to i32
      %cond3A_518 = arith.constant 0 : i32
      %cond3A_519 = arith.cmpi ne, %convert_element_type3A_517, %cond3A_518 : i32
      scf.if %cond3A_519 {
        %add3A_626 = arith.constant 7 : i32
        %add3A_627 = arith.addi %while3A_183, %add3A_626 : i32
        %rem3A_628 = arith.constant 512 : i32
        %rem3A_629 = arith.remsi %add3A_627, %rem3A_628 : i32
        %mul3A_630 = arith.constant 32 : i32
        %mul3A_631 = arith.muli %rem3A_629, %mul3A_630 : i32
        %slice3A = vector.extract_strided_slice %get3A_197 {offsets = [7], sizes = [1], strides = [1]} : vector<16xi32> to vector<1xi32>
        %squeeze3A = vector.extract %slice3A[0] : i32 from vector<1xi32>
        %mul3A_632 = arith.constant 32 : i32
        %mul3A_633 = arith.muli %squeeze3A, %mul3A_632 : i32
        %dma_start3A_634 = tpu.memref_slice %arg11[%mul3A_631] : memref<16384xf32, #tpu.memory_space<vmem>> -> memref<32xf32, #tpu.memory_space<vmem>>
        %dma_start3A_635 = tpu.memref_slice %arg5[%mul3A_633] : memref<524288xf32, #tpu.memory_space<hbm>> -> memref<32xf32, #tpu.memory_space<hbm>>
        %dma_start3A_636 = tpu.memref_slice %arg5[%mul3A_633] : memref<524288xf32, #tpu.memory_space<hbm>> -> memref<32xf32, #tpu.memory_space<hbm>>
        %dma_start3A_637 = tpu.memref_slice %arg11[%mul3A_631] : memref<16384xf32, #tpu.memory_space<vmem>> -> memref<32xf32, #tpu.memory_space<vmem>>
        tpu.enqueue_dma source(%dma_start3A_637 : memref<32xf32, #tpu.memory_space<vmem>>) target(%dma_start3A_636 : memref<32xf32, #tpu.memory_space<hbm>>) target_semaphore(%arg15 : memref<!tpu.dma_semaphore, #tpu.memory_space<semaphore_mem>>)
      } else {
      }
      %jit3A_520 = arith.constant 128 : i32
      %jit3A_521 = arith.constant 0 : i32
      %select_n3A_522 = arith.select %lt3A_516, %jit3A_520, %jit3A_521 : i32
      %add3A_523 = arith.addi %add3A_511, %select_n3A_522 : i32
      %mul3A_524 = arith.constant 16 : i32
      %mul3A_525 = arith.muli %while3A_182, %mul3A_524 : i32
      %add3A_526 = arith.constant 8 : i32
      %add3A_527 = arith.addi %mul3A_525, %add3A_526 : i32
      %lt3A_528 = arith.cmpi slt, %add3A_527, %while3A_126 : i32
      %convert_element_type3A_529 = arith.extui %lt3A_528 : i1 to i32
      %cond3A_530 = arith.constant 0 : i32
      %cond3A_531 = arith.cmpi ne, %convert_element_type3A_529, %cond3A_530 : i32
      scf.if %cond3A_531 {
        %add3A_626 = arith.constant 8 : i32
        %add3A_627 = arith.addi %while3A_183, %add3A_626 : i32
        %rem3A_628 = arith.constant 512 : i32
        %rem3A_629 = arith.remsi %add3A_627, %rem3A_628 : i32
        %mul3A_630 = arith.constant 32 : i32
        %mul3A_631 = arith.muli %rem3A_629, %mul3A_630 : i32
        %slice3A = vector.extract_strided_slice %get3A_197 {offsets = [8], sizes = [1], strides = [1]} : vector<16xi32> to vector<1xi32>
        %squeeze3A = vector.extract %slice3A[0] : i32 from vector<1xi32>
        %mul3A_632 = arith.constant 32 : i32
        %mul3A_633 = arith.muli %squeeze3A, %mul3A_632 : i32
        %dma_start3A_634 = tpu.memref_slice %arg11[%mul3A_631] : memref<16384xf32, #tpu.memory_space<vmem>> -> memref<32xf32, #tpu.memory_space<vmem>>
        %dma_start3A_635 = tpu.memref_slice %arg5[%mul3A_633] : memref<524288xf32, #tpu.memory_space<hbm>> -> memref<32xf32, #tpu.memory_space<hbm>>
        %dma_start3A_636 = tpu.memref_slice %arg5[%mul3A_633] : memref<524288xf32, #tpu.memory_space<hbm>> -> memref<32xf32, #tpu.memory_space<hbm>>
        %dma_start3A_637 = tpu.memref_slice %arg11[%mul3A_631] : memref<16384xf32, #tpu.memory_space<vmem>> -> memref<32xf32, #tpu.memory_space<vmem>>
        tpu.enqueue_dma source(%dma_start3A_637 : memref<32xf32, #tpu.memory_space<vmem>>) target(%dma_start3A_636 : memref<32xf32, #tpu.memory_space<hbm>>) target_semaphore(%arg15 : memref<!tpu.dma_semaphore, #tpu.memory_space<semaphore_mem>>)
      } else {
      }
      %jit3A_532 = arith.constant 128 : i32
      %jit3A_533 = arith.constant 0 : i32
      %select_n3A_534 = arith.select %lt3A_528, %jit3A_532, %jit3A_533 : i32
      %add3A_535 = arith.addi %add3A_523, %select_n3A_534 : i32
      %mul3A_536 = arith.constant 16 : i32
      %mul3A_537 = arith.muli %while3A_182, %mul3A_536 : i32
      %add3A_538 = arith.constant 9 : i32
      %add3A_539 = arith.addi %mul3A_537, %add3A_538 : i32
      %lt3A_540 = arith.cmpi slt, %add3A_539, %while3A_126 : i32
      %convert_element_type3A_541 = arith.extui %lt3A_540 : i1 to i32
      %cond3A_542 = arith.constant 0 : i32
      %cond3A_543 = arith.cmpi ne, %convert_element_type3A_541, %cond3A_542 : i32
      scf.if %cond3A_543 {
        %add3A_626 = arith.constant 9 : i32
        %add3A_627 = arith.addi %while3A_183, %add3A_626 : i32
        %rem3A_628 = arith.constant 512 : i32
        %rem3A_629 = arith.remsi %add3A_627, %rem3A_628 : i32
        %mul3A_630 = arith.constant 32 : i32
        %mul3A_631 = arith.muli %rem3A_629, %mul3A_630 : i32
        %slice3A = vector.extract_strided_slice %get3A_197 {offsets = [9], sizes = [1], strides = [1]} : vector<16xi32> to vector<1xi32>
        %squeeze3A = vector.extract %slice3A[0] : i32 from vector<1xi32>
        %mul3A_632 = arith.constant 32 : i32
        %mul3A_633 = arith.muli %squeeze3A, %mul3A_632 : i32
        %dma_start3A_634 = tpu.memref_slice %arg11[%mul3A_631] : memref<16384xf32, #tpu.memory_space<vmem>> -> memref<32xf32, #tpu.memory_space<vmem>>
        %dma_start3A_635 = tpu.memref_slice %arg5[%mul3A_633] : memref<524288xf32, #tpu.memory_space<hbm>> -> memref<32xf32, #tpu.memory_space<hbm>>
        %dma_start3A_636 = tpu.memref_slice %arg5[%mul3A_633] : memref<524288xf32, #tpu.memory_space<hbm>> -> memref<32xf32, #tpu.memory_space<hbm>>
        %dma_start3A_637 = tpu.memref_slice %arg11[%mul3A_631] : memref<16384xf32, #tpu.memory_space<vmem>> -> memref<32xf32, #tpu.memory_space<vmem>>
        tpu.enqueue_dma source(%dma_start3A_637 : memref<32xf32, #tpu.memory_space<vmem>>) target(%dma_start3A_636 : memref<32xf32, #tpu.memory_space<hbm>>) target_semaphore(%arg15 : memref<!tpu.dma_semaphore, #tpu.memory_space<semaphore_mem>>)
      } else {
      }
      %jit3A_544 = arith.constant 128 : i32
      %jit3A_545 = arith.constant 0 : i32
      %select_n3A_546 = arith.select %lt3A_540, %jit3A_544, %jit3A_545 : i32
      %add3A_547 = arith.addi %add3A_535, %select_n3A_546 : i32
      %mul3A_548 = arith.constant 16 : i32
      %mul3A_549 = arith.muli %while3A_182, %mul3A_548 : i32
      %add3A_550 = arith.constant 10 : i32
      %add3A_551 = arith.addi %mul3A_549, %add3A_550 : i32
      %lt3A_552 = arith.cmpi slt, %add3A_551, %while3A_126 : i32
      %convert_element_type3A_553 = arith.extui %lt3A_552 : i1 to i32
      %cond3A_554 = arith.constant 0 : i32
      %cond3A_555 = arith.cmpi ne, %convert_element_type3A_553, %cond3A_554 : i32
      scf.if %cond3A_555 {
        %add3A_626 = arith.constant 10 : i32
        %add3A_627 = arith.addi %while3A_183, %add3A_626 : i32
        %rem3A_628 = arith.constant 512 : i32
        %rem3A_629 = arith.remsi %add3A_627, %rem3A_628 : i32
        %mul3A_630 = arith.constant 32 : i32
        %mul3A_631 = arith.muli %rem3A_629, %mul3A_630 : i32
        %slice3A = vector.extract_strided_slice %get3A_197 {offsets = [10], sizes = [1], strides = [1]} : vector<16xi32> to vector<1xi32>
        %squeeze3A = vector.extract %slice3A[0] : i32 from vector<1xi32>
        %mul3A_632 = arith.constant 32 : i32
        %mul3A_633 = arith.muli %squeeze3A, %mul3A_632 : i32
        %dma_start3A_634 = tpu.memref_slice %arg11[%mul3A_631] : memref<16384xf32, #tpu.memory_space<vmem>> -> memref<32xf32, #tpu.memory_space<vmem>>
        %dma_start3A_635 = tpu.memref_slice %arg5[%mul3A_633] : memref<524288xf32, #tpu.memory_space<hbm>> -> memref<32xf32, #tpu.memory_space<hbm>>
        %dma_start3A_636 = tpu.memref_slice %arg5[%mul3A_633] : memref<524288xf32, #tpu.memory_space<hbm>> -> memref<32xf32, #tpu.memory_space<hbm>>
        %dma_start3A_637 = tpu.memref_slice %arg11[%mul3A_631] : memref<16384xf32, #tpu.memory_space<vmem>> -> memref<32xf32, #tpu.memory_space<vmem>>
        tpu.enqueue_dma source(%dma_start3A_637 : memref<32xf32, #tpu.memory_space<vmem>>) target(%dma_start3A_636 : memref<32xf32, #tpu.memory_space<hbm>>) target_semaphore(%arg15 : memref<!tpu.dma_semaphore, #tpu.memory_space<semaphore_mem>>)
      } else {
      }
      %jit3A_556 = arith.constant 128 : i32
      %jit3A_557 = arith.constant 0 : i32
      %select_n3A_558 = arith.select %lt3A_552, %jit3A_556, %jit3A_557 : i32
      %add3A_559 = arith.addi %add3A_547, %select_n3A_558 : i32
      %mul3A_560 = arith.constant 16 : i32
      %mul3A_561 = arith.muli %while3A_182, %mul3A_560 : i32
      %add3A_562 = arith.constant 11 : i32
      %add3A_563 = arith.addi %mul3A_561, %add3A_562 : i32
      %lt3A_564 = arith.cmpi slt, %add3A_563, %while3A_126 : i32
      %convert_element_type3A_565 = arith.extui %lt3A_564 : i1 to i32
      %cond3A_566 = arith.constant 0 : i32
      %cond3A_567 = arith.cmpi ne, %convert_element_type3A_565, %cond3A_566 : i32
      scf.if %cond3A_567 {
        %add3A_626 = arith.constant 11 : i32
        %add3A_627 = arith.addi %while3A_183, %add3A_626 : i32
        %rem3A_628 = arith.constant 512 : i32
        %rem3A_629 = arith.remsi %add3A_627, %rem3A_628 : i32
        %mul3A_630 = arith.constant 32 : i32
        %mul3A_631 = arith.muli %rem3A_629, %mul3A_630 : i32
        %slice3A = vector.extract_strided_slice %get3A_197 {offsets = [11], sizes = [1], strides = [1]} : vector<16xi32> to vector<1xi32>
        %squeeze3A = vector.extract %slice3A[0] : i32 from vector<1xi32>
        %mul3A_632 = arith.constant 32 : i32
        %mul3A_633 = arith.muli %squeeze3A, %mul3A_632 : i32
        %dma_start3A_634 = tpu.memref_slice %arg11[%mul3A_631] : memref<16384xf32, #tpu.memory_space<vmem>> -> memref<32xf32, #tpu.memory_space<vmem>>
        %dma_start3A_635 = tpu.memref_slice %arg5[%mul3A_633] : memref<524288xf32, #tpu.memory_space<hbm>> -> memref<32xf32, #tpu.memory_space<hbm>>
        %dma_start3A_636 = tpu.memref_slice %arg5[%mul3A_633] : memref<524288xf32, #tpu.memory_space<hbm>> -> memref<32xf32, #tpu.memory_space<hbm>>
        %dma_start3A_637 = tpu.memref_slice %arg11[%mul3A_631] : memref<16384xf32, #tpu.memory_space<vmem>> -> memref<32xf32, #tpu.memory_space<vmem>>
        tpu.enqueue_dma source(%dma_start3A_637 : memref<32xf32, #tpu.memory_space<vmem>>) target(%dma_start3A_636 : memref<32xf32, #tpu.memory_space<hbm>>) target_semaphore(%arg15 : memref<!tpu.dma_semaphore, #tpu.memory_space<semaphore_mem>>)
      } else {
      }
      %jit3A_568 = arith.constant 128 : i32
      %jit3A_569 = arith.constant 0 : i32
      %select_n3A_570 = arith.select %lt3A_564, %jit3A_568, %jit3A_569 : i32
      %add3A_571 = arith.addi %add3A_559, %select_n3A_570 : i32
      %mul3A_572 = arith.constant 16 : i32
      %mul3A_573 = arith.muli %while3A_182, %mul3A_572 : i32
      %add3A_574 = arith.constant 12 : i32
      %add3A_575 = arith.addi %mul3A_573, %add3A_574 : i32
      %lt3A_576 = arith.cmpi slt, %add3A_575, %while3A_126 : i32
      %convert_element_type3A_577 = arith.extui %lt3A_576 : i1 to i32
      %cond3A_578 = arith.constant 0 : i32
      %cond3A_579 = arith.cmpi ne, %convert_element_type3A_577, %cond3A_578 : i32
      scf.if %cond3A_579 {
        %add3A_626 = arith.constant 12 : i32
        %add3A_627 = arith.addi %while3A_183, %add3A_626 : i32
        %rem3A_628 = arith.constant 512 : i32
        %rem3A_629 = arith.remsi %add3A_627, %rem3A_628 : i32
        %mul3A_630 = arith.constant 32 : i32
        %mul3A_631 = arith.muli %rem3A_629, %mul3A_630 : i32
        %slice3A = vector.extract_strided_slice %get3A_197 {offsets = [12], sizes = [1], strides = [1]} : vector<16xi32> to vector<1xi32>
        %squeeze3A = vector.extract %slice3A[0] : i32 from vector<1xi32>
        %mul3A_632 = arith.constant 32 : i32
        %mul3A_633 = arith.muli %squeeze3A, %mul3A_632 : i32
        %dma_start3A_634 = tpu.memref_slice %arg11[%mul3A_631] : memref<16384xf32, #tpu.memory_space<vmem>> -> memref<32xf32, #tpu.memory_space<vmem>>
        %dma_start3A_635 = tpu.memref_slice %arg5[%mul3A_633] : memref<524288xf32, #tpu.memory_space<hbm>> -> memref<32xf32, #tpu.memory_space<hbm>>
        %dma_start3A_636 = tpu.memref_slice %arg5[%mul3A_633] : memref<524288xf32, #tpu.memory_space<hbm>> -> memref<32xf32, #tpu.memory_space<hbm>>
        %dma_start3A_637 = tpu.memref_slice %arg11[%mul3A_631] : memref<16384xf32, #tpu.memory_space<vmem>> -> memref<32xf32, #tpu.memory_space<vmem>>
        tpu.enqueue_dma source(%dma_start3A_637 : memref<32xf32, #tpu.memory_space<vmem>>) target(%dma_start3A_636 : memref<32xf32, #tpu.memory_space<hbm>>) target_semaphore(%arg15 : memref<!tpu.dma_semaphore, #tpu.memory_space<semaphore_mem>>)
      } else {
      }
      %jit3A_580 = arith.constant 128 : i32
      %jit3A_581 = arith.constant 0 : i32
      %select_n3A_582 = arith.select %lt3A_576, %jit3A_580, %jit3A_581 : i32
      %add3A_583 = arith.addi %add3A_571, %select_n3A_582 : i32
      %mul3A_584 = arith.constant 16 : i32
      %mul3A_585 = arith.muli %while3A_182, %mul3A_584 : i32
      %add3A_586 = arith.constant 13 : i32
      %add3A_587 = arith.addi %mul3A_585, %add3A_586 : i32
      %lt3A_588 = arith.cmpi slt, %add3A_587, %while3A_126 : i32
      %convert_element_type3A_589 = arith.extui %lt3A_588 : i1 to i32
      %cond3A_590 = arith.constant 0 : i32
      %cond3A_591 = arith.cmpi ne, %convert_element_type3A_589, %cond3A_590 : i32
      scf.if %cond3A_591 {
        %add3A_626 = arith.constant 13 : i32
        %add3A_627 = arith.addi %while3A_183, %add3A_626 : i32
        %rem3A_628 = arith.constant 512 : i32
        %rem3A_629 = arith.remsi %add3A_627, %rem3A_628 : i32
        %mul3A_630 = arith.constant 32 : i32
        %mul3A_631 = arith.muli %rem3A_629, %mul3A_630 : i32
        %slice3A = vector.extract_strided_slice %get3A_197 {offsets = [13], sizes = [1], strides = [1]} : vector<16xi32> to vector<1xi32>
        %squeeze3A = vector.extract %slice3A[0] : i32 from vector<1xi32>
        %mul3A_632 = arith.constant 32 : i32
        %mul3A_633 = arith.muli %squeeze3A, %mul3A_632 : i32
        %dma_start3A_634 = tpu.memref_slice %arg11[%mul3A_631] : memref<16384xf32, #tpu.memory_space<vmem>> -> memref<32xf32, #tpu.memory_space<vmem>>
        %dma_start3A_635 = tpu.memref_slice %arg5[%mul3A_633] : memref<524288xf32, #tpu.memory_space<hbm>> -> memref<32xf32, #tpu.memory_space<hbm>>
        %dma_start3A_636 = tpu.memref_slice %arg5[%mul3A_633] : memref<524288xf32, #tpu.memory_space<hbm>> -> memref<32xf32, #tpu.memory_space<hbm>>
        %dma_start3A_637 = tpu.memref_slice %arg11[%mul3A_631] : memref<16384xf32, #tpu.memory_space<vmem>> -> memref<32xf32, #tpu.memory_space<vmem>>
        tpu.enqueue_dma source(%dma_start3A_637 : memref<32xf32, #tpu.memory_space<vmem>>) target(%dma_start3A_636 : memref<32xf32, #tpu.memory_space<hbm>>) target_semaphore(%arg15 : memref<!tpu.dma_semaphore, #tpu.memory_space<semaphore_mem>>)
      } else {
      }
      %jit3A_592 = arith.constant 128 : i32
      %jit3A_593 = arith.constant 0 : i32
      %select_n3A_594 = arith.select %lt3A_588, %jit3A_592, %jit3A_593 : i32
      %add3A_595 = arith.addi %add3A_583, %select_n3A_594 : i32
      %mul3A_596 = arith.constant 16 : i32
      %mul3A_597 = arith.muli %while3A_182, %mul3A_596 : i32
      %add3A_598 = arith.constant 14 : i32
      %add3A_599 = arith.addi %mul3A_597, %add3A_598 : i32
      %lt3A_600 = arith.cmpi slt, %add3A_599, %while3A_126 : i32
      %convert_element_type3A_601 = arith.extui %lt3A_600 : i1 to i32
      %cond3A_602 = arith.constant 0 : i32
      %cond3A_603 = arith.cmpi ne, %convert_element_type3A_601, %cond3A_602 : i32
      scf.if %cond3A_603 {
        %add3A_626 = arith.constant 14 : i32
        %add3A_627 = arith.addi %while3A_183, %add3A_626 : i32
        %rem3A_628 = arith.constant 512 : i32
        %rem3A_629 = arith.remsi %add3A_627, %rem3A_628 : i32
        %mul3A_630 = arith.constant 32 : i32
        %mul3A_631 = arith.muli %rem3A_629, %mul3A_630 : i32
        %slice3A = vector.extract_strided_slice %get3A_197 {offsets = [14], sizes = [1], strides = [1]} : vector<16xi32> to vector<1xi32>
        %squeeze3A = vector.extract %slice3A[0] : i32 from vector<1xi32>
        %mul3A_632 = arith.constant 32 : i32
        %mul3A_633 = arith.muli %squeeze3A, %mul3A_632 : i32
        %dma_start3A_634 = tpu.memref_slice %arg11[%mul3A_631] : memref<16384xf32, #tpu.memory_space<vmem>> -> memref<32xf32, #tpu.memory_space<vmem>>
        %dma_start3A_635 = tpu.memref_slice %arg5[%mul3A_633] : memref<524288xf32, #tpu.memory_space<hbm>> -> memref<32xf32, #tpu.memory_space<hbm>>
        %dma_start3A_636 = tpu.memref_slice %arg5[%mul3A_633] : memref<524288xf32, #tpu.memory_space<hbm>> -> memref<32xf32, #tpu.memory_space<hbm>>
        %dma_start3A_637 = tpu.memref_slice %arg11[%mul3A_631] : memref<16384xf32, #tpu.memory_space<vmem>> -> memref<32xf32, #tpu.memory_space<vmem>>
        tpu.enqueue_dma source(%dma_start3A_637 : memref<32xf32, #tpu.memory_space<vmem>>) target(%dma_start3A_636 : memref<32xf32, #tpu.memory_space<hbm>>) target_semaphore(%arg15 : memref<!tpu.dma_semaphore, #tpu.memory_space<semaphore_mem>>)
      } else {
      }
      %jit3A_604 = arith.constant 128 : i32
      %jit3A_605 = arith.constant 0 : i32
      %select_n3A_606 = arith.select %lt3A_600, %jit3A_604, %jit3A_605 : i32
      %add3A_607 = arith.addi %add3A_595, %select_n3A_606 : i32
      %mul3A_608 = arith.constant 16 : i32
      %mul3A_609 = arith.muli %while3A_182, %mul3A_608 : i32
      %add3A_610 = arith.constant 15 : i32
      %add3A_611 = arith.addi %mul3A_609, %add3A_610 : i32
      %lt3A_612 = arith.cmpi slt, %add3A_611, %while3A_126 : i32
      %convert_element_type3A_613 = arith.extui %lt3A_612 : i1 to i32
      %cond3A_614 = arith.constant 0 : i32
      %cond3A_615 = arith.cmpi ne, %convert_element_type3A_613, %cond3A_614 : i32
      scf.if %cond3A_615 {
        %add3A_626 = arith.constant 15 : i32
        %add3A_627 = arith.addi %while3A_183, %add3A_626 : i32
        %rem3A_628 = arith.constant 512 : i32
        %rem3A_629 = arith.remsi %add3A_627, %rem3A_628 : i32
        %mul3A_630 = arith.constant 32 : i32
        %mul3A_631 = arith.muli %rem3A_629, %mul3A_630 : i32
        %slice3A = vector.extract_strided_slice %get3A_197 {offsets = [15], sizes = [1], strides = [1]} : vector<16xi32> to vector<1xi32>
        %squeeze3A = vector.extract %slice3A[0] : i32 from vector<1xi32>
        %mul3A_632 = arith.constant 32 : i32
        %mul3A_633 = arith.muli %squeeze3A, %mul3A_632 : i32
        %dma_start3A_634 = tpu.memref_slice %arg11[%mul3A_631] : memref<16384xf32, #tpu.memory_space<vmem>> -> memref<32xf32, #tpu.memory_space<vmem>>
        %dma_start3A_635 = tpu.memref_slice %arg5[%mul3A_633] : memref<524288xf32, #tpu.memory_space<hbm>> -> memref<32xf32, #tpu.memory_space<hbm>>
        %dma_start3A_636 = tpu.memref_slice %arg5[%mul3A_633] : memref<524288xf32, #tpu.memory_space<hbm>> -> memref<32xf32, #tpu.memory_space<hbm>>
        %dma_start3A_637 = tpu.memref_slice %arg11[%mul3A_631] : memref<16384xf32, #tpu.memory_space<vmem>> -> memref<32xf32, #tpu.memory_space<vmem>>
        tpu.enqueue_dma source(%dma_start3A_637 : memref<32xf32, #tpu.memory_space<vmem>>) target(%dma_start3A_636 : memref<32xf32, #tpu.memory_space<hbm>>) target_semaphore(%arg15 : memref<!tpu.dma_semaphore, #tpu.memory_space<semaphore_mem>>)
      } else {
      }
      %jit3A_616 = arith.constant 128 : i32
      %jit3A_617 = arith.constant 0 : i32
      %select_n3A_618 = arith.select %lt3A_612, %jit3A_616, %jit3A_617 : i32
      %add3A_619 = arith.addi %add3A_607, %select_n3A_618 : i32
      %mul3A_620 = arith.constant 16 : i32
      %mul3A_621 = arith.muli %while3A_182, %mul3A_620 : i32
      %sub3A_622 = arith.subi %while3A_126, %mul3A_621 : i32
      %min3A_623 = arith.constant 16 : i32
      %min3A_624 = arith.minsi %min3A_623, %sub3A_622 : i32
      %add3A_625 = arith.addi %while3A_183, %min3A_624 : i32
      scf.yield %add3A_625, %add3A_619 : i32, i32
    }
    %while3A_144 = arith.constant 1 : i32
    %while3A_145:2 = scf.for %while3A_182 = %while3A_141 to %while3A_137 step %while3A_144 iter_args(%while3A_183 = %while3A_143#0, %while3A_184 = %while3A_143#1) -> (i32, i32)  : i32 {
      %ge3A = arith.constant 16384 : i32
      %ge3A_185 = arith.cmpi sge, %while3A_184, %ge3A : i32
      %convert_element_type3A = arith.extui %ge3A_185 : i1 to i32
      %cond3A = arith.constant 0 : i32
      %cond3A_186 = arith.cmpi ne, %convert_element_type3A, %cond3A : i32
      scf.if %cond3A_186 {
        %dma_wait3A = arith.constant 0 : i32
        %dma_wait3A_626 = tpu.memref_slice %arg11[%dma_wait3A] : memref<16384xf32, #tpu.memory_space<vmem>> -> memref<2048xf32, #tpu.memory_space<vmem>>
        %dma_wait3A_627 = arith.constant 0 : i32
        %dma_wait3A_628 = tpu.memref_slice %arg5[%dma_wait3A_627] : memref<524288xf32, #tpu.memory_space<hbm>> -> memref<2048xf32, #tpu.memory_space<hbm>>
        %dma_wait3A_629 = arith.constant 0 : i32
        %dma_wait3A_630 = tpu.memref_slice %arg11[%dma_wait3A_629] : memref<16384xf32, #tpu.memory_space<vmem>> -> memref<2048xf32, #tpu.memory_space<vmem>>
        %dma_wait3A_631 = arith.constant 0 : i32
        %dma_wait3A_632 = tpu.memref_slice %arg5[%dma_wait3A_631] : memref<524288xf32, #tpu.memory_space<hbm>> -> memref<2048xf32, #tpu.memory_space<hbm>>
        tpu.wait_dma2 semaphore(%arg15 : memref<!tpu.dma_semaphore, #tpu.memory_space<semaphore_mem>>) src(%dma_wait3A_632 : memref<2048xf32, #tpu.memory_space<hbm>>) dst(%dma_wait3A_630 : memref<2048xf32, #tpu.memory_space<vmem>>)
      } else {
      }
      %jit3A_187 = arith.constant 8192 : i32
      %jit3A_188 = arith.constant 0 : i32
      %select_n3A_189 = arith.select %ge3A_185, %jit3A_187, %jit3A_188 : i32
      %sub3A_190 = arith.subi %while3A_184, %select_n3A_189 : i32
      %mul3A_191 = arith.constant 16 : i32
      %mul3A_192 = arith.muli %while3A_182, %mul3A_191 : i32
      %get3A = arith.index_cast %mul3A_192 : i32 to index
      %get3A_193 = tpu.vector_load %arg6[%get3A] {strides = array<i32>} : memref<16400xi32, #tpu.memory_space<vmem>>, vector<16xi32>,
      %mul3A_194 = arith.constant 16 : i32
      %mul3A_195 = arith.muli %while3A_182, %mul3A_194 : i32
      %get3A_196 = arith.index_cast %mul3A_195 : i32 to index
      %get3A_197 = tpu.vector_load %arg9[%get3A_196] {strides = array<i32>} : memref<16400xi32, #tpu.memory_space<vmem>>, vector<16xi32>,
      %add3A_198 = vector.broadcast %while3A_183 : i32 to vector<16xi32>
      %add3A_199 = arith.addi %add3A_198, %iota3A : vector<16xi32>
      %rem3A_200 = arith.constant 512 : i32
      %rem3A_201 = vector.broadcast %rem3A_200 : i32 to vector<16xi32>
      %rem3A_202 = arith.remsi %add3A_199, %rem3A_201 : vector<16xi32>
      %mul3A_203 = arith.constant 32 : i32
      %mul3A_204 = vector.broadcast %mul3A_203 : i32 to vector<16xi32>
      %mul3A_205 = arith.muli %rem3A_202, %mul3A_204 : vector<16xi32>
      %add3A_206 = arith.constant 0 : i32
      %add3A_207 = vector.broadcast %add3A_206 : i32 to vector<16xi32>
      %add3A_208 = arith.addi %get3A_193, %add3A_207 : vector<16xi32>
      %gather3A = tpu.vector_load_idx %arg12[%add3A_208] : memref<2048xf32, #tpu.memory_space<vmem>>[vector<16xi32>], vector<16xf32>,
      %add3A_209 = arith.constant 0 : i32
      %add3A_210 = vector.broadcast %add3A_209 : i32 to vector<16xi32>
      %add3A_211 = arith.addi %mul3A_205, %add3A_210 : vector<16xi32>
      tpu.vector_store_idx %arg11[%add3A_211], %gather3A : memref<16384xf32, #tpu.memory_space<vmem>>[vector<16xi32>], vector<16xf32>,
      %add3A_212 = arith.constant 64 : i32
      %add3A_213 = vector.broadcast %add3A_212 : i32 to vector<16xi32>
      %add3A_214 = arith.addi %get3A_193, %add3A_213 : vector<16xi32>
      %gather3A_215 = tpu.vector_load_idx %arg12[%add3A_214] : memref<2048xf32, #tpu.memory_space<vmem>>[vector<16xi32>], vector<16xf32>,
      %add3A_216 = arith.constant 1 : i32
      %add3A_217 = vector.broadcast %add3A_216 : i32 to vector<16xi32>
      %add3A_218 = arith.addi %mul3A_205, %add3A_217 : vector<16xi32>
      tpu.vector_store_idx %arg11[%add3A_218], %gather3A_215 : memref<16384xf32, #tpu.memory_space<vmem>>[vector<16xi32>], vector<16xf32>,
      %add3A_219 = arith.constant 128 : i32
      %add3A_220 = vector.broadcast %add3A_219 : i32 to vector<16xi32>
      %add3A_221 = arith.addi %get3A_193, %add3A_220 : vector<16xi32>
      %gather3A_222 = tpu.vector_load_idx %arg12[%add3A_221] : memref<2048xf32, #tpu.memory_space<vmem>>[vector<16xi32>], vector<16xf32>,
      %add3A_223 = arith.constant 2 : i32
      %add3A_224 = vector.broadcast %add3A_223 : i32 to vector<16xi32>
      %add3A_225 = arith.addi %mul3A_205, %add3A_224 : vector<16xi32>
      tpu.vector_store_idx %arg11[%add3A_225], %gather3A_222 : memref<16384xf32, #tpu.memory_space<vmem>>[vector<16xi32>], vector<16xf32>,
      %add3A_226 = arith.constant 192 : i32
      %add3A_227 = vector.broadcast %add3A_226 : i32 to vector<16xi32>
      %add3A_228 = arith.addi %get3A_193, %add3A_227 : vector<16xi32>
      %gather3A_229 = tpu.vector_load_idx %arg12[%add3A_228] : memref<2048xf32, #tpu.memory_space<vmem>>[vector<16xi32>], vector<16xf32>,
      %add3A_230 = arith.constant 3 : i32
      %add3A_231 = vector.broadcast %add3A_230 : i32 to vector<16xi32>
      %add3A_232 = arith.addi %mul3A_205, %add3A_231 : vector<16xi32>
      tpu.vector_store_idx %arg11[%add3A_232], %gather3A_229 : memref<16384xf32, #tpu.memory_space<vmem>>[vector<16xi32>], vector<16xf32>,
      %add3A_233 = arith.constant 256 : i32
      %add3A_234 = vector.broadcast %add3A_233 : i32 to vector<16xi32>
      %add3A_235 = arith.addi %get3A_193, %add3A_234 : vector<16xi32>
      %gather3A_236 = tpu.vector_load_idx %arg12[%add3A_235] : memref<2048xf32, #tpu.memory_space<vmem>>[vector<16xi32>], vector<16xf32>,
      %add3A_237 = arith.constant 4 : i32
      %add3A_238 = vector.broadcast %add3A_237 : i32 to vector<16xi32>
      %add3A_239 = arith.addi %mul3A_205, %add3A_238 : vector<16xi32>
      tpu.vector_store_idx %arg11[%add3A_239], %gather3A_236 : memref<16384xf32, #tpu.memory_space<vmem>>[vector<16xi32>], vector<16xf32>,
      %add3A_240 = arith.constant 320 : i32
      %add3A_241 = vector.broadcast %add3A_240 : i32 to vector<16xi32>
      %add3A_242 = arith.addi %get3A_193, %add3A_241 : vector<16xi32>
      %gather3A_243 = tpu.vector_load_idx %arg12[%add3A_242] : memref<2048xf32, #tpu.memory_space<vmem>>[vector<16xi32>], vector<16xf32>,
      %add3A_244 = arith.constant 5 : i32
      %add3A_245 = vector.broadcast %add3A_244 : i32 to vector<16xi32>
      %add3A_246 = arith.addi %mul3A_205, %add3A_245 : vector<16xi32>
      tpu.vector_store_idx %arg11[%add3A_246], %gather3A_243 : memref<16384xf32, #tpu.memory_space<vmem>>[vector<16xi32>], vector<16xf32>,
      %add3A_247 = arith.constant 384 : i32
      %add3A_248 = vector.broadcast %add3A_247 : i32 to vector<16xi32>
      %add3A_249 = arith.addi %get3A_193, %add3A_248 : vector<16xi32>
      %gather3A_250 = tpu.vector_load_idx %arg12[%add3A_249] : memref<2048xf32, #tpu.memory_space<vmem>>[vector<16xi32>], vector<16xf32>,
      %add3A_251 = arith.constant 6 : i32
      %add3A_252 = vector.broadcast %add3A_251 : i32 to vector<16xi32>
      %add3A_253 = arith.addi %mul3A_205, %add3A_252 : vector<16xi32>
      tpu.vector_store_idx %arg11[%add3A_253], %gather3A_250 : memref<16384xf32, #tpu.memory_space<vmem>>[vector<16xi32>], vector<16xf32>,
      %add3A_254 = arith.constant 448 : i32
      %add3A_255 = vector.broadcast %add3A_254 : i32 to vector<16xi32>
      %add3A_256 = arith.addi %get3A_193, %add3A_255 : vector<16xi32>
      %gather3A_257 = tpu.vector_load_idx %arg12[%add3A_256] : memref<2048xf32, #tpu.memory_space<vmem>>[vector<16xi32>], vector<16xf32>,
      %add3A_258 = arith.constant 7 : i32
      %add3A_259 = vector.broadcast %add3A_258 : i32 to vector<16xi32>
      %add3A_260 = arith.addi %mul3A_205, %add3A_259 : vector<16xi32>
      tpu.vector_store_idx %arg11[%add3A_260], %gather3A_257 : memref<16384xf32, #tpu.memory_space<vmem>>[vector<16xi32>], vector<16xf32>,
      %add3A_261 = arith.constant 512 : i32
      %add3A_262 = vector.broadcast %add3A_261 : i32 to vector<16xi32>
      %add3A_263 = arith.addi %get3A_193, %add3A_262 : vector<16xi32>
      %gather3A_264 = tpu.vector_load_idx %arg12[%add3A_263] : memref<2048xf32, #tpu.memory_space<vmem>>[vector<16xi32>], vector<16xf32>,
      %add3A_265 = arith.constant 8 : i32
      %add3A_266 = vector.broadcast %add3A_265 : i32 to vector<16xi32>
      %add3A_267 = arith.addi %mul3A_205, %add3A_266 : vector<16xi32>
      tpu.vector_store_idx %arg11[%add3A_267], %gather3A_264 : memref<16384xf32, #tpu.memory_space<vmem>>[vector<16xi32>], vector<16xf32>,
      %add3A_268 = arith.constant 576 : i32
      %add3A_269 = vector.broadcast %add3A_268 : i32 to vector<16xi32>
      %add3A_270 = arith.addi %get3A_193, %add3A_269 : vector<16xi32>
      %gather3A_271 = tpu.vector_load_idx %arg12[%add3A_270] : memref<2048xf32, #tpu.memory_space<vmem>>[vector<16xi32>], vector<16xf32>,
      %add3A_272 = arith.constant 9 : i32
      %add3A_273 = vector.broadcast %add3A_272 : i32 to vector<16xi32>
      %add3A_274 = arith.addi %mul3A_205, %add3A_273 : vector<16xi32>
      tpu.vector_store_idx %arg11[%add3A_274], %gather3A_271 : memref<16384xf32, #tpu.memory_space<vmem>>[vector<16xi32>], vector<16xf32>,
      %add3A_275 = arith.constant 640 : i32
      %add3A_276 = vector.broadcast %add3A_275 : i32 to vector<16xi32>
      %add3A_277 = arith.addi %get3A_193, %add3A_276 : vector<16xi32>
      %gather3A_278 = tpu.vector_load_idx %arg12[%add3A_277] : memref<2048xf32, #tpu.memory_space<vmem>>[vector<16xi32>], vector<16xf32>,
      %add3A_279 = arith.constant 10 : i32
      %add3A_280 = vector.broadcast %add3A_279 : i32 to vector<16xi32>
      %add3A_281 = arith.addi %mul3A_205, %add3A_280 : vector<16xi32>
      tpu.vector_store_idx %arg11[%add3A_281], %gather3A_278 : memref<16384xf32, #tpu.memory_space<vmem>>[vector<16xi32>], vector<16xf32>,
      %add3A_282 = arith.constant 704 : i32
      %add3A_283 = vector.broadcast %add3A_282 : i32 to vector<16xi32>
      %add3A_284 = arith.addi %get3A_193, %add3A_283 : vector<16xi32>
      %gather3A_285 = tpu.vector_load_idx %arg12[%add3A_284] : memref<2048xf32, #tpu.memory_space<vmem>>[vector<16xi32>], vector<16xf32>,
      %add3A_286 = arith.constant 11 : i32
      %add3A_287 = vector.broadcast %add3A_286 : i32 to vector<16xi32>
      %add3A_288 = arith.addi %mul3A_205, %add3A_287 : vector<16xi32>
      tpu.vector_store_idx %arg11[%add3A_288], %gather3A_285 : memref<16384xf32, #tpu.memory_space<vmem>>[vector<16xi32>], vector<16xf32>,
      %add3A_289 = arith.constant 768 : i32
      %add3A_290 = vector.broadcast %add3A_289 : i32 to vector<16xi32>
      %add3A_291 = arith.addi %get3A_193, %add3A_290 : vector<16xi32>
      %gather3A_292 = tpu.vector_load_idx %arg12[%add3A_291] : memref<2048xf32, #tpu.memory_space<vmem>>[vector<16xi32>], vector<16xf32>,
      %add3A_293 = arith.constant 12 : i32
      %add3A_294 = vector.broadcast %add3A_293 : i32 to vector<16xi32>
      %add3A_295 = arith.addi %mul3A_205, %add3A_294 : vector<16xi32>
      tpu.vector_store_idx %arg11[%add3A_295], %gather3A_292 : memref<16384xf32, #tpu.memory_space<vmem>>[vector<16xi32>], vector<16xf32>,
      %add3A_296 = arith.constant 832 : i32
      %add3A_297 = vector.broadcast %add3A_296 : i32 to vector<16xi32>
      %add3A_298 = arith.addi %get3A_193, %add3A_297 : vector<16xi32>
      %gather3A_299 = tpu.vector_load_idx %arg12[%add3A_298] : memref<2048xf32, #tpu.memory_space<vmem>>[vector<16xi32>], vector<16xf32>,
      %add3A_300 = arith.constant 13 : i32
      %add3A_301 = vector.broadcast %add3A_300 : i32 to vector<16xi32>
      %add3A_302 = arith.addi %mul3A_205, %add3A_301 : vector<16xi32>
      tpu.vector_store_idx %arg11[%add3A_302], %gather3A_299 : memref<16384xf32, #tpu.memory_space<vmem>>[vector<16xi32>], vector<16xf32>,
      %add3A_303 = arith.constant 896 : i32
      %add3A_304 = vector.broadcast %add3A_303 : i32 to vector<16xi32>
      %add3A_305 = arith.addi %get3A_193, %add3A_304 : vector<16xi32>
      %gather3A_306 = tpu.vector_load_idx %arg12[%add3A_305] : memref<2048xf32, #tpu.memory_space<vmem>>[vector<16xi32>], vector<16xf32>,
      %add3A_307 = arith.constant 14 : i32
      %add3A_308 = vector.broadcast %add3A_307 : i32 to vector<16xi32>
      %add3A_309 = arith.addi %mul3A_205, %add3A_308 : vector<16xi32>
      tpu.vector_store_idx %arg11[%add3A_309], %gather3A_306 : memref<16384xf32, #tpu.memory_space<vmem>>[vector<16xi32>], vector<16xf32>,
      %add3A_310 = arith.constant 960 : i32
      %add3A_311 = vector.broadcast %add3A_310 : i32 to vector<16xi32>
      %add3A_312 = arith.addi %get3A_193, %add3A_311 : vector<16xi32>
      %gather3A_313 = tpu.vector_load_idx %arg12[%add3A_312] : memref<2048xf32, #tpu.memory_space<vmem>>[vector<16xi32>], vector<16xf32>,
      %add3A_314 = arith.constant 15 : i32
      %add3A_315 = vector.broadcast %add3A_314 : i32 to vector<16xi32>
      %add3A_316 = arith.addi %mul3A_205, %add3A_315 : vector<16xi32>
      tpu.vector_store_idx %arg11[%add3A_316], %gather3A_313 : memref<16384xf32, #tpu.memory_space<vmem>>[vector<16xi32>], vector<16xf32>,
      %add3A_317 = arith.constant 1024 : i32
      %add3A_318 = vector.broadcast %add3A_317 : i32 to vector<16xi32>
      %add3A_319 = arith.addi %get3A_193, %add3A_318 : vector<16xi32>
      %gather3A_320 = tpu.vector_load_idx %arg12[%add3A_319] : memref<2048xf32, #tpu.memory_space<vmem>>[vector<16xi32>], vector<16xf32>,
      %add3A_321 = arith.constant 16 : i32
      %add3A_322 = vector.broadcast %add3A_321 : i32 to vector<16xi32>
      %add3A_323 = arith.addi %mul3A_205, %add3A_322 : vector<16xi32>
      tpu.vector_store_idx %arg11[%add3A_323], %gather3A_320 : memref<16384xf32, #tpu.memory_space<vmem>>[vector<16xi32>], vector<16xf32>,
      %add3A_324 = arith.constant 1088 : i32
      %add3A_325 = vector.broadcast %add3A_324 : i32 to vector<16xi32>
      %add3A_326 = arith.addi %get3A_193, %add3A_325 : vector<16xi32>
      %gather3A_327 = tpu.vector_load_idx %arg12[%add3A_326] : memref<2048xf32, #tpu.memory_space<vmem>>[vector<16xi32>], vector<16xf32>,
      %add3A_328 = arith.constant 17 : i32
      %add3A_329 = vector.broadcast %add3A_328 : i32 to vector<16xi32>
      %add3A_330 = arith.addi %mul3A_205, %add3A_329 : vector<16xi32>
      tpu.vector_store_idx %arg11[%add3A_330], %gather3A_327 : memref<16384xf32, #tpu.memory_space<vmem>>[vector<16xi32>], vector<16xf32>,
      %add3A_331 = arith.constant 1152 : i32
      %add3A_332 = vector.broadcast %add3A_331 : i32 to vector<16xi32>
      %add3A_333 = arith.addi %get3A_193, %add3A_332 : vector<16xi32>
      %gather3A_334 = tpu.vector_load_idx %arg12[%add3A_333] : memref<2048xf32, #tpu.memory_space<vmem>>[vector<16xi32>], vector<16xf32>,
      %add3A_335 = arith.constant 18 : i32
      %add3A_336 = vector.broadcast %add3A_335 : i32 to vector<16xi32>
      %add3A_337 = arith.addi %mul3A_205, %add3A_336 : vector<16xi32>
      tpu.vector_store_idx %arg11[%add3A_337], %gather3A_334 : memref<16384xf32, #tpu.memory_space<vmem>>[vector<16xi32>], vector<16xf32>,
      %add3A_338 = arith.constant 1216 : i32
      %add3A_339 = vector.broadcast %add3A_338 : i32 to vector<16xi32>
      %add3A_340 = arith.addi %get3A_193, %add3A_339 : vector<16xi32>
      %gather3A_341 = tpu.vector_load_idx %arg12[%add3A_340] : memref<2048xf32, #tpu.memory_space<vmem>>[vector<16xi32>], vector<16xf32>,
      %add3A_342 = arith.constant 19 : i32
      %add3A_343 = vector.broadcast %add3A_342 : i32 to vector<16xi32>
      %add3A_344 = arith.addi %mul3A_205, %add3A_343 : vector<16xi32>
      tpu.vector_store_idx %arg11[%add3A_344], %gather3A_341 : memref<16384xf32, #tpu.memory_space<vmem>>[vector<16xi32>], vector<16xf32>,
      %add3A_345 = arith.constant 1280 : i32
      %add3A_346 = vector.broadcast %add3A_345 : i32 to vector<16xi32>
      %add3A_347 = arith.addi %get3A_193, %add3A_346 : vector<16xi32>
      %gather3A_348 = tpu.vector_load_idx %arg12[%add3A_347] : memref<2048xf32, #tpu.memory_space<vmem>>[vector<16xi32>], vector<16xf32>,
      %add3A_349 = arith.constant 20 : i32
      %add3A_350 = vector.broadcast %add3A_349 : i32 to vector<16xi32>
      %add3A_351 = arith.addi %mul3A_205, %add3A_350 : vector<16xi32>
      tpu.vector_store_idx %arg11[%add3A_351], %gather3A_348 : memref<16384xf32, #tpu.memory_space<vmem>>[vector<16xi32>], vector<16xf32>,
      %add3A_352 = arith.constant 1344 : i32
      %add3A_353 = vector.broadcast %add3A_352 : i32 to vector<16xi32>
      %add3A_354 = arith.addi %get3A_193, %add3A_353 : vector<16xi32>
      %gather3A_355 = tpu.vector_load_idx %arg12[%add3A_354] : memref<2048xf32, #tpu.memory_space<vmem>>[vector<16xi32>], vector<16xf32>,
      %add3A_356 = arith.constant 21 : i32
      %add3A_357 = vector.broadcast %add3A_356 : i32 to vector<16xi32>
      %add3A_358 = arith.addi %mul3A_205, %add3A_357 : vector<16xi32>
      tpu.vector_store_idx %arg11[%add3A_358], %gather3A_355 : memref<16384xf32, #tpu.memory_space<vmem>>[vector<16xi32>], vector<16xf32>,
      %add3A_359 = arith.constant 1408 : i32
      %add3A_360 = vector.broadcast %add3A_359 : i32 to vector<16xi32>
      %add3A_361 = arith.addi %get3A_193, %add3A_360 : vector<16xi32>
      %gather3A_362 = tpu.vector_load_idx %arg12[%add3A_361] : memref<2048xf32, #tpu.memory_space<vmem>>[vector<16xi32>], vector<16xf32>,
      %add3A_363 = arith.constant 22 : i32
      %add3A_364 = vector.broadcast %add3A_363 : i32 to vector<16xi32>
      %add3A_365 = arith.addi %mul3A_205, %add3A_364 : vector<16xi32>
      tpu.vector_store_idx %arg11[%add3A_365], %gather3A_362 : memref<16384xf32, #tpu.memory_space<vmem>>[vector<16xi32>], vector<16xf32>,
      %add3A_366 = arith.constant 1472 : i32
      %add3A_367 = vector.broadcast %add3A_366 : i32 to vector<16xi32>
      %add3A_368 = arith.addi %get3A_193, %add3A_367 : vector<16xi32>
      %gather3A_369 = tpu.vector_load_idx %arg12[%add3A_368] : memref<2048xf32, #tpu.memory_space<vmem>>[vector<16xi32>], vector<16xf32>,
      %add3A_370 = arith.constant 23 : i32
      %add3A_371 = vector.broadcast %add3A_370 : i32 to vector<16xi32>
      %add3A_372 = arith.addi %mul3A_205, %add3A_371 : vector<16xi32>
      tpu.vector_store_idx %arg11[%add3A_372], %gather3A_369 : memref<16384xf32, #tpu.memory_space<vmem>>[vector<16xi32>], vector<16xf32>,
      %add3A_373 = arith.constant 1536 : i32
      %add3A_374 = vector.broadcast %add3A_373 : i32 to vector<16xi32>
      %add3A_375 = arith.addi %get3A_193, %add3A_374 : vector<16xi32>
      %gather3A_376 = tpu.vector_load_idx %arg12[%add3A_375] : memref<2048xf32, #tpu.memory_space<vmem>>[vector<16xi32>], vector<16xf32>,
      %add3A_377 = arith.constant 24 : i32
      %add3A_378 = vector.broadcast %add3A_377 : i32 to vector<16xi32>
      %add3A_379 = arith.addi %mul3A_205, %add3A_378 : vector<16xi32>
      tpu.vector_store_idx %arg11[%add3A_379], %gather3A_376 : memref<16384xf32, #tpu.memory_space<vmem>>[vector<16xi32>], vector<16xf32>,
      %add3A_380 = arith.constant 1600 : i32
      %add3A_381 = vector.broadcast %add3A_380 : i32 to vector<16xi32>
      %add3A_382 = arith.addi %get3A_193, %add3A_381 : vector<16xi32>
      %gather3A_383 = tpu.vector_load_idx %arg12[%add3A_382] : memref<2048xf32, #tpu.memory_space<vmem>>[vector<16xi32>], vector<16xf32>,
      %add3A_384 = arith.constant 25 : i32
      %add3A_385 = vector.broadcast %add3A_384 : i32 to vector<16xi32>
      %add3A_386 = arith.addi %mul3A_205, %add3A_385 : vector<16xi32>
      tpu.vector_store_idx %arg11[%add3A_386], %gather3A_383 : memref<16384xf32, #tpu.memory_space<vmem>>[vector<16xi32>], vector<16xf32>,
      %add3A_387 = arith.constant 1664 : i32
      %add3A_388 = vector.broadcast %add3A_387 : i32 to vector<16xi32>
      %add3A_389 = arith.addi %get3A_193, %add3A_388 : vector<16xi32>
      %gather3A_390 = tpu.vector_load_idx %arg12[%add3A_389] : memref<2048xf32, #tpu.memory_space<vmem>>[vector<16xi32>], vector<16xf32>,
      %add3A_391 = arith.constant 26 : i32
      %add3A_392 = vector.broadcast %add3A_391 : i32 to vector<16xi32>
      %add3A_393 = arith.addi %mul3A_205, %add3A_392 : vector<16xi32>
      tpu.vector_store_idx %arg11[%add3A_393], %gather3A_390 : memref<16384xf32, #tpu.memory_space<vmem>>[vector<16xi32>], vector<16xf32>,
      %add3A_394 = arith.constant 1728 : i32
      %add3A_395 = vector.broadcast %add3A_394 : i32 to vector<16xi32>
      %add3A_396 = arith.addi %get3A_193, %add3A_395 : vector<16xi32>
      %gather3A_397 = tpu.vector_load_idx %arg12[%add3A_396] : memref<2048xf32, #tpu.memory_space<vmem>>[vector<16xi32>], vector<16xf32>,
      %add3A_398 = arith.constant 27 : i32
      %add3A_399 = vector.broadcast %add3A_398 : i32 to vector<16xi32>
      %add3A_400 = arith.addi %mul3A_205, %add3A_399 : vector<16xi32>
      tpu.vector_store_idx %arg11[%add3A_400], %gather3A_397 : memref<16384xf32, #tpu.memory_space<vmem>>[vector<16xi32>], vector<16xf32>,
      %add3A_401 = arith.constant 1792 : i32
      %add3A_402 = vector.broadcast %add3A_401 : i32 to vector<16xi32>
      %add3A_403 = arith.addi %get3A_193, %add3A_402 : vector<16xi32>
      %gather3A_404 = tpu.vector_load_idx %arg12[%add3A_403] : memref<2048xf32, #tpu.memory_space<vmem>>[vector<16xi32>], vector<16xf32>,
      %add3A_405 = arith.constant 28 : i32
      %add3A_406 = vector.broadcast %add3A_405 : i32 to vector<16xi32>
      %add3A_407 = arith.addi %mul3A_205, %add3A_406 : vector<16xi32>
      tpu.vector_store_idx %arg11[%add3A_407], %gather3A_404 : memref<16384xf32, #tpu.memory_space<vmem>>[vector<16xi32>], vector<16xf32>,
      %add3A_408 = arith.constant 1856 : i32
      %add3A_409 = vector.broadcast %add3A_408 : i32 to vector<16xi32>
      %add3A_410 = arith.addi %get3A_193, %add3A_409 : vector<16xi32>
      %gather3A_411 = tpu.vector_load_idx %arg12[%add3A_410] : memref<2048xf32, #tpu.memory_space<vmem>>[vector<16xi32>], vector<16xf32>,
      %add3A_412 = arith.constant 29 : i32
      %add3A_413 = vector.broadcast %add3A_412 : i32 to vector<16xi32>
      %add3A_414 = arith.addi %mul3A_205, %add3A_413 : vector<16xi32>
      tpu.vector_store_idx %arg11[%add3A_414], %gather3A_411 : memref<16384xf32, #tpu.memory_space<vmem>>[vector<16xi32>], vector<16xf32>,
      %add3A_415 = arith.constant 1920 : i32
      %add3A_416 = vector.broadcast %add3A_415 : i32 to vector<16xi32>
      %add3A_417 = arith.addi %get3A_193, %add3A_416 : vector<16xi32>
      %gather3A_418 = tpu.vector_load_idx %arg12[%add3A_417] : memref<2048xf32, #tpu.memory_space<vmem>>[vector<16xi32>], vector<16xf32>,
      %add3A_419 = arith.constant 30 : i32
      %add3A_420 = vector.broadcast %add3A_419 : i32 to vector<16xi32>
      %add3A_421 = arith.addi %mul3A_205, %add3A_420 : vector<16xi32>
      tpu.vector_store_idx %arg11[%add3A_421], %gather3A_418 : memref<16384xf32, #tpu.memory_space<vmem>>[vector<16xi32>], vector<16xf32>,
      %add3A_422 = arith.constant 1984 : i32
      %add3A_423 = vector.broadcast %add3A_422 : i32 to vector<16xi32>
      %add3A_424 = arith.addi %get3A_193, %add3A_423 : vector<16xi32>
      %gather3A_425 = tpu.vector_load_idx %arg12[%add3A_424] : memref<2048xf32, #tpu.memory_space<vmem>>[vector<16xi32>], vector<16xf32>,
      %add3A_426 = arith.constant 31 : i32
      %add3A_427 = vector.broadcast %add3A_426 : i32 to vector<16xi32>
      %add3A_428 = arith.addi %mul3A_205, %add3A_427 : vector<16xi32>
      tpu.vector_store_idx %arg11[%add3A_428], %gather3A_425 : memref<16384xf32, #tpu.memory_space<vmem>>[vector<16xi32>], vector<16xf32>,
      %mul3A_429 = arith.constant 16 : i32
      %mul3A_430 = arith.muli %while3A_182, %mul3A_429 : i32
      %add3A_431 = arith.constant 0 : i32
      %add3A_432 = arith.addi %mul3A_430, %add3A_431 : i32
      %lt3A = arith.cmpi slt, %add3A_432, %while3A_126 : i32
      %convert_element_type3A_433 = arith.extui %lt3A : i1 to i32
      %cond3A_434 = arith.constant 0 : i32
      %cond3A_435 = arith.cmpi ne, %convert_element_type3A_433, %cond3A_434 : i32
      scf.if %cond3A_435 {
        %add3A_626 = arith.constant 0 : i32
        %add3A_627 = arith.addi %while3A_183, %add3A_626 : i32
        %rem3A_628 = arith.constant 512 : i32
        %rem3A_629 = arith.remsi %add3A_627, %rem3A_628 : i32
        %mul3A_630 = arith.constant 32 : i32
        %mul3A_631 = arith.muli %rem3A_629, %mul3A_630 : i32
        %slice3A = vector.extract_strided_slice %get3A_197 {offsets = [0], sizes = [1], strides = [1]} : vector<16xi32> to vector<1xi32>
        %squeeze3A = vector.extract %slice3A[0] : i32 from vector<1xi32>
        %mul3A_632 = arith.constant 32 : i32
        %mul3A_633 = arith.muli %squeeze3A, %mul3A_632 : i32
        %dma_start3A_634 = tpu.memref_slice %arg11[%mul3A_631] : memref<16384xf32, #tpu.memory_space<vmem>> -> memref<32xf32, #tpu.memory_space<vmem>>
        %dma_start3A_635 = tpu.memref_slice %arg5[%mul3A_633] : memref<524288xf32, #tpu.memory_space<hbm>> -> memref<32xf32, #tpu.memory_space<hbm>>
        %dma_start3A_636 = tpu.memref_slice %arg5[%mul3A_633] : memref<524288xf32, #tpu.memory_space<hbm>> -> memref<32xf32, #tpu.memory_space<hbm>>
        %dma_start3A_637 = tpu.memref_slice %arg11[%mul3A_631] : memref<16384xf32, #tpu.memory_space<vmem>> -> memref<32xf32, #tpu.memory_space<vmem>>
        tpu.enqueue_dma source(%dma_start3A_637 : memref<32xf32, #tpu.memory_space<vmem>>) target(%dma_start3A_636 : memref<32xf32, #tpu.memory_space<hbm>>) target_semaphore(%arg15 : memref<!tpu.dma_semaphore, #tpu.memory_space<semaphore_mem>>)
      } else {
      }
      %jit3A_436 = arith.constant 128 : i32
      %jit3A_437 = arith.constant 0 : i32
      %select_n3A_438 = arith.select %lt3A, %jit3A_436, %jit3A_437 : i32
      %add3A_439 = arith.addi %sub3A_190, %select_n3A_438 : i32
      %mul3A_440 = arith.constant 16 : i32
      %mul3A_441 = arith.muli %while3A_182, %mul3A_440 : i32
      %add3A_442 = arith.constant 1 : i32
      %add3A_443 = arith.addi %mul3A_441, %add3A_442 : i32
      %lt3A_444 = arith.cmpi slt, %add3A_443, %while3A_126 : i32
      %convert_element_type3A_445 = arith.extui %lt3A_444 : i1 to i32
      %cond3A_446 = arith.constant 0 : i32
      %cond3A_447 = arith.cmpi ne, %convert_element_type3A_445, %cond3A_446 : i32
      scf.if %cond3A_447 {
        %add3A_626 = arith.constant 1 : i32
        %add3A_627 = arith.addi %while3A_183, %add3A_626 : i32
        %rem3A_628 = arith.constant 512 : i32
        %rem3A_629 = arith.remsi %add3A_627, %rem3A_628 : i32
        %mul3A_630 = arith.constant 32 : i32
        %mul3A_631 = arith.muli %rem3A_629, %mul3A_630 : i32
        %slice3A = vector.extract_strided_slice %get3A_197 {offsets = [1], sizes = [1], strides = [1]} : vector<16xi32> to vector<1xi32>
        %squeeze3A = vector.extract %slice3A[0] : i32 from vector<1xi32>
        %mul3A_632 = arith.constant 32 : i32
        %mul3A_633 = arith.muli %squeeze3A, %mul3A_632 : i32
        %dma_start3A_634 = tpu.memref_slice %arg11[%mul3A_631] : memref<16384xf32, #tpu.memory_space<vmem>> -> memref<32xf32, #tpu.memory_space<vmem>>
        %dma_start3A_635 = tpu.memref_slice %arg5[%mul3A_633] : memref<524288xf32, #tpu.memory_space<hbm>> -> memref<32xf32, #tpu.memory_space<hbm>>
        %dma_start3A_636 = tpu.memref_slice %arg5[%mul3A_633] : memref<524288xf32, #tpu.memory_space<hbm>> -> memref<32xf32, #tpu.memory_space<hbm>>
        %dma_start3A_637 = tpu.memref_slice %arg11[%mul3A_631] : memref<16384xf32, #tpu.memory_space<vmem>> -> memref<32xf32, #tpu.memory_space<vmem>>
        tpu.enqueue_dma source(%dma_start3A_637 : memref<32xf32, #tpu.memory_space<vmem>>) target(%dma_start3A_636 : memref<32xf32, #tpu.memory_space<hbm>>) target_semaphore(%arg15 : memref<!tpu.dma_semaphore, #tpu.memory_space<semaphore_mem>>)
      } else {
      }
      %jit3A_448 = arith.constant 128 : i32
      %jit3A_449 = arith.constant 0 : i32
      %select_n3A_450 = arith.select %lt3A_444, %jit3A_448, %jit3A_449 : i32
      %add3A_451 = arith.addi %add3A_439, %select_n3A_450 : i32
      %mul3A_452 = arith.constant 16 : i32
      %mul3A_453 = arith.muli %while3A_182, %mul3A_452 : i32
      %add3A_454 = arith.constant 2 : i32
      %add3A_455 = arith.addi %mul3A_453, %add3A_454 : i32
      %lt3A_456 = arith.cmpi slt, %add3A_455, %while3A_126 : i32
      %convert_element_type3A_457 = arith.extui %lt3A_456 : i1 to i32
      %cond3A_458 = arith.constant 0 : i32
      %cond3A_459 = arith.cmpi ne, %convert_element_type3A_457, %cond3A_458 : i32
      scf.if %cond3A_459 {
        %add3A_626 = arith.constant 2 : i32
        %add3A_627 = arith.addi %while3A_183, %add3A_626 : i32
        %rem3A_628 = arith.constant 512 : i32
        %rem3A_629 = arith.remsi %add3A_627, %rem3A_628 : i32
        %mul3A_630 = arith.constant 32 : i32
        %mul3A_631 = arith.muli %rem3A_629, %mul3A_630 : i32
        %slice3A = vector.extract_strided_slice %get3A_197 {offsets = [2], sizes = [1], strides = [1]} : vector<16xi32> to vector<1xi32>
        %squeeze3A = vector.extract %slice3A[0] : i32 from vector<1xi32>
        %mul3A_632 = arith.constant 32 : i32
        %mul3A_633 = arith.muli %squeeze3A, %mul3A_632 : i32
        %dma_start3A_634 = tpu.memref_slice %arg11[%mul3A_631] : memref<16384xf32, #tpu.memory_space<vmem>> -> memref<32xf32, #tpu.memory_space<vmem>>
        %dma_start3A_635 = tpu.memref_slice %arg5[%mul3A_633] : memref<524288xf32, #tpu.memory_space<hbm>> -> memref<32xf32, #tpu.memory_space<hbm>>
        %dma_start3A_636 = tpu.memref_slice %arg5[%mul3A_633] : memref<524288xf32, #tpu.memory_space<hbm>> -> memref<32xf32, #tpu.memory_space<hbm>>
        %dma_start3A_637 = tpu.memref_slice %arg11[%mul3A_631] : memref<16384xf32, #tpu.memory_space<vmem>> -> memref<32xf32, #tpu.memory_space<vmem>>
        tpu.enqueue_dma source(%dma_start3A_637 : memref<32xf32, #tpu.memory_space<vmem>>) target(%dma_start3A_636 : memref<32xf32, #tpu.memory_space<hbm>>) target_semaphore(%arg15 : memref<!tpu.dma_semaphore, #tpu.memory_space<semaphore_mem>>)
      } else {
      }
      %jit3A_460 = arith.constant 128 : i32
      %jit3A_461 = arith.constant 0 : i32
      %select_n3A_462 = arith.select %lt3A_456, %jit3A_460, %jit3A_461 : i32
      %add3A_463 = arith.addi %add3A_451, %select_n3A_462 : i32
      %mul3A_464 = arith.constant 16 : i32
      %mul3A_465 = arith.muli %while3A_182, %mul3A_464 : i32
      %add3A_466 = arith.constant 3 : i32
      %add3A_467 = arith.addi %mul3A_465, %add3A_466 : i32
      %lt3A_468 = arith.cmpi slt, %add3A_467, %while3A_126 : i32
      %convert_element_type3A_469 = arith.extui %lt3A_468 : i1 to i32
      %cond3A_470 = arith.constant 0 : i32
      %cond3A_471 = arith.cmpi ne, %convert_element_type3A_469, %cond3A_470 : i32
      scf.if %cond3A_471 {
        %add3A_626 = arith.constant 3 : i32
        %add3A_627 = arith.addi %while3A_183, %add3A_626 : i32
        %rem3A_628 = arith.constant 512 : i32
        %rem3A_629 = arith.remsi %add3A_627, %rem3A_628 : i32
        %mul3A_630 = arith.constant 32 : i32
        %mul3A_631 = arith.muli %rem3A_629, %mul3A_630 : i32
        %slice3A = vector.extract_strided_slice %get3A_197 {offsets = [3], sizes = [1], strides = [1]} : vector<16xi32> to vector<1xi32>
        %squeeze3A = vector.extract %slice3A[0] : i32 from vector<1xi32>
        %mul3A_632 = arith.constant 32 : i32
        %mul3A_633 = arith.muli %squeeze3A, %mul3A_632 : i32
        %dma_start3A_634 = tpu.memref_slice %arg11[%mul3A_631] : memref<16384xf32, #tpu.memory_space<vmem>> -> memref<32xf32, #tpu.memory_space<vmem>>
        %dma_start3A_635 = tpu.memref_slice %arg5[%mul3A_633] : memref<524288xf32, #tpu.memory_space<hbm>> -> memref<32xf32, #tpu.memory_space<hbm>>
        %dma_start3A_636 = tpu.memref_slice %arg5[%mul3A_633] : memref<524288xf32, #tpu.memory_space<hbm>> -> memref<32xf32, #tpu.memory_space<hbm>>
        %dma_start3A_637 = tpu.memref_slice %arg11[%mul3A_631] : memref<16384xf32, #tpu.memory_space<vmem>> -> memref<32xf32, #tpu.memory_space<vmem>>
        tpu.enqueue_dma source(%dma_start3A_637 : memref<32xf32, #tpu.memory_space<vmem>>) target(%dma_start3A_636 : memref<32xf32, #tpu.memory_space<hbm>>) target_semaphore(%arg15 : memref<!tpu.dma_semaphore, #tpu.memory_space<semaphore_mem>>)
      } else {
      }
      %jit3A_472 = arith.constant 128 : i32
      %jit3A_473 = arith.constant 0 : i32
      %select_n3A_474 = arith.select %lt3A_468, %jit3A_472, %jit3A_473 : i32
      %add3A_475 = arith.addi %add3A_463, %select_n3A_474 : i32
      %mul3A_476 = arith.constant 16 : i32
      %mul3A_477 = arith.muli %while3A_182, %mul3A_476 : i32
      %add3A_478 = arith.constant 4 : i32
      %add3A_479 = arith.addi %mul3A_477, %add3A_478 : i32
      %lt3A_480 = arith.cmpi slt, %add3A_479, %while3A_126 : i32
      %convert_element_type3A_481 = arith.extui %lt3A_480 : i1 to i32
      %cond3A_482 = arith.constant 0 : i32
      %cond3A_483 = arith.cmpi ne, %convert_element_type3A_481, %cond3A_482 : i32
      scf.if %cond3A_483 {
        %add3A_626 = arith.constant 4 : i32
        %add3A_627 = arith.addi %while3A_183, %add3A_626 : i32
        %rem3A_628 = arith.constant 512 : i32
        %rem3A_629 = arith.remsi %add3A_627, %rem3A_628 : i32
        %mul3A_630 = arith.constant 32 : i32
        %mul3A_631 = arith.muli %rem3A_629, %mul3A_630 : i32
        %slice3A = vector.extract_strided_slice %get3A_197 {offsets = [4], sizes = [1], strides = [1]} : vector<16xi32> to vector<1xi32>
        %squeeze3A = vector.extract %slice3A[0] : i32 from vector<1xi32>
        %mul3A_632 = arith.constant 32 : i32
        %mul3A_633 = arith.muli %squeeze3A, %mul3A_632 : i32
        %dma_start3A_634 = tpu.memref_slice %arg11[%mul3A_631] : memref<16384xf32, #tpu.memory_space<vmem>> -> memref<32xf32, #tpu.memory_space<vmem>>
        %dma_start3A_635 = tpu.memref_slice %arg5[%mul3A_633] : memref<524288xf32, #tpu.memory_space<hbm>> -> memref<32xf32, #tpu.memory_space<hbm>>
        %dma_start3A_636 = tpu.memref_slice %arg5[%mul3A_633] : memref<524288xf32, #tpu.memory_space<hbm>> -> memref<32xf32, #tpu.memory_space<hbm>>
        %dma_start3A_637 = tpu.memref_slice %arg11[%mul3A_631] : memref<16384xf32, #tpu.memory_space<vmem>> -> memref<32xf32, #tpu.memory_space<vmem>>
        tpu.enqueue_dma source(%dma_start3A_637 : memref<32xf32, #tpu.memory_space<vmem>>) target(%dma_start3A_636 : memref<32xf32, #tpu.memory_space<hbm>>) target_semaphore(%arg15 : memref<!tpu.dma_semaphore, #tpu.memory_space<semaphore_mem>>)
      } else {
      }
      %jit3A_484 = arith.constant 128 : i32
      %jit3A_485 = arith.constant 0 : i32
      %select_n3A_486 = arith.select %lt3A_480, %jit3A_484, %jit3A_485 : i32
      %add3A_487 = arith.addi %add3A_475, %select_n3A_486 : i32
      %mul3A_488 = arith.constant 16 : i32
      %mul3A_489 = arith.muli %while3A_182, %mul3A_488 : i32
      %add3A_490 = arith.constant 5 : i32
      %add3A_491 = arith.addi %mul3A_489, %add3A_490 : i32
      %lt3A_492 = arith.cmpi slt, %add3A_491, %while3A_126 : i32
      %convert_element_type3A_493 = arith.extui %lt3A_492 : i1 to i32
      %cond3A_494 = arith.constant 0 : i32
      %cond3A_495 = arith.cmpi ne, %convert_element_type3A_493, %cond3A_494 : i32
      scf.if %cond3A_495 {
        %add3A_626 = arith.constant 5 : i32
        %add3A_627 = arith.addi %while3A_183, %add3A_626 : i32
        %rem3A_628 = arith.constant 512 : i32
        %rem3A_629 = arith.remsi %add3A_627, %rem3A_628 : i32
        %mul3A_630 = arith.constant 32 : i32
        %mul3A_631 = arith.muli %rem3A_629, %mul3A_630 : i32
        %slice3A = vector.extract_strided_slice %get3A_197 {offsets = [5], sizes = [1], strides = [1]} : vector<16xi32> to vector<1xi32>
        %squeeze3A = vector.extract %slice3A[0] : i32 from vector<1xi32>
        %mul3A_632 = arith.constant 32 : i32
        %mul3A_633 = arith.muli %squeeze3A, %mul3A_632 : i32
        %dma_start3A_634 = tpu.memref_slice %arg11[%mul3A_631] : memref<16384xf32, #tpu.memory_space<vmem>> -> memref<32xf32, #tpu.memory_space<vmem>>
        %dma_start3A_635 = tpu.memref_slice %arg5[%mul3A_633] : memref<524288xf32, #tpu.memory_space<hbm>> -> memref<32xf32, #tpu.memory_space<hbm>>
        %dma_start3A_636 = tpu.memref_slice %arg5[%mul3A_633] : memref<524288xf32, #tpu.memory_space<hbm>> -> memref<32xf32, #tpu.memory_space<hbm>>
        %dma_start3A_637 = tpu.memref_slice %arg11[%mul3A_631] : memref<16384xf32, #tpu.memory_space<vmem>> -> memref<32xf32, #tpu.memory_space<vmem>>
        tpu.enqueue_dma source(%dma_start3A_637 : memref<32xf32, #tpu.memory_space<vmem>>) target(%dma_start3A_636 : memref<32xf32, #tpu.memory_space<hbm>>) target_semaphore(%arg15 : memref<!tpu.dma_semaphore, #tpu.memory_space<semaphore_mem>>)
      } else {
      }
      %jit3A_496 = arith.constant 128 : i32
      %jit3A_497 = arith.constant 0 : i32
      %select_n3A_498 = arith.select %lt3A_492, %jit3A_496, %jit3A_497 : i32
      %add3A_499 = arith.addi %add3A_487, %select_n3A_498 : i32
      %mul3A_500 = arith.constant 16 : i32
      %mul3A_501 = arith.muli %while3A_182, %mul3A_500 : i32
      %add3A_502 = arith.constant 6 : i32
      %add3A_503 = arith.addi %mul3A_501, %add3A_502 : i32
      %lt3A_504 = arith.cmpi slt, %add3A_503, %while3A_126 : i32
      %convert_element_type3A_505 = arith.extui %lt3A_504 : i1 to i32
      %cond3A_506 = arith.constant 0 : i32
      %cond3A_507 = arith.cmpi ne, %convert_element_type3A_505, %cond3A_506 : i32
      scf.if %cond3A_507 {
        %add3A_626 = arith.constant 6 : i32
        %add3A_627 = arith.addi %while3A_183, %add3A_626 : i32
        %rem3A_628 = arith.constant 512 : i32
        %rem3A_629 = arith.remsi %add3A_627, %rem3A_628 : i32
        %mul3A_630 = arith.constant 32 : i32
        %mul3A_631 = arith.muli %rem3A_629, %mul3A_630 : i32
        %slice3A = vector.extract_strided_slice %get3A_197 {offsets = [6], sizes = [1], strides = [1]} : vector<16xi32> to vector<1xi32>
        %squeeze3A = vector.extract %slice3A[0] : i32 from vector<1xi32>
        %mul3A_632 = arith.constant 32 : i32
        %mul3A_633 = arith.muli %squeeze3A, %mul3A_632 : i32
        %dma_start3A_634 = tpu.memref_slice %arg11[%mul3A_631] : memref<16384xf32, #tpu.memory_space<vmem>> -> memref<32xf32, #tpu.memory_space<vmem>>
        %dma_start3A_635 = tpu.memref_slice %arg5[%mul3A_633] : memref<524288xf32, #tpu.memory_space<hbm>> -> memref<32xf32, #tpu.memory_space<hbm>>
        %dma_start3A_636 = tpu.memref_slice %arg5[%mul3A_633] : memref<524288xf32, #tpu.memory_space<hbm>> -> memref<32xf32, #tpu.memory_space<hbm>>
        %dma_start3A_637 = tpu.memref_slice %arg11[%mul3A_631] : memref<16384xf32, #tpu.memory_space<vmem>> -> memref<32xf32, #tpu.memory_space<vmem>>
        tpu.enqueue_dma source(%dma_start3A_637 : memref<32xf32, #tpu.memory_space<vmem>>) target(%dma_start3A_636 : memref<32xf32, #tpu.memory_space<hbm>>) target_semaphore(%arg15 : memref<!tpu.dma_semaphore, #tpu.memory_space<semaphore_mem>>)
      } else {
      }
      %jit3A_508 = arith.constant 128 : i32
      %jit3A_509 = arith.constant 0 : i32
      %select_n3A_510 = arith.select %lt3A_504, %jit3A_508, %jit3A_509 : i32
      %add3A_511 = arith.addi %add3A_499, %select_n3A_510 : i32
      %mul3A_512 = arith.constant 16 : i32
      %mul3A_513 = arith.muli %while3A_182, %mul3A_512 : i32
      %add3A_514 = arith.constant 7 : i32
      %add3A_515 = arith.addi %mul3A_513, %add3A_514 : i32
      %lt3A_516 = arith.cmpi slt, %add3A_515, %while3A_126 : i32
      %convert_element_type3A_517 = arith.extui %lt3A_516 : i1 to i32
      %cond3A_518 = arith.constant 0 : i32
      %cond3A_519 = arith.cmpi ne, %convert_element_type3A_517, %cond3A_518 : i32
      scf.if %cond3A_519 {
        %add3A_626 = arith.constant 7 : i32
        %add3A_627 = arith.addi %while3A_183, %add3A_626 : i32
        %rem3A_628 = arith.constant 512 : i32
        %rem3A_629 = arith.remsi %add3A_627, %rem3A_628 : i32
        %mul3A_630 = arith.constant 32 : i32
        %mul3A_631 = arith.muli %rem3A_629, %mul3A_630 : i32
        %slice3A = vector.extract_strided_slice %get3A_197 {offsets = [7], sizes = [1], strides = [1]} : vector<16xi32> to vector<1xi32>
        %squeeze3A = vector.extract %slice3A[0] : i32 from vector<1xi32>
        %mul3A_632 = arith.constant 32 : i32
        %mul3A_633 = arith.muli %squeeze3A, %mul3A_632 : i32
        %dma_start3A_634 = tpu.memref_slice %arg11[%mul3A_631] : memref<16384xf32, #tpu.memory_space<vmem>> -> memref<32xf32, #tpu.memory_space<vmem>>
        %dma_start3A_635 = tpu.memref_slice %arg5[%mul3A_633] : memref<524288xf32, #tpu.memory_space<hbm>> -> memref<32xf32, #tpu.memory_space<hbm>>
        %dma_start3A_636 = tpu.memref_slice %arg5[%mul3A_633] : memref<524288xf32, #tpu.memory_space<hbm>> -> memref<32xf32, #tpu.memory_space<hbm>>
        %dma_start3A_637 = tpu.memref_slice %arg11[%mul3A_631] : memref<16384xf32, #tpu.memory_space<vmem>> -> memref<32xf32, #tpu.memory_space<vmem>>
        tpu.enqueue_dma source(%dma_start3A_637 : memref<32xf32, #tpu.memory_space<vmem>>) target(%dma_start3A_636 : memref<32xf32, #tpu.memory_space<hbm>>) target_semaphore(%arg15 : memref<!tpu.dma_semaphore, #tpu.memory_space<semaphore_mem>>)
      } else {
      }
      %jit3A_520 = arith.constant 128 : i32
      %jit3A_521 = arith.constant 0 : i32
      %select_n3A_522 = arith.select %lt3A_516, %jit3A_520, %jit3A_521 : i32
      %add3A_523 = arith.addi %add3A_511, %select_n3A_522 : i32
      %mul3A_524 = arith.constant 16 : i32
      %mul3A_525 = arith.muli %while3A_182, %mul3A_524 : i32
      %add3A_526 = arith.constant 8 : i32
      %add3A_527 = arith.addi %mul3A_525, %add3A_526 : i32
      %lt3A_528 = arith.cmpi slt, %add3A_527, %while3A_126 : i32
      %convert_element_type3A_529 = arith.extui %lt3A_528 : i1 to i32
      %cond3A_530 = arith.constant 0 : i32
      %cond3A_531 = arith.cmpi ne, %convert_element_type3A_529, %cond3A_530 : i32
      scf.if %cond3A_531 {
        %add3A_626 = arith.constant 8 : i32
        %add3A_627 = arith.addi %while3A_183, %add3A_626 : i32
        %rem3A_628 = arith.constant 512 : i32
        %rem3A_629 = arith.remsi %add3A_627, %rem3A_628 : i32
        %mul3A_630 = arith.constant 32 : i32
        %mul3A_631 = arith.muli %rem3A_629, %mul3A_630 : i32
        %slice3A = vector.extract_strided_slice %get3A_197 {offsets = [8], sizes = [1], strides = [1]} : vector<16xi32> to vector<1xi32>
        %squeeze3A = vector.extract %slice3A[0] : i32 from vector<1xi32>
        %mul3A_632 = arith.constant 32 : i32
        %mul3A_633 = arith.muli %squeeze3A, %mul3A_632 : i32
        %dma_start3A_634 = tpu.memref_slice %arg11[%mul3A_631] : memref<16384xf32, #tpu.memory_space<vmem>> -> memref<32xf32, #tpu.memory_space<vmem>>
        %dma_start3A_635 = tpu.memref_slice %arg5[%mul3A_633] : memref<524288xf32, #tpu.memory_space<hbm>> -> memref<32xf32, #tpu.memory_space<hbm>>
        %dma_start3A_636 = tpu.memref_slice %arg5[%mul3A_633] : memref<524288xf32, #tpu.memory_space<hbm>> -> memref<32xf32, #tpu.memory_space<hbm>>
        %dma_start3A_637 = tpu.memref_slice %arg11[%mul3A_631] : memref<16384xf32, #tpu.memory_space<vmem>> -> memref<32xf32, #tpu.memory_space<vmem>>
        tpu.enqueue_dma source(%dma_start3A_637 : memref<32xf32, #tpu.memory_space<vmem>>) target(%dma_start3A_636 : memref<32xf32, #tpu.memory_space<hbm>>) target_semaphore(%arg15 : memref<!tpu.dma_semaphore, #tpu.memory_space<semaphore_mem>>)
      } else {
      }
      %jit3A_532 = arith.constant 128 : i32
      %jit3A_533 = arith.constant 0 : i32
      %select_n3A_534 = arith.select %lt3A_528, %jit3A_532, %jit3A_533 : i32
      %add3A_535 = arith.addi %add3A_523, %select_n3A_534 : i32
      %mul3A_536 = arith.constant 16 : i32
      %mul3A_537 = arith.muli %while3A_182, %mul3A_536 : i32
      %add3A_538 = arith.constant 9 : i32
      %add3A_539 = arith.addi %mul3A_537, %add3A_538 : i32
      %lt3A_540 = arith.cmpi slt, %add3A_539, %while3A_126 : i32
      %convert_element_type3A_541 = arith.extui %lt3A_540 : i1 to i32
      %cond3A_542 = arith.constant 0 : i32
      %cond3A_543 = arith.cmpi ne, %convert_element_type3A_541, %cond3A_542 : i32
      scf.if %cond3A_543 {
        %add3A_626 = arith.constant 9 : i32
        %add3A_627 = arith.addi %while3A_183, %add3A_626 : i32
        %rem3A_628 = arith.constant 512 : i32
        %rem3A_629 = arith.remsi %add3A_627, %rem3A_628 : i32
        %mul3A_630 = arith.constant 32 : i32
        %mul3A_631 = arith.muli %rem3A_629, %mul3A_630 : i32
        %slice3A = vector.extract_strided_slice %get3A_197 {offsets = [9], sizes = [1], strides = [1]} : vector<16xi32> to vector<1xi32>
        %squeeze3A = vector.extract %slice3A[0] : i32 from vector<1xi32>
        %mul3A_632 = arith.constant 32 : i32
        %mul3A_633 = arith.muli %squeeze3A, %mul3A_632 : i32
        %dma_start3A_634 = tpu.memref_slice %arg11[%mul3A_631] : memref<16384xf32, #tpu.memory_space<vmem>> -> memref<32xf32, #tpu.memory_space<vmem>>
        %dma_start3A_635 = tpu.memref_slice %arg5[%mul3A_633] : memref<524288xf32, #tpu.memory_space<hbm>> -> memref<32xf32, #tpu.memory_space<hbm>>
        %dma_start3A_636 = tpu.memref_slice %arg5[%mul3A_633] : memref<524288xf32, #tpu.memory_space<hbm>> -> memref<32xf32, #tpu.memory_space<hbm>>
        %dma_start3A_637 = tpu.memref_slice %arg11[%mul3A_631] : memref<16384xf32, #tpu.memory_space<vmem>> -> memref<32xf32, #tpu.memory_space<vmem>>
        tpu.enqueue_dma source(%dma_start3A_637 : memref<32xf32, #tpu.memory_space<vmem>>) target(%dma_start3A_636 : memref<32xf32, #tpu.memory_space<hbm>>) target_semaphore(%arg15 : memref<!tpu.dma_semaphore, #tpu.memory_space<semaphore_mem>>)
      } else {
      }
      %jit3A_544 = arith.constant 128 : i32
      %jit3A_545 = arith.constant 0 : i32
      %select_n3A_546 = arith.select %lt3A_540, %jit3A_544, %jit3A_545 : i32
      %add3A_547 = arith.addi %add3A_535, %select_n3A_546 : i32
      %mul3A_548 = arith.constant 16 : i32
      %mul3A_549 = arith.muli %while3A_182, %mul3A_548 : i32
      %add3A_550 = arith.constant 10 : i32
      %add3A_551 = arith.addi %mul3A_549, %add3A_550 : i32
      %lt3A_552 = arith.cmpi slt, %add3A_551, %while3A_126 : i32
      %convert_element_type3A_553 = arith.extui %lt3A_552 : i1 to i32
      %cond3A_554 = arith.constant 0 : i32
      %cond3A_555 = arith.cmpi ne, %convert_element_type3A_553, %cond3A_554 : i32
      scf.if %cond3A_555 {
        %add3A_626 = arith.constant 10 : i32
        %add3A_627 = arith.addi %while3A_183, %add3A_626 : i32
        %rem3A_628 = arith.constant 512 : i32
        %rem3A_629 = arith.remsi %add3A_627, %rem3A_628 : i32
        %mul3A_630 = arith.constant 32 : i32
        %mul3A_631 = arith.muli %rem3A_629, %mul3A_630 : i32
        %slice3A = vector.extract_strided_slice %get3A_197 {offsets = [10], sizes = [1], strides = [1]} : vector<16xi32> to vector<1xi32>
        %squeeze3A = vector.extract %slice3A[0] : i32 from vector<1xi32>
        %mul3A_632 = arith.constant 32 : i32
        %mul3A_633 = arith.muli %squeeze3A, %mul3A_632 : i32
        %dma_start3A_634 = tpu.memref_slice %arg11[%mul3A_631] : memref<16384xf32, #tpu.memory_space<vmem>> -> memref<32xf32, #tpu.memory_space<vmem>>
        %dma_start3A_635 = tpu.memref_slice %arg5[%mul3A_633] : memref<524288xf32, #tpu.memory_space<hbm>> -> memref<32xf32, #tpu.memory_space<hbm>>
        %dma_start3A_636 = tpu.memref_slice %arg5[%mul3A_633] : memref<524288xf32, #tpu.memory_space<hbm>> -> memref<32xf32, #tpu.memory_space<hbm>>
        %dma_start3A_637 = tpu.memref_slice %arg11[%mul3A_631] : memref<16384xf32, #tpu.memory_space<vmem>> -> memref<32xf32, #tpu.memory_space<vmem>>
        tpu.enqueue_dma source(%dma_start3A_637 : memref<32xf32, #tpu.memory_space<vmem>>) target(%dma_start3A_636 : memref<32xf32, #tpu.memory_space<hbm>>) target_semaphore(%arg15 : memref<!tpu.dma_semaphore, #tpu.memory_space<semaphore_mem>>)
      } else {
      }
      %jit3A_556 = arith.constant 128 : i32
      %jit3A_557 = arith.constant 0 : i32
      %select_n3A_558 = arith.select %lt3A_552, %jit3A_556, %jit3A_557 : i32
      %add3A_559 = arith.addi %add3A_547, %select_n3A_558 : i32
      %mul3A_560 = arith.constant 16 : i32
      %mul3A_561 = arith.muli %while3A_182, %mul3A_560 : i32
      %add3A_562 = arith.constant 11 : i32
      %add3A_563 = arith.addi %mul3A_561, %add3A_562 : i32
      %lt3A_564 = arith.cmpi slt, %add3A_563, %while3A_126 : i32
      %convert_element_type3A_565 = arith.extui %lt3A_564 : i1 to i32
      %cond3A_566 = arith.constant 0 : i32
      %cond3A_567 = arith.cmpi ne, %convert_element_type3A_565, %cond3A_566 : i32
      scf.if %cond3A_567 {
        %add3A_626 = arith.constant 11 : i32
        %add3A_627 = arith.addi %while3A_183, %add3A_626 : i32
        %rem3A_628 = arith.constant 512 : i32
        %rem3A_629 = arith.remsi %add3A_627, %rem3A_628 : i32
        %mul3A_630 = arith.constant 32 : i32
        %mul3A_631 = arith.muli %rem3A_629, %mul3A_630 : i32
        %slice3A = vector.extract_strided_slice %get3A_197 {offsets = [11], sizes = [1], strides = [1]} : vector<16xi32> to vector<1xi32>
        %squeeze3A = vector.extract %slice3A[0] : i32 from vector<1xi32>
        %mul3A_632 = arith.constant 32 : i32
        %mul3A_633 = arith.muli %squeeze3A, %mul3A_632 : i32
        %dma_start3A_634 = tpu.memref_slice %arg11[%mul3A_631] : memref<16384xf32, #tpu.memory_space<vmem>> -> memref<32xf32, #tpu.memory_space<vmem>>
        %dma_start3A_635 = tpu.memref_slice %arg5[%mul3A_633] : memref<524288xf32, #tpu.memory_space<hbm>> -> memref<32xf32, #tpu.memory_space<hbm>>
        %dma_start3A_636 = tpu.memref_slice %arg5[%mul3A_633] : memref<524288xf32, #tpu.memory_space<hbm>> -> memref<32xf32, #tpu.memory_space<hbm>>
        %dma_start3A_637 = tpu.memref_slice %arg11[%mul3A_631] : memref<16384xf32, #tpu.memory_space<vmem>> -> memref<32xf32, #tpu.memory_space<vmem>>
        tpu.enqueue_dma source(%dma_start3A_637 : memref<32xf32, #tpu.memory_space<vmem>>) target(%dma_start3A_636 : memref<32xf32, #tpu.memory_space<hbm>>) target_semaphore(%arg15 : memref<!tpu.dma_semaphore, #tpu.memory_space<semaphore_mem>>)
      } else {
      }
      %jit3A_568 = arith.constant 128 : i32
      %jit3A_569 = arith.constant 0 : i32
      %select_n3A_570 = arith.select %lt3A_564, %jit3A_568, %jit3A_569 : i32
      %add3A_571 = arith.addi %add3A_559, %select_n3A_570 : i32
      %mul3A_572 = arith.constant 16 : i32
      %mul3A_573 = arith.muli %while3A_182, %mul3A_572 : i32
      %add3A_574 = arith.constant 12 : i32
      %add3A_575 = arith.addi %mul3A_573, %add3A_574 : i32
      %lt3A_576 = arith.cmpi slt, %add3A_575, %while3A_126 : i32
      %convert_element_type3A_577 = arith.extui %lt3A_576 : i1 to i32
      %cond3A_578 = arith.constant 0 : i32
      %cond3A_579 = arith.cmpi ne, %convert_element_type3A_577, %cond3A_578 : i32
      scf.if %cond3A_579 {
        %add3A_626 = arith.constant 12 : i32
        %add3A_627 = arith.addi %while3A_183, %add3A_626 : i32
        %rem3A_628 = arith.constant 512 : i32
        %rem3A_629 = arith.remsi %add3A_627, %rem3A_628 : i32
        %mul3A_630 = arith.constant 32 : i32
        %mul3A_631 = arith.muli %rem3A_629, %mul3A_630 : i32
        %slice3A = vector.extract_strided_slice %get3A_197 {offsets = [12], sizes = [1], strides = [1]} : vector<16xi32> to vector<1xi32>
        %squeeze3A = vector.extract %slice3A[0] : i32 from vector<1xi32>
        %mul3A_632 = arith.constant 32 : i32
        %mul3A_633 = arith.muli %squeeze3A, %mul3A_632 : i32
        %dma_start3A_634 = tpu.memref_slice %arg11[%mul3A_631] : memref<16384xf32, #tpu.memory_space<vmem>> -> memref<32xf32, #tpu.memory_space<vmem>>
        %dma_start3A_635 = tpu.memref_slice %arg5[%mul3A_633] : memref<524288xf32, #tpu.memory_space<hbm>> -> memref<32xf32, #tpu.memory_space<hbm>>
        %dma_start3A_636 = tpu.memref_slice %arg5[%mul3A_633] : memref<524288xf32, #tpu.memory_space<hbm>> -> memref<32xf32, #tpu.memory_space<hbm>>
        %dma_start3A_637 = tpu.memref_slice %arg11[%mul3A_631] : memref<16384xf32, #tpu.memory_space<vmem>> -> memref<32xf32, #tpu.memory_space<vmem>>
        tpu.enqueue_dma source(%dma_start3A_637 : memref<32xf32, #tpu.memory_space<vmem>>) target(%dma_start3A_636 : memref<32xf32, #tpu.memory_space<hbm>>) target_semaphore(%arg15 : memref<!tpu.dma_semaphore, #tpu.memory_space<semaphore_mem>>)
      } else {
      }
      %jit3A_580 = arith.constant 128 : i32
      %jit3A_581 = arith.constant 0 : i32
      %select_n3A_582 = arith.select %lt3A_576, %jit3A_580, %jit3A_581 : i32
      %add3A_583 = arith.addi %add3A_571, %select_n3A_582 : i32
      %mul3A_584 = arith.constant 16 : i32
      %mul3A_585 = arith.muli %while3A_182, %mul3A_584 : i32
      %add3A_586 = arith.constant 13 : i32
      %add3A_587 = arith.addi %mul3A_585, %add3A_586 : i32
      %lt3A_588 = arith.cmpi slt, %add3A_587, %while3A_126 : i32
      %convert_element_type3A_589 = arith.extui %lt3A_588 : i1 to i32
      %cond3A_590 = arith.constant 0 : i32
      %cond3A_591 = arith.cmpi ne, %convert_element_type3A_589, %cond3A_590 : i32
      scf.if %cond3A_591 {
        %add3A_626 = arith.constant 13 : i32
        %add3A_627 = arith.addi %while3A_183, %add3A_626 : i32
        %rem3A_628 = arith.constant 512 : i32
        %rem3A_629 = arith.remsi %add3A_627, %rem3A_628 : i32
        %mul3A_630 = arith.constant 32 : i32
        %mul3A_631 = arith.muli %rem3A_629, %mul3A_630 : i32
        %slice3A = vector.extract_strided_slice %get3A_197 {offsets = [13], sizes = [1], strides = [1]} : vector<16xi32> to vector<1xi32>
        %squeeze3A = vector.extract %slice3A[0] : i32 from vector<1xi32>
        %mul3A_632 = arith.constant 32 : i32
        %mul3A_633 = arith.muli %squeeze3A, %mul3A_632 : i32
        %dma_start3A_634 = tpu.memref_slice %arg11[%mul3A_631] : memref<16384xf32, #tpu.memory_space<vmem>> -> memref<32xf32, #tpu.memory_space<vmem>>
        %dma_start3A_635 = tpu.memref_slice %arg5[%mul3A_633] : memref<524288xf32, #tpu.memory_space<hbm>> -> memref<32xf32, #tpu.memory_space<hbm>>
        %dma_start3A_636 = tpu.memref_slice %arg5[%mul3A_633] : memref<524288xf32, #tpu.memory_space<hbm>> -> memref<32xf32, #tpu.memory_space<hbm>>
        %dma_start3A_637 = tpu.memref_slice %arg11[%mul3A_631] : memref<16384xf32, #tpu.memory_space<vmem>> -> memref<32xf32, #tpu.memory_space<vmem>>
        tpu.enqueue_dma source(%dma_start3A_637 : memref<32xf32, #tpu.memory_space<vmem>>) target(%dma_start3A_636 : memref<32xf32, #tpu.memory_space<hbm>>) target_semaphore(%arg15 : memref<!tpu.dma_semaphore, #tpu.memory_space<semaphore_mem>>)
      } else {
      }
      %jit3A_592 = arith.constant 128 : i32
      %jit3A_593 = arith.constant 0 : i32
      %select_n3A_594 = arith.select %lt3A_588, %jit3A_592, %jit3A_593 : i32
      %add3A_595 = arith.addi %add3A_583, %select_n3A_594 : i32
      %mul3A_596 = arith.constant 16 : i32
      %mul3A_597 = arith.muli %while3A_182, %mul3A_596 : i32
      %add3A_598 = arith.constant 14 : i32
      %add3A_599 = arith.addi %mul3A_597, %add3A_598 : i32
      %lt3A_600 = arith.cmpi slt, %add3A_599, %while3A_126 : i32
      %convert_element_type3A_601 = arith.extui %lt3A_600 : i1 to i32
      %cond3A_602 = arith.constant 0 : i32
      %cond3A_603 = arith.cmpi ne, %convert_element_type3A_601, %cond3A_602 : i32
      scf.if %cond3A_603 {
        %add3A_626 = arith.constant 14 : i32
        %add3A_627 = arith.addi %while3A_183, %add3A_626 : i32
        %rem3A_628 = arith.constant 512 : i32
        %rem3A_629 = arith.remsi %add3A_627, %rem3A_628 : i32
        %mul3A_630 = arith.constant 32 : i32
        %mul3A_631 = arith.muli %rem3A_629, %mul3A_630 : i32
        %slice3A = vector.extract_strided_slice %get3A_197 {offsets = [14], sizes = [1], strides = [1]} : vector<16xi32> to vector<1xi32>
        %squeeze3A = vector.extract %slice3A[0] : i32 from vector<1xi32>
        %mul3A_632 = arith.constant 32 : i32
        %mul3A_633 = arith.muli %squeeze3A, %mul3A_632 : i32
        %dma_start3A_634 = tpu.memref_slice %arg11[%mul3A_631] : memref<16384xf32, #tpu.memory_space<vmem>> -> memref<32xf32, #tpu.memory_space<vmem>>
        %dma_start3A_635 = tpu.memref_slice %arg5[%mul3A_633] : memref<524288xf32, #tpu.memory_space<hbm>> -> memref<32xf32, #tpu.memory_space<hbm>>
        %dma_start3A_636 = tpu.memref_slice %arg5[%mul3A_633] : memref<524288xf32, #tpu.memory_space<hbm>> -> memref<32xf32, #tpu.memory_space<hbm>>
        %dma_start3A_637 = tpu.memref_slice %arg11[%mul3A_631] : memref<16384xf32, #tpu.memory_space<vmem>> -> memref<32xf32, #tpu.memory_space<vmem>>
        tpu.enqueue_dma source(%dma_start3A_637 : memref<32xf32, #tpu.memory_space<vmem>>) target(%dma_start3A_636 : memref<32xf32, #tpu.memory_space<hbm>>) target_semaphore(%arg15 : memref<!tpu.dma_semaphore, #tpu.memory_space<semaphore_mem>>)
      } else {
      }
      %jit3A_604 = arith.constant 128 : i32
      %jit3A_605 = arith.constant 0 : i32
      %select_n3A_606 = arith.select %lt3A_600, %jit3A_604, %jit3A_605 : i32
      %add3A_607 = arith.addi %add3A_595, %select_n3A_606 : i32
      %mul3A_608 = arith.constant 16 : i32
      %mul3A_609 = arith.muli %while3A_182, %mul3A_608 : i32
      %add3A_610 = arith.constant 15 : i32
      %add3A_611 = arith.addi %mul3A_609, %add3A_610 : i32
      %lt3A_612 = arith.cmpi slt, %add3A_611, %while3A_126 : i32
      %convert_element_type3A_613 = arith.extui %lt3A_612 : i1 to i32
      %cond3A_614 = arith.constant 0 : i32
      %cond3A_615 = arith.cmpi ne, %convert_element_type3A_613, %cond3A_614 : i32
      scf.if %cond3A_615 {
        %add3A_626 = arith.constant 15 : i32
        %add3A_627 = arith.addi %while3A_183, %add3A_626 : i32
        %rem3A_628 = arith.constant 512 : i32
        %rem3A_629 = arith.remsi %add3A_627, %rem3A_628 : i32
        %mul3A_630 = arith.constant 32 : i32
        %mul3A_631 = arith.muli %rem3A_629, %mul3A_630 : i32
        %slice3A = vector.extract_strided_slice %get3A_197 {offsets = [15], sizes = [1], strides = [1]} : vector<16xi32> to vector<1xi32>
        %squeeze3A = vector.extract %slice3A[0] : i32 from vector<1xi32>
        %mul3A_632 = arith.constant 32 : i32
        %mul3A_633 = arith.muli %squeeze3A, %mul3A_632 : i32
        %dma_start3A_634 = tpu.memref_slice %arg11[%mul3A_631] : memref<16384xf32, #tpu.memory_space<vmem>> -> memref<32xf32, #tpu.memory_space<vmem>>
        %dma_start3A_635 = tpu.memref_slice %arg5[%mul3A_633] : memref<524288xf32, #tpu.memory_space<hbm>> -> memref<32xf32, #tpu.memory_space<hbm>>
        %dma_start3A_636 = tpu.memref_slice %arg5[%mul3A_633] : memref<524288xf32, #tpu.memory_space<hbm>> -> memref<32xf32, #tpu.memory_space<hbm>>
        %dma_start3A_637 = tpu.memref_slice %arg11[%mul3A_631] : memref<16384xf32, #tpu.memory_space<vmem>> -> memref<32xf32, #tpu.memory_space<vmem>>
        tpu.enqueue_dma source(%dma_start3A_637 : memref<32xf32, #tpu.memory_space<vmem>>) target(%dma_start3A_636 : memref<32xf32, #tpu.memory_space<hbm>>) target_semaphore(%arg15 : memref<!tpu.dma_semaphore, #tpu.memory_space<semaphore_mem>>)
      } else {
      }
      %jit3A_616 = arith.constant 128 : i32
      %jit3A_617 = arith.constant 0 : i32
      %select_n3A_618 = arith.select %lt3A_612, %jit3A_616, %jit3A_617 : i32
      %add3A_619 = arith.addi %add3A_607, %select_n3A_618 : i32
      %mul3A_620 = arith.constant 16 : i32
      %mul3A_621 = arith.muli %while3A_182, %mul3A_620 : i32
      %sub3A_622 = arith.subi %while3A_126, %mul3A_621 : i32
      %min3A_623 = arith.constant 16 : i32
      %min3A_624 = arith.minsi %min3A_623, %sub3A_622 : i32
      %add3A_625 = arith.addi %while3A_183, %min3A_624 : i32
      scf.yield %add3A_625, %add3A_619 : i32, i32
    }
    %jit3A_146 = arith.constant 128 : i32
    %div3A_147 = arith.divsi %while3A_145#1, %jit3A_146 : i32
    %sign3A_148 = arith.constant 0 : i32
    %sign3A_149 = arith.cmpi sgt, %while3A_145#1, %sign3A_148 : i32
    %sign3A_150 = arith.extui %sign3A_149 : i1 to i32
    %sign3A_151 = arith.constant 0 : i32
    %sign3A_152 = arith.cmpi slt, %while3A_145#1, %sign3A_151 : i32
    %sign3A_153 = arith.extui %sign3A_152 : i1 to i32
    %sign3A_154 = arith.subi %sign3A_150, %sign3A_153 : i32
    %sign3A_155 = arith.constant 0 : i32
    %sign3A_156 = arith.cmpi sgt, %jit3A_146, %sign3A_155 : i32
    %sign3A_157 = arith.extui %sign3A_156 : i1 to i32
    %sign3A_158 = arith.constant 0 : i32
    %sign3A_159 = arith.cmpi slt, %jit3A_146, %sign3A_158 : i32
    %sign3A_160 = arith.extui %sign3A_159 : i1 to i32
    %sign3A_161 = arith.subi %sign3A_157, %sign3A_160 : i32
    %ne3A_162 = arith.cmpi ne, %sign3A_154, %sign3A_161 : i32
    %rem3A_163 = arith.remsi %while3A_145#1, %jit3A_146 : i32
    %ne3A_164 = arith.constant 0 : i32
    %ne3A_165 = arith.cmpi ne, %rem3A_163, %ne3A_164 : i32
    %and3A_166 = arith.andi %ne3A_162, %ne3A_165 : i1
    %sub3A_167 = arith.constant 1 : i32
    %sub3A_168 = arith.subi %div3A_147, %sub3A_167 : i32
    %select_n3A_169 = arith.select %and3A_166, %sub3A_168, %div3A_147 : i32
    %while3A_170 = arith.constant 0 : i32
    %while3A_171 = arith.constant 0 : i32
    %while3A_172 = arith.subi %select_n3A_169, %while3A_170 : i32
    %while3A_173 = arith.addi %while3A_170, %while3A_172 : i32
    %while3A_174 = arith.constant 1 : i32
    %while3A_175 = arith.divsi %while3A_172, %while3A_174 : i32
    %while3A_176 = arith.muli %while3A_175, %while3A_174 : i32
    %while3A_177 = arith.addi %while3A_170, %while3A_176 : i32
    %while3A_178 = arith.constant 1 : i32
    %while3A_179 = scf.for %while3A_182 = %while3A_170 to %while3A_177 step %while3A_178 iter_args(%while3A_183 = %while3A_171) -> (i32)  : i32 {
      %dma_wait3A = arith.constant 0 : i32
      %dma_wait3A_184 = tpu.memref_slice %arg11[%dma_wait3A] : memref<16384xf32, #tpu.memory_space<vmem>> -> memref<32xf32, #tpu.memory_space<vmem>>
      %dma_wait3A_185 = arith.constant 0 : i32
      %dma_wait3A_186 = tpu.memref_slice %arg5[%dma_wait3A_185] : memref<524288xf32, #tpu.memory_space<hbm>> -> memref<32xf32, #tpu.memory_space<hbm>>
      %dma_wait3A_187 = arith.constant 0 : i32
      %dma_wait3A_188 = tpu.memref_slice %arg11[%dma_wait3A_187] : memref<16384xf32, #tpu.memory_space<vmem>> -> memref<32xf32, #tpu.memory_space<vmem>>
      %dma_wait3A_189 = arith.constant 0 : i32
      %dma_wait3A_190 = tpu.memref_slice %arg5[%dma_wait3A_189] : memref<524288xf32, #tpu.memory_space<hbm>> -> memref<32xf32, #tpu.memory_space<hbm>>
      tpu.wait_dma2 semaphore(%arg15 : memref<!tpu.dma_semaphore, #tpu.memory_space<semaphore_mem>>) src(%dma_wait3A_190 : memref<32xf32, #tpu.memory_space<hbm>>) dst(%dma_wait3A_188 : memref<32xf32, #tpu.memory_space<vmem>>)
      %while3A_191 = arith.constant 0 : i32
      scf.yield %while3A_191 : i32
    }
    %while3A_180 = arith.constant 1 : i32
    %while3A_181 = scf.for %while3A_182 = %while3A_177 to %while3A_173 step %while3A_180 iter_args(%while3A_183 = %while3A_179) -> (i32)  : i32 {
      %dma_wait3A = arith.constant 0 : i32
      %dma_wait3A_184 = tpu.memref_slice %arg11[%dma_wait3A] : memref<16384xf32, #tpu.memory_space<vmem>> -> memref<32xf32, #tpu.memory_space<vmem>>
      %dma_wait3A_185 = arith.constant 0 : i32
      %dma_wait3A_186 = tpu.memref_slice %arg5[%dma_wait3A_185] : memref<524288xf32, #tpu.memory_space<hbm>> -> memref<32xf32, #tpu.memory_space<hbm>>
      %dma_wait3A_187 = arith.constant 0 : i32
      %dma_wait3A_188 = tpu.memref_slice %arg11[%dma_wait3A_187] : memref<16384xf32, #tpu.memory_space<vmem>> -> memref<32xf32, #tpu.memory_space<vmem>>
      %dma_wait3A_189 = arith.constant 0 : i32
      %dma_wait3A_190 = tpu.memref_slice %arg5[%dma_wait3A_189] : memref<524288xf32, #tpu.memory_space<hbm>> -> memref<32xf32, #tpu.memory_space<hbm>>
      tpu.wait_dma2 semaphore(%arg15 : memref<!tpu.dma_semaphore, #tpu.memory_space<semaphore_mem>>) src(%dma_wait3A_190 : memref<32xf32, #tpu.memory_space<hbm>>) dst(%dma_wait3A_188 : memref<32xf32, #tpu.memory_space<vmem>>)
      %while3A_191 = arith.constant 0 : i32
      scf.yield %while3A_191 : i32
    }
    return
  }
}

</mosaic_0001>

<sc_bundles>
// kernel: kernel.3.cloned.1.call-start
scs
__scs_entry_jumppad:
0x0: {  	(pc) =	sbr.rel $0x88, $3  }
0x1: {  	(tag) =	ssettag $0x0;
	lr =	simm.s32 $0x1  }
0x2: {  	[smem:$0x3F9F] =	sst lr;
	_ =	strace $0xD0000000  }
0x3: {  	_ = 	snop  }
0x4: {  	_ = 	snop  }
0x5: {  	_ = 	snop  }
0x6: {  	_ = 	snop  }
0x7: {  	_ = 	snop  }
__scs_overlays_trampoline_lowered:
0x8: {  	[smem:$0x3FAE] =	sst s0  }
0x9: {  	[smem:$0x3FAF] =	sst s1  }
0xa: {  	[smem:$0x3FB0] =	sst s2  }
0xb: {  	[smem:$0x3FB1] =	sst s3  }
0xc: {  	[smem:$0x3FB2] =	sst s4  }
0xd: {  	[smem:$0x3FB3] =	sst s5  }
0xe: {  	[smem:$0x3FB4] =	sst s6  }
0xf: {  	[smem:$0x3FB5] =	sst s7  }
0x10: {  	[smem:$0x3FB6] =	sst s8  }
0x11: {  	[smem:$0x3FB7] =	sst s9;
	s0 =	simm.s32 @!p0 $0x0  }
0x12: {  	s1 =	sld [smem:$0x3F9D];
	s0 =	simm.s32 @p0 $0x1  }
0x13: {  	[smem:$0x3FB8] =	sst s0;
	s0 =	simm.s32 @!p1 $0x0  }
0x14: {  	s2 =	sld [smem:$0x3F9C];
	s0 =	simm.s32 @p1 $0x1  }
0x15: {  	[smem:$0x3FB9] =	sst s0;
	s0 =	simm.s32 @!p2 $0x0  }
0x16: {  	s3 =	sld [smem:$0x3FDB];
	s0 =	simm.s32 @p2 $0x1  }
0x17: {  	s4 =	simm.s32 $0x1BF5;
	[smem:$0x3FBB] =	sst s0  }
0x18: {  	s0 =	sld [smem:$0x3F9E];
	_ =	swait.ge [sflag:s4], $0x0  }
0x19: {  	s7 =	sld [smem:$0x3F9F]  }
0x1a: {  	s8 =	sadd.s32 $0xFFFFE003, lr  }
0x1b: {  	s9 =	sadd.s32 $0xFFFFFEF7, lr;
	s5 =	simm.s32 $0xFFFFFFFF;
	p2 =	slt.u32 s8, $0xFFFFF086  }
0x1c: {  	p1 =	slt.u32 s9, $0xF7A;
	s5 =	simm.s32 @!p2 $0x0  }
0x1d: {  	s5 =	simm.s32 @p1 $0x1;
	p0 =	seq.s32 s7, s2  }
0x1e: {  	s7 =	smul.u32 @!p0 $0xF7A, s2;
	p2 =	seq.s32 @!p0 s5, $0x0  }
0x1f: {  	s9 =	smul.u32 $0xF7A, s1;
	s8 =	simm.s32 @!p0 $0x1BF5;
	p2 =	por !p2, p0  }
0x20: {  	[sflag:s8] =	ssyncset.s32 @!p0 $0xFFFFF086;
	s6 =	sadd.s32 @!p0 s3, s7;
	s7 =	simm.s32 @!p0 $0x108  }
0x21: {  	s3 =	sadd.s32 s3, s9;
	s6 =	sadd.s32 @!p0 $0x88, s6;
	s7 =	simm.s32 @p2 $0x1082  }
0x22: {  	[simem:s7], [sflag:s8] =	dma.local @!p0 [hbm:s6], $0xF7A  }
0x23: {  	s9 =	sor.u32 $0xD0000000, s2;
	s6 =	simm.s32 $0x108;
	_ =	swait.ge @!p0 [sflag:s8], $0x0  }
0x24: {  	s3 =	sadd.s32 $0x88, s3;
	s6 =	simm.s32 @!p1 $0x1082;
	[sflag:s4] =	ssyncset.s32 $0xFFFFF086  }
0x25: {  	[simem:s6], [sflag:s4] =	dma.local [hbm:s3], $0xF7A  }
0x26: {  	[smem:$0x3F9F] =	sst s1;
	(tag) =	ssettag s2;
	_ =	strace s9  }
0x27: {  	s1 =	sld [smem:$0x3FAF]  }
0x28: {  	s2 =	sld [smem:$0x3FB0]  }
0x29: {  	s4 =	sld [smem:$0x3FB2]  }
0x2a: {  	p0 =	seq.s32 s5, $0x0;
	s5 =	sld [smem:$0x3FB3]  }
0x2b: {  	s6 =	sld [smem:$0x3FB4]  }
0x2c: {  	s7 =	sld [smem:$0x3FB5]  }
0x2d: {  	s3 =	simm.s32 $0x108;
	s8 =	sld [smem:$0x3FB6]  }
0x2e: {  	s3 =	simm.s32 @!p0 $0x1082;
	s9 =	sld [smem:$0x3FB7]  }
0x2f: {  	lr =	sadd.s32 s0, s3;
	s0 =	sld [smem:$0x3FAE]  }
0x30: {  	s3 =	sld [smem:$0x3FB1]  }
0x31: {  	[smem:$0x3FBA] =	sst s10  }
0x32: {  	s10 =	sld [smem:$0x3FB8];
	_ =	sdelay $0x3  }
0x33: {  	p0 =	seq.s32 s10, $0x1;
	s10 =	sld [smem:$0x3FBA];
	_ =	sdelay $0x3  }
0x34: {  	[smem:$0x3FBA] =	sst s10  }
0x35: {  	s10 =	sld [smem:$0x3FB9];
	_ =	sdelay $0x3  }
0x36: {  	p1 =	seq.s32 s10, $0x1;
	s10 =	sld [smem:$0x3FBA];
	_ =	sdelay $0x3  }
0x37: {  	[smem:$0x3FBA] =	sst s10  }
0x38: {  	s10 =	sld [smem:$0x3FBB]  }
0x39: {  	_ = 	snop;
	(pc) =	sbr.ind lr, $3  }
0x3a: {  	_ = 	snop  }
0x3b: {  	_ = 	snop  }
0x3c: {  	p2 =	seq.s32 s10, $0x1;
	s10 =	sld [smem:$0x3FBA]  }
0x3d: {  	_ =	shalt  }
0x3e: {  	_ =	shalt  }
0x3f: {  	_ =	shalt  }
0x40: {  	_ =	shalt  }
0x41: {  	_ =	shalt  }
0x42: {  	_ =	shalt  }
0x43: {  	_ =	shalt  }
0x44: {  	_ =	shalt  }
0x45: {  	_ =	shalt  }
0x46: {  	_ =	shalt  }
0x47: {  	_ =	shalt  }
0x48: {  	_ =	shalt  }
0x49: {  	_ =	shalt  }
0x4a: {  	_ =	shalt  }
0x4b: {  	_ =	shalt  }
0x4c: {  	_ =	shalt  }
0x4d: {  	_ =	shalt  }
0x4e: {  	_ =	shalt  }
0x4f: {  	_ =	shalt  }
0x50: {  	_ =	shalt  }
0x51: {  	_ =	shalt  }
0x52: {  	_ =	shalt  }
0x53: {  	_ =	shalt  }
0x54: {  	_ =	shalt  }
0x55: {  	_ =	shalt  }
0x56: {  	_ =	shalt  }
0x57: {  	_ =	shalt  }
0x58: {  	_ =	shalt  }
0x59: {  	_ =	shalt  }
0x5a: {  	_ =	shalt  }
0x5b: {  	_ =	shalt  }
0x5c: {  	_ =	shalt  }
0x5d: {  	_ =	shalt  }
0x5e: {  	_ =	shalt  }
0x5f: {  	_ =	shalt  }
0x60: {  	_ =	shalt  }
0x61: {  	_ =	shalt  }
0x62: {  	_ =	shalt  }
0x63: {  	_ =	shalt  }
0x64: {  	_ =	shalt  }
0x65: {  	_ =	shalt  }
0x66: {  	_ =	shalt  }
0x67: {  	_ =	shalt  }
0x68: {  	_ =	shalt  }
0x69: {  	_ =	shalt  }
0x6a: {  	_ =	shalt  }
0x6b: {  	_ =	shalt  }
0x6c: {  	_ =	shalt  }
0x6d: {  	_ =	shalt  }
0x6e: {  	_ =	shalt  }
0x6f: {  	_ =	shalt  }
0x70: {  	_ =	shalt  }
0x71: {  	_ =	shalt  }
0x72: {  	_ =	shalt  }
0x73: {  	_ =	shalt  }
0x74: {  	_ =	shalt  }
0x75: {  	_ =	shalt  }
0x76: {  	_ =	shalt  }
0x77: {  	_ =	shalt  }
0x78: {  	_ =	shalt  }
0x79: {  	_ =	shalt  }
0x7a: {  	_ =	shalt  }
0x7b: {  	_ =	shalt  }
0x7c: {  	_ =	shalt  }
0x7d: {  	_ =	shalt  }
0x7e: {  	_ =	shalt  }
0x7f: {  	_ =	shalt  }
0x80: {  	_ =	shalt  }
0x81: {  	_ =	shalt  }
0x82: {  	_ =	shalt  }
0x83: {  	_ =	shalt  }
0x84: {  	_ =	shalt  }
0x85: {  	_ =	shalt  }
0x86: {  	_ =	shalt  }
0x87: {  	_ =	shalt  }
.Lfunc_end0:
.L_simem_size_0:
called_computation_lowered:
.L_overlay_start_0:
0x88: {  	s2 =	sld [smem:$0x3FD9]  }
0x89: {  	s3 =	sld [smem:$0x3FFE];
	_ =	sdelay $0x1  }
0x8a: {  	s1 =	srdreg.scid  }
0x8b: {  	s0 =	sand.u32 $0x1, s1  }
0x8c: {  	s17 =	sshll.u32 s0, $0xA;
	s2 =	sadd.s32 s3, s2  }
0x8d: {  	s2 =	sadd.s32 s2, s17  }
0x8e: {  	[smem:$0x3FC6] =	sst s2  }
0x8f: {  	_ = 	snop  }
0x90: {  	s2 =	sld [smem:$0x3FC9]  }
0x91: {  	s18 =	sld [smem:$0x3FC8]  }
0x92: {  	s4 =	sld [smem:$0x3FD0];
	(tm) =	ssettm $0x1  }
0x93: {  	s5 =	sld [smem:$0x3FFB];
	_ =	sdelay $0x3  }
0x94: {  	_ =	strace s5  }
0x95: {  	s5 =	sld [smem:$0x3FFC];
	_ =	sdelay $0x3  }
0x96: {  	_ =	strace s5  }
0x97: {  	s5 =	sld [smem:$0x3FFD];
	_ =	sdelay $0x3  }
0x98: {  	_ =	strace s5  }
0x99: {  	_ =	strace $0x8FFFFFFF  }
0x9a: {  	s19 =	sld [smem:$0x3FDB];
	_ =	sdelay $0x1  }
0x9b: {  	s6 =	simm.s32 $_scs_section_size  }
0x9c: {  	s7 =	simm.s32 $_size__tile_overlayer_lowered;
	s8 =	simm.s32 $_tile_overlayer_lowered  }
0x9d: {  	s22 =	simm.s32 $0x1BFF;
	s21 =	sshll.u32 s8, $0x1;
	s5 =	sadd.s32 s6, s19  }
0x9e: {  	s9 =	simm.s32 $0x0;
	s20 =	sshll.u32 s7, $0x1;
	s7 =	sadd.s32 s21, s5  }
0x9f: {  	[timem:s9], [sflag:s22] =	dma.local [hbm:s7], s20  }
0xa0: {  	_ =	swait.ge [sflag:s22], s20  }
0xa1: {  	s6 =	ssub.s32 $0x0, s20;
	[sflag:s22] =	ssyncset.done $0x0  }
0xa2: {  	[sflag:s22] =	ssyncadd.s32 s6;
	_ =	sdelay $0x1  }
0xa3: {  	s23 =	simm.s32 $0x1B8B  }
0xa4: {  	_ =	swait.ge [sflag:s23], $0x1  }
0xa5: {  	[sflag:s23] =	ssyncset.done $0x0  }
0xa6: {  	s25 =	simm.s32 $0x1B8E;
	s24 =	sld [smem:$0x3FFE];
	[sflag:s23] =	ssyncadd.s32 $0xFFFFFFFF  }
0xa7: {  	s26 =	simm.s32 $execute0_lowered;
	[smem:$0x3FD2] =	sst s25  }
0xa8: {  	s7 =	sshll.u32 s26, $0x1;
	_ =	strace $0x80000046;
	[dreg:$0x1] =	wrdreg $0xFFFFFFFF  }
0xa9: {  	s28 =	simm.s32 $_size_execute0_lowered;
	s5 =	sadd.s32 s5, s7;
	[dreg:$0x0] =	wrdreg $0x0  }
0xaa: {  	s7 =	sshll.u32 s28, $0x1;
	[dreg:$0x2] =	wrdreg s5  }
0xab: {  	[dreg:$0x3] =	wrdreg s7  }
0xac: {  	[dreg:$0x4] =	wrdreg $0xC0  }
0xad: {  	_ =	task [dreg:s9], $0x5FFFF  }
0xae: {  	[dreg:$0x1] =	wrdreg $0xFFFFFFFF  }
0xaf: {  	[dreg:$0x0] =	wrdreg $0x60  }
0xb0: {  	[dreg:$0x2] =	wrdreg s2  }
0xb1: {  	[dreg:$0x3] =	wrdreg s18  }
0xb2: {  	[dreg:$0x4] =	wrdreg s24  }
0xb3: {  	[dreg:$0x5] =	wrdreg s4  }
0xb4: {  	[dreg:$0x6] =	wrdreg $0x9  }
0xb5: {  	_ =	task.clear_ibuf [dreg:s9], $0x7FFFF;
	_ =	strace $0x90000046  }
0xb6: {  	s29 =	simm.s32 $0x9;
	_ =	strace $0x80000048  }
0xb7: {  	_ =	swait.ge [sflag:s29], $0x1  }
0xb8: {  	[sflag:s29] =	ssyncadd.s32 $0xFFFFFFFF  }
0xb9: {  	_ =	strace $0x90000048  }
0xba: {  	_ =	sfence  }
0xbb: {  	s30 =	sld [smem:$0x0];
	_ =	sdelay $0x2  }
0xbc: {  	s31 =	sshll.u32 s1, $0xD;
	s1 =	sshrl.u32 s1, $0x2  }
0xbd: {  	s3 =	sand.u32 $0x4000, s31;
	s1 =	sadd.s32 s1, s30  }
0xbe: {  	s0 =	sor.u32 s3, s0;
	s1 =	sshll.u32 s1, $0x11  }
0xbf: {  	s0 =	sor.u32 s1, s0  }
0xc0: {  	s0 =	sadd.s32 $0x8F2B, s0  }
0xc1: {  	[sflag:s0] =	ssyncadd.remote.s32 $0x1  }
0xc2: {  	_ =	sfence.sel $0xFFFF  }
0xc3: {  	[dreg:$0x0] =	wrdreg $0xFFFFFFFF;
	(pc) =	sbr.abs _section_cstart, $3  }
0xc4: {  	[dreg:$0x1] =	wrdreg $0xFFFFFFFF  }
0xc5: {  	_ =	task.clear_ibuf [dreg:s9], $0x2FFFF;
	_ =	strace $0x9FFFFFFF  }
0xc6: {  	(tm) =	ssettm $0x7FFFFFFF  }
0xc7: {  	_ =	shalt  }
tec
execute0_lowered:
.L_overlay_start_1:
0x0: {  	(tag) =	ssettag $0x1  }
0x1: {  	s4 =	rddreg [dreg:$0x1]  }
0x2: {  	s1 =	rddreg [dreg:$0x2]  }
0x3: {  	s0 =	srdreg.scid;
	s22 =	rddreg [dreg:$0x3];
	s5 =	simm.s32 $0x0  }
0x4: {  	s3 =	stileid.u32;
	s0 =	sand.u32 $0x1, s0;
	[smem:$0x7FF] =	sst s5  }
0x5: {  	s1 =	sadd.s32 $0x400, s1;
	s29 =	sadd.s32 $0xF4280, s4;
	s2 =	sshll.u32 s0, $0x4  }
0x6: {  	_ =	strace $0x80000047;
	s0 =	ssub.s32 $0x2, s0;
	s2 =	sor.u32 s3, s2  }
0x7: {  	[smem:$0x7F4] =	sst s1;
	s24 =	sshrl.u32 s0, $0x1;
	s2 =	smul.u32 $0x7A12, s2  }
0x8: {  	s6 =	sadd.s32 $0x1E8500, s4;
	[smem:$0x7F6] =	sst s29;
	s0 =	ssub.s32 s0, s24  }
0x9: {  	[smem:$0x7F8] =	sst s6;
	s0 =	smax.u32 s0, $0x1;
	s25 =	sand.u32 $0xFFF80, s2  }
0xa: {  	[smem:$0x7FD] =	sst s0;
	s3 =	smin.u32 s25, $0xEC500  }
0xb: {  	s28 =	sadd.s32 s4, s3;
	[smem:$0x7FA] =	sst s3  }
.Ltmp0:
0xc: {  	s5 =	sadd.s32 s3, s29;
	[smem:$0x7F5] =	sst s28;
	(pc) =	sbr.rel .LBB2_1-.Ltmp0, $4  }
0xd: {  	s31 =	simm.s32 $0x10200;
	s30 =	sadd.s32 s3, s6;
	[smem:$0x7F7] =	sst s5  }
0xe: {  	s18 =	simm.s32 $0x1A200;
	s4 =	sadd.s32 $0x2DC780, s4;
	[smem:$0x7F9] =	sst s30  }
0xf: {  	v2 =	vlaneseq.u32;
	v3 =	vimm.s32 $0x7FFFFFFF;
	s26 =	sadd.s32 $0x7A12, s2;
	[smem:$0x7FB] =	sst s4;
	s3 =	sadd.s32 s3, s4  }
0x10: {  	v4 =	vimm.s32 $0x0;
	s1 =	simm.s32 $0x0;
	v0 =	vmov s2;
	v1 =	vmov s26;
	[smem:$0x7FC] =	sst s3;
	s3 =	simm.s32 $0x1E200  }
.LBB2_38:
0x11: {  	[sflag:s1] =	ssyncadd.s32 $0xFFFFFFE0;
	s1 =	sld [smem:$0x7F3]  }
.LBB2_39:
0x12: {  	s0 =	sld [smem:$0x7FD];
	_ =	sdelay $0x1  }
0x13: {  	s1 =	sadd.s32 $0x1, s1  }
0x14: {  	p0 =	sne.s32 s1, s0  }
.Ltmp1:
0x15: {  	_ = 	snop;
	(pc) =	sbr.rel @!p0 .LBB2_40-.Ltmp1, $1  }
0x16: {  	_ =	sdelay $0x3  }
.LBB2_1:
0x17: {  	[smem:$0x7F3] =	sst s1  }
0x18: {  	s0 =	rddreg [dreg:$0x0];
	s29 =	simm.s32 $0x0;
	s2 =	simm.s32 $0x4  }
0x19: {  	[tilespmem:s29], [sflag:$0x4] =	stream.linear.gather [hbm4b:s0+s29], $0x4000, $0x38;
	[tilespmem:$0x1EA00] =	vst v63  }
0x1a: {  	_ =	swait.ge [sflag:s2], $0x4000  }
0x1b: {  	s30 =	sld [smem:$0x7F4]  }
0x1c: {  	[sflag:s2] =	ssyncset.done $0x0  }
0x1d: {  	[sflag:s2] =	ssyncadd.s32 $0xFFFFC000  }
0x1e: {  	[tilespmem:s3], [sflag:$0x4] =	stream.linear.gather [hbm4b:s30+s29], $0x800, $0x38;
	[tilespmem:$0x1EA00] =	vst v63  }
0x1f: {  	_ =	swait.ge [sflag:s2], $0x800  }
0x20: {  	[sflag:s2] =	ssyncset.done $0x0  }
0x21: {  	[sflag:s2] =	ssyncadd.s32 $0xFFFFF800  }
0x22: {  	v5 =	vld [tilespmem:s29+$0x0];
	_ =	sdelay $0x4  }
0x23: {  	vm0 =	vge.s32 v5, v0;
	vm1 =	vlt.s32 v5, v1  }
0x24: {  	vm0 =	vmand vm0, vm1  }
0x25: {  	v7 =	vmpcnt.ones.xlane vm0;
	_ =	sdelay $0x1  }
0x26: {  	(v2sf) =	vpush v7, $0x0;
	_ =	sdelay $0x3  }
0x27: {  	v6 =	vor.u32 s29, v2  }
0x28: {  	[tilespmem:s29+$0x4080] =	vst.msk vm0, v6  }
0x29: {  	s0 =	simm.s32 $0x10;
	[tilespmem:s29+$0x8100] =	vst.msk vm0, v5  }
0x2a: {  	s1 =	simm.s32 $0x0;
	s3 =	simm.s32 $0x10;
	s2 =	simm.s32 $0x20;
	v5 =	vld [tilespmem:s0+$0x0]  }
.LBB2_2:
0x2b: {  	p0 =	sne.s32 s2, $0x3FF0;
	_ =	sdelay $0x3  }
0x2c: {  	vm0 =	vge.s32 v5, v0;
	vm1 =	vlt.s32 v5, v1  }
0x2d: {  	vm0 =	vmand vm0, vm1  }
0x2e: {  	v6 =	vmpcnt.ones.xlane vm0  }
0x2f: {  	s4 =	spop (v2sf)  }
0x30: {  	v7 =	vor.u32 s0, v2;
	s0 =	smov.u32 s2;
	(v2sf) =	vpush v6, $0x0;
	s1 =	sadd.s32 s1, s4  }
0x31: {  	[tilespmem:s1+$0x4080] =	vst.msk vm0, v7  }
0x32: {  	[tilespmem:s1+$0x8100] =	vst.msk vm0, v5  }
.Ltmp2:
0x33: {  	(pc) =	sbr.rel @p0 .LBB2_2-.Ltmp2, $3  }
0x34: {  	_ =	sdelay $0x1  }
0x35: {  	s3 =	sadd.s32 $0x10, s3  }
0x36: {  	s2 =	sadd.s32 $0x10, s2;
	v5 =	vld [tilespmem:s3+$0x0]  }
0x37: {  	_ =	sdelay $0x3  }
0x38: {  	vm0 =	vge.s32 v5, v0;
	vm1 =	vlt.s32 v5, v1  }
0x39: {  	vm0 =	vmand vm0, vm1  }
0x3a: {  	v6 =	vmpcnt.ones.xlane vm0;
	_ =	sdelay $0x1  }
0x3b: {  	(v2sf) =	vpush v6, $0x0;
	_ =	sdelay $0xc  }
0x3c: {  	s2 =	spop (v2sf)  }
0x3d: {  	v6 =	vor.u32 s0, v2;
	s19 =	sadd.s32 s1, s2  }
0x3e: {  	[tilespmem:s19+$0x4080] =	vst.msk vm0, v6;
	s20 =	spop (v2sf)  }
0x3f: {  	s21 =	sld [smem:$0x7F5];
	[tilespmem:s19+$0x8100] =	vst.msk vm0, v5;
	s0 =	sadd.s32 s19, s20  }
0x40: {  	[tilespmem:s0+$0x8100] =	vst v3  }
0x41: {  	s16 =	simm.s32 $0x0;
	s23 =	sld [smem:$0x7F7];
	[tilespmem:s0+$0x4080] =	vst v4;
	s0 =	sadd.s32 $0xF, s0  }
0x42: {  	[tilespmem:s31], [sflag:$0x1] =	stream.linear.gather [hbm4b:s21+s16], $0x1400, $0x38;
	[tilespmem:$0x1EA00] =	vst v63  }
0x43: {  	s24 =	simm.s32 $0x11600;
	s0 =	sshrl.u32 s0, $0x4  }
0x44: {  	s25 =	sld [smem:$0x7F9];
	s26 =	simm.s32 $0x12A00;
	p0 =	seq.s32 s0, $0x0  }
0x45: {  	[tilespmem:s24], [sflag:$0x1] =	stream.linear.gather [hbm4b:s23+s16], $0x1400, $0x38;
	[tilespmem:$0x1EA00] =	vst v63  }
.Ltmp3:
0x46: {  	[smem:$0x7F1] =	sst s0;
	s0 =	simm.s32 @!p0 $0x0;
	(pc) =	sbr.rel .LBB2_4-.Ltmp3, $4  }
0x47: {  	s28 =	sld [smem:$0x7FC];
	s29 =	simm.s32 $0x13E00;
	s0 =	simm.s32 @p0 $0x1  }
0x48: {  	[tilespmem:s26], [sflag:$0x1] =	stream.linear.gather [hbm4b:s25+s16], $0x1400, $0x38;
	[tilespmem:$0x1EA00] =	vst v63  }
0x49: {  	s30 =	simm.s32 $0x0;
	s9 =	simm.s32 $0x0;
	[smem:$0x7F2] =	sst s0  }
0x4a: {  	[tilespmem:s29], [sflag:$0x1] =	stream.linear.gather [hbm4b:s28+s16], $0x1400, $0x38;
	[tilespmem:$0x1EA00] =	vst v63  }
.LBB2_24:
0x4b: {  	s3 =	smov.u32 s8  }
.LBB2_26:
0x4c: {  	s0 =	sld [smem:$0x7F0];
	_ =	sdelay $0x1  }
0x4d: {  	[hbm4b:s19+s16] =	stream.linear.scatter @!p4 [tilespmem:s4], [sflag:$0x3], $0x20, $0x38;
	[tilespmem:$0x1EA00] =	vst v63  }
0x4e: {  	s1 =	sadd.s32 @!p3 s22, s15;
	s3 =	simm.s32 @!p0 $0x10;
	p1 =	seq.s32 s0, $0x1  }
0x4f: {  	s16 =	sadd.s32 s24, s2;
	s18 =	simm.s32 $0x1A200;
	s0 =	simm.s32 @!p1 $0x0  }
0x50: {  	[hbm4b:s25+s0] =	stream.linear.scatter @!p1 [tilespmem:s26], [sflag:$0x3], $0x20, $0x38;
	[tilespmem:$0x1EA00] =	vst v63  }
0x51: {  	s9 =	sld [smem:$0x7E6];
	s30 =	sadd.s32 s30, s3;
	s0 =	simm.s32 @!p3 $0x0  }
0x52: {  	[hbm4b:s1+s0] =	stream.linear.scatter @!p3 [tilespmem:s29], [sflag:$0x3], $0x20, $0x38;
	[tilespmem:$0x1EA00] =	vst v63  }
.LBB2_7:
0x53: {  	_ = 	snop  }
0x54: {  	p0 =	sne.s32 s9, $0x32  }
.Ltmp4:
0x55: {  	_ = 	snop;
	(pc) =	sbr.rel @!p0 .LBB2_8-.Ltmp4, $1  }
0x56: {  	_ =	sdelay $0x3  }
.LBB2_4:
0x57: {  	p0 =	seq.s32 s9, $0x31  }
.Ltmp5:
0x58: {  	_ = 	snop;
	(pc) =	sbr.rel @p0 .LBB2_14-.Ltmp5, $2  }
0x59: {  	_ =	sdelay $0x2  }
0x5a: {  	s1 =	smov.u32 s9;
	s0 =	sand.u32 $0x1, s9;
	s9 =	sadd.s32 $0x1, s9  }
0x5b: {  	s3 =	sand.u32 $0x1, s9  }
0x5c: {  	p0 =	seq.s32 s3, $0x0  }
.Ltmp6:
0x5d: {  	s4 =	sld [smem:$0x7FA];
	(pc) =	sbr.rel @p0 .LBB2_12-.Ltmp6, $3  }
0x5e: {  	s2 =	smul.u32 $0x280, s9;
	_ =	sdelay $0x1  }
0x5f: {  	s29 =	rddreg [dreg:$0x1];
	s4 =	sadd.s32 s4, s2  }
0x60: {  	s2 =	sadd.s32 s29, s4  }
0x61: {  	s3 =	sld [smem:$0x7F6]  }
.Ltmp7:
0x62: {  	s5 =	sld [smem:$0x7F8];
	(pc) =	sbr.rel .LBB2_13-.Ltmp7, $2  }
0x63: {  	s6 =	sld [smem:$0x7FB];
	_ =	sdelay $0x2  }
0x64: {  	s3 =	sadd.s32 s4, s3;
	s5 =	sadd.s32 s4, s5;
	s4 =	sadd.s32 s4, s6  }
.LBB2_12:
0x65: {  	s3 =	sld [smem:$0x7F6]  }
0x66: {  	s6 =	simm.s32 $0x0;
	s5 =	simm.s32 $0x11600  }
0x67: {  	[tilespmem:s31], [sflag:$0x1] =	stream.linear.gather [hbm4b:s2+s6], $0x1400, $0x38;
	[tilespmem:$0x1EA00] =	vst v63  }
0x68: {  	s26 =	sld [smem:$0x7F8];
	p0 =	sne.s32 s0, $0x0;
	s3 =	sadd.s32 s4, s3  }
0x69: {  	[tilespmem:s5], [sflag:$0x1] =	stream.linear.gather [hbm4b:s3+s6], $0x1400, $0x38;
	[tilespmem:$0x1EA00] =	vst v63  }
.Ltmp8:
0x6a: {  	s28 =	sld [smem:$0x7FB];
	(pc) =	sbr.rel @p0 .LBB2_14-.Ltmp8, $4  }
0x6b: {  	s7 =	simm.s32 $0x12A00;
	s5 =	sadd.s32 s4, s26  }
0x6c: {  	[tilespmem:s7], [sflag:$0x1] =	stream.linear.gather [hbm4b:s5+s6], $0x1400, $0x38;
	[tilespmem:$0x1EA00] =	vst v63  }
0x6d: {  	s29 =	simm.s32 $0x13E00;
	s4 =	sadd.s32 s4, s28  }
0x6e: {  	[tilespmem:s29], [sflag:$0x1] =	stream.linear.gather [hbm4b:s4+s6], $0x1400, $0x38;
	[tilespmem:$0x1EA00] =	vst v63  }
.LBB2_13:
0x6f: {  	s6 =	simm.s32 $0x0;
	s7 =	simm.s32 $0x15200  }
0x70: {  	[tilespmem:s7], [sflag:$0x2] =	stream.linear.gather [hbm4b:s2+s6], $0x1400, $0x38;
	[tilespmem:$0x1EA00] =	vst v63  }
0x71: {  	s26 =	simm.s32 $0x16600  }
0x72: {  	[tilespmem:s26], [sflag:$0x2] =	stream.linear.gather [hbm4b:s3+s6], $0x1400, $0x38;
	[tilespmem:$0x1EA00] =	vst v63  }
0x73: {  	s28 =	simm.s32 $0x17A00  }
0x74: {  	[tilespmem:s28], [sflag:$0x2] =	stream.linear.gather [hbm4b:s5+s6], $0x1400, $0x38;
	[tilespmem:$0x1EA00] =	vst v63  }
0x75: {  	s29 =	simm.s32 $0x18E00  }
0x76: {  	[tilespmem:s29], [sflag:$0x2] =	stream.linear.gather [hbm4b:s4+s6], $0x1400, $0x38;
	[tilespmem:$0x1EA00] =	vst v63  }
.LBB2_14:
0x77: {  	s2 =	sld [smem:$0x7F2];
	_ =	sdelay $0x2  }
0x78: {  	p0 =	seq.s32 s2, $0x1  }
.Ltmp9:
0x79: {  	_ = 	snop;
	(pc) =	sbr.rel @p0 .LBB2_15-.Ltmp9, $1  }
0x7a: {  	_ =	sdelay $0x3  }
0x7b: {  	s5 =	sld [smem:$0x7F1];
	_ =	sdelay $0x2  }
0x7c: {  	s1 =	smul.u32 $0x280, s1;
	s2 =	sld [smem:$0x7FA];
	p1 =	sne.s32 s5, $0x1  }
.Ltmp10:
0x7d: {  	_ = 	snop;
	(pc) =	sbr.rel @!p1 .LBB2_17-.Ltmp10, $4  }
0x7e: {  	_ = 	snop  }
0x7f: {  	s2 =	sadd.s32 s2, s1  }
0x80: {  	s4 =	simm.s32 $0x8100;
	p0 =	por $0x0, $0x0;
	s3 =	sadd.s32 $0x280, s2  }
0x81: {  	v7 =	vld [tilespmem:s4+$0x0];
	s1 =	simm.s32 $0x0;
	v5 =	vmov s2;
	s2 =	simm.s32 $0x4080;
	v6 =	vmov s3;
	s3 =	sadd.s32 $0xFFFFFFFF, s5  }
0x82: {  	_ =	sdelay $0x3  }
0x83: {  	vm0 =	vge.s32 v7, v5;
	vm1 =	vlt.s32 v7, v6  }
0x84: {  	vm0 =	vmand vm0, vm1  }
0x85: {  	v9 =	vmpcnt.ones.xlane vm0;
	_ =	sdelay $0x1  }
0x86: {  	v8 =	vld [tilespmem:s2+$0x0];
	(v2sf) =	vpush v9, $0x0;
	_ =	sdelay $0x1  }
0x87: {  	p1 =	sne.s32 s3, $0x1  }
.Ltmp11:
0x88: {  	_ = 	snop;
	(pc) =	sbr.rel @!p1 .LBB2_19-.Ltmp11, $4  }
0x89: {  	_ = 	snop  }
0x8a: {  	v7 =	vsub.s32 v7, v5;
	[tilespmem:s1+$0xC180] =	vst.msk vm0, v8  }
0x8b: {  	s5 =	simm.s32 $0x8110;
	s6 =	sadd.s32 $0xFFFFFFFF, s3;
	[tilespmem:s1+$0x0] =	vst.msk vm0, v7  }
0x8c: {  	p0 =	por $0x1, $0x1;
	s3 =	simm.s32 $0x4080;
	s4 =	simm.s32 $0x0;
	v7 =	vld [tilespmem:s5+$0x0]  }
.LBB2_20:
0x8d: {  	p1 =	sne.s32 s6, $0x1;
	_ =	sdelay $0x2  }
0x8e: {  	s3 =	sadd.s32 $0x10, s3  }
0x8f: {  	v8 =	vld [tilespmem:s3+$0x0];
	vm0 =	vge.s32 v7, v5;
	vm1 =	vlt.s32 v7, v6;
	v7 =	vsub.s32 v7, v5  }
0x90: {  	vm0 =	vmand vm0, vm1  }
0x91: {  	v9 =	vmpcnt.ones.xlane vm0  }
0x92: {  	s7 =	spop (v2sf)  }
0x93: {  	(v2sf) =	vpush v9, $0x0;
	s4 =	sadd.s32 s4, s7  }
0x94: {  	[tilespmem:s4+$0xC180] =	vst.msk vm0, v8  }
0x95: {  	[tilespmem:s4+$0x0] =	vst.msk vm0, v7  }
.Ltmp12:
0x96: {  	(pc) =	sbr.rel @p1 .LBB2_20-.Ltmp12, $3  }
0x97: {  	_ =	sdelay $0x1  }
0x98: {  	s5 =	sadd.s32 $0x10, s5  }
0x99: {  	s6 =	sadd.s32 $0xFFFFFFFF, s6;
	v7 =	vld [tilespmem:s5+$0x0]  }
.LBB2_21:
0x9a: {  	_ =	sdelay $0x3  }
0x9b: {  	vm0 =	vge.s32 v7, v5;
	vm1 =	vlt.s32 v7, v6  }
0x9c: {  	vm0 =	vmand vm0, vm1  }
0x9d: {  	v6 =	vmpcnt.ones.xlane vm0;
	_ =	sdelay $0x1  }
0x9e: {  	(v2sf) =	vpush v6, $0x0;
	_ =	sdelay $0x7  }
0x9f: {  	s3 =	sadd.s32 @p0 $0x10, s3  }
0xa0: {  	s2 =	smov.u32 @p0 s3  }
0xa1: {  	v6 =	vld [tilespmem:s2+$0x0];
	_ =	sdelay $0x1  }
.Ltmp13:
0xa2: {  	s2 =	spop @p0 (v2sf);
	(pc) =	sbr.rel .LBB2_22-.Ltmp13, $4  }
0xa3: {  	s2 =	sadd.s32 @p0 s4, s2  }
0xa4: {  	s1 =	smov.u32 @p0 s2  }
0xa5: {  	v5 =	vsub.s32 v7, v5;
	[tilespmem:s1+$0xC180] =	vst.msk vm0, v6;
	s29 =	spop (v2sf)  }
0xa6: {  	[tilespmem:s1+$0x0] =	vst.msk vm0, v5;
	s8 =	sadd.s32 s1, s29  }
.LBB2_15:
0xa7: {  	s8 =	simm.s32 $0x0  }
.LBB2_22:
0xa8: {  	p0 =	seq.s32 s0, $0x1;
	s2 =	simm.s32 $0x2;
	s1 =	sadd.s32 $0xF, s8  }
0xa9: {  	[tilespmem:s8+$0x0] =	vst v4;
	s2 =	simm.s32 @!p0 $0x1;
	s1 =	sshrl.u32 s1, $0x4  }
0xaa: {  	_ =	swait.ge [sflag:s2], $0x4000;
	p0 =	seq.s32 s1, $0x0  }
.Ltmp14:
0xab: {  	[sflag:s2] =	ssyncset.done $0x0;
	(pc) =	sbr.rel @p0 .LBB2_7-.Ltmp14, $4  }
0xac: {  	[sflag:s2] =	ssyncadd.s32 $0xFFFFC000  }
0xad: {  	_ =	swait.ge [sflag:s2], $0x1000  }
0xae: {  	[sflag:s2] =	ssyncset.done $0x0  }
0xaf: {  	[sflag:s2] =	ssyncadd.s32 $0xFFFFF000  }
0xb0: {  	p0 =	slt.s32 s16, $0x4000  }
0xb1: {  	[smem:$0x7E6] =	sst s9;
	s2 =	simm.s32 @!p0 $0x3  }
0xb2: {  	_ =	swait.ge @!p0 [sflag:s2], $0x800  }
0xb3: {  	[sflag:s2] =	ssyncset.done @!p0 $0x0  }
0xb4: {  	s3 =	simm.s32 $0x0;
	[sflag:s2] =	ssyncadd.s32 @!p0 $0xFFFFF800  }
0xb5: {  	v6 =	vld [tilespmem:s3+$0x0];
	_ =	sdelay $0x1  }
0xb6: {  	v5 =	vmov s0  }
0xb7: {  	v5 =	vmul.u32 $0x5000, v5;
	_ =	sdelay $0x1  }
0xb8: {  	v5 =	vbroadcast v5, $0x0;
	v7 =	vshll.u32 v6, $0x3  }
0xb9: {  	v8 =	vadd.s32 s30, v2;
	v11 =	vand.u32 $0xFFFFFC00, v7  }
0xba: {  	v12 =	vand.u32 $0x7F, v6;
	v7 =	vshra.s32 v8, $0x1F;
	v6 =	vadd.s32 v5, v11  }
0xbb: {  	v7 =	vshrl.u32 v7, $0x17;
	v6 =	vor.u32 v12, v6  }
0xbc: {  	v7 =	vadd.s32 v7, v8  }
0xbd: {  	v7 =	vshrl.u32 v7, $0x9  }
0xbe: {  	v7 =	vshll.u32 v7, $0x9  }
0xbf: {  	v7 =	vsub.s32 v8, v7  }
0xc0: {  	v10 =	vshll.u32 v7, $0x5;
	v7 =	vld.idx.msk [tilespmem:v6+s31+$0x0], $0xffff  }
0xc1: {  	v8 =	vor.u32 $0x80, v6;
	_ =	sdelay $0x2  }
0xc2: {  	s19 =	simm.s32 $0xC180  }
0xc3: {  	v9 =	vld [tilespmem:s19+$0x0];
	[tilespmem:v10+s18+$0x0] =	vst.idx.msk $0xffff, v7  }
0xc4: {  	v7 =	vor.u32 $0x1, v10;
	v8 =	vld.idx.msk [tilespmem:v8+s31+$0x0], $0xffff  }
0xc5: {  	v13 =	vor.u32 $0x100, v6;
	_ =	sdelay $0x3  }
0xc6: {  	[tilespmem:v7+s18+$0x0] =	vst.idx.msk $0xffff, v8  }
0xc7: {  	v7 =	vor.u32 $0x2, v10;
	v8 =	vld.idx.msk [tilespmem:v13+s31+$0x0], $0xffff  }
0xc8: {  	v31 =	vor.u32 $0x180, v6;
	_ =	sdelay $0x3  }
0xc9: {  	[tilespmem:v7+s18+$0x0] =	vst.idx.msk $0xffff, v8  }
0xca: {  	v7 =	vor.u32 $0x3, v10;
	v8 =	vld.idx.msk [tilespmem:v31+s31+$0x0], $0xffff  }
0xcb: {  	v32 =	vor.u32 $0x200, v6;
	_ =	sdelay $0x3  }
0xcc: {  	[tilespmem:v7+s18+$0x0] =	vst.idx.msk $0xffff, v8  }
0xcd: {  	v7 =	vor.u32 $0x4, v10;
	v8 =	vld.idx.msk [tilespmem:v32+s31+$0x0], $0xffff  }
0xce: {  	v33 =	vor.u32 $0x280, v6;
	_ =	sdelay $0x3  }
0xcf: {  	[tilespmem:v7+s18+$0x0] =	vst.idx.msk $0xffff, v8  }
0xd0: {  	v7 =	vor.u32 $0x5, v10;
	v8 =	vld.idx.msk [tilespmem:v33+s31+$0x0], $0xffff  }
0xd1: {  	v34 =	vor.u32 $0x300, v6;
	_ =	sdelay $0x3  }
0xd2: {  	[tilespmem:v7+s18+$0x0] =	vst.idx.msk $0xffff, v8  }
0xd3: {  	v7 =	vor.u32 $0x6, v10;
	v8 =	vld.idx.msk [tilespmem:v34+s31+$0x0], $0xffff  }
0xd4: {  	v35 =	vor.u32 $0x380, v6;
	_ =	sdelay $0x3  }
0xd5: {  	v6 =	vadd.s32 $0x1400, v5;
	[tilespmem:v7+s18+$0x0] =	vst.idx.msk $0xffff, v8  }
0xd6: {  	v7 =	vor.u32 $0x7, v10;
	v8 =	vadd.s32 v6, v11;
	v13 =	vld.idx.msk [tilespmem:v35+s31+$0x0], $0xffff  }
0xd7: {  	v8 =	vor.u32 v8, v12;
	_ =	sdelay $0x3  }
0xd8: {  	[tilespmem:v7+s18+$0x0] =	vst.idx.msk $0xffff, v13  }
0xd9: {  	v7 =	vor.u32 $0x8, v10;
	v13 =	vld.idx.msk [tilespmem:v8+s31+$0x0], $0xffff  }
0xda: {  	v14 =	vor.u32 $0x80, v8;
	_ =	sdelay $0x3  }
0xdb: {  	[tilespmem:v7+s18+$0x0] =	vst.idx.msk $0xffff, v13  }
0xdc: {  	v7 =	vor.u32 $0x9, v10;
	v13 =	vld.idx.msk [tilespmem:v14+s31+$0x0], $0xffff  }
0xdd: {  	v36 =	vor.u32 $0x100, v8;
	_ =	sdelay $0x3  }
0xde: {  	[tilespmem:v7+s18+$0x0] =	vst.idx.msk $0xffff, v13  }
0xdf: {  	v7 =	vor.u32 $0xA, v10;
	v13 =	vld.idx.msk [tilespmem:v36+s31+$0x0], $0xffff  }
0xe0: {  	v37 =	vor.u32 $0x180, v8;
	_ =	sdelay $0x3  }
0xe1: {  	[tilespmem:v7+s18+$0x0] =	vst.idx.msk $0xffff, v13  }
0xe2: {  	v7 =	vor.u32 $0xB, v10;
	v13 =	vld.idx.msk [tilespmem:v37+s31+$0x0], $0xffff  }
0xe3: {  	v38 =	vor.u32 $0x200, v8;
	_ =	sdelay $0x3  }
0xe4: {  	[tilespmem:v7+s18+$0x0] =	vst.idx.msk $0xffff, v13  }
0xe5: {  	v7 =	vor.u32 $0xC, v10;
	v13 =	vld.idx.msk [tilespmem:v38+s31+$0x0], $0xffff  }
0xe6: {  	v39 =	vor.u32 $0x280, v8;
	_ =	sdelay $0x3  }
0xe7: {  	[tilespmem:v7+s18+$0x0] =	vst.idx.msk $0xffff, v13  }
0xe8: {  	v7 =	vor.u32 $0xD, v10;
	v13 =	vld.idx.msk [tilespmem:v39+s31+$0x0], $0xffff  }
0xe9: {  	v40 =	vor.u32 $0x300, v8;
	_ =	sdelay $0x3  }
0xea: {  	[tilespmem:v7+s18+$0x0] =	vst.idx.msk $0xffff, v13  }
0xeb: {  	v41 =	vor.u32 $0xE, v10;
	v14 =	vld.idx.msk [tilespmem:v40+s31+$0x0], $0xffff  }
0xec: {  	v8 =	vor.u32 $0x380, v8;
	_ =	sdelay $0x3  }
0xed: {  	v7 =	vadd.s32 $0x2800, v5;
	[tilespmem:v41+s18+$0x0] =	vst.idx.msk $0xffff, v14  }
0xee: {  	v43 =	vor.u32 $0xF, v10;
	v42 =	vadd.s32 v7, v11;
	v8 =	vld.idx.msk [tilespmem:v8+s31+$0x0], $0xffff  }
0xef: {  	v13 =	vor.u32 v42, v12;
	_ =	sdelay $0x3  }
0xf0: {  	[tilespmem:v43+s18+$0x0] =	vst.idx.msk $0xffff, v8  }
0xf1: {  	v8 =	vor.u32 $0x10, v10;
	v14 =	vld.idx.msk [tilespmem:v13+s31+$0x0], $0xffff  }
0xf2: {  	v15 =	vor.u32 $0x80, v13;
	_ =	sdelay $0x3  }
0xf3: {  	[tilespmem:v8+s18+$0x0] =	vst.idx.msk $0xffff, v14  }
0xf4: {  	v8 =	vor.u32 $0x11, v10;
	v14 =	vld.idx.msk [tilespmem:v15+s31+$0x0], $0xffff  }
0xf5: {  	v44 =	vor.u32 $0x100, v13;
	_ =	sdelay $0x3  }
0xf6: {  	[tilespmem:v8+s18+$0x0] =	vst.idx.msk $0xffff, v14  }
0xf7: {  	v8 =	vor.u32 $0x12, v10;
	v14 =	vld.idx.msk [tilespmem:v44+s31+$0x0], $0xffff  }
0xf8: {  	v45 =	vor.u32 $0x180, v13;
	_ =	sdelay $0x3  }
0xf9: {  	[tilespmem:v8+s18+$0x0] =	vst.idx.msk $0xffff, v14  }
0xfa: {  	v8 =	vor.u32 $0x13, v10;
	v14 =	vld.idx.msk [tilespmem:v45+s31+$0x0], $0xffff  }
0xfb: {  	v46 =	vor.u32 $0x200, v13;
	_ =	sdelay $0x3  }
0xfc: {  	[tilespmem:v8+s18+$0x0] =	vst.idx.msk $0xffff, v14  }
0xfd: {  	v8 =	vor.u32 $0x14, v10;
	v14 =	vld.idx.msk [tilespmem:v46+s31+$0x0], $0xffff  }
0xfe: {  	v47 =	vor.u32 $0x280, v13;
	_ =	sdelay $0x3  }
0xff: {  	[tilespmem:v8+s18+$0x0] =	vst.idx.msk $0xffff, v14  }
0x100: {  	v8 =	vor.u32 $0x15, v10;
	v14 =	vld.idx.msk [tilespmem:v47+s31+$0x0], $0xffff  }
0x101: {  	v48 =	vor.u32 $0x300, v13;
	_ =	sdelay $0x3  }
0x102: {  	[tilespmem:v8+s18+$0x0] =	vst.idx.msk $0xffff, v14  }
0x103: {  	v49 =	vor.u32 $0x16, v10;
	v15 =	vld.idx.msk [tilespmem:v48+s31+$0x0], $0xffff  }
0x104: {  	v13 =	vor.u32 $0x380, v13;
	_ =	sdelay $0x3  }
0x105: {  	v8 =	vadd.s32 $0x3C00, v5;
	[tilespmem:v49+s18+$0x0] =	vst.idx.msk $0xffff, v15  }
0x106: {  	v50 =	vor.u32 $0x17, v10;
	v11 =	vadd.s32 v8, v11;
	v13 =	vld.idx.msk [tilespmem:v13+s31+$0x0], $0xffff  }
0x107: {  	v11 =	vor.u32 v11, v12;
	_ =	sdelay $0x3  }
0x108: {  	[tilespmem:v50+s18+$0x0] =	vst.idx.msk $0xffff, v13  }
0x109: {  	v51 =	vor.u32 $0x18, v10;
	v13 =	vld.idx.msk [tilespmem:v11+s31+$0x0], $0xffff  }
0x10a: {  	v52 =	vor.u32 $0x80, v11;
	_ =	sdelay $0x3  }
0x10b: {  	[tilespmem:v51+s18+$0x0] =	vst.idx.msk $0xffff, v13  }
0x10c: {  	v53 =	vor.u32 $0x19, v10;
	v13 =	vld.idx.msk [tilespmem:v52+s31+$0x0], $0xffff  }
0x10d: {  	v54 =	vor.u32 $0x100, v11;
	_ =	sdelay $0x3  }
0x10e: {  	[tilespmem:v53+s18+$0x0] =	vst.idx.msk $0xffff, v13  }
0x10f: {  	v55 =	vor.u32 $0x1A, v10;
	v13 =	vld.idx.msk [tilespmem:v54+s31+$0x0], $0xffff  }
0x110: {  	v56 =	vor.u32 $0x180, v11;
	_ =	sdelay $0x3  }
0x111: {  	[tilespmem:v55+s18+$0x0] =	vst.idx.msk $0xffff, v13  }
0x112: {  	v57 =	vor.u32 $0x1B, v10;
	v13 =	vld.idx.msk [tilespmem:v56+s31+$0x0], $0xffff  }
0x113: {  	p5 =	sle.s32 s8, $0x0;
	p6 =	sle.s32 s8, $0x1;
	p4 =	sle.s32 s8, $0x2;
	v58 =	vor.u32 $0x200, v11  }
0x114: {  	p2 =	sle.s32 s8, $0x4;
	p1 =	sle.s32 s8, $0x5;
	s0 =	simm.s32 @!p6 $0x0  }
0x115: {  	p3 =	sle.s32 s8, $0x6;
	s6 =	sadd.s32 @!p6 $0x1, s30;
	s0 =	simm.s32 @p6 $0x1  }
0x116: {  	s10 =	sadd.s32 @!p2 $0x4, s30;
	[smem:$0x7E9] =	sst s0;
	s0 =	simm.s32 @!p2 $0x0  }
0x117: {  	s9 =	simm.s32 @!p5 $0x0;
	s17 =	simm.s32 @!p5 $0x0;
	s0 =	simm.s32 @p2 $0x1;
	[tilespmem:v57+s18+$0x0] =	vst.idx.msk $0xffff, v13  }
0x118: {  	s9 =	simm.s32 @p5 $0x1;
	[smem:$0x7EC] =	sst s0;
	s0 =	simm.s32 @!p3 $0x0;
	v59 =	vor.u32 $0x1C, v10;
	v13 =	vld.idx.msk [tilespmem:v58+s31+$0x0], $0xffff  }
0x119: {  	[smem:$0x7E8] =	sst s9;
	s3 =	sadd.s32 @!p4 $0x2, s30;
	s0 =	simm.s32 @p3 $0x1;
	v60 =	vor.u32 $0x280, v11  }
0x11a: {  	s2 =	sshra.s32 @!p4 s3, $0x1F;
	[smem:$0x7E7] =	sst s0;
	s0 =	simm.s32 @!p0 $0xFFFFE000;
	(v2sf) =	vpush @!p5 v9, $0x0  }
0x11b: {  	s5 =	sshrl.u32 @!p4 s2, $0x17;
	s0 =	simm.s32 @p0 $0x0;
	p0 =	sle.s32 s8, $0x7;
	(v2sf) =	vpush @!p6 v9, $0x1  }
0x11c: {  	s5 =	sadd.s32 @!p4 s5, s3;
	s24 =	sld [smem:$0x7E7];
	s4 =	simm.s32 @!p0 $0x0;
	(v2sf) =	vpush @!p4 v9, $0x2  }
0x11d: {  	s5 =	sand.u32 @!p4 $0x1FFFE00, s5;
	s0 =	sadd.s32 s16, s0;
	s4 =	simm.s32 @p0 $0x1;
	(v2sf) =	vpush @!p2 v9, $0x4;
	[tilespmem:v59+s18+$0x0] =	vst.idx.msk $0xffff, v13  }
0x11e: {  	s3 =	ssub.s32 @!p4 s3, s5;
	s5 =	sshra.s32 @!p6 s6, $0x1F;
	[smem:$0x7ED] =	sst s4;
	v61 =	vor.u32 $0x1D, v10;
	v13 =	vld.idx.msk [tilespmem:v60+s31+$0x0], $0xffff  }
0x11f: {  	s4 =	sshra.s32 @!p5 s30, $0x1F;
	s3 =	sshll.u32 @!p4 s3, $0x7;
	s5 =	sshrl.u32 @!p6 s5, $0x17;
	(v2sf) =	vpush @!p1 v9, $0x5;
	v62 =	vor.u32 $0x300, v11  }
0x120: {  	s4 =	sshrl.u32 @!p5 s4, $0x17;
	s3 =	sshra.s32 @!p4 s3, $0x2;
	s5 =	sadd.s32 @!p6 s5, s6;
	(v2sf) =	vpush @!p3 v9, $0x6  }
0x121: {  	s20 =	sld [smem:$0x7ED];
	s4 =	sadd.s32 @!p5 s4, s30;
	s5 =	sand.u32 @!p6 $0x1FFFE00, s5  }
0x122: {  	s3 =	sadd.s32 @!p4 $0x1A200, s3;
	s5 =	ssub.s32 @!p6 s6, s5;
	s4 =	sand.u32 @!p5 $0x1FFFE00, s4  }
0x123: {  	s11 =	sshll.u32 @!p6 s5, $0x7;
	s4 =	ssub.s32 @!p5 s30, s4;
	(v2sf) =	vpush @!p0 v9, $0x7;
	p0 =	sle.s32 s8, $0x8;
	[tilespmem:v61+s18+$0x0] =	vst.idx.msk $0xffff, v13  }
0x124: {  	s15 =	sshll.u32 @!p5 s4, $0x7;
	s11 =	sshra.s32 @!p6 s11, $0x2;
	s2 =	simm.s32 @!p0 $0x0;
	(v2sf) =	vpush @!p0 v9, $0x8;
	v63 =	vor.u32 $0x1E, v10;
	v13 =	vld.idx.msk [tilespmem:v62+s31+$0x0], $0xffff  }
0x125: {  	s15 =	sshra.s32 @!p5 s15, $0x2;
	s11 =	sadd.s32 @!p6 $0x1A200, s11;
	s2 =	simm.s32 @p0 $0x1;
	v11 =	vor.u32 $0x380, v11  }
0x126: {  	p0 =	sle.s32 s8, $0xA;
	s15 =	sadd.s32 @!p5 $0x1A200, s15;
	[smem:$0x7EE] =	sst s2  }
0x127: {  	s2 =	simm.s32 @!p1 $0x80;
	s7 =	simm.s32 @!p0 $0x0;
	s21 =	sld [smem:$0x7EE]  }
0x128: {  	(v2sf) =	vpush @!p0 v9, $0xA;
	s7 =	simm.s32 @p0 $0x1;
	p0 =	sle.s32 s8, $0x3;
	s25 =	sld [smem:$0x7EE]  }
0x129: {  	s2 =	simm.s32 @p1 $0x0;
	[smem:$0x7EF] =	sst s7;
	s9 =	spop @!p5 (v2sf);
	[tilespmem:v63+s18+$0x0] =	vst.idx.msk $0xffff, v13  }
0x12a: {  	s7 =	sadd.s32 @!p0 $0x3, s30;
	(v2sf) =	vpush @!p0 v9, $0x3;
	s5 =	sshll.u32 @!p5 s9, $0x2;
	s9 =	spop @!p6 (v2sf);
	v10 =	vor.u32 $0x1F, v10;
	v11 =	vld.idx.msk [tilespmem:v11+s31+$0x0], $0xffff  }
0x12b: {  	s6 =	sshra.s32 @!p0 s7, $0x1F;
	s23 =	sld [smem:$0x7EF];
	s12 =	spop @!p4 (v2sf)  }
0x12c: {  	s5 =	sand.u32 @!p5 $0x1FFFFFFC, s5;
	s9 =	sshll.u32 @!p6 s9, $0x2;
	s13 =	spop @!p2 (v2sf)  }
0x12d: {  	s9 =	sand.u32 @!p6 $0x1FFFFFFC, s9;
	s12 =	sshll.u32 @!p4 s12, $0x2;
	s5 =	sadd.s32 @!p5 s22, s5  }
0x12e: {  	s14 =	spop @!p1 (v2sf);
	s12 =	sand.u32 @!p4 $0x1FFFFFFC, s12;
	s13 =	sshll.u32 @!p2 s13, $0x2  }
0x12f: {  	s9 =	sadd.s32 @!p6 s22, s9;
	s4 =	spop @!p3 (v2sf);
	p3 =	seq.s32 s21, $0x1;
	[tilespmem:v10+s18+$0x0] =	vst.idx.msk $0xffff, v11  }
0x130: {  	[hbm4b:s5+s17] =	stream.linear.scatter @!p5 [tilespmem:s15], [sflag:$0x3], $0x20, $0x38;
	[tilespmem:$0x1EA00] =	vst v63  }
0x131: {  	s12 =	sadd.s32 @!p4 s22, s12;
	s21 =	sld [smem:$0x7ED];
	p5 =	seq.s32 s20, $0x1  }
0x132: {  	s15 =	sshrl.u32 @!p0 s6, $0x17;
	s17 =	simm.s32 @!p6 $0x0;
	s6 =	spop @!p5 (v2sf)  }
0x133: {  	s20 =	sld [smem:$0x7EC];
	s15 =	sadd.s32 @!p0 s15, s7;
	s5 =	spop @!p3 (v2sf)  }
0x134: {  	[hbm4b:s9+s17] =	stream.linear.scatter @!p6 [tilespmem:s11], [sflag:$0x3], $0x20, $0x38;
	[tilespmem:$0x1EA00] =	vst v63  }
0x135: {  	s11 =	sand.u32 @!p2 $0x1FFFFFFC, s13;
	s13 =	sshll.u32 @!p1 s14, $0x2;
	p6 =	seq.s32 s23, $0x1  }
0x136: {  	s17 =	simm.s32 @!p4 $0x0;
	p3 =	seq.s32 s24, $0x1;
	s23 =	sld [smem:$0x7EE]  }
0x137: {  	s15 =	sand.u32 @!p0 $0x1FFFE00, s15;
	s6 =	sshll.u32 @!p5 s6, $0x2;
	s24 =	sld [smem:$0x7EF]  }
0x138: {  	s9 =	spop @!p6 (v2sf);
	s17 =	simm.s32 @p4 $0x1;
	s7 =	ssub.s32 @!p0 s7, s15  }
0x139: {  	s4 =	sshll.u32 @!p3 s4, $0x2;
	s6 =	sand.u32 @!p5 $0x1FFFFFFC, s6;
	s14 =	spop @!p0 (v2sf)  }
0x13a: {  	[smem:$0x7EA] =	sst s17;
	s17 =	simm.s32 @!p4 $0x0;
	s7 =	sshll.u32 @!p0 s7, $0x7  }
0x13b: {  	[hbm4b:s12+s17] =	stream.linear.scatter @!p4 [tilespmem:s3], [sflag:$0x3], $0x20, $0x38;
	[tilespmem:$0x1EA00] =	vst v63  }
0x13c: {  	s4 =	sand.u32 @!p3 $0x1FFFFFFC, s4;
	s6 =	sadd.s32 @!p5 s22, s6;
	s3 =	sand.u32 @!p1 $0x1FFFFFFC, s13  }
0x13d: {  	s12 =	sshll.u32 @!p0 s14, $0x2;
	s13 =	sshra.s32 @!p2 s10, $0x1F;
	s14 =	sadd.s32 @!p3 $0x6, s30  }
0x13e: {  	s17 =	sadd.s32 @!p1 $0x5, s30;
	s7 =	sshra.s32 @!p0 s7, $0x2;
	p4 =	por p6, p6  }
0x13f: {  	s4 =	sadd.s32 @!p3 s22, s4;
	s13 =	sshrl.u32 @!p2 s13, $0x17;
	s15 =	sshra.s32 @!p1 s17, $0x1F  }
0x140: {  	s12 =	sand.u32 @!p0 $0x1FFFFFFC, s12;
	s7 =	sadd.s32 @!p0 $0x1A200, s7;
	s13 =	sadd.s32 @!p2 s13, s10  }
0x141: {  	s3 =	sadd.s32 @!p1 s22, s3;
	s15 =	sshrl.u32 @!p1 s15, $0x17;
	s13 =	sand.u32 @!p2 $0x1FFFE00, s13  }
0x142: {  	s15 =	sadd.s32 @!p1 s15, s17;
	s10 =	ssub.s32 @!p2 s10, s13;
	s13 =	sshra.s32 @!p3 s14, $0x1F  }
0x143: {  	s12 =	sadd.s32 @!p0 s22, s12;
	s15 =	sand.u32 @!p1 $0x1FFFE00, s15;
	s13 =	sshrl.u32 @!p3 s13, $0x17  }
0x144: {  	s15 =	ssub.s32 @!p1 s17, s15;
	s10 =	sshll.u32 @!p2 s10, $0x7;
	s17 =	simm.s32 @!p0 $0x0  }
0x145: {  	[hbm4b:s12+s17] =	stream.linear.scatter @!p0 [tilespmem:s7], [sflag:$0x3], $0x20, $0x38;
	[tilespmem:$0x1EA00] =	vst v63  }
0x146: {  	s15 =	sshll.u32 @!p1 s15, $0x7;
	s10 =	sshra.s32 @!p2 s10, $0x2;
	s7 =	sadd.s32 @!p2 s22, s11  }
0x147: {  	s11 =	simm.s32 @!p2 $0x0;
	s15 =	sshra.s32 @!p1 s15, $0x2;
	s10 =	sadd.s32 @!p2 $0x1A200, s10  }
0x148: {  	[hbm4b:s7+s11] =	stream.linear.scatter @!p2 [tilespmem:s10], [sflag:$0x3], $0x20, $0x38;
	[tilespmem:$0x1EA00] =	vst v63  }
0x149: {  	s9 =	sshll.u32 @!p4 s9, $0x2;
	s13 =	sadd.s32 @!p3 s13, s14;
	s7 =	sadd.s32 @!p1 $0x1A200, s15  }
0x14a: {  	s10 =	simm.s32 @!p1 $0x0;
	p2 =	sle.s32 s8, $0xC;
	s15 =	simm.s32 @!p5 $0x0  }
0x14b: {  	[hbm4b:s3+s10] =	stream.linear.scatter @!p1 [tilespmem:s7], [sflag:$0x3], $0x20, $0x38;
	[tilespmem:$0x1EA00] =	vst v63  }
0x14c: {  	s3 =	sand.u32 @!p3 $0x1FFFE00, s13;
	p1 =	sle.s32 s8, $0xB;
	s7 =	sadd.s32 @!p6 $0xA, s30  }
0x14d: {  	s10 =	ssub.s32 @!p3 s14, s3;
	s3 =	simm.s32 @!p3 $0x80;
	s11 =	sshra.s32 @!p6 s7, $0x1F  }
0x14e: {  	(v2sf) =	vpush @!p1 v9, $0xB;
	s10 =	sshll.u32 @!p3 s10, $0x7;
	s11 =	sshrl.u32 @!p6 s11, $0x17;
	p6 =	sle.s32 s8, $0xD  }
0x14f: {  	(v2sf) =	vpush @!p2 v9, $0xC;
	s3 =	simm.s32 @p3 $0x0;
	s10 =	sshra.s32 @!p3 s10, $0x2;
	s12 =	simm.s32 @!p6 $0x0  }
0x150: {  	(v2sf) =	vpush @!p6 v9, $0xD;
	s10 =	sadd.s32 @!p3 $0x1A200, s10;
	s12 =	simm.s32 @p6 $0x1;
	p6 =	sle.s32 s8, $0xE  }
0x151: {  	[smem:$0x7EB] =	sst s12;
	s12 =	simm.s32 @!p3 $0x0;
	s13 =	simm.s32 @!p6 $0x0  }
0x152: {  	[hbm4b:s4+s12] =	stream.linear.scatter @!p3 [tilespmem:s10], [sflag:$0x3], $0x20, $0x38;
	[tilespmem:$0x1EA00] =	vst v63  }
0x153: {  	s13 =	simm.s32 @p6 $0x1;
	s10 =	sadd.s32 @!p4 s11, s7;
	s26 =	sld [smem:$0x7EB]  }
0x154: {  	s4 =	simm.s32 @!p0 $0x80;
	p3 =	sle.s32 s8, $0xF;
	s19 =	sld [smem:$0x7EB]  }
0x155: {  	(v2sf) =	vpush @!p6 v9, $0xE;
	s11 =	sadd.s32 @!p5 $0x7, s30;
	p6 =	sle.s32 s8, $0x9;
	[smem:$0x7F0] =	sst s13  }
0x156: {  	s4 =	simm.s32 @p0 $0x0;
	s10 =	sand.u32 @!p4 $0x1FFFE00, s10;
	p0 =	seq.s32 s25, $0x1  }
0x157: {  	(v2sf) =	vpush @!p3 v9, $0xF;
	s12 =	sshra.s32 @!p5 s11, $0x1F;
	s7 =	ssub.s32 @!p4 s7, s10;
	s10 =	sadd.s32 @!p0 $0x8, s30  }
0x158: {  	(v2sf) =	vpush @!p6 v9, $0x9;
	s12 =	sshrl.u32 @!p5 s12, $0x17;
	s5 =	sshll.u32 @!p0 s5, $0x2;
	s28 =	sld [smem:$0x7F0]  }
0x159: {  	s17 =	simm.s32 @!p0 $0x0;
	s13 =	sshra.s32 @!p0 s10, $0x1F;
	s12 =	sadd.s32 @!p5 s12, s11  }
0x15a: {  	s7 =	sshll.u32 @!p4 s7, $0x7;
	s13 =	sshrl.u32 @!p0 s13, $0x17;
	s12 =	sand.u32 @!p5 $0x1FFFE00, s12  }
0x15b: {  	s14 =	sand.u32 @!p0 $0x1FFFFFFC, s5;
	s5 =	sadd.s32 @!p0 s13, s10;
	s11 =	ssub.s32 @!p5 s11, s12  }
0x15c: {  	s12 =	sand.u32 @!p4 $0x1FFFFFFC, s9;
	s5 =	sand.u32 @!p0 $0x1FFFE00, s5;
	s9 =	sshll.u32 @!p5 s11, $0x7  }
0x15d: {  	s7 =	sshra.s32 @!p4 s7, $0x2;
	s5 =	ssub.s32 @!p0 s10, s5;
	s9 =	sshra.s32 @!p5 s9, $0x2  }
0x15e: {  	s13 =	sadd.s32 @!p6 $0x9, s30;
	s5 =	sshll.u32 @!p0 s5, $0x7;
	s9 =	sadd.s32 @!p5 $0x1A200, s9  }
0x15f: {  	[hbm4b:s6+s15] =	stream.linear.scatter @!p5 [tilespmem:s9], [sflag:$0x3], $0x20, $0x38;
	[tilespmem:$0x1EA00] =	vst v63  }
0x160: {  	s7 =	sadd.s32 @!p4 $0x1A200, s7;
	s5 =	sshra.s32 @!p0 s5, $0x2;
	s6 =	sshra.s32 @!p6 s13, $0x1F  }
0x161: {  	p5 =	seq.s32 s26, $0x1;
	s10 =	spop @!p1 (v2sf);
	s6 =	sshrl.u32 @!p6 s6, $0x17  }
0x162: {  	s15 =	sadd.s32 @!p0 $0x1A200, s5;
	s11 =	spop @!p2 (v2sf);
	s18 =	sadd.s32 @!p6 s6, s13  }
0x163: {  	s6 =	sadd.s32 @!p0 s22, s14;
	s9 =	spop @!p5 (v2sf);
	p5 =	seq.s32 s28, $0x1  }
0x164: {  	[hbm4b:s6+s17] =	stream.linear.scatter @!p0 [tilespmem:s15], [sflag:$0x3], $0x20, $0x38;
	[tilespmem:$0x1EA00] =	vst v63  }
0x165: {  	s12 =	sadd.s32 @!p4 s22, s12;
	s26 =	sld [smem:$0x7F0];
	s5 =	spop @!p5 (v2sf)  }
0x166: {  	s10 =	sshll.u32 @!p1 s10, $0x2;
	s14 =	sand.u32 @!p6 $0x1FFFE00, s18;
	s6 =	spop @!p3 (v2sf)  }
0x167: {  	p0 =	por p4, p4;
	s13 =	ssub.s32 @!p6 s13, s14;
	s14 =	spop @!p6 (v2sf)  }
0x168: {  	s15 =	sadd.s32 @!p1 $0xB, s30;
	s13 =	sshll.u32 @!p6 s13, $0x7;
	s14 =	sshll.u32 @!p6 s14, $0x2  }
0x169: {  	s17 =	simm.s32 @!p6 $0x0;
	s13 =	sshra.s32 @!p6 s13, $0x2;
	s14 =	sand.u32 @!p6 $0x1FFFFFFC, s14  }
0x16a: {  	s18 =	sld [smem:$0x7EA];
	s13 =	sadd.s32 @!p6 $0x1A200, s13;
	s14 =	sadd.s32 @!p6 s22, s14  }
0x16b: {  	[hbm4b:s14+s17] =	stream.linear.scatter @!p6 [tilespmem:s13], [sflag:$0x3], $0x20, $0x38;
	[tilespmem:$0x1EA00] =	vst v63  }
0x16c: {  	s10 =	sand.u32 @!p1 $0x1FFFFFFC, s10;
	s14 =	sld [smem:$0x7E8];
	s17 =	simm.s32 @!p0 $0x0  }
0x16d: {  	[hbm4b:s12+s17] =	stream.linear.scatter @!p0 [tilespmem:s7], [sflag:$0x3], $0x20, $0x38;
	[tilespmem:$0x1EA00] =	vst v63  }
0x16e: {  	s11 =	sshll.u32 @!p2 s11, $0x2;
	s10 =	sadd.s32 @!p1 s22, s10;
	s17 =	sld [smem:$0x7E9]  }
0x16f: {  	p5 =	seq.s32 s21, $0x1;
	p4 =	seq.s32 s14, $0x1;
	s14 =	sshra.s32 @!p1 s15, $0x1F  }
0x170: {  	p0 =	seq.s32 s20, $0x1;
	s13 =	simm.s32 @!p4 $0x80;
	s12 =	sshrl.u32 @!p1 s14, $0x17  }
0x171: {  	s14 =	sadd.s32 @!p2 $0xC, s30;
	s13 =	simm.s32 @p4 $0x0;
	p4 =	seq.s32 s17, $0x1  }
0x172: {  	s12 =	sadd.s32 @!p1 s12, s15;
	s17 =	sshra.s32 @!p2 s14, $0x1F;
	s7 =	simm.s32 @!p4 $0x80  }
0x173: {  	s12 =	sand.u32 @!p1 $0x1FFFE00, s12;
	s0 =	sadd.s32 s13, s0;
	s7 =	simm.s32 @p4 $0x0  }
0x174: {  	s12 =	ssub.s32 @!p1 s15, s12;
	s15 =	sshrl.u32 @!p2 s17, $0x17;
	p4 =	seq.s32 s18, $0x1  }
0x175: {  	s17 =	simm.s32 @!p1 $0x80;
	s15 =	sadd.s32 @!p2 s15, s14;
	s12 =	sshll.u32 @!p1 s12, $0x7  }
0x176: {  	s18 =	sadd.s32 $0xFFFFFFFF, s1;
	s15 =	sand.u32 @!p2 $0x1FFFE00, s15;
	s12 =	sshra.s32 @!p1 s12, $0x2  }
0x177: {  	s14 =	ssub.s32 @!p2 s14, s15;
	s12 =	sadd.s32 @!p1 $0x1A200, s12;
	s15 =	simm.s32 @!p1 $0x0  }
0x178: {  	[hbm4b:s10+s15] =	stream.linear.scatter @!p1 [tilespmem:s12], [sflag:$0x3], $0x20, $0x38;
	[tilespmem:$0x1EA00] =	vst v63  }
0x179: {  	s0 =	sadd.s32 s7, s0;
	s17 =	simm.s32 @p1 $0x0;
	s10 =	sand.u32 @!p2 $0x1FFFFFFC, s11  }
0x17a: {  	s11 =	simm.s32 @!p4 $0x80;
	s12 =	sshll.u32 @!p2 s14, $0x7;
	s15 =	simm.s32 @!p2 $0x0  }
0x17b: {  	p1 =	seq.s32 s18, $0x0;
	s11 =	simm.s32 @p4 $0x0;
	p4 =	seq.s32 s19, $0x1  }
0x17c: {  	s10 =	sadd.s32 @!p2 s22, s10;
	s12 =	sshra.s32 @!p2 s12, $0x2;
	s14 =	sadd.s32 @!p4 $0xD, s30  }
0x17d: {  	s12 =	sadd.s32 @!p2 $0x1A200, s12;
	s7 =	sshll.u32 @!p4 s9, $0x2;
	s25 =	sadd.s32 s11, s0  }
0x17e: {  	[hbm4b:s10+s15] =	stream.linear.scatter @!p2 [tilespmem:s12], [sflag:$0x3], $0x20, $0x38;
	[tilespmem:$0x1EA00] =	vst v63  }
0x17f: {  	s11 =	simm.s32 @!p2 $0x80;
	s10 =	sshra.s32 @!p4 s14, $0x1F;
	s12 =	simm.s32 @!p0 $0x80  }
0x180: {  	s15 =	simm.s32 @!p5 $0x80;
	s1 =	sand.u32 @!p4 $0x1FFFFFFC, s7;
	s11 =	simm.s32 @p2 $0x0  }
0x181: {  	p2 =	seq.s32 s26, $0x1;
	s28 =	sadd.s32 s4, s25;
	s7 =	simm.s32 @!p4 $0x80  }
0x182: {  	s12 =	simm.s32 @p0 $0x0;
	s15 =	simm.s32 @p5 $0x0;
	s10 =	sshrl.u32 @!p4 s10, $0x17  }
0x183: {  	p0 =	seq.s32 s23, $0x1;
	s19 =	sadd.s32 @!p4 s22, s1;
	s7 =	simm.s32 @p4 $0x0  }
0x184: {  	s16 =	simm.s32 @!p0 $0x80;
	s10 =	sadd.s32 @!p4 s10, s14;
	s1 =	sadd.s32 s12, s28  }
0x185: {  	s12 =	simm.s32 $0x1F;
	s16 =	simm.s32 @p0 $0x0;
	s10 =	sand.u32 @!p4 $0x1FFFE00, s10  }
0x186: {  	p0 =	seq.s32 s24, $0x1;
	s1 =	sadd.s32 s2, s1;
	s2 =	sshll.u32 @!p2 s5, $0x2  }
0x187: {  	s5 =	sshll.u32 @!p3 s6, $0x2;
	s24 =	simm.s32 @!p3 $0x80;
	s10 =	ssub.s32 @!p4 s14, s10  }
0x188: {  	s13 =	simm.s32 @!p0 $0x80;
	s1 =	sadd.s32 s3, s1;
	s3 =	sadd.s32 @!p2 $0xE, s30  }
0x189: {  	s2 =	sand.u32 @!p2 $0x1FFFFFFC, s2;
	s24 =	simm.s32 @p3 $0x0;
	s14 =	simm.s32 $0x1A200  }
0x18a: {  	s13 =	simm.s32 @p0 $0x0;
	s4 =	sshll.u32 @!p4 s10, $0x7;
	s1 =	sadd.s32 s15, s1  }
0x18b: {  	s10 =	sadd.s32 @!p3 $0xF, s30;
	s15 =	sand.u32 @!p3 $0x1FFFFFFC, s5;
	s25 =	sadd.s32 @!p2 s22, s2  }
0x18c: {  	p0 =	slt.s32 s8, $0x10;
	s9 =	sshra.s32 @!p4 s4, $0x2;
	s4 =	sshra.s32 @!p2 s3, $0x1F  }
0x18d: {  	s1 =	sadd.s32 s16, s1;
	s16 =	simm.s32 @!p4 $0x0;
	s6 =	sshrl.u32 @!p2 s4, $0x17  }
0x18e: {  	s4 =	sadd.s32 @!p4 $0x1A200, s9;
	s9 =	simm.s32 @!p6 $0x80;
	s0 =	sadd.s32 @!p2 s6, s3  }
0x18f: {  	s6 =	sshra.s32 @!p3 s10, $0x1F;
	s9 =	simm.s32 @p6 $0x0;
	s0 =	sand.u32 @!p2 $0x1FFFE00, s0  }
0x190: {  	s6 =	sshrl.u32 @!p3 s6, $0x17;
	s1 =	sadd.s32 s9, s1;
	s9 =	simm.s32 $0xC190  }
0x191: {  	s3 =	ssub.s32 @!p2 s3, s0;
	s0 =	simm.s32 @!p2 $0x80;
	s6 =	sadd.s32 @!p3 s6, s10  }
0x192: {  	s1 =	sadd.s32 s13, s1;
	s0 =	simm.s32 @p2 $0x0;
	s3 =	sshll.u32 @!p2 s3, $0x7  }
.Ltmp15:
0x193: {  	s6 =	sand.u32 @!p3 $0x1FFFE00, s6;
	s1 =	sadd.s32 s17, s1;
	(pc) =	sbr.rel @p1 .LBB2_24-.Ltmp15, $4  }
0x194: {  	s6 =	ssub.s32 @!p3 s10, s6;
	s3 =	sshra.s32 @!p2 s3, $0x2;
	s1 =	sadd.s32 s11, s1  }
0x195: {  	s26 =	sadd.s32 @!p2 $0x1A200, s3;
	s2 =	sshll.u32 @!p3 s6, $0x7;
	s6 =	sadd.s32 $0xFFFFFFF0, s8  }
0x196: {  	s1 =	sadd.s32 s7, s1;
	s7 =	simm.s32 $0x10;
	s2 =	sshra.s32 @!p3 s2, $0x2  }
0x197: {  	s3 =	smov.u32 s8;
	s29 =	sadd.s32 @!p3 $0x1A200, s2;
	s2 =	sadd.s32 s0, s1  }
.LBB2_25:
0x198: {  	s0 =	sld [smem:$0x7F0];
	_ =	sdelay $0x1  }
0x199: {  	[hbm4b:s19+s16] =	stream.linear.scatter @!p4 [tilespmem:s4], [sflag:$0x3], $0x20, $0x38;
	[tilespmem:$0x1EA00] =	vst v63  }
0x19a: {  	[dreg:$0x8] =	wrdreg s7;
	p1 =	seq.s32 s0, $0x1  }
0x19b: {  	[dreg:$0x7] =	wrdreg s9;
	s18 =	sadd.s32 $0xFFFFFFFF, s18;
	s1 =	simm.s32 @!p1 $0x0  }
0x19c: {  	[hbm4b:s25+s1] =	stream.linear.scatter @!p1 [tilespmem:s26], [sflag:$0x3], $0x20, $0x38;
	[tilespmem:$0x1EA00] =	vst v63  }
0x19d: {  	s10 =	sadd.s32 s24, s2;
	s3 =	simm.s32 @!p0 $0x10;
	p1 =	seq.s32 s18, $0x0  }
0x19e: {  	s2 =	simm.s32 @!p3 $0x0;
	s4 =	sadd.s32 @!p3 s22, s15;
	s0 =	simm.s32 @!p1 $0x0  }
0x19f: {  	[dreg:$0x5] =	wrdreg s18;
	p0 =	slt.s32 s10, $0x4000;
	s0 =	simm.s32 @p1 $0x1  }
0x1a0: {  	[hbm4b:s4+s2] =	stream.linear.scatter @!p3 [tilespmem:s29], [sflag:$0x3], $0x20, $0x38;
	[tilespmem:$0x1EA00] =	vst v63  }
0x1a1: {  	s5 =	simm.s32 @!p0 $0x3;
	[smem:$0x7E5] =	sst s0  }
0x1a2: {  	_ =	swait.ge @!p0 [sflag:s5], $0x800  }
0x1a3: {  	[sflag:s5] =	ssyncset.done @!p0 $0x0  }
0x1a4: {  	[sflag:s5] =	ssyncadd.s32 @!p0 $0xFFFFF800  }
0x1a5: {  	v9 =	vld [tilespmem:s7+$0x0];
	_ =	sdelay $0x1  }
0x1a6: {  	s30 =	sadd.s32 s30, s3  }
0x1a7: {  	v10 =	vadd.s32 s30, v2  }
0x1a8: {  	v11 =	vshra.s32 v10, $0x1F  }
0x1a9: {  	v11 =	vshrl.u32 v11, $0x17;
	v12 =	vshll.u32 v9, $0x3  }
0x1aa: {  	v11 =	vadd.s32 v11, v10;
	v14 =	vand.u32 $0xFFFFFC00, v12  }
0x1ab: {  	v13 =	vand.u32 $0x7F, v9;
	v9 =	vshrl.u32 v11, $0x9;
	v11 =	vadd.s32 v5, v14  }
0x1ac: {  	v15 =	vor.u32 v13, v11;
	_ =	sdelay $0x2  }
0x1ad: {  	v9 =	vshll.u32 v9, $0x9  }
0x1ae: {  	v9 =	vsub.s32 v10, v9  }
0x1af: {  	v10 =	vshll.u32 v9, $0x5;
	v17 =	vld.idx.msk [tilespmem:v15+s31+$0x0], $0xffff  }
0x1b0: {  	v56 =	vor.u32 $0x80, v15;
	_ =	sdelay $0x3  }
0x1b1: {  	v16 =	vadd.s32 v8, v14;
	v11 =	vadd.s32 v7, v14;
	v9 =	vld [tilespmem:s9+$0x0];
	[tilespmem:v10+s14+$0x0] =	vst.idx.msk $0xffff, v17  }
0x1b2: {  	v55 =	vor.u32 v11, v13;
	v11 =	vor.u32 v16, v13;
	v18 =	vor.u32 $0x1, v10;
	v16 =	vld.idx.msk [tilespmem:v56+s31+$0x0], $0xffff  }
0x1b3: {  	v19 =	vor.u32 $0x100, v15;
	_ =	sdelay $0x3  }
0x1b4: {  	[tilespmem:v18+s14+$0x0] =	vst.idx.msk $0xffff, v16  }
0x1b5: {  	v57 =	vor.u32 $0x2, v10;
	v16 =	vld.idx.msk [tilespmem:v19+s31+$0x0], $0xffff  }
0x1b6: {  	v20 =	vor.u32 $0x180, v15;
	_ =	sdelay $0x3  }
0x1b7: {  	[tilespmem:v57+s14+$0x0] =	vst.idx.msk $0xffff, v16  }
0x1b8: {  	v58 =	vor.u32 $0x3, v10;
	v16 =	vld.idx.msk [tilespmem:v20+s31+$0x0], $0xffff  }
0x1b9: {  	v59 =	vor.u32 $0x200, v15;
	_ =	sdelay $0x3  }
0x1ba: {  	[tilespmem:v58+s14+$0x0] =	vst.idx.msk $0xffff, v16  }
0x1bb: {  	v60 =	vor.u32 $0x4, v10;
	v16 =	vld.idx.msk [tilespmem:v59+s31+$0x0], $0xffff  }
0x1bc: {  	v61 =	vor.u32 $0x280, v15;
	_ =	sdelay $0x3  }
0x1bd: {  	[tilespmem:v60+s14+$0x0] =	vst.idx.msk $0xffff, v16  }
0x1be: {  	v62 =	vor.u32 $0x5, v10;
	v16 =	vld.idx.msk [tilespmem:v61+s31+$0x0], $0xffff  }
0x1bf: {  	v63 =	vor.u32 $0x300, v15;
	_ =	sdelay $0x3  }
0x1c0: {  	[tilespmem:v62+s14+$0x0] =	vst.idx.msk $0xffff, v16  }
0x1c1: {  	v21 =	vor.u32 $0x6, v10;
	v16 =	vld.idx.msk [tilespmem:v63+s31+$0x0], $0xffff  }
0x1c2: {  	v15 =	vor.u32 $0x380, v15;
	_ =	sdelay $0x3  }
0x1c3: {  	[tilespmem:v21+s14+$0x0] =	vst.idx.msk $0xffff, v16  }
0x1c4: {  	v14 =	vadd.s32 v6, v14;
	v22 =	vor.u32 $0x7, v10;
	v15 =	vld.idx.msk [tilespmem:v15+s31+$0x0], $0xffff  }
0x1c5: {  	v13 =	vor.u32 v14, v13;
	_ =	sdelay $0x3  }
0x1c6: {  	[tilespmem:v22+s14+$0x0] =	vst.idx.msk $0xffff, v15  }
0x1c7: {  	v23 =	vor.u32 $0x8, v10;
	v15 =	vld.idx.msk [tilespmem:v13+s31+$0x0], $0xffff  }
0x1c8: {  	v24 =	vor.u32 $0x80, v13;
	_ =	sdelay $0x3  }
0x1c9: {  	[tilespmem:v23+s14+$0x0] =	vst.idx.msk $0xffff, v15  }
0x1ca: {  	v25 =	vor.u32 $0x9, v10;
	v14 =	vld.idx.msk [tilespmem:v24+s31+$0x0], $0xffff  }
0x1cb: {  	v26 =	vor.u32 $0x100, v13;
	_ =	sdelay $0x3  }
0x1cc: {  	s24 =	sadd.s32 $0xFFFFFFFF, s12;
	s28 =	sadd.s32 $0xFFFFFFFC, s12;
	[tilespmem:v25+s14+$0x0] =	vst.idx.msk $0xffff, v14  }
0x1cd: {  	s11 =	sadd.s32 $0xFFFFFFF8, s12;
	s19 =	sadd.s32 $0xFFFFFFF1, s12;
	s20 =	sadd.s32 $0xFFFFFFF5, s12;
	v27 =	vor.u32 $0xA, v10;
	v14 =	vld.idx.msk [tilespmem:v26+s31+$0x0], $0xffff  }
0x1ce: {  	s21 =	sadd.s32 $0xFFFFFFF2, s12;
	s22 =	sadd.s32 $0xFFFFFFF3, s12;
	s23 =	sadd.s32 $0xFFFFFFF7, s12;
	v28 =	vor.u32 $0x180, v13  }
0x1cf: {  	p6 =	sge.s32 s19, s8;
	p2 =	sge.s32 s20, s8;
	p5 =	sge.s32 s22, s8  }
0x1d0: {  	p4 =	sge.s32 s23, s8;
	s13 =	simm.s32 @!p0 $0xFFFFE000;
	s17 =	sadd.s32 @!p5 $0x2, s30  }
0x1d1: {  	s13 =	simm.s32 @p0 $0x0;
	s16 =	sshra.s32 @!p5 s17, $0x1F;
	s26 =	sadd.s32 $0xFFFFFFF6, s12  }
0x1d2: {  	s10 =	sadd.s32 s10, s13;
	p1 =	sge.s32 s26, s8;
	s4 =	sshra.s32 @!p6 s30, $0x1F;
	[tilespmem:v27+s14+$0x0] =	vst.idx.msk $0xffff, v14  }
0x1d3: {  	s25 =	sadd.s32 $0xFFFFFFF9, s12;
	s1 =	simm.s32 @!p1 $0x80;
	s2 =	sshrl.u32 @!p6 s4, $0x17;
	v29 =	vor.u32 $0xB, v10;
	v14 =	vld.idx.msk [tilespmem:v28+s31+$0x0], $0xffff  }
0x1d4: {  	s4 =	sadd.s32 @!p6 s2, s30;
	s2 =	sshrl.u32 @!p5 s16, $0x17;
	p0 =	sge.s32 s12, s8;
	v30 =	vor.u32 $0x200, v13  }
0x1d5: {  	s1 =	simm.s32 @p1 $0x0;
	s2 =	sadd.s32 @!p5 s2, s17;
	s0 =	simm.s32 @!p0 $0x0  }
0x1d6: {  	s7 =	sadd.s32 $0xFFFFFFFD, s12;
	s0 =	simm.s32 @p0 $0x1;
	p0 =	sge.s32 s24, s8  }
0x1d7: {  	s24 =	sadd.s32 $0xFFFFFFFB, s12;
	[smem:$0x7DC] =	sst s0;
	s0 =	simm.s32 @!p0 $0x0  }
0x1d8: {  	s0 =	simm.s32 @p0 $0x1;
	p0 =	sge.s32 s7, s8;
	s7 =	sand.u32 @!p5 $0x1FFFE00, s2;
	[tilespmem:v29+s14+$0x0] =	vst.idx.msk $0xffff, v14  }
0x1d9: {  	s2 =	sadd.s32 @!p2 $0x4, s30;
	[smem:$0x7F0] =	sst s0;
	s0 =	simm.s32 @!p0 $0x0;
	v31 =	vor.u32 $0xC, v10;
	v14 =	vld.idx.msk [tilespmem:v30+s31+$0x0], $0xffff  }
0x1da: {  	s7 =	ssub.s32 @!p5 s17, s7;
	s0 =	simm.s32 @p0 $0x1;
	p0 =	sge.s32 s28, s8;
	v32 =	vor.u32 $0x280, v13  }
0x1db: {  	s7 =	sshll.u32 @!p5 s7, $0x7;
	[smem:$0x7E2] =	sst s0;
	s0 =	simm.s32 @!p0 $0x0  }
0x1dc: {  	s7 =	sshra.s32 @!p5 s7, $0x2;
	s0 =	simm.s32 @p0 $0x1;
	s22 =	sld [smem:$0x7E2]  }
0x1dd: {  	p0 =	sge.s32 s21, s8;
	[smem:$0x7E0] =	sst s0;
	s0 =	simm.s32 @!p2 $0x0;
	(v2sf) =	vpush @!p6 v9, $0x0  }
0x1de: {  	s9 =	sadd.s32 $0xFFFFFFF4, s12;
	s18 =	sadd.s32 @!p0 $0x1, s30;
	s0 =	simm.s32 @p2 $0x1;
	[tilespmem:v31+s14+$0x0] =	vst.idx.msk $0xffff, v14  }
0x1df: {  	p3 =	sge.s32 s9, s8;
	s9 =	sshra.s32 @!p0 s18, $0x1F;
	v33 =	vor.u32 $0xD, v10;
	[smem:$0x7D0] =	sst s0;
	(v2sf) =	vpush @!p0 v9, $0x1;
	v14 =	vld.idx.msk [tilespmem:v32+s31+$0x0], $0xffff  }
0x1e0: {  	s0 =	simm.s32 @!p1 $0x0;
	s16 =	sadd.s32 @!p3 $0x3, s30;
	s19 =	sshrl.u32 @!p0 s9, $0x17;
	v34 =	vor.u32 $0x300, v13;
	(v2sf) =	vpush @!p5 v9, $0x2  }
0x1e1: {  	s9 =	simm.s32 @!p4 $0x80;
	s0 =	simm.s32 @p1 $0x1;
	(v2sf) =	vpush @!p2 v9, $0x4;
	p2 =	sge.s32 s11, s8  }
0x1e2: {  	s19 =	sadd.s32 @!p0 s19, s18;
	[smem:$0x7D2] =	sst s0;
	(v2sf) =	vpush @!p1 v9, $0x5;
	s0 =	simm.s32 @!p2 $0x0  }
0x1e3: {  	s26 =	sld [smem:$0x7D2];
	p1 =	sge.s32 s25, s8;
	s0 =	simm.s32 @p2 $0x1;
	(v2sf) =	vpush @!p4 v9, $0x6  }
0x1e4: {  	s9 =	simm.s32 @p4 $0x0;
	[smem:$0x7D6] =	sst s0;
	s0 =	simm.s32 @!p1 $0x0;
	(v2sf) =	vpush @!p2 v9, $0x7;
	[tilespmem:v33+s14+$0x0] =	vst.idx.msk $0xffff, v14  }
0x1e5: {  	v35 =	vor.u32 $0xE, v10;
	s17 =	sadd.s32 @!p1 $0x8, s30;
	s0 =	simm.s32 @p1 $0x1;
	(v2sf) =	vpush @!p1 v9, $0x8;
	p1 =	sge.s32 s24, s8;
	v14 =	vld.idx.msk [tilespmem:v34+s31+$0x0], $0xffff  }
0x1e6: {  	s13 =	sand.u32 @!p0 $0x1FFFE00, s19;
	[smem:$0x7CB] =	sst s0;
	s0 =	simm.s32 @!p1 $0x0;
	v13 =	vor.u32 $0x380, v13  }
0x1e7: {  	s13 =	ssub.s32 @!p0 s18, s13;
	s25 =	sld [smem:$0x7D0];
	s0 =	simm.s32 @p1 $0x1  }
0x1e8: {  	[smem:$0x7DE] =	sst s0;
	s0 =	sadd.s32 @!p5 $0x1A200, s7;
	s7 =	sadd.s32 @!p1 $0xA, s30  }
0x1e9: {  	s5 =	sadd.s32 @!p2 $0x7, s30;
	s28 =	sld [smem:$0x7D6];
	s20 =	sshra.s32 @!p1 s7, $0x1F  }
0x1ea: {  	p2 =	por p6, p6;
	[dreg:$0x9] =	wrdreg s0;
	s20 =	sshrl.u32 @!p1 s20, $0x17;
	[tilespmem:v35+s14+$0x0] =	vst.idx.msk $0xffff, v14  }
0x1eb: {  	v36 =	vor.u32 $0xF, v10;
	s0 =	simm.s32 @!p6 $0x0;
	s23 =	sld [smem:$0x7DE];
	s19 =	sadd.s32 @!p1 s20, s7;
	v13 =	vld.idx.msk [tilespmem:v13+s31+$0x0], $0xffff  }
0x1ec: {  	s18 =	sand.u32 @!p1 $0x1FFFE00, s19;
	s19 =	sshll.u32 @!p0 s13, $0x7;
	s13 =	spop @!p6 (v2sf)  }
0x1ed: {  	s0 =	simm.s32 @p6 $0x1;
	s7 =	ssub.s32 @!p1 s7, s18;
	s13 =	sshll.u32 @!p6 s13, $0x2  }
0x1ee: {  	[smem:$0x7CA] =	sst s0;
	s18 =	sshll.u32 @!p1 s7, $0x7;
	s0 =	sand.u32 @!p2 $0x1FFFFFFC, s13  }
0x1ef: {  	s7 =	spop @!p0 (v2sf);
	[dreg:$0x1d] =	wrdreg s0;
	s0 =	simm.s32 @!p5 $0x0  }
0x1f0: {  	s20 =	sshra.s32 @!p3 s16, $0x1F;
	s7 =	sshll.u32 @!p0 s7, $0x2;
	s0 =	simm.s32 @p5 $0x1;
	[tilespmem:v36+s14+$0x0] =	vst.idx.msk $0xffff, v13  }
0x1f1: {  	v37 =	vor.u32 $0x10, v10;
	p6 =	por p0, p0;
	[smem:$0x7CE] =	sst s0;
	s0 =	sand.u32 @!p0 $0x1FFFFFFC, s7;
	v13 =	vld.idx.msk [tilespmem:v55+s31+$0x0], $0xffff  }
0x1f2: {  	v38 =	vor.u32 $0x80, v55;
	s13 =	spop @!p5 (v2sf);
	[dreg:$0x1c] =	wrdreg s0;
	s0 =	simm.s32 @!p0 $0x0  }
0x1f3: {  	p2 =	seq.s32 s26, $0x1;
	s26 =	sld [smem:$0x7E0];
	s0 =	simm.s32 @p0 $0x1  }
0x1f4: {  	(v2sf) =	vpush @!p1 v9, $0xA;
	s7 =	sshll.u32 @!p5 s13, $0x2;
	p0 =	seq.s32 s25, $0x1;
	[smem:$0x7CC] =	sst s0  }
0x1f5: {  	(v2sf) =	vpush @!p3 v9, $0x3;
	s0 =	sand.u32 @!p5 $0x1FFFFFFC, s7;
	s7 =	sshrl.u32 @!p3 s20, $0x17;
	s20 =	spop @!p0 (v2sf)  }
0x1f6: {  	p1 =	por p4, p4;
	s25 =	sld [smem:$0x7D2];
	s20 =	sshll.u32 @!p0 s20, $0x2;
	[tilespmem:v37+s14+$0x0] =	vst.idx.msk $0xffff, v13  }
0x1f7: {  	v39 =	vor.u32 $0x11, v10;
	[dreg:$0x1b] =	wrdreg s0;
	s21 =	spop @!p2 (v2sf);
	s0 =	sand.u32 @!p0 $0x1FFFFFFC, s20;
	v13 =	vld.idx.msk [tilespmem:v38+s31+$0x0], $0xffff  }
0x1f8: {  	v40 =	vor.u32 $0x100, v55;
	s20 =	sshll.u32 @!p2 s21, $0x2;
	[dreg:$0x1a] =	wrdreg s0;
	s0 =	simm.s32 @!p4 $0x0  }
0x1f9: {  	p0 =	seq.s32 s23, $0x1;
	s23 =	sld [smem:$0x7CE];
	s0 =	simm.s32 @p4 $0x1  }
0x1fa: {  	s21 =	spop @!p4 (v2sf);
	[smem:$0x7D5] =	sst s0;
	s0 =	sand.u32 @!p2 $0x1FFFFFFC, s20  }
0x1fb: {  	s20 =	sshll.u32 @!p4 s21, $0x2;
	p4 =	seq.s32 s28, $0x1;
	s28 =	sld [smem:$0x7E2]  }
0x1fc: {  	[dreg:$0x19] =	wrdreg s0;
	[tilespmem:v39+s14+$0x0] =	vst.idx.msk $0xffff, v13  }
0x1fd: {  	s15 =	sadd.s32 $0xFFFFFFFE, s12;
	v41 =	vor.u32 $0x12, v10;
	s0 =	sand.u32 @!p1 $0x1FFFFFFC, s20;
	s20 =	sld [smem:$0x7CB];
	v13 =	vld.idx.msk [tilespmem:v40+s31+$0x0], $0xffff  }
0x1fe: {  	v42 =	vor.u32 $0x180, v55;
	s13 =	simm.s32 @!p3 $0x80;
	s21 =	spop @!p4 (v2sf);
	[dreg:$0x18] =	wrdreg s0  }
0x1ff: {  	s13 =	simm.s32 @p3 $0x0;
	s0 =	sshll.u32 @!p4 s21, $0x2;
	s21 =	sld [smem:$0x7E0]  }
0x200: {  	s7 =	sadd.s32 @!p3 s7, s16;
	[dreg:$0x16] =	wrdreg s0;
	p5 =	seq.s32 s20, $0x1  }
0x201: {  	s0 =	sshra.s32 @!p6 s19, $0x2;
	s19 =	sshra.s32 @!p4 s5, $0x1F;
	s20 =	spop @!p5 (v2sf)  }
0x202: {  	p6 =	por p4, p4;
	[smem:$0x7CD] =	sst s0;
	s20 =	sshll.u32 @!p5 s20, $0x2;
	[tilespmem:v41+s14+$0x0] =	vst.idx.msk $0xffff, v13  }
0x203: {  	v43 =	vor.u32 $0x13, v10;
	s19 =	sshrl.u32 @!p4 s19, $0x17;
	s0 =	sand.u32 @!p5 $0x1FFFFFFC, s20;
	s20 =	spop @!p0 (v2sf);
	v13 =	vld.idx.msk [tilespmem:v42+s31+$0x0], $0xffff  }
0x204: {  	v44 =	vor.u32 $0x200, v55;
	p4 =	sge.s32 s15, s8;
	p2 =	seq.s32 s21, $0x1;
	s15 =	spop @!p3 (v2sf)  }
0x205: {  	s21 =	sadd.s32 @!p1 $0x6, s30;
	[dreg:$0x17] =	wrdreg s0;
	s15 =	sshll.u32 @!p3 s15, $0x2  }
0x206: {  	s24 =	sshra.s32 @!p5 s17, $0x1F;
	s0 =	rddreg [dreg:$0x3];
	s15 =	sand.u32 @!p3 $0x1FFFFFFC, s15  }
0x207: {  	(v2sf) =	vpush @!p2 v9, $0xB;
	p2 =	seq.s32 s22, $0x1;
	s22 =	sshra.s32 @!p1 s21, $0x1F;
	s0 =	sadd.s32 @!p3 s0, s15  }
0x208: {  	(v2sf) =	vpush @!p2 v9, $0xC;
	s15 =	sshrl.u32 @!p1 s22, $0x17;
	s22 =	sshrl.u32 @!p5 s24, $0x17;
	s24 =	sld [smem:$0x7D0];
	[tilespmem:v43+s14+$0x0] =	vst.idx.msk $0xffff, v13  }
0x209: {  	v45 =	vor.u32 $0x14, v10;
	s7 =	sand.u32 @!p3 $0x1FFFE00, s7;
	s18 =	sshra.s32 @!p0 s18, $0x2;
	[smem:$0x7D3] =	sst s0;
	v13 =	vld.idx.msk [tilespmem:v44+s31+$0x0], $0xffff  }
0x20a: {  	v46 =	vor.u32 $0x280, v55;
	s15 =	sadd.s32 @!p1 s15, s21;
	s22 =	sadd.s32 @!p5 s22, s17;
	s0 =	simm.s32 @!p3 $0x0  }
0x20b: {  	s0 =	simm.s32 @p3 $0x1;
	s15 =	sand.u32 @!p1 $0x1FFFE00, s15;
	s22 =	sand.u32 @!p5 $0x1FFFE00, s22  }
0x20c: {  	[smem:$0x7CF] =	sst s0;
	s21 =	ssub.s32 @!p1 s21, s15;
	s22 =	ssub.s32 @!p5 s17, s22  }
0x20d: {  	s17 =	simm.s32 @!p5 $0x80;
	s15 =	ssub.s32 @!p3 s16, s7;
	p2 =	seq.s32 s24, $0x1  }
0x20e: {  	p3 =	seq.s32 s26, $0x1;
	s26 =	sld [smem:$0x7CB];
	s7 =	sshll.u32 @!p1 s21, $0x7;
	[tilespmem:v45+s14+$0x0] =	vst.idx.msk $0xffff, v13  }
0x20f: {  	v47 =	vor.u32 $0x15, v10;
	s16 =	sshll.u32 @!p5 s22, $0x7;
	s21 =	sshra.s32 @!p2 s2, $0x1F;
	s7 =	sshra.s32 @!p1 s7, $0x2;
	v13 =	vld.idx.msk [tilespmem:v46+s31+$0x0], $0xffff  }
0x210: {  	v48 =	vor.u32 $0x300, v55;
	(v2sf) =	vpush @!p4 v9, $0xD;
	s0 =	sadd.s32 @!p1 $0x1A200, s7;
	p1 =	seq.s32 s25, $0x1;
	s25 =	sld [smem:$0x7CF]  }
0x211: {  	s16 =	sshra.s32 @!p5 s16, $0x2;
	s7 =	sadd.s32 @!p6 s19, s5;
	[smem:$0x7D9] =	sst s0  }
0x212: {  	s0 =	sadd.s32 @!p5 $0x1A200, s16;
	p5 =	seq.s32 s28, $0x1;
	s28 =	sld [smem:$0x7DE]  }
0x213: {  	s16 =	sshrl.u32 @!p2 s21, $0x17;
	s19 =	sadd.s32 @!p1 $0x5, s30;
	[dreg:$0x1f] =	wrdreg s0  }
0x214: {  	s16 =	sadd.s32 @!p2 s16, s2;
	s21 =	sshra.s32 @!p1 s19, $0x1F;
	s0 =	sadd.s32 @!p0 $0x1A200, s18;
	[tilespmem:v47+s14+$0x0] =	vst.idx.msk $0xffff, v13  }
0x215: {  	v49 =	vor.u32 $0x16, v10;
	[dreg:$0x1e] =	wrdreg s0;
	s16 =	sand.u32 @!p2 $0x1FFFE00, s16;
	s18 =	sshrl.u32 @!p1 s21, $0x17;
	v13 =	vld.idx.msk [tilespmem:v48+s31+$0x0], $0xffff  }
0x216: {  	v12 =	vor.u32 $0x380, v55;
	s21 =	spop @!p3 (v2sf);
	s18 =	sadd.s32 @!p1 s18, s19;
	s2 =	ssub.s32 @!p2 s2, s16  }
0x217: {  	s22 =	spop @!p5 (v2sf);
	s18 =	sand.u32 @!p1 $0x1FFFE00, s18;
	s2 =	sshll.u32 @!p2 s2, $0x7  }
0x218: {  	s16 =	ssub.s32 @!p1 s19, s18;
	s0 =	sshra.s32 @!p2 s2, $0x2;
	s2 =	sld [smem:$0x7E0]  }
0x219: {  	s22 =	sshll.u32 @!p5 s22, $0x2;
	s16 =	sshll.u32 @!p1 s16, $0x7;
	[smem:$0x7D1] =	sst s0  }
0x21a: {  	s18 =	sand.u32 @!p5 $0x1FFFFFFC, s22;
	s22 =	sld [smem:$0x7CC];
	s16 =	sshra.s32 @!p1 s16, $0x2;
	[tilespmem:v49+s14+$0x0] =	vst.idx.msk $0xffff, v13  }
0x21b: {  	s3 =	smov.u32 s6;
	v50 =	vor.u32 $0x17, v10;
	s0 =	sadd.s32 @!p1 $0x1A200, s16;
	s16 =	sld [smem:$0x7D6];
	v12 =	vld.idx.msk [tilespmem:v12+s31+$0x0], $0xffff  }
0x21c: {  	s11 =	sadd.s32 $0xFFFFFFFA, s12;
	s21 =	sshll.u32 @!p3 s21, $0x2;
	[smem:$0x7D8] =	sst s0  }
0x21d: {  	s20 =	sshll.u32 @!p0 s20, $0x2;
	s21 =	sand.u32 @!p3 $0x1FFFFFFC, s21;
	s0 =	rddreg [dreg:$0x3]  }
0x21e: {  	s20 =	sand.u32 @!p0 $0x1FFFFFFC, s20;
	s0 =	sadd.s32 @!p3 s0, s21;
	s21 =	sld [smem:$0x7CA]  }
0x21f: {  	p6 =	por p0, p0;
	s19 =	spop @!p4 (v2sf);
	[smem:$0x7E1] =	sst s0  }
0x220: {  	s19 =	sshll.u32 @!p4 s19, $0x2;
	p1 =	seq.s32 s16, $0x1;
	s0 =	rddreg [dreg:$0x3];
	[tilespmem:v50+s14+$0x0] =	vst.idx.msk $0xffff, v12  }
0x221: {  	v51 =	vor.u32 $0x18, v10;
	s16 =	sadd.s32 @!p4 $0xD, s30;
	s0 =	sadd.s32 @!p5 s0, s18;
	s18 =	sld [smem:$0x7F0];
	v12 =	vld.idx.msk [tilespmem:v11+s31+$0x0], $0xffff  }
0x222: {  	v52 =	vor.u32 $0x80, v11;
	s7 =	sand.u32 @!p1 $0x1FFFE00, s7;
	p5 =	seq.s32 s26, $0x1;
	[smem:$0x7E3] =	sst s0  }
0x223: {  	s5 =	ssub.s32 @!p1 s5, s7;
	s7 =	sand.u32 @!p4 $0x1FFFFFFC, s19;
	s0 =	rddreg [dreg:$0x3]  }
0x224: {  	s19 =	sld [smem:$0x7DC];
	s17 =	simm.s32 @p5 $0x0;
	s0 =	sadd.s32 @!p4 s0, s7  }
0x225: {  	s5 =	sshll.u32 @!p1 s5, $0x7;
	s7 =	sshra.s32 @!p4 s16, $0x1F;
	[smem:$0x7D7] =	sst s0  }
0x226: {  	p0 =	seq.s32 s18, $0x1;
	s5 =	sshra.s32 @!p1 s5, $0x2;
	s0 =	rddreg [dreg:$0x3];
	[tilespmem:v51+s14+$0x0] =	vst.idx.msk $0xffff, v12  }
0x227: {  	v53 =	vor.u32 $0x19, v10;
	s7 =	sshrl.u32 @!p4 s7, $0x17;
	p3 =	seq.s32 s19, $0x1;
	s0 =	sadd.s32 @!p6 s0, s20;
	v12 =	vld.idx.msk [tilespmem:v52+s31+$0x0], $0xffff  }
0x228: {  	v54 =	vor.u32 $0x100, v11;
	(v2sf) =	vpush @!p0 v9, $0xE;
	p6 =	seq.s32 s21, $0x1;
	s7 =	sadd.s32 @!p4 s7, s16;
	p0 =	seq.s32 s22, $0x1  }
0x229: {  	[smem:$0x7DF] =	sst s0;
	s0 =	sadd.s32 @!p1 $0x1A200, s5;
	s20 =	simm.s32 @!p6 $0x80  }
0x22a: {  	s21 =	simm.s32 @!p0 $0x80;
	s7 =	sand.u32 @!p4 $0x1FFFE00, s7;
	s5 =	sld [smem:$0x7E2]  }
0x22b: {  	s4 =	sand.u32 @!p6 $0x1FFFE00, s4;
	s19 =	simm.s32 @!p6 $0x0;
	[smem:$0x7DA] =	sst s0  }
0x22c: {  	(v2sf) =	vpush @!p3 v9, $0xF;
	s20 =	simm.s32 @p6 $0x0;
	s21 =	simm.s32 @p0 $0x0;
	s7 =	ssub.s32 @!p4 s16, s7;
	[tilespmem:v53+s14+$0x0] =	vst.idx.msk $0xffff, v12  }
0x22d: {  	p0 =	seq.s32 s23, $0x1;
	s4 =	ssub.s32 @!p6 s30, s4;
	s10 =	sadd.s32 s20, s10;
	v55 =	vor.u32 $0x1A, v10;
	v12 =	vld.idx.msk [tilespmem:v54+s31+$0x0], $0xffff  }
0x22e: {  	v56 =	vor.u32 $0x180, v11;
	s16 =	simm.s32 @!p0 $0x80;
	s7 =	sshll.u32 @!p4 s7, $0x7;
	s20 =	simm.s32 @!p2 $0x80  }
0x22f: {  	s4 =	sshll.u32 @!p6 s4, $0x7;
	s10 =	sadd.s32 s21, s10;
	s16 =	simm.s32 @p0 $0x0  }
0x230: {  	s7 =	sshra.s32 @!p4 s7, $0x2;
	s20 =	simm.s32 @p2 $0x0;
	p0 =	seq.s32 s25, $0x1  }
0x231: {  	s4 =	sshra.s32 @!p6 s4, $0x2;
	p2 =	por p3, p3;
	s10 =	sadd.s32 s16, s10  }
0x232: {  	s0 =	sadd.s32 @!p4 $0x1A200, s7;
	s29 =	sadd.s32 @!p2 $0xF, s30;
	s24 =	sadd.s32 s13, s10;
	[tilespmem:v55+s14+$0x0] =	vst.idx.msk $0xffff, v12  }
0x233: {  	v57 =	vor.u32 $0x1B, v10;
	[smem:$0x7DB] =	sst s0;
	s13 =	sshll.u32 @!p0 s15, $0x7;
	s7 =	sadd.s32 s20, s24;
	v12 =	vld.idx.msk [tilespmem:v56+s31+$0x0], $0xffff  }
0x234: {  	v58 =	vor.u32 $0x200, v11;
	s10 =	simm.s32 @!p1 $0x80;
	s1 =	sadd.s32 s1, s7;
	s7 =	sshra.s32 @!p0 s13, $0x2  }
0x235: {  	s10 =	simm.s32 @p1 $0x0;
	s1 =	sadd.s32 s9, s1;
	s0 =	sadd.s32 @!p0 $0x1A200, s7  }
0x236: {  	p0 =	seq.s32 s28, $0x1;
	s20 =	sadd.s32 s10, s1;
	s1 =	sld [smem:$0x7F0]  }
0x237: {  	s25 =	sshra.s32 @!p2 s29, $0x1F;
	s9 =	sadd.s32 @!p6 $0x1A200, s4;
	s15 =	simm.s32 @!p0 $0x80  }
0x238: {  	[smem:$0x7D4] =	sst s0;
	s15 =	simm.s32 @p0 $0x0;
	p0 =	seq.s32 s2, $0x1;
	[tilespmem:v57+s14+$0x0] =	vst.idx.msk $0xffff, v12  }
0x239: {  	v59 =	vor.u32 $0x1C, v10;
	s2 =	rddreg [dreg:$0x3];
	s17 =	sadd.s32 s17, s20;
	p1 =	seq.s32 s1, $0x1;
	v12 =	vld.idx.msk [tilespmem:v58+s31+$0x0], $0xffff  }
0x23a: {  	v60 =	vor.u32 $0x280, v11;
	s20 =	rddreg [dreg:$0x9];
	s10 =	sadd.s32 @!p0 $0xB, s30;
	s1 =	spop @!p1 (v2sf)  }
0x23b: {  	s21 =	simm.s32 @!p0 $0x80;
	s1 =	sshll.u32 @!p1 s1, $0x2;
	s4 =	spop @!p3 (v2sf)  }
0x23c: {  	s7 =	sand.u32 @!p1 $0x1FFFFFFC, s1;
	s1 =	sshll.u32 @!p3 s4, $0x2;
	p3 =	seq.s32 s5, $0x1  }
0x23d: {  	s13 =	sshra.s32 @!p0 s10, $0x1F;
	s21 =	simm.s32 @p0 $0x0;
	s16 =	sadd.s32 @!p3 $0xC, s30  }
0x23e: {  	s0 =	sand.u32 @!p2 $0x1FFFFFFC, s1;
	s1 =	sshrl.u32 @!p0 s13, $0x17;
	s13 =	sshra.s32 @!p3 s16, $0x1F;
	[tilespmem:v59+s14+$0x0] =	vst.idx.msk $0xffff, v12  }
0x23f: {  	v61 =	vor.u32 $0x1D, v10;
	s4 =	rddreg [dreg:$0x1c];
	s1 =	sadd.s32 @!p0 s1, s10;
	s13 =	sshrl.u32 @!p3 s13, $0x17;
	v12 =	vld.idx.msk [tilespmem:v60+s31+$0x0], $0xffff  }
0x240: {  	v62 =	vor.u32 $0x300, v11;
	s28 =	simm.s32 @!p3 $0x80;
	s1 =	sand.u32 @!p0 $0x1FFFE00, s1;
	s13 =	sadd.s32 @!p3 s13, s16  }
0x241: {  	[smem:$0x7DD] =	sst s0;
	s1 =	ssub.s32 @!p0 s10, s1;
	s10 =	sand.u32 @!p3 $0x1FFFE00, s13  }
0x242: {  	s1 =	sshll.u32 @!p0 s1, $0x7;
	s10 =	ssub.s32 @!p3 s16, s10;
	s16 =	sadd.s32 @!p1 $0xE, s30  }
0x243: {  	s1 =	sshra.s32 @!p0 s1, $0x2;
	s10 =	sshll.u32 @!p3 s10, $0x7;
	s24 =	sshra.s32 @!p1 s16, $0x1F  }
0x244: {  	s13 =	sadd.s32 @!p0 $0x1A200, s1;
	s1 =	sshra.s32 @!p3 s10, $0x2;
	s10 =	sshrl.u32 @!p1 s24, $0x17;
	[tilespmem:v61+s14+$0x0] =	vst.idx.msk $0xffff, v12  }
0x245: {  	v63 =	vor.u32 $0x1E, v10;
	s28 =	simm.s32 @p3 $0x0;
	p0 =	sge.s32 s11, s8;
	s10 =	sadd.s32 @!p1 s10, s16;
	v12 =	vld.idx.msk [tilespmem:v62+s31+$0x0], $0xffff  }
0x246: {  	s11 =	sld [smem:$0x7CC];
	s0 =	sadd.s32 @!p3 $0x1A200, s1;
	s24 =	sand.u32 @!p1 $0x1FFFE00, s10;
	v11 =	vor.u32 $0x380, v11  }
0x247: {  	s1 =	rddreg [dreg:$0x1d];
	s16 =	ssub.s32 @!p1 s16, s24;
	s24 =	sshrl.u32 @!p2 s25, $0x17  }
0x248: {  	p3 =	por p6, p6;
	[smem:$0x7E4] =	sst s0;
	s25 =	sadd.s32 @!p2 s24, s29  }
0x249: {  	s0 =	rddreg [dreg:$0x3];
	s24 =	simm.s32 @!p2 $0x80;
	s23 =	sand.u32 @!p2 $0x1FFFE00, s25  }
0x24a: {  	s25 =	sadd.s32 @!p1 s0, s7;
	s0 =	rddreg [dreg:$0x3];
	s7 =	ssub.s32 @!p2 s29, s23;
	[tilespmem:v63+s14+$0x0] =	vst.idx.msk $0xffff, v12  }
0x24b: {  	s23 =	sadd.s32 @!p6 s0, s1;
	s1 =	simm.s32 @!p0 $0x80;
	s7 =	sshll.u32 @!p2 s7, $0x7;
	v10 =	vor.u32 $0x1F, v10;
	v11 =	vld.idx.msk [tilespmem:v11+s31+$0x0], $0xffff  }
0x24c: {  	s24 =	simm.s32 @p2 $0x0;
	s1 =	simm.s32 @p0 $0x0;
	s7 =	sshra.s32 @!p2 s7, $0x2  }
0x24d: {  	s29 =	sadd.s32 @!p2 $0x1A200, s7;
	p2 =	seq.s32 s11, $0x1;
	s11 =	sld [smem:$0x7CE]  }
0x24e: {  	p6 =	por p5, p5;
	s1 =	sadd.s32 s1, s17;
	s17 =	sld [smem:$0x7DE]  }
0x24f: {  	s7 =	simm.s32 @!p5 $0x0;
	s31 =	sadd.s32 @!p2 s2, s4;
	s2 =	sld [smem:$0x7CD]  }
0x250: {  	p5 =	seq.s32 s11, $0x1;
	s11 =	rddreg [dreg:$0x1b];
	s4 =	smov.u32 s6;
	[tilespmem:v10+s14+$0x0] =	vst.idx.msk $0xffff, v11  }
0x251: {  	[hbm4b:s23+s19] =	stream.linear.scatter @!p3 [tilespmem:s9], [sflag:$0x3], $0x20, $0x38;
	[tilespmem:$0x1EA00] =	vst v63  }
0x252: {  	s6 =	rddreg [dreg:$0x3];
	s5 =	sadd.s32 @!p2 $0x1A200, s2;
	s2 =	simm.s32 @!p2 $0x0  }
0x253: {  	[hbm4b:s31+s2] =	stream.linear.scatter @!p2 [tilespmem:s5], [sflag:$0x3], $0x20, $0x38;
	[tilespmem:$0x1EA00] =	vst v63  }
0x254: {  	s6 =	sadd.s32 @!p5 s6, s11;
	s11 =	simm.s32 @!p5 $0x0;
	s23 =	sld [smem:$0x7CF]  }
0x255: {  	[hbm4b:s6+s11] =	stream.linear.scatter @!p5 [tilespmem:s20], [sflag:$0x3], $0x20, $0x38;
	[tilespmem:$0x1EA00] =	vst v63  }
0x256: {  	s10 =	simm.s32 @!p1 $0x80;
	s20 =	sld [smem:$0x7D2]  }
0x257: {  	s10 =	simm.s32 @p1 $0x0;
	s16 =	sshll.u32 @!p1 s16, $0x7;
	s19 =	sld [smem:$0x7D0]  }
0x258: {  	s16 =	sshra.s32 @!p1 s16, $0x2;
	p3 =	seq.s32 s23, $0x1;
	s23 =	sld [smem:$0x7D4]  }
0x259: {  	s26 =	sadd.s32 @!p1 $0x1A200, s16;
	p1 =	seq.s32 s20, $0x1;
	s20 =	sld [smem:$0x7D3]  }
0x25a: {  	s2 =	rddreg [dreg:$0x3]  }
0x25b: {  	s5 =	rddreg [dreg:$0x1a];
	s9 =	simm.s32 @!p3 $0x0  }
0x25c: {  	(v2sf) =	vpush @!p0 v9, $0x9;
	[hbm4b:s20+s9] =	stream.linear.scatter @!p3 [tilespmem:s23], [sflag:$0x3], $0x20, $0x38;
	[tilespmem:$0x1EA00] =	vst v63  }
0x25d: {  	p2 =	seq.s32 s19, $0x1;
	s23 =	sld [smem:$0x7D5]  }
0x25e: {  	s2 =	sadd.s32 @!p2 s2, s5;
	s5 =	sld [smem:$0x7D1]  }
0x25f: {  	s1 =	sadd.s32 s15, s1;
	s15 =	sld [smem:$0x7DD]  }
0x260: {  	p5 =	seq.s32 s23, $0x1;
	s23 =	sld [smem:$0x7D6]  }
0x261: {  	s19 =	simm.s32 @!p2 $0x0;
	s6 =	rddreg [dreg:$0x3];
	s5 =	sadd.s32 @!p2 $0x1A200, s5  }
0x262: {  	[hbm4b:s2+s19] =	stream.linear.scatter @!p2 [tilespmem:s5], [sflag:$0x3], $0x20, $0x38;
	[tilespmem:$0x1EA00] =	vst v63  }
0x263: {  	p3 =	seq.s32 s23, $0x1;
	s23 =	rddreg [dreg:$0x16]  }
0x264: {  	s22 =	sadd.s32 @!p0 $0x9, s30;
	s2 =	rddreg [dreg:$0x3];
	s23 =	sand.u32 @!p3 $0x1FFFFFFC, s23  }
0x265: {  	s0 =	sshra.s32 @!p0 s22, $0x1F;
	s2 =	sadd.s32 @!p3 s2, s23;
	s23 =	sld [smem:$0x7D8]  }
0x266: {  	s0 =	sshrl.u32 @!p0 s0, $0x17;
	s11 =	rddreg [dreg:$0x19]  }
0x267: {  	s6 =	sadd.s32 @!p1 s6, s11;
	s11 =	simm.s32 @!p1 $0x0;
	s9 =	rddreg [dreg:$0x3]  }
0x268: {  	[hbm4b:s6+s11] =	stream.linear.scatter @!p1 [tilespmem:s23], [sflag:$0x3], $0x20, $0x38;
	[tilespmem:$0x1EA00] =	vst v63  }
0x269: {  	s0 =	sadd.s32 @!p0 s0, s22;
	s23 =	sld [smem:$0x7D9]  }
0x26a: {  	s0 =	sand.u32 @!p0 $0x1FFFE00, s0;
	s20 =	rddreg [dreg:$0x18]  }
0x26b: {  	s9 =	sadd.s32 @!p5 s9, s20;
	s20 =	simm.s32 @!p5 $0x0;
	s11 =	spop @!p0 (v2sf)  }
0x26c: {  	[hbm4b:s9+s20] =	stream.linear.scatter @!p5 [tilespmem:s23], [sflag:$0x3], $0x20, $0x38;
	[tilespmem:$0x1EA00] =	vst v63  }
0x26d: {  	s0 =	ssub.s32 @!p0 s22, s0;
	s9 =	sshll.u32 @!p0 s11, $0x2;
	s11 =	sld [smem:$0x7DA]  }
0x26e: {  	s22 =	rddreg [dreg:$0x3];
	s0 =	sshll.u32 @!p0 s0, $0x7  }
0x26f: {  	s0 =	sshra.s32 @!p0 s0, $0x2;
	s5 =	simm.s32 @!p3 $0x0;
	s6 =	rddreg [dreg:$0x17]  }
0x270: {  	[hbm4b:s2+s5] =	stream.linear.scatter @!p3 [tilespmem:s11], [sflag:$0x3], $0x20, $0x38;
	[tilespmem:$0x1EA00] =	vst v63  }
0x271: {  	s6 =	sadd.s32 @!p6 s22, s6;
	s2 =	sand.u32 @!p0 $0x1FFFFFFC, s9;
	s5 =	rddreg [dreg:$0x1f]  }
0x272: {  	[hbm4b:s6+s7] =	stream.linear.scatter @!p6 [tilespmem:s5], [sflag:$0x3], $0x20, $0x38;
	[tilespmem:$0x1EA00] =	vst v63  }
0x273: {  	s0 =	sadd.s32 @!p0 $0x1A200, s0;
	s2 =	sadd.s32 @!p0 s22, s2;
	s5 =	simm.s32 @!p0 $0x0  }
0x274: {  	[hbm4b:s2+s5] =	stream.linear.scatter @!p0 [tilespmem:s0], [sflag:$0x3], $0x20, $0x38;
	[tilespmem:$0x1EA00] =	vst v63  }
0x275: {  	s5 =	sld [smem:$0x7DF]  }
0x276: {  	s20 =	sld [smem:$0x7E0];
	p0 =	seq.s32 s17, $0x1  }
0x277: {  	s2 =	rddreg [dreg:$0x1e];
	s0 =	simm.s32 @!p0 $0x0  }
0x278: {  	[hbm4b:s5+s0] =	stream.linear.scatter @!p0 [tilespmem:s2], [sflag:$0x3], $0x20, $0x38;
	[tilespmem:$0x1EA00] =	vst v63  }
0x279: {  	s23 =	smov.u32 s4;
	s2 =	sld [smem:$0x7E1]  }
0x27a: {  	s6 =	sadd.s32 $0xFFFFFFF0, s23;
	s23 =	sld [smem:$0x7E2];
	p0 =	seq.s32 s20, $0x1  }
0x27b: {  	s18 =	simm.s32 @!p4 $0x80;
	s5 =	sld [smem:$0x7E4];
	s0 =	simm.s32 @!p0 $0x0  }
0x27c: {  	[hbm4b:s2+s0] =	stream.linear.scatter @!p0 [tilespmem:s13], [sflag:$0x3], $0x20, $0x38;
	[tilespmem:$0x1EA00] =	vst v63  }
0x27d: {  	s18 =	simm.s32 @p4 $0x0;
	s1 =	sadd.s32 s21, s1;
	s0 =	sld [smem:$0x7E3]  }
0x27e: {  	s1 =	sadd.s32 s28, s1;
	s28 =	sld [smem:$0x7E5];
	p1 =	seq.s32 s23, $0x1  }
0x27f: {  	s21 =	sadd.s32 s18, s1;
	s18 =	rddreg [dreg:$0x5];
	s1 =	simm.s32 @!p1 $0x0  }
0x280: {  	[hbm4b:s0+s1] =	stream.linear.scatter @!p1 [tilespmem:s5], [sflag:$0x3], $0x20, $0x38;
	[tilespmem:$0x1EA00] =	vst v63  }
0x281: {  	s19 =	sld [smem:$0x7D7];
	p1 =	seq.s32 s28, $0x1  }
.Ltmp16:
0x282: {  	s11 =	sld [smem:$0x7DC];
	(pc) =	sbr.rel @!p1 .LBB2_25-.Ltmp16, $4  }
0x283: {  	s12 =	sadd.s32 $0x10, s12;
	s4 =	sld [smem:$0x7DB]  }
0x284: {  	s16 =	simm.s32 @!p4 $0x0;
	s31 =	simm.s32 $0x10200;
	s9 =	rddreg [dreg:$0x7]  }
0x285: {  	s9 =	sadd.s32 $0x10, s9;
	s7 =	rddreg [dreg:$0x8];
	p3 =	seq.s32 s11, $0x1  }
0x286: {  	s7 =	sadd.s32 $0x10, s7;
	s2 =	sadd.s32 s10, s21;
	p0 =	slt.s32 s3, $0x10  }
.Ltmp17:
0x287: {  	_ = 	snop;
	(pc) =	sbr.rel .LBB2_26-.Ltmp17, $1  }
0x288: {  	_ =	sdelay $0x3  }
.LBB2_17:
.Ltmp18:
0x289: {  	(pc) =	sbr.rel .LBB2_21-.Ltmp18, $2  }
0x28a: {  	_ =	sdelay $0x2  }
0x28b: {  	s3 =	simm.s32 $0x4080;
	s4 =	simm.s32 $0x0  }
.LBB2_19:
.Ltmp19:
0x28c: {  	(pc) =	sbr.rel .LBB2_21-.Ltmp19, $2  }
0x28d: {  	_ =	sdelay $0x2  }
0x28e: {  	s3 =	simm.s32 $0x4080;
	s4 =	simm.s32 $0x0  }
.LBB2_8:
0x28f: {  	s0 =	sld [smem:$0x7F1];
	_ =	sdelay $0x2  }
0x290: {  	p0 =	sne.s32 s0, $0x0  }
.Ltmp20:
0x291: {  	_ = 	snop;
	(pc) =	sbr.rel @!p0 .LBB2_11-.Ltmp20, $1  }
0x292: {  	_ =	sdelay $0x3  }
0x293: {  	s3 =	sld [smem:$0x7F1];
	_ =	sdelay $0x2  }
0x294: {  	p1 =	sne.s32 s3, $0x1  }
.Ltmp21:
0x295: {  	_ = 	snop;
	(pc) =	sbr.rel @!p1 .LBB2_10-.Ltmp21, $3  }
0x296: {  	_ =	sdelay $0x1  }
0x297: {  	s1 =	simm.s32 $0x0;
	s2 =	simm.s32 $0x8100  }
0x298: {  	s0 =	simm.s32 $0x4080;
	p0 =	por $0x0, $0x0;
	v5 =	vld [tilespmem:s2+$0x0];
	s2 =	sadd.s32 $0xFFFFFFFF, s3  }
0x299: {  	_ =	sdelay $0x3  }
0x29a: {  	v7 =	vand.u32 $0xFFFFFFC0, v5  }
0x29b: {  	vm0 =	veq.s32 v7, $0xF4200  }
0x29c: {  	v7 =	vmpcnt.ones.xlane vm0;
	_ =	sdelay $0x1  }
0x29d: {  	v6 =	vld [tilespmem:s0+$0x0];
	(v2sf) =	vpush v7, $0x0;
	_ =	sdelay $0x1  }
0x29e: {  	p1 =	sne.s32 s2, $0x1  }
.Ltmp22:
0x29f: {  	_ = 	snop;
	(pc) =	sbr.rel @!p1 .LBB2_28-.Ltmp22, $4  }
0x2a0: {  	_ = 	snop  }
0x2a1: {  	v5 =	vadd.s32 $0xFFF0BE00, v5;
	[tilespmem:s1+$0xC180] =	vst.msk vm0, v6  }
0x2a2: {  	s4 =	simm.s32 $0x8110;
	s5 =	sadd.s32 $0xFFFFFFFF, s2;
	[tilespmem:s1+$0x0] =	vst.msk vm0, v5  }
0x2a3: {  	p0 =	por $0x1, $0x1;
	s2 =	simm.s32 $0x4080;
	s3 =	simm.s32 $0x0;
	v5 =	vld [tilespmem:s4+$0x0]  }
.LBB2_29:
0x2a4: {  	p1 =	sne.s32 s5, $0x1;
	_ =	sdelay $0x2  }
0x2a5: {  	s2 =	sadd.s32 $0x10, s2  }
0x2a6: {  	v6 =	vld [tilespmem:s2+$0x0];
	v7 =	vand.u32 $0xFFFFFFC0, v5;
	v5 =	vadd.s32 $0xFFF0BE00, v5  }
0x2a7: {  	vm0 =	veq.s32 v7, $0xF4200  }
0x2a8: {  	v7 =	vmpcnt.ones.xlane vm0  }
0x2a9: {  	s6 =	spop (v2sf)  }
0x2aa: {  	(v2sf) =	vpush v7, $0x0;
	s3 =	sadd.s32 s3, s6  }
0x2ab: {  	[tilespmem:s3+$0xC180] =	vst.msk vm0, v6  }
0x2ac: {  	[tilespmem:s3+$0x0] =	vst.msk vm0, v5  }
.Ltmp23:
0x2ad: {  	(pc) =	sbr.rel @p1 .LBB2_29-.Ltmp23, $3  }
0x2ae: {  	_ =	sdelay $0x1  }
0x2af: {  	s4 =	sadd.s32 $0x10, s4  }
0x2b0: {  	s5 =	sadd.s32 $0xFFFFFFFF, s5;
	v5 =	vld [tilespmem:s4+$0x0]  }
.LBB2_30:
0x2b1: {  	_ =	sdelay $0x3  }
0x2b2: {  	v6 =	vand.u32 $0xFFFFFFC0, v5  }
0x2b3: {  	vm0 =	veq.s32 v6, $0xF4200  }
0x2b4: {  	v6 =	vmpcnt.ones.xlane vm0;
	_ =	sdelay $0x1  }
0x2b5: {  	(v2sf) =	vpush v6, $0x0;
	_ =	sdelay $0xb  }
0x2b6: {  	s2 =	sadd.s32 @p0 $0x10, s2  }
0x2b7: {  	s0 =	smov.u32 @p0 s2;
	s2 =	spop @p0 (v2sf)  }
0x2b8: {  	v6 =	vld [tilespmem:s0+$0x0];
	s0 =	sadd.s32 @p0 s3, s2  }
0x2b9: {  	s1 =	smov.u32 @p0 s0;
	s29 =	spop (v2sf)  }
0x2ba: {  	s2 =	sadd.s32 s1, s29  }
0x2bb: {  	s0 =	sadd.s32 $0xF, s2  }
0x2bc: {  	s0 =	sshrl.u32 s0, $0x4  }
0x2bd: {  	p0 =	seq.s32 s0, $0x0  }
.Ltmp24:
0x2be: {  	_ = 	snop;
	(pc) =	sbr.rel @p0 .LBB2_31-.Ltmp24, $4  }
0x2bf: {  	_ = 	snop  }
0x2c0: {  	v5 =	vadd.s32 $0xFFF0BE00, v5;
	[tilespmem:s1+$0xC180] =	vst.msk vm0, v6  }
0x2c1: {  	[tilespmem:s1+$0x0] =	vst.msk vm0, v5  }
0x2c2: {  	[tilespmem:s2+$0x0] =	vst v4  }
0x2c3: {  	p0 =	slt.s32 s16, $0x4000  }
0x2c4: {  	s1 =	simm.s32 @!p0 $0x0  }
0x2c5: {  	s1 =	simm.s32 @p0 $0x1  }
0x2c6: {  	[smem:$0x7BD] =	sst s1;
	s1 =	simm.s32 @!p0 $0x3  }
0x2c7: {  	_ =	swait.ge @!p0 [sflag:s1], $0x800  }
0x2c8: {  	[sflag:s1] =	ssyncset.done @!p0 $0x0  }
0x2c9: {  	s3 =	simm.s32 $0x0;
	[sflag:s1] =	ssyncadd.s32 @!p0 $0xFFFFF800  }
0x2ca: {  	v7 =	vld [tilespmem:s3+$0x0]  }
0x2cb: {  	v5 =	vadd.s32 s30, v2  }
0x2cc: {  	v6 =	vshra.s32 v5, $0x1F  }
0x2cd: {  	v6 =	vshrl.u32 v6, $0x17  }
0x2ce: {  	v6 =	vadd.s32 v6, v5  }
0x2cf: {  	v6 =	vshrl.u32 v6, $0x9  }
0x2d0: {  	v6 =	vshll.u32 v6, $0x9  }
0x2d1: {  	s26 =	simm.s32 $0x1E200;
	v5 =	vsub.s32 v5, v6  }
0x2d2: {  	v6 =	vshll.u32 v5, $0x5;
	v8 =	vld.idx.msk [tilespmem:v7+s26+$0x0], $0xffff  }
0x2d3: {  	v9 =	vadd.s32 $0x40, v7;
	_ =	sdelay $0x2  }
0x2d4: {  	s19 =	simm.s32 $0xC180  }
0x2d5: {  	v5 =	vld [tilespmem:s19+$0x0];
	[tilespmem:v6+s18+$0x0] =	vst.idx.msk $0xffff, v8  }
0x2d6: {  	v58 =	vor.u32 $0x1, v6;
	v9 =	vld.idx.msk [tilespmem:v9+s26+$0x0], $0xffff  }
0x2d7: {  	v10 =	vadd.s32 $0x80, v7;
	_ =	sdelay $0x3  }
0x2d8: {  	[tilespmem:v58+s18+$0x0] =	vst.idx.msk $0xffff, v9  }
0x2d9: {  	v59 =	vor.u32 $0x2, v6;
	v9 =	vld.idx.msk [tilespmem:v10+s26+$0x0], $0xffff  }
0x2da: {  	v60 =	vadd.s32 $0xC0, v7;
	_ =	sdelay $0x3  }
0x2db: {  	[tilespmem:v59+s18+$0x0] =	vst.idx.msk $0xffff, v9  }
0x2dc: {  	v61 =	vor.u32 $0x3, v6;
	v9 =	vld.idx.msk [tilespmem:v60+s26+$0x0], $0xffff  }
0x2dd: {  	v62 =	vadd.s32 $0x100, v7;
	_ =	sdelay $0x3  }
0x2de: {  	[tilespmem:v61+s18+$0x0] =	vst.idx.msk $0xffff, v9  }
0x2df: {  	v63 =	vor.u32 $0x4, v6;
	v9 =	vld.idx.msk [tilespmem:v62+s26+$0x0], $0xffff  }
0x2e0: {  	v12 =	vadd.s32 $0x140, v7;
	_ =	sdelay $0x3  }
0x2e1: {  	[tilespmem:v63+s18+$0x0] =	vst.idx.msk $0xffff, v9  }
0x2e2: {  	v13 =	vor.u32 $0x5, v6;
	v9 =	vld.idx.msk [tilespmem:v12+s26+$0x0], $0xffff  }
0x2e3: {  	v14 =	vadd.s32 $0x180, v7;
	_ =	sdelay $0x3  }
0x2e4: {  	[tilespmem:v13+s18+$0x0] =	vst.idx.msk $0xffff, v9  }
0x2e5: {  	v15 =	vor.u32 $0x6, v6;
	v9 =	vld.idx.msk [tilespmem:v14+s26+$0x0], $0xffff  }
0x2e6: {  	v16 =	vadd.s32 $0x1C0, v7;
	_ =	sdelay $0x3  }
0x2e7: {  	[tilespmem:v15+s18+$0x0] =	vst.idx.msk $0xffff, v9  }
0x2e8: {  	v17 =	vor.u32 $0x7, v6;
	v9 =	vld.idx.msk [tilespmem:v16+s26+$0x0], $0xffff  }
0x2e9: {  	v18 =	vadd.s32 $0x200, v7;
	_ =	sdelay $0x3  }
0x2ea: {  	[tilespmem:v17+s18+$0x0] =	vst.idx.msk $0xffff, v9  }
0x2eb: {  	v19 =	vor.u32 $0x8, v6;
	v9 =	vld.idx.msk [tilespmem:v18+s26+$0x0], $0xffff  }
0x2ec: {  	v20 =	vadd.s32 $0x240, v7;
	_ =	sdelay $0x3  }
0x2ed: {  	[tilespmem:v19+s18+$0x0] =	vst.idx.msk $0xffff, v9  }
0x2ee: {  	v21 =	vor.u32 $0x9, v6;
	v9 =	vld.idx.msk [tilespmem:v20+s26+$0x0], $0xffff  }
0x2ef: {  	v22 =	vadd.s32 $0x280, v7;
	_ =	sdelay $0x3  }
0x2f0: {  	[tilespmem:v21+s18+$0x0] =	vst.idx.msk $0xffff, v9  }
0x2f1: {  	v23 =	vor.u32 $0xA, v6;
	v9 =	vld.idx.msk [tilespmem:v22+s26+$0x0], $0xffff  }
0x2f2: {  	v24 =	vadd.s32 $0x2C0, v7;
	_ =	sdelay $0x3  }
0x2f3: {  	[tilespmem:v23+s18+$0x0] =	vst.idx.msk $0xffff, v9  }
0x2f4: {  	v25 =	vor.u32 $0xB, v6;
	v9 =	vld.idx.msk [tilespmem:v24+s26+$0x0], $0xffff  }
0x2f5: {  	v26 =	vadd.s32 $0x300, v7;
	_ =	sdelay $0x3  }
0x2f6: {  	[tilespmem:v25+s18+$0x0] =	vst.idx.msk $0xffff, v9  }
0x2f7: {  	v27 =	vor.u32 $0xC, v6;
	v9 =	vld.idx.msk [tilespmem:v26+s26+$0x0], $0xffff  }
0x2f8: {  	v28 =	vadd.s32 $0x340, v7;
	_ =	sdelay $0x3  }
0x2f9: {  	[tilespmem:v27+s18+$0x0] =	vst.idx.msk $0xffff, v9  }
0x2fa: {  	v29 =	vor.u32 $0xD, v6;
	v9 =	vld.idx.msk [tilespmem:v28+s26+$0x0], $0xffff  }
0x2fb: {  	v30 =	vadd.s32 $0x380, v7;
	_ =	sdelay $0x3  }
0x2fc: {  	[tilespmem:v29+s18+$0x0] =	vst.idx.msk $0xffff, v9  }
0x2fd: {  	v31 =	vor.u32 $0xE, v6;
	v9 =	vld.idx.msk [tilespmem:v30+s26+$0x0], $0xffff  }
0x2fe: {  	v32 =	vadd.s32 $0x3C0, v7;
	_ =	sdelay $0x3  }
0x2ff: {  	[tilespmem:v31+s18+$0x0] =	vst.idx.msk $0xffff, v9  }
0x300: {  	v33 =	vor.u32 $0xF, v6;
	v9 =	vld.idx.msk [tilespmem:v32+s26+$0x0], $0xffff  }
0x301: {  	v34 =	vadd.s32 $0x400, v7;
	_ =	sdelay $0x3  }
0x302: {  	[tilespmem:v33+s18+$0x0] =	vst.idx.msk $0xffff, v9  }
0x303: {  	v35 =	vor.u32 $0x10, v6;
	v9 =	vld.idx.msk [tilespmem:v34+s26+$0x0], $0xffff  }
0x304: {  	v36 =	vadd.s32 $0x440, v7;
	_ =	sdelay $0x3  }
0x305: {  	[tilespmem:v35+s18+$0x0] =	vst.idx.msk $0xffff, v9  }
0x306: {  	v37 =	vor.u32 $0x11, v6;
	v9 =	vld.idx.msk [tilespmem:v36+s26+$0x0], $0xffff  }
0x307: {  	v38 =	vadd.s32 $0x480, v7;
	_ =	sdelay $0x3  }
0x308: {  	[tilespmem:v37+s18+$0x0] =	vst.idx.msk $0xffff, v9  }
0x309: {  	v39 =	vor.u32 $0x12, v6;
	v9 =	vld.idx.msk [tilespmem:v38+s26+$0x0], $0xffff  }
0x30a: {  	v40 =	vadd.s32 $0x4C0, v7;
	_ =	sdelay $0x3  }
0x30b: {  	[tilespmem:v39+s18+$0x0] =	vst.idx.msk $0xffff, v9  }
0x30c: {  	v41 =	vor.u32 $0x13, v6;
	v9 =	vld.idx.msk [tilespmem:v40+s26+$0x0], $0xffff  }
0x30d: {  	v42 =	vadd.s32 $0x500, v7;
	_ =	sdelay $0x3  }
0x30e: {  	[tilespmem:v41+s18+$0x0] =	vst.idx.msk $0xffff, v9  }
0x30f: {  	v43 =	vor.u32 $0x14, v6;
	v9 =	vld.idx.msk [tilespmem:v42+s26+$0x0], $0xffff  }
0x310: {  	v44 =	vadd.s32 $0x540, v7;
	_ =	sdelay $0x3  }
0x311: {  	[tilespmem:v43+s18+$0x0] =	vst.idx.msk $0xffff, v9  }
0x312: {  	v45 =	vor.u32 $0x15, v6;
	v9 =	vld.idx.msk [tilespmem:v44+s26+$0x0], $0xffff  }
0x313: {  	v46 =	vadd.s32 $0x580, v7;
	_ =	sdelay $0x3  }
0x314: {  	[tilespmem:v45+s18+$0x0] =	vst.idx.msk $0xffff, v9  }
0x315: {  	v47 =	vor.u32 $0x16, v6;
	v9 =	vld.idx.msk [tilespmem:v46+s26+$0x0], $0xffff  }
0x316: {  	v48 =	vadd.s32 $0x5C0, v7;
	_ =	sdelay $0x3  }
0x317: {  	[tilespmem:v47+s18+$0x0] =	vst.idx.msk $0xffff, v9  }
0x318: {  	v49 =	vor.u32 $0x17, v6;
	v9 =	vld.idx.msk [tilespmem:v48+s26+$0x0], $0xffff  }
0x319: {  	v50 =	vadd.s32 $0x600, v7;
	_ =	sdelay $0x3  }
0x31a: {  	[tilespmem:v49+s18+$0x0] =	vst.idx.msk $0xffff, v9  }
0x31b: {  	v51 =	vor.u32 $0x18, v6;
	v9 =	vld.idx.msk [tilespmem:v50+s26+$0x0], $0xffff  }
0x31c: {  	v52 =	vadd.s32 $0x640, v7;
	_ =	sdelay $0x3  }
0x31d: {  	[tilespmem:v51+s18+$0x0] =	vst.idx.msk $0xffff, v9  }
0x31e: {  	v53 =	vor.u32 $0x19, v6;
	v9 =	vld.idx.msk [tilespmem:v52+s26+$0x0], $0xffff  }
0x31f: {  	v54 =	vadd.s32 $0x680, v7;
	_ =	sdelay $0x3  }
0x320: {  	[tilespmem:v53+s18+$0x0] =	vst.idx.msk $0xffff, v9  }
0x321: {  	v55 =	vor.u32 $0x1A, v6;
	v9 =	vld.idx.msk [tilespmem:v54+s26+$0x0], $0xffff  }
0x322: {  	p2 =	sle.s32 s2, $0x1;
	v56 =	vadd.s32 $0x6C0, v7  }
0x323: {  	p1 =	sle.s32 s2, $0x0;
	p3 =	sle.s32 s2, $0x2;
	s10 =	simm.s32 @!p2 $0x0  }
0x324: {  	p5 =	sle.s32 s2, $0x4;
	p4 =	sle.s32 s2, $0x3;
	s10 =	simm.s32 @p2 $0x1  }
0x325: {  	p6 =	sle.s32 s2, $0xB;
	s4 =	sadd.s32 @!p2 $0x1, s30;
	[smem:$0x7C4] =	sst s10  }
0x326: {  	s1 =	simm.s32 @!p5 $0x0;
	p0 =	sle.s32 s2, $0x6;
	s31 =	sld [smem:$0x7C4];
	[tilespmem:v55+s18+$0x0] =	vst.idx.msk $0xffff, v9  }
0x327: {  	s1 =	simm.s32 @p5 $0x1;
	s3 =	sshra.s32 @!p2 s4, $0x1F;
	s5 =	simm.s32 @!p0 $0x0;
	v57 =	vor.u32 $0x1B, v6;
	v9 =	vld.idx.msk [tilespmem:v56+s26+$0x0], $0xffff  }
0x328: {  	[smem:$0x7C2] =	sst s1;
	s1 =	sshra.s32 @!p1 s30, $0x1F;
	s5 =	simm.s32 @p0 $0x1;
	v58 =	vadd.s32 $0x700, v7  }
0x329: {  	s3 =	sshrl.u32 @!p2 s3, $0x17;
	s1 =	sshrl.u32 @!p1 s1, $0x17;
	[smem:$0x7C7] =	sst s5  }
0x32a: {  	s6 =	sadd.s32 @!p2 s3, s4;
	s20 =	sld [smem:$0x7C2];
	s5 =	sadd.s32 @!p1 s1, s30;
	(v2sf) =	vpush @!p1 v5, $0x0  }
0x32b: {  	s1 =	sadd.s32 @!p5 $0x4, s30;
	s6 =	sand.u32 @!p2 $0x1FFFE00, s6;
	s21 =	sld [smem:$0x7C7];
	(v2sf) =	vpush @!p2 v5, $0x1  }
0x32c: {  	s19 =	sld [smem:$0x7C7];
	s3 =	sshra.s32 @!p5 s1, $0x1F;
	s6 =	ssub.s32 @!p2 s4, s6;
	(v2sf) =	vpush @!p3 v5, $0x2;
	[tilespmem:v57+s18+$0x0] =	vst.idx.msk $0xffff, v9  }
0x32d: {  	s5 =	sand.u32 @!p1 $0x1FFFE00, s5;
	s6 =	sshll.u32 @!p2 s6, $0x7;
	(v2sf) =	vpush @!p5 v5, $0x4;
	p5 =	sle.s32 s2, $0x9;
	v59 =	vor.u32 $0x1C, v6;
	v9 =	vld.idx.msk [tilespmem:v58+s26+$0x0], $0xffff  }
0x32e: {  	s5 =	ssub.s32 @!p1 s30, s5;
	s6 =	sshra.s32 @!p2 s6, $0x2;
	s4 =	simm.s32 @!p5 $0x0;
	v60 =	vadd.s32 $0x740, v7  }
0x32f: {  	s5 =	sshll.u32 @!p1 s5, $0x7;
	s6 =	sadd.s32 @!p2 $0x1A200, s6;
	(v2sf) =	vpush @!p4 v5, $0x3;
	s4 =	simm.s32 @p5 $0x1  }
0x330: {  	s5 =	sshra.s32 @!p1 s5, $0x2;
	(v2sf) =	vpush @!p0 v5, $0x6;
	p0 =	sle.s32 s2, $0x8;
	[smem:$0x7BF] =	sst s4  }
0x331: {  	s7 =	simm.s32 @!p0 $0x0;
	s4 =	sadd.s32 @!p4 $0x3, s30;
	s24 =	sld [smem:$0x7BF]  }
0x332: {  	(v2sf) =	vpush @!p0 v5, $0x8;
	s7 =	simm.s32 @p0 $0x1;
	p0 =	seq.s32 s20, $0x1;
	s20 =	sld [smem:$0x7BD];
	[tilespmem:v59+s18+$0x0] =	vst.idx.msk $0xffff, v9  }
0x333: {  	(v2sf) =	vpush @!p5 v5, $0x9;
	p5 =	sle.s32 s2, $0x7;
	[smem:$0x7C9] =	sst s7;
	s7 =	sadd.s32 @!p3 $0x2, s30;
	v61 =	vor.u32 $0x1D, v6;
	v9 =	vld.idx.msk [tilespmem:v60+s26+$0x0], $0xffff  }
0x334: {  	s9 =	simm.s32 @!p5 $0x0;
	s3 =	sshrl.u32 @!p0 s3, $0x17;
	s8 =	sshra.s32 @!p3 s7, $0x1F;
	v62 =	vadd.s32 $0x780, v7  }
0x335: {  	(v2sf) =	vpush @!p5 v5, $0x7;
	s9 =	simm.s32 @p5 $0x1;
	p5 =	sle.s32 s2, $0xA;
	s23 =	sld [smem:$0x7C9]  }
0x336: {  	s3 =	sadd.s32 @!p0 s3, s1;
	[smem:$0x7C8] =	sst s9;
	s9 =	simm.s32 @!p5 $0x0  }
0x337: {  	s8 =	sshrl.u32 @!p3 s8, $0x17;
	s9 =	simm.s32 @p5 $0x1;
	s25 =	sld [smem:$0x7C8]  }
0x338: {  	(v2sf) =	vpush @!p5 v5, $0xA;
	s8 =	sadd.s32 @!p3 s8, s7;
	p5 =	seq.s32 s21, $0x1;
	s21 =	sld [smem:$0x7C8];
	[tilespmem:v61+s18+$0x0] =	vst.idx.msk $0xffff, v9  }
0x339: {  	[smem:$0x7C0] =	sst s9;
	s9 =	sshra.s32 @!p4 s4, $0x1F;
	s8 =	sand.u32 @!p3 $0x1FFFE00, s8;
	v63 =	vor.u32 $0x1E, v6;
	v9 =	vld.idx.msk [tilespmem:v62+s26+$0x0], $0xffff  }
0x33a: {  	s7 =	ssub.s32 @!p3 s7, s8;
	s8 =	sshrl.u32 @!p4 s9, $0x17;
	s10 =	spop @!p1 (v2sf);
	v7 =	vadd.s32 $0x7C0, v7  }
0x33b: {  	s7 =	sshll.u32 @!p3 s7, $0x7;
	s9 =	sshll.u32 @!p1 s10, $0x2;
	s10 =	spop @!p2 (v2sf)  }
0x33c: {  	s28 =	sld [smem:$0x7C0];
	s7 =	sshra.s32 @!p3 s7, $0x2;
	s10 =	sshll.u32 @!p2 s10, $0x2  }
0x33d: {  	s11 =	spop @!p3 (v2sf);
	s13 =	sand.u32 @!p2 $0x1FFFFFFC, s10;
	p2 =	sle.s32 s2, $0xC  }
0x33e: {  	(v2sf) =	vpush @!p6 v5, $0xB;
	s9 =	sand.u32 @!p1 $0x1FFFFFFC, s9;
	s10 =	sshll.u32 @!p3 s11, $0x2;
	s11 =	simm.s32 @!p2 $0x0;
	[tilespmem:v63+s18+$0x0] =	vst.idx.msk $0xffff, v9  }
0x33f: {  	(v2sf) =	vpush @!p2 v5, $0xC;
	s11 =	simm.s32 @p2 $0x1;
	p2 =	por p1, p1;
	p1 =	sle.s32 s2, $0xD;
	v6 =	vor.u32 $0x1F, v6;
	v7 =	vld.idx.msk [tilespmem:v7+s26+$0x0], $0xffff  }
0x340: {  	s7 =	sadd.s32 @!p3 $0x1A200, s7;
	[smem:$0x7C3] =	sst s11;
	s11 =	simm.s32 @!p1 $0x0  }
0x341: {  	s14 =	spop @!p0 (v2sf);
	s15 =	sand.u32 @!p3 $0x1FFFFFFC, s10;
	s11 =	simm.s32 @p1 $0x1  }
0x342: {  	s10 =	sshll.u32 @!p0 s14, $0x2;
	[smem:$0x7C6] =	sst s11;
	s11 =	simm.s32 @!p2 $0x0  }
0x343: {  	s14 =	sand.u32 @!p0 $0x1FFFFFFC, s10;
	s5 =	sadd.s32 @!p2 $0x1A200, s5;
	s11 =	simm.s32 @p2 $0x1  }
0x344: {  	s9 =	sadd.s32 @!p2 s22, s9;
	[smem:$0x7BE] =	sst s11;
	s11 =	simm.s32 @!p2 $0x0;
	[tilespmem:v6+s18+$0x0] =	vst.idx.msk $0xffff, v7  }
0x345: {  	[hbm4b:s9+s11] =	stream.linear.scatter @!p2 [tilespmem:s5], [sflag:$0x3], $0x20, $0x38;
	[tilespmem:$0x1EA00] =	vst v63  }
0x346: {  	s15 =	sadd.s32 @!p3 s22, s15;
	(v2sf) =	vpush @!p1 v5, $0xD;
	p1 =	sle.s32 s2, $0xE;
	s5 =	sadd.s32 @!p4 s8, s4  }
0x347: {  	s8 =	spop @!p4 (v2sf);
	s9 =	simm.s32 @!p1 $0x0;
	p2 =	seq.s32 s23, $0x1  }
0x348: {  	s23 =	sld [smem:$0x7C9];
	s9 =	simm.s32 @p1 $0x1;
	s11 =	spop @!p5 (v2sf)  }
0x349: {  	(v2sf) =	vpush @!p1 v5, $0xE;
	p1 =	sle.s32 s2, $0xF;
	s5 =	sand.u32 @!p4 $0x1FFFE00, s5;
	p5 =	sle.s32 s2, $0x5  }
0x34a: {  	s8 =	sshll.u32 @!p4 s8, $0x2;
	[smem:$0x7C5] =	sst s9;
	s12 =	spop @!p2 (v2sf)  }
0x34b: {  	p2 =	por p1, p1;
	s9 =	simm.s32 @!p1 $0x0;
	s4 =	ssub.s32 @!p4 s4, s5  }
0x34c: {  	s5 =	sand.u32 @!p4 $0x1FFFFFFC, s8;
	s9 =	simm.s32 @p1 $0x1;
	s18 =	sld [smem:$0x7C5]  }
0x34d: {  	(v2sf) =	vpush @!p1 v5, $0xF;
	p1 =	seq.s32 s24, $0x1;
	s4 =	sshll.u32 @!p4 s4, $0x7;
	s24 =	sld [smem:$0x7BE]  }
0x34e: {  	[smem:$0x7C1] =	sst s9;
	s9 =	spop @!p1 (v2sf);
	p1 =	seq.s32 s25, $0x1  }
0x34f: {  	s4 =	sshra.s32 @!p4 s4, $0x2;
	s17 =	spop @!p1 (v2sf);
	p1 =	seq.s32 s28, $0x1  }
0x350: {  	s25 =	sld [smem:$0x7BF];
	s10 =	spop @!p1 (v2sf);
	p1 =	seq.s32 s31, $0x1  }
0x351: {  	s28 =	sld [smem:$0x7C0];
	s8 =	sadd.s32 @!p1 s22, s13;
	s13 =	simm.s32 @!p1 $0x0  }
0x352: {  	[hbm4b:s8+s13] =	stream.linear.scatter @!p1 [tilespmem:s6], [sflag:$0x3], $0x20, $0x38;
	[tilespmem:$0x1EA00] =	vst v63  }
0x353: {  	(v2sf) =	vpush @!p5 v5, $0x5;
	s31 =	sld [smem:$0x7C1];
	s8 =	sadd.s32 @!p4 $0x1A200, s4;
	s4 =	simm.s32 @!p3 $0x0  }
0x354: {  	[hbm4b:s15+s4] =	stream.linear.scatter @!p3 [tilespmem:s7], [sflag:$0x3], $0x20, $0x38;
	[tilespmem:$0x1EA00] =	vst v63  }
0x355: {  	s14 =	sadd.s32 @!p0 s22, s14;
	s5 =	sadd.s32 @!p4 s22, s5;
	s7 =	sld [smem:$0x7C3]  }
0x356: {  	s6 =	spop @!p6 (v2sf);
	s4 =	sand.u32 @!p0 $0x1FFFE00, s3;
	s15 =	sld [smem:$0x7C6]  }
0x357: {  	s13 =	sadd.s32 @!p5 $0x5, s30;
	s6 =	sshll.u32 @!p6 s6, $0x2;
	s1 =	ssub.s32 @!p0 s1, s4  }
0x358: {  	s1 =	sshll.u32 @!p0 s1, $0x7;
	p1 =	seq.s32 s7, $0x1;
	s7 =	sshra.s32 @!p5 s13, $0x1F  }
0x359: {  	s3 =	spop @!p1 (v2sf);
	p1 =	seq.s32 s15, $0x1;
	s7 =	sshrl.u32 @!p5 s7, $0x17  }
0x35a: {  	s15 =	simm.s32 @!p4 $0x0;
	s4 =	spop @!p1 (v2sf);
	s7 =	sadd.s32 @!p5 s7, s13  }
0x35b: {  	[hbm4b:s5+s15] =	stream.linear.scatter @!p4 [tilespmem:s8], [sflag:$0x3], $0x20, $0x38;
	[tilespmem:$0x1EA00] =	vst v63  }
0x35c: {  	p1 =	seq.s32 s18, $0x1;
	s8 =	sshra.s32 @!p0 s1, $0x2;
	s15 =	simm.s32 @!p0 $0x0  }
0x35d: {  	s18 =	sld [smem:$0x7C2];
	s5 =	spop @!p1 (v2sf);
	s7 =	sand.u32 @!p5 $0x1FFFE00, s7  }
0x35e: {  	s8 =	sadd.s32 @!p0 $0x1A200, s8;
	p1 =	seq.s32 s21, $0x1;
	s21 =	sld [smem:$0x7C5]  }
0x35f: {  	[hbm4b:s14+s15] =	stream.linear.scatter @!p0 [tilespmem:s8], [sflag:$0x3], $0x20, $0x38;
	[tilespmem:$0x1EA00] =	vst v63  }
0x360: {  	s1 =	spop @!p2 (v2sf);
	s7 =	ssub.s32 @!p5 s13, s7;
	p0 =	seq.s32 s19, $0x1  }
0x361: {  	p2 =	seq.s32 s20, $0x1;
	s17 =	sshll.u32 @!p1 s17, $0x2;
	s19 =	sld [smem:$0x7C3]  }
0x362: {  	s20 =	sld [smem:$0x7C4];
	s7 =	sshll.u32 @!p5 s7, $0x7;
	s13 =	spop @!p5 (v2sf)  }
0x363: {  	s14 =	sadd.s32 @!p0 $0x6, s30;
	s11 =	sshll.u32 @!p0 s11, $0x2;
	s13 =	sshll.u32 @!p5 s13, $0x2  }
0x364: {  	s7 =	sshra.s32 @!p5 s7, $0x2;
	s11 =	sand.u32 @!p0 $0x1FFFFFFC, s11;
	s8 =	sand.u32 @!p5 $0x1FFFFFFC, s13  }
0x365: {  	s7 =	sadd.s32 @!p5 $0x1A200, s7;
	s13 =	simm.s32 @!p5 $0x0;
	s8 =	sadd.s32 @!p5 s22, s8  }
0x366: {  	[hbm4b:s8+s13] =	stream.linear.scatter @!p5 [tilespmem:s7], [sflag:$0x3], $0x20, $0x38;
	[tilespmem:$0x1EA00] =	vst v63  }
0x367: {  	s11 =	sadd.s32 @!p0 s22, s11;
	s7 =	sadd.s32 @!p1 $0x7, s30;
	s13 =	sshra.s32 @!p0 s14, $0x1F  }
0x368: {  	s8 =	simm.s32 @!p2 $0xFFFFE000;
	s15 =	sshra.s32 @!p1 s7, $0x1F;
	s13 =	sshrl.u32 @!p0 s13, $0x17  }
0x369: {  	s8 =	simm.s32 @p2 $0x0;
	s15 =	sshrl.u32 @!p1 s15, $0x17;
	s13 =	sadd.s32 @!p0 s13, s14  }
0x36a: {  	p2 =	por p1, p1;
	s15 =	sadd.s32 @!p1 s15, s7;
	s13 =	sand.u32 @!p0 $0x1FFFE00, s13  }
0x36b: {  	s8 =	sadd.s32 s16, s8;
	s15 =	sand.u32 @!p1 $0x1FFFE00, s15;
	s13 =	ssub.s32 @!p0 s14, s13  }
0x36c: {  	s14 =	sand.u32 @!p1 $0x1FFFFFFC, s17;
	s17 =	simm.s32 @!p0 $0x0;
	s7 =	ssub.s32 @!p1 s7, s15  }
0x36d: {  	s13 =	sshll.u32 @!p0 s13, $0x7;
	s7 =	sshll.u32 @!p1 s7, $0x7;
	p1 =	seq.s32 s23, $0x1  }
0x36e: {  	s13 =	sshra.s32 @!p0 s13, $0x2;
	s23 =	sld [smem:$0x7C6];
	s15 =	sadd.s32 @!p1 $0x8, s30  }
0x36f: {  	s13 =	sadd.s32 @!p0 $0x1A200, s13;
	s7 =	sshra.s32 @!p2 s7, $0x2;
	s12 =	sshll.u32 @!p1 s12, $0x2  }
0x370: {  	[hbm4b:s11+s17] =	stream.linear.scatter @!p0 [tilespmem:s13], [sflag:$0x3], $0x20, $0x38;
	[tilespmem:$0x1EA00] =	vst v63  }
0x371: {  	s11 =	sadd.s32 @!p2 s22, s14;
	s13 =	sshra.s32 @!p1 s15, $0x1F;
	s7 =	sadd.s32 @!p2 $0x1A200, s7  }
0x372: {  	p0 =	seq.s32 s24, $0x1;
	s12 =	sand.u32 @!p1 $0x1FFFFFFC, s12;
	s17 =	simm.s32 @!p1 $0x0  }
0x373: {  	s24 =	sld [smem:$0x7C7];
	s14 =	sshrl.u32 @!p1 s13, $0x17;
	s13 =	simm.s32 @!p2 $0x0  }
0x374: {  	[hbm4b:s11+s13] =	stream.linear.scatter @!p2 [tilespmem:s7], [sflag:$0x3], $0x20, $0x38;
	[tilespmem:$0x1EA00] =	vst v63  }
0x375: {  	s12 =	sadd.s32 @!p1 s22, s12;
	s11 =	simm.s32 @!p3 $0x80;
	s13 =	simm.s32 @!p0 $0x80  }
0x376: {  	s7 =	sadd.s32 @!p1 s14, s15;
	p2 =	seq.s32 s18, $0x1;
	s11 =	simm.s32 @p3 $0x0  }
0x377: {  	s13 =	simm.s32 @p0 $0x0;
	p3 =	seq.s32 s25, $0x1;
	s25 =	sld [smem:$0x7C8]  }
0x378: {  	s7 =	sand.u32 @!p1 $0x1FFFE00, s7;
	p0 =	seq.s32 s28, $0x1;
	s28 =	sld [smem:$0x7C9]  }
0x379: {  	s14 =	sadd.s32 @!p3 $0x9, s30;
	s7 =	ssub.s32 @!p1 s15, s7;
	s9 =	sshll.u32 @!p3 s9, $0x2  }
0x37a: {  	s10 =	sshll.u32 @!p0 s10, $0x2;
	s8 =	sadd.s32 s13, s8;
	s7 =	sshll.u32 @!p1 s7, $0x7  }
0x37b: {  	s15 =	sshra.s32 @!p3 s14, $0x1F;
	s9 =	sand.u32 @!p3 $0x1FFFFFFC, s9;
	s7 =	sshra.s32 @!p1 s7, $0x2  }
0x37c: {  	s10 =	sand.u32 @!p0 $0x1FFFFFFC, s10;
	s15 =	sshrl.u32 @!p3 s15, $0x17;
	s7 =	sadd.s32 @!p1 $0x1A200, s7  }
0x37d: {  	[hbm4b:s12+s17] =	stream.linear.scatter @!p1 [tilespmem:s7], [sflag:$0x3], $0x20, $0x38;
	[tilespmem:$0x1EA00] =	vst v63  }
0x37e: {  	s9 =	sadd.s32 @!p3 s22, s9;
	s15 =	sadd.s32 @!p3 s15, s14;
	s12 =	simm.s32 @!p4 $0x80  }
0x37f: {  	s7 =	sand.u32 @!p3 $0x1FFFE00, s15;
	s15 =	sadd.s32 @!p0 $0xA, s30;
	p1 =	por p3, p3  }
0x380: {  	s12 =	simm.s32 @p4 $0x0;
	p4 =	seq.s32 s31, $0x1;
	s17 =	sshra.s32 @!p0 s15, $0x1F  }
0x381: {  	s7 =	ssub.s32 @!p3 s14, s7;
	s14 =	simm.s32 @!p2 $0x80;
	s17 =	sshrl.u32 @!p0 s17, $0x17  }
0x382: {  	s7 =	sshll.u32 @!p3 s7, $0x7;
	s14 =	simm.s32 @p2 $0x0;
	p2 =	seq.s32 s19, $0x1  }
0x383: {  	s1 =	sshll.u32 @!p4 s1, $0x2;
	s17 =	sadd.s32 @!p0 s17, s15;
	s7 =	sshra.s32 @!p3 s7, $0x2  }
0x384: {  	s3 =	sshll.u32 @!p2 s3, $0x2;
	s1 =	sand.u32 @!p4 $0x1FFFFFFC, s1;
	s17 =	sand.u32 @!p0 $0x1FFFE00, s17  }
0x385: {  	s7 =	sadd.s32 @!p3 $0x1A200, s7;
	s3 =	sand.u32 @!p2 $0x1FFFFFFC, s3;
	s15 =	ssub.s32 @!p0 s15, s17  }
0x386: {  	s17 =	simm.s32 @!p3 $0x0;
	s3 =	sadd.s32 @!p2 s22, s3;
	s15 =	sshll.u32 @!p0 s15, $0x7  }
0x387: {  	[hbm4b:s9+s17] =	stream.linear.scatter @!p3 [tilespmem:s7], [sflag:$0x3], $0x20, $0x38;
	[tilespmem:$0x1EA00] =	vst v63  }
0x388: {  	s7 =	sadd.s32 @!p0 s22, s10;
	s10 =	sadd.s32 @!p6 $0xB, s30;
	s9 =	sshra.s32 @!p0 s15, $0x2  }
0x389: {  	s17 =	simm.s32 @!p0 $0x0;
	s15 =	sshra.s32 @!p6 s10, $0x1F;
	s9 =	sadd.s32 @!p0 $0x1A200, s9  }
0x38a: {  	[hbm4b:s7+s17] =	stream.linear.scatter @!p0 [tilespmem:s9], [sflag:$0x3], $0x20, $0x38;
	[tilespmem:$0x1EA00] =	vst v63  }
0x38b: {  	p3 =	seq.s32 s20, $0x1;
	s7 =	sshrl.u32 @!p6 s15, $0x17;
	s9 =	sadd.s32 @!p2 $0xC, s30  }
0x38c: {  	s15 =	simm.s32 @!p3 $0x80;
	s7 =	sadd.s32 @!p6 s7, s10;
	s17 =	sshra.s32 @!p2 s9, $0x1F  }
0x38d: {  	s15 =	simm.s32 @p3 $0x0;
	p3 =	seq.s32 s21, $0x1;
	s21 =	sadd.s32 @!p4 s22, s1  }
0x38e: {  	s7 =	sand.u32 @!p6 $0x1FFFE00, s7;
	s17 =	sshrl.u32 @!p2 s17, $0x17;
	s8 =	sadd.s32 s15, s8  }
0x38f: {  	s5 =	sshll.u32 @!p3 s5, $0x2;
	s20 =	simm.s32 @!p3 $0x0;
	s7 =	ssub.s32 @!p6 s10, s7  }
0x390: {  	s10 =	sadd.s32 @!p2 s17, s9;
	s17 =	sand.u32 @!p6 $0x1FFFFFFC, s6;
	s6 =	simm.s32 @!p6 $0x80  }
0x391: {  	s8 =	sadd.s32 s11, s8;
	s7 =	sshll.u32 @!p6 s7, $0x7;
	s10 =	sand.u32 @!p2 $0x1FFFE00, s10  }
0x392: {  	s5 =	sand.u32 @!p3 $0x1FFFFFFC, s5;
	s7 =	sshra.s32 @!p6 s7, $0x2;
	s9 =	ssub.s32 @!p2 s9, s10  }
0x393: {  	s10 =	sadd.s32 @!p6 s22, s17;
	s17 =	simm.s32 @!p6 $0x0;
	s7 =	sadd.s32 @!p6 $0x1A200, s7  }
0x394: {  	[hbm4b:s10+s17] =	stream.linear.scatter @!p6 [tilespmem:s7], [sflag:$0x3], $0x20, $0x38;
	[tilespmem:$0x1EA00] =	vst v63  }
0x395: {  	s6 =	simm.s32 @p6 $0x0;
	s8 =	sadd.s32 s12, s8;
	s7 =	sshll.u32 @!p2 s9, $0x7  }
0x396: {  	s8 =	sadd.s32 s14, s8;
	s14 =	smov.u32 s2;
	s7 =	sshra.s32 @!p2 s7, $0x2  }
0x397: {  	s9 =	simm.s32 @!p2 $0x80;
	s10 =	simm.s32 @!p2 $0x0;
	s7 =	sadd.s32 @!p2 $0x1A200, s7  }
0x398: {  	[hbm4b:s3+s10] =	stream.linear.scatter @!p2 [tilespmem:s7], [sflag:$0x3], $0x20, $0x38;
	[tilespmem:$0x1EA00] =	vst v63  }
0x399: {  	s17 =	sadd.s32 @!p3 $0xE, s30;
	s9 =	simm.s32 @p2 $0x0;
	s7 =	simm.s32 @!p1 $0x80  }
0x39a: {  	s3 =	simm.s32 @!p5 $0x80;
	p2 =	seq.s32 s24, $0x1;
	s7 =	simm.s32 @p1 $0x0  }
0x39b: {  	s3 =	simm.s32 @p5 $0x0;
	p1 =	seq.s32 s23, $0x1;
	s12 =	simm.s32 @!p2 $0x80  }
0x39c: {  	s10 =	sadd.s32 @!p1 $0xD, s30;
	s12 =	simm.s32 @p2 $0x0;
	s3 =	sadd.s32 s3, s8  }
0x39d: {  	p2 =	seq.s32 s25, $0x1;
	s4 =	sshll.u32 @!p1 s4, $0x2;
	s16 =	sshra.s32 @!p1 s10, $0x1F  }
0x39e: {  	s8 =	simm.s32 @!p2 $0x80;
	s12 =	sadd.s32 s12, s3;
	s4 =	sand.u32 @!p1 $0x1FFFFFFC, s4  }
0x39f: {  	s3 =	simm.s32 $0x1A200;
	s13 =	sshrl.u32 @!p1 s16, $0x17;
	s16 =	sshra.s32 @!p3 s17, $0x1F  }
0x3a0: {  	s8 =	simm.s32 @p2 $0x0;
	p2 =	seq.s32 s28, $0x1;
	s13 =	sadd.s32 @!p1 s13, s10  }
0x3a1: {  	s15 =	sshrl.u32 @!p3 s16, $0x17;
	s31 =	sadd.s32 s8, s12;
	s8 =	sadd.s32 @!p4 $0xF, s30  }
0x3a2: {  	s12 =	simm.s32 @!p0 $0x80;
	s11 =	sand.u32 @!p1 $0x1FFFE00, s13;
	s13 =	sadd.s32 @!p3 s15, s17  }
0x3a3: {  	s12 =	simm.s32 @p0 $0x0;
	s10 =	ssub.s32 @!p1 s10, s11;
	s11 =	sand.u32 @!p3 $0x1FFFE00, s13  }
0x3a4: {  	s15 =	sadd.s32 @!p3 s22, s5;
	s13 =	simm.s32 @!p2 $0x80;
	s11 =	ssub.s32 @!p3 s17, s11  }
0x3a5: {  	s13 =	simm.s32 @p2 $0x0;
	s17 =	sadd.s32 $0xFFFFFFFF, s0;
	s10 =	sshll.u32 @!p1 s10, $0x7  }
0x3a6: {  	s0 =	sadd.s32 s13, s31;
	p0 =	sne.s32 s17, $0x0;
	s10 =	sshra.s32 @!p1 s10, $0x2  }
0x3a7: {  	s0 =	sadd.s32 s7, s0;
	s7 =	sshra.s32 @!p4 s8, $0x1F;
	s10 =	sadd.s32 @!p1 $0x1A200, s10  }
0x3a8: {  	s7 =	sshrl.u32 @!p4 s7, $0x17;
	s0 =	sadd.s32 s12, s0;
	s12 =	simm.s32 $0x1F  }
0x3a9: {  	s7 =	sadd.s32 @!p4 s7, s8;
	s0 =	sadd.s32 s6, s0;
	s6 =	simm.s32 @!p4 $0x80  }
0x3aa: {  	s5 =	sand.u32 @!p4 $0x1FFFE00, s7;
	s7 =	simm.s32 @!p1 $0x80;
	s6 =	simm.s32 @p4 $0x0  }
0x3ab: {  	s0 =	sadd.s32 s9, s0;
	s9 =	sshll.u32 @!p3 s11, $0x7;
	s11 =	simm.s32 $0x10  }
0x3ac: {  	s5 =	ssub.s32 @!p4 s8, s5;
	s8 =	simm.s32 @!p3 $0x80;
	s7 =	simm.s32 @p1 $0x0  }
0x3ad: {  	s1 =	sshra.s32 @!p3 s9, $0x2;
	s8 =	simm.s32 @p3 $0x0;
	s5 =	sshll.u32 @!p4 s5, $0x7  }
.Ltmp25:
0x3ae: {  	s29 =	sadd.s32 @!p3 $0x1A200, s1;
	s0 =	sadd.s32 s7, s0;
	(pc) =	sbr.rel @!p0 .LBB2_34-.Ltmp25, $4  }
0x3af: {  	s1 =	sadd.s32 @!p1 s22, s4;
	s4 =	simm.s32 @!p1 $0x0;
	s5 =	sshra.s32 @!p4 s5, $0x2  }
0x3b0: {  	[hbm4b:s1+s4] =	stream.linear.scatter @!p1 [tilespmem:s10], [sflag:$0x3], $0x20, $0x38;
	[tilespmem:$0x1EA00] =	vst v63  }
0x3b1: {  	s0 =	sadd.s32 s8, s0;
	s8 =	sadd.s32 $0xFFFFFFF0, s2;
	p1 =	slt.s32 s2, $0x10  }
0x3b2: {  	s25 =	sadd.s32 @!p4 $0x1A200, s5;
	s16 =	sadd.s32 s6, s0;
	s6 =	simm.s32 $0xC190  }
.LBB2_33:
0x3b3: {  	s17 =	sadd.s32 $0xFFFFFFFF, s17  }
0x3b4: {  	[hbm4b:s15+s20] =	stream.linear.scatter @!p3 [tilespmem:s29], [sflag:$0x3], $0x20, $0x38;
	[tilespmem:$0x1EA00] =	vst v63  }
0x3b5: {  	s14 =	simm.s32 @!p1 $0x10;
	p1 =	sne.s32 s17, $0x0  }
0x3b6: {  	s0 =	simm.s32 @!p4 $0x0;
	s5 =	simm.s32 @!p1 $0x0  }
0x3b7: {  	[hbm4b:s21+s0] =	stream.linear.scatter @!p4 [tilespmem:s25], [sflag:$0x3], $0x20, $0x38;
	[tilespmem:$0x1EA00] =	vst v63  }
0x3b8: {  	p0 =	slt.s32 s16, $0x4000;
	[dreg:$0x6] =	wrdreg s17;
	s5 =	simm.s32 @p1 $0x1  }
0x3b9: {  	s4 =	simm.s32 @!p0 $0x3;
	[smem:$0x7BC] =	sst s5  }
0x3ba: {  	_ =	swait.ge @!p0 [sflag:s4], $0x800  }
0x3bb: {  	[sflag:s4] =	ssyncset.done @!p0 $0x0  }
0x3bc: {  	[sflag:s4] =	ssyncadd.s32 @!p0 $0xFFFFF800  }
0x3bd: {  	s30 =	sadd.s32 s30, s14;
	v6 =	vld [tilespmem:s11+$0x0]  }
0x3be: {  	v5 =	vadd.s32 s30, v2  }
0x3bf: {  	v7 =	vshra.s32 v5, $0x1F  }
0x3c0: {  	v7 =	vshrl.u32 v7, $0x17  }
0x3c1: {  	v7 =	vadd.s32 v7, v5  }
0x3c2: {  	v7 =	vshrl.u32 v7, $0x9  }
0x3c3: {  	v7 =	vshll.u32 v7, $0x9  }
0x3c4: {  	v5 =	vsub.s32 v5, v7  }
0x3c5: {  	v5 =	vshll.u32 v5, $0x5;
	v8 =	vld.idx.msk [tilespmem:v6+s26+$0x0], $0xffff  }
0x3c6: {  	v9 =	vadd.s32 $0x40, v6;
	_ =	sdelay $0x3  }
0x3c7: {  	v7 =	vld [tilespmem:s6+$0x0];
	[tilespmem:v5+s3+$0x0] =	vst.idx.msk $0xffff, v8  }
0x3c8: {  	v58 =	vor.u32 $0x1, v5;
	v9 =	vld.idx.msk [tilespmem:v9+s26+$0x0], $0xffff  }
0x3c9: {  	v10 =	vadd.s32 $0x80, v6;
	_ =	sdelay $0x3  }
0x3ca: {  	[tilespmem:v58+s3+$0x0] =	vst.idx.msk $0xffff, v9  }
0x3cb: {  	v59 =	vor.u32 $0x2, v5;
	v9 =	vld.idx.msk [tilespmem:v10+s26+$0x0], $0xffff  }
0x3cc: {  	v60 =	vadd.s32 $0xC0, v6;
	_ =	sdelay $0x3  }
0x3cd: {  	[tilespmem:v59+s3+$0x0] =	vst.idx.msk $0xffff, v9  }
0x3ce: {  	v61 =	vor.u32 $0x3, v5;
	v9 =	vld.idx.msk [tilespmem:v60+s26+$0x0], $0xffff  }
0x3cf: {  	v62 =	vadd.s32 $0x100, v6;
	_ =	sdelay $0x3  }
0x3d0: {  	[tilespmem:v61+s3+$0x0] =	vst.idx.msk $0xffff, v9  }
0x3d1: {  	v63 =	vor.u32 $0x4, v5;
	v9 =	vld.idx.msk [tilespmem:v62+s26+$0x0], $0xffff  }
0x3d2: {  	v12 =	vadd.s32 $0x140, v6;
	_ =	sdelay $0x3  }
0x3d3: {  	[tilespmem:v63+s3+$0x0] =	vst.idx.msk $0xffff, v9  }
0x3d4: {  	v13 =	vor.u32 $0x5, v5;
	v9 =	vld.idx.msk [tilespmem:v12+s26+$0x0], $0xffff  }
0x3d5: {  	v14 =	vadd.s32 $0x180, v6;
	_ =	sdelay $0x3  }
0x3d6: {  	[tilespmem:v13+s3+$0x0] =	vst.idx.msk $0xffff, v9  }
0x3d7: {  	v15 =	vor.u32 $0x6, v5;
	v9 =	vld.idx.msk [tilespmem:v14+s26+$0x0], $0xffff  }
0x3d8: {  	v16 =	vadd.s32 $0x1C0, v6;
	_ =	sdelay $0x3  }
0x3d9: {  	[tilespmem:v15+s3+$0x0] =	vst.idx.msk $0xffff, v9  }
0x3da: {  	v17 =	vor.u32 $0x7, v5;
	v9 =	vld.idx.msk [tilespmem:v16+s26+$0x0], $0xffff  }
0x3db: {  	v18 =	vadd.s32 $0x200, v6;
	_ =	sdelay $0x3  }
0x3dc: {  	[tilespmem:v17+s3+$0x0] =	vst.idx.msk $0xffff, v9  }
0x3dd: {  	v19 =	vor.u32 $0x8, v5;
	v9 =	vld.idx.msk [tilespmem:v18+s26+$0x0], $0xffff  }
0x3de: {  	v20 =	vadd.s32 $0x240, v6;
	_ =	sdelay $0x3  }
0x3df: {  	[tilespmem:v19+s3+$0x0] =	vst.idx.msk $0xffff, v9  }
0x3e0: {  	v21 =	vor.u32 $0x9, v5;
	v9 =	vld.idx.msk [tilespmem:v20+s26+$0x0], $0xffff  }
0x3e1: {  	s13 =	sadd.s32 $0xFFFFFFFF, s12;
	s15 =	sadd.s32 $0xFFFFFFFD, s12;
	s18 =	sadd.s32 $0xFFFFFFF4, s12;
	v22 =	vadd.s32 $0x280, v6  }
0x3e2: {  	s7 =	sadd.s32 $0xFFFFFFFA, s12;
	s19 =	sadd.s32 $0xFFFFFFF1, s12;
	s20 =	sadd.s32 $0xFFFFFFF3, s12  }
0x3e3: {  	s23 =	sadd.s32 $0xFFFFFFF2, s12;
	s24 =	sadd.s32 $0xFFFFFFF5, s12;
	s28 =	sadd.s32 $0xFFFFFFF9, s12  }
0x3e4: {  	s1 =	simm.s32 @!p0 $0xFFFFE000;
	s17 =	sadd.s32 $0xFFFFFFFC, s12;
	p2 =	sge.s32 s20, s2  }
0x3e5: {  	p6 =	sge.s32 s23, s2;
	p3 =	sge.s32 s24, s2;
	s1 =	simm.s32 @p0 $0x0;
	[tilespmem:v21+s3+$0x0] =	vst.idx.msk $0xffff, v9  }
0x3e6: {  	s21 =	sadd.s32 $0xFFFFFFF7, s12;
	s25 =	sadd.s32 $0xFFFFFFF6, s12;
	p4 =	sge.s32 s18, s2;
	v23 =	vor.u32 $0xA, v5;
	v9 =	vld.idx.msk [tilespmem:v22+s26+$0x0], $0xffff  }
0x3e7: {  	s31 =	simm.s32 @!p3 $0x80;
	s18 =	sadd.s32 $0xFFFFFFF8, s12;
	p5 =	sge.s32 s21, s2;
	v24 =	vadd.s32 $0x2C0, v6  }
0x3e8: {  	s9 =	sadd.s32 s16, s1;
	s16 =	sadd.s32 $0xFFFFFFFE, s12;
	s5 =	simm.s32 @!p5 $0x0  }
0x3e9: {  	p1 =	sge.s32 s19, s2;
	s5 =	simm.s32 @p5 $0x1;
	[dreg:$0xa] =	wrdreg s25  }
0x3ea: {  	s19 =	sadd.s32 $0xFFFFFFFB, s12;
	[smem:$0x7B0] =	sst s5;
	s5 =	simm.s32 @!p3 $0x0  }
0x3eb: {  	p0 =	sge.s32 s12, s2;
	s5 =	simm.s32 @p3 $0x1;
	s23 =	sld [smem:$0x7B0];
	[tilespmem:v23+s3+$0x0] =	vst.idx.msk $0xffff, v9  }
0x3ec: {  	s10 =	sshra.s32 @!p1 s30, $0x1F;
	s1 =	simm.s32 @!p0 $0x0;
	[smem:$0x7AD] =	sst s5;
	v25 =	vor.u32 $0xB, v5;
	v9 =	vld.idx.msk [tilespmem:v24+s26+$0x0], $0xffff  }
0x3ed: {  	s5 =	simm.s32 @!p1 $0x0;
	s1 =	simm.s32 @p0 $0x1;
	s20 =	sld [smem:$0x7AD];
	v26 =	vadd.s32 $0x300, v6  }
0x3ee: {  	p0 =	sge.s32 s13, s2;
	s5 =	simm.s32 @p1 $0x1;
	[smem:$0x7C1] =	sst s1  }
0x3ef: {  	s4 =	sadd.s32 @!p3 $0x4, s30;
	s0 =	simm.s32 @!p0 $0x0;
	[smem:$0x7A7] =	sst s5  }
0x3f0: {  	s0 =	simm.s32 @p0 $0x1;
	p0 =	sge.s32 s15, s2;
	s21 =	sld [smem:$0x7A7]  }
0x3f1: {  	s5 =	sshra.s32 @!p3 s4, $0x1F;
	[smem:$0x7C5] =	sst s0;
	s1 =	simm.s32 @!p0 $0x0;
	[tilespmem:v25+s3+$0x0] =	vst.idx.msk $0xffff, v9  }
0x3f2: {  	v27 =	vor.u32 $0xC, v5;
	s1 =	simm.s32 @p0 $0x1;
	p0 =	sge.s32 s16, s2;
	s16 =	simm.s32 @!p4 $0x80;
	v9 =	vld.idx.msk [tilespmem:v26+s26+$0x0], $0xffff  }
0x3f3: {  	(v2sf) =	vpush @!p1 v7, $0x0;
	v28 =	vadd.s32 $0x340, v6;
	[smem:$0x7B8] =	sst s1;
	s1 =	simm.s32 @!p0 $0x0;
	s16 =	simm.s32 @p4 $0x0  }
0x3f4: {  	(v2sf) =	vpush @!p6 v7, $0x1;
	s1 =	simm.s32 @p0 $0x1;
	p0 =	sge.s32 s17, s2;
	s17 =	simm.s32 @!p1 $0x80  }
0x3f5: {  	(v2sf) =	vpush @!p2 v7, $0x2;
	[smem:$0x7BA] =	sst s1;
	s0 =	simm.s32 @!p0 $0x0;
	s1 =	simm.s32 @!p2 $0x0  }
0x3f6: {  	(v2sf) =	vpush @!p3 v7, $0x4;
	s17 =	simm.s32 @p1 $0x0;
	p3 =	sge.s32 s18, s2;
	s0 =	simm.s32 @p0 $0x1  }
0x3f7: {  	s1 =	simm.s32 @p2 $0x1;
	p0 =	sge.s32 s28, s2;
	[smem:$0x7B6] =	sst s0;
	[tilespmem:v27+s3+$0x0] =	vst.idx.msk $0xffff, v9  }
0x3f8: {  	v29 =	vor.u32 $0xD, v5;
	s9 =	sadd.s32 s17, s9;
	[smem:$0x7A9] =	sst s1;
	s1 =	simm.s32 @!p2 $0x80;
	v9 =	vld.idx.msk [tilespmem:v28+s26+$0x0], $0xffff  }
0x3f9: {  	v30 =	vadd.s32 $0x380, v6;
	(v2sf) =	vpush @!p4 v7, $0x3;
	s0 =	sshrl.u32 @!p1 s10, $0x17;
	s10 =	sadd.s32 @!p6 $0x1, s30;
	s15 =	simm.s32 @!p0 $0x0  }
0x3fa: {  	(v2sf) =	vpush @!p5 v7, $0x6;
	p5 =	seq.s32 s20, $0x1;
	s1 =	simm.s32 @p2 $0x0;
	s13 =	sshra.s32 @!p6 s10, $0x1F  }
0x3fb: {  	s0 =	sadd.s32 @!p1 s0, s30;
	s15 =	simm.s32 @p0 $0x1;
	p1 =	sge.s32 s7, s2  }
0x3fc: {  	(v2sf) =	vpush @!p0 v7, $0x8;
	s7 =	simm.s32 @!p3 $0x0;
	p0 =	sge.s32 s19, s2;
	s31 =	simm.s32 @p5 $0x0  }
0x3fd: {  	s5 =	sshrl.u32 @!p5 s5, $0x17;
	[smem:$0x7A6] =	sst s15;
	s7 =	simm.s32 @p3 $0x1;
	[tilespmem:v29+s3+$0x0] =	vst.idx.msk $0xffff, v9  }
0x3fe: {  	v31 =	vor.u32 $0xE, v5;
	s13 =	sshrl.u32 @!p6 s13, $0x17;
	s15 =	simm.s32 @!p6 $0x0;
	[smem:$0x7B2] =	sst s7;
	v9 =	vld.idx.msk [tilespmem:v30+s26+$0x0], $0xffff  }
0x3ff: {  	v32 =	vadd.s32 $0x3C0, v6;
	(v2sf) =	vpush @!p1 v7, $0x9;
	s5 =	sadd.s32 @!p5 s5, s4;
	s15 =	simm.s32 @p6 $0x1;
	s24 =	sld [smem:$0x7A6]  }
0x400: {  	s7 =	simm.s32 @!p0 $0x0;
	(v2sf) =	vpush @!p3 v7, $0x7;
	p3 =	seq.s32 s23, $0x1;
	s23 =	sld [smem:$0x7B6]  }
0x401: {  	s13 =	sadd.s32 @!p6 s13, s10;
	[smem:$0x7A8] =	sst s15;
	s7 =	simm.s32 @p0 $0x1  }
0x402: {  	s15 =	sadd.s32 @!p2 $0x2, s30;
	(v2sf) =	vpush @!p0 v7, $0xA;
	p0 =	seq.s32 s21, $0x1;
	s25 =	sld [smem:$0x7B2]  }
0x403: {  	s21 =	simm.s32 @!p1 $0x0;
	[smem:$0x7A4] =	sst s7;
	s7 =	sand.u32 @!p6 $0x1FFFE00, s13;
	[tilespmem:v31+s3+$0x0] =	vst.idx.msk $0xffff, v9  }
0x404: {  	v33 =	vor.u32 $0xF, v5;
	s13 =	sshra.s32 @!p2 s15, $0x1F;
	s21 =	simm.s32 @p1 $0x1;
	s7 =	ssub.s32 @!p6 s10, s7;
	v9 =	vld.idx.msk [tilespmem:v32+s26+$0x0], $0xffff  }
0x405: {  	v34 =	vadd.s32 $0x400, v6;
	s10 =	sadd.s32 @!p4 $0x3, s30;
	s17 =	sshrl.u32 @!p2 s13, $0x17;
	[smem:$0x7A5] =	sst s21  }
0x406: {  	s13 =	simm.s32 @!p6 $0x80;
	s28 =	sld [smem:$0x7A4];
	s7 =	sshll.u32 @!p6 s7, $0x7  }
0x407: {  	s18 =	sshra.s32 @!p4 s10, $0x1F;
	s13 =	simm.s32 @p6 $0x0;
	s7 =	sshra.s32 @!p6 s7, $0x2  }
0x408: {  	s17 =	sadd.s32 @!p2 s17, s15;
	s9 =	sadd.s32 s13, s9;
	s7 =	sadd.s32 @!p6 $0x1A200, s7  }
0x409: {  	[dreg:$0xb] =	wrdreg s7;
	s7 =	sand.u32 @!p2 $0x1FFFE00, s17;
	s17 =	spop @!p0 (v2sf);
	[tilespmem:v33+s3+$0x0] =	vst.idx.msk $0xffff, v9  }
0x40a: {  	v35 =	vor.u32 $0x10, v5;
	s7 =	ssub.s32 @!p2 s15, s7;
	s15 =	sshrl.u32 @!p4 s18, $0x17;
	s17 =	sshll.u32 @!p0 s17, $0x2;
	v9 =	vld.idx.msk [tilespmem:v34+s26+$0x0], $0xffff  }
0x40b: {  	v36 =	vadd.s32 $0x440, v6;
	s18 =	spop @!p6 (v2sf);
	s7 =	sshll.u32 @!p2 s7, $0x7;
	s17 =	sand.u32 @!p0 $0x1FFFFFFC, s17  }
0x40c: {  	p0 =	seq.s32 s24, $0x1;
	[dreg:$0x15] =	wrdreg s17;
	s17 =	sshll.u32 @!p6 s18, $0x2  }
0x40d: {  	s24 =	sld [smem:$0x7A7];
	s18 =	spop @!p2 (v2sf);
	s17 =	sand.u32 @!p6 $0x1FFFFFFC, s17  }
0x40e: {  	s15 =	sadd.s32 @!p4 s15, s10;
	[dreg:$0x11] =	wrdreg s17;
	s17 =	sshll.u32 @!p2 s18, $0x2  }
0x40f: {  	s15 =	sand.u32 @!p4 $0x1FFFE00, s15;
	s7 =	sshra.s32 @!p2 s7, $0x2;
	s17 =	sand.u32 @!p2 $0x1FFFFFFC, s17;
	[tilespmem:v35+s3+$0x0] =	vst.idx.msk $0xffff, v9  }
0x410: {  	v37 =	vor.u32 $0x11, v5;
	s7 =	sadd.s32 @!p2 $0x1A200, s7;
	[dreg:$0xd] =	wrdreg s17;
	s17 =	spop @!p5 (v2sf);
	v9 =	vld.idx.msk [tilespmem:v36+s26+$0x0], $0xffff  }
0x411: {  	v38 =	vadd.s32 $0x480, v6;
	p6 =	seq.s32 s25, $0x1;
	s25 =	sld [smem:$0x7B8];
	s17 =	sshll.u32 @!p5 s17, $0x2  }
0x412: {  	[dreg:$0x12] =	wrdreg s7;
	s18 =	spop @!p4 (v2sf);
	s7 =	sand.u32 @!p5 $0x1FFFFFFC, s17  }
0x413: {  	p2 =	por p0, p0;
	[dreg:$0xe] =	wrdreg s7;
	s7 =	spop @!p3 (v2sf)  }
0x414: {  	s17 =	sshll.u32 @!p4 s18, $0x2;
	s7 =	sshll.u32 @!p3 s7, $0x2;
	s18 =	spop @!p0 (v2sf)  }
0x415: {  	s7 =	sand.u32 @!p3 $0x1FFFFFFC, s7;
	s18 =	sshll.u32 @!p0 s18, $0x2;
	s19 =	spop @!p1 (v2sf);
	[tilespmem:v37+s3+$0x0] =	vst.idx.msk $0xffff, v9  }
0x416: {  	v39 =	vor.u32 $0x12, v5;
	s18 =	sand.u32 @!p0 $0x1FFFFFFC, s18;
	s19 =	sshll.u32 @!p1 s19, $0x2;
	s20 =	spop @!p6 (v2sf);
	v9 =	vld.idx.msk [tilespmem:v38+s26+$0x0], $0xffff  }
0x417: {  	v40 =	vadd.s32 $0x4C0, v6;
	p0 =	seq.s32 s28, $0x1;
	s7 =	sadd.s32 @!p3 s22, s7;
	p3 =	por p5, p5  }
0x418: {  	s28 =	sld [smem:$0x7BA];
	s20 =	sshll.u32 @!p6 s20, $0x2;
	s19 =	sand.u32 @!p1 $0x1FFFFFFC, s19  }
0x419: {  	[dreg:$0x13] =	wrdreg s7;
	s7 =	sand.u32 @!p6 $0x1FFFFFFC, s20;
	s13 =	sadd.s32 @!p1 s22, s19  }
0x41a: {  	s21 =	spop @!p0 (v2sf);
	s7 =	sadd.s32 @!p6 s22, s7;
	[dreg:$0x10] =	wrdreg s13  }
0x41b: {  	s20 =	sshll.u32 @!p0 s21, $0x2;
	s13 =	sadd.s32 s1, s9;
	[dreg:$0x14] =	wrdreg s7;
	[tilespmem:v39+s3+$0x0] =	vst.idx.msk $0xffff, v9  }
0x41c: {  	v41 =	vor.u32 $0x13, v5;
	s1 =	simm.s32 @!p4 $0x0;
	s7 =	sadd.s32 @!p2 s22, s18;
	s18 =	sld [smem:$0x7C5];
	v9 =	vld.idx.msk [tilespmem:v40+s26+$0x0], $0xffff  }
0x41d: {  	v42 =	vadd.s32 $0x500, v6;
	p1 =	seq.s32 s23, $0x1;
	s1 =	simm.s32 @p4 $0x1;
	[dreg:$0xf] =	wrdreg s7  }
0x41e: {  	p2 =	seq.s32 s28, $0x1;
	s13 =	sadd.s32 s16, s13;
	[smem:$0x7AC] =	sst s1  }
0x41f: {  	s7 =	sand.u32 @!p0 $0x1FFFFFFC, s20;
	s1 =	ssub.s32 @!p4 s10, s15;
	s10 =	sld [smem:$0x7A5]  }
0x420: {  	s15 =	sld [smem:$0x7C1];
	s13 =	sadd.s32 s31, s13;
	s7 =	sadd.s32 @!p0 s22, s7  }
0x421: {  	s1 =	sshll.u32 @!p4 s1, $0x7;
	p0 =	seq.s32 s25, $0x1;
	[dreg:$0xc] =	wrdreg s7;
	[tilespmem:v41+s3+$0x0] =	vst.idx.msk $0xffff, v9  }
0x422: {  	v43 =	vor.u32 $0x14, v5;
	s7 =	sand.u32 @!p4 $0x1FFFFFFC, s17;
	s1 =	sshra.s32 @!p4 s1, $0x2;
	s17 =	sld [smem:$0x7A4];
	v9 =	vld.idx.msk [tilespmem:v42+s26+$0x0], $0xffff  }
0x423: {  	v44 =	vadd.s32 $0x540, v6;
	[smem:$0x7AB] =	sst s7;
	s7 =	sadd.s32 @!p6 $0x7, s30;
	s1 =	sadd.s32 @!p4 $0x1A200, s1  }
0x424: {  	s9 =	sshra.s32 @!p6 s7, $0x1F;
	[smem:$0x7AE] =	sst s1;
	s1 =	sand.u32 @!p5 $0x1FFFE00, s5  }
0x425: {  	p5 =	seq.s32 s24, $0x1;
	s24 =	simm.s32 @!p2 $0x80;
	s5 =	sshrl.u32 @!p6 s9, $0x17  }
0x426: {  	s0 =	sand.u32 @!p5 $0x1FFFE00, s0;
	s1 =	ssub.s32 @!p3 s4, s1;
	s9 =	sld [smem:$0x7A6]  }
0x427: {  	s24 =	simm.s32 @p2 $0x0;
	s4 =	sadd.s32 @!p6 s5, s7;
	s0 =	ssub.s32 @!p5 s30, s0;
	[tilespmem:v43+s3+$0x0] =	vst.idx.msk $0xffff, v9  }
0x428: {  	v45 =	vor.u32 $0x15, v5;
	s1 =	sshll.u32 @!p3 s1, $0x7;
	s5 =	sld [smem:$0x7C5];
	s4 =	sand.u32 @!p6 $0x1FFFE00, s4;
	v9 =	vld.idx.msk [tilespmem:v44+s26+$0x0], $0xffff  }
0x429: {  	v46 =	vadd.s32 $0x580, v6;
	s0 =	sshll.u32 @!p5 s0, $0x7;
	s1 =	sshra.s32 @!p3 s1, $0x2;
	s4 =	ssub.s32 @!p6 s7, s4  }
0x42a: {  	s0 =	sshra.s32 @!p5 s0, $0x2;
	s1 =	sadd.s32 @!p3 $0x1A200, s1;
	s7 =	sld [smem:$0x7B0]  }
0x42b: {  	(v2sf) =	vpush @!p1 v7, $0xB;
	p4 =	seq.s32 s9, $0x1;
	[smem:$0x7AF] =	sst s1;
	s1 =	sshll.u32 @!p6 s4, $0x7  }
0x42c: {  	(v2sf) =	vpush @!p0 v7, $0xC;
	p3 =	seq.s32 s5, $0x1;
	s0 =	sadd.s32 @!p5 $0x1A200, s0;
	p5 =	seq.s32 s15, $0x1  }
0x42d: {  	(v2sf) =	vpush @!p2 v7, $0xD;
	[smem:$0x7AA] =	sst s0;
	s1 =	sshra.s32 @!p6 s1, $0x2;
	s28 =	simm.s32 @!p5 $0x80;
	[tilespmem:v45+s3+$0x0] =	vst.idx.msk $0xffff, v9  }
0x42e: {  	v47 =	vor.u32 $0x16, v5;
	(v2sf) =	vpush @!p3 v7, $0xE;
	s19 =	sadd.s32 @!p5 $0xF, s30;
	p3 =	seq.s32 s7, $0x1;
	s1 =	sadd.s32 @!p6 $0x1A200, s1;
	v9 =	vld.idx.msk [tilespmem:v46+s26+$0x0], $0xffff  }
0x42f: {  	v48 =	vadd.s32 $0x5C0, v6;
	p6 =	seq.s32 s10, $0x1;
	s10 =	simm.s32 @!p0 $0x80;
	s0 =	sadd.s32 @!p3 $0x6, s30  }
0x430: {  	s28 =	simm.s32 @p5 $0x0;
	[smem:$0x7B3] =	sst s1;
	s4 =	sshra.s32 @!p3 s0, $0x1F  }
0x431: {  	s1 =	sadd.s32 @!p4 $0x8, s30;
	s7 =	sadd.s32 @!p6 $0x9, s30;
	s4 =	sshrl.u32 @!p3 s4, $0x17  }
0x432: {  	s10 =	simm.s32 @p0 $0x0;
	s5 =	sshra.s32 @!p4 s1, $0x1F;
	s4 =	sadd.s32 @!p3 s4, s0  }
0x433: {  	s9 =	sshra.s32 @!p6 s7, $0x1F;
	s5 =	sshrl.u32 @!p4 s5, $0x17;
	s4 =	sand.u32 @!p3 $0x1FFFE00, s4;
	[tilespmem:v47+s3+$0x0] =	vst.idx.msk $0xffff, v9  }
0x434: {  	v49 =	vor.u32 $0x17, v5;
	s9 =	sshrl.u32 @!p6 s9, $0x17;
	s5 =	sadd.s32 @!p4 s5, s1;
	s0 =	ssub.s32 @!p3 s0, s4;
	v9 =	vld.idx.msk [tilespmem:v48+s26+$0x0], $0xffff  }
0x435: {  	v50 =	vadd.s32 $0x600, v6;
	s4 =	sand.u32 @!p4 $0x1FFFE00, s5;
	s5 =	sadd.s32 @!p6 s9, s7;
	s9 =	simm.s32 @!p1 $0x80  }
0x436: {  	s0 =	sshll.u32 @!p3 s0, $0x7;
	s1 =	ssub.s32 @!p4 s1, s4;
	s4 =	sand.u32 @!p6 $0x1FFFE00, s5  }
0x437: {  	(v2sf) =	vpush @!p5 v7, $0xF;
	s9 =	simm.s32 @p1 $0x0;
	s0 =	sshra.s32 @!p3 s0, $0x2;
	s1 =	sshll.u32 @!p4 s1, $0x7  }
0x438: {  	s4 =	ssub.s32 @!p6 s7, s4;
	s7 =	sadd.s32 @!p0 $0xC, s30;
	s0 =	sadd.s32 @!p3 $0x1A200, s0  }
0x439: {  	[smem:$0x7B1] =	sst s0;
	s0 =	sshra.s32 @!p4 s1, $0x2;
	s1 =	sshll.u32 @!p6 s4, $0x7;
	[tilespmem:v49+s3+$0x0] =	vst.idx.msk $0xffff, v9  }
0x43a: {  	v51 =	vor.u32 $0x18, v5;
	s4 =	spop @!p1 (v2sf);
	s0 =	sadd.s32 @!p4 $0x1A200, s0;
	p4 =	seq.s32 s17, $0x1;
	v9 =	vld.idx.msk [tilespmem:v50+s26+$0x0], $0xffff  }
0x43b: {  	v52 =	vadd.s32 $0x640, v6;
	s4 =	sshll.u32 @!p1 s4, $0x2;
	[smem:$0x7B4] =	sst s0;
	s0 =	sshra.s32 @!p6 s1, $0x2  }
0x43c: {  	s5 =	spop @!p0 (v2sf);
	s1 =	sadd.s32 @!p4 $0xA, s30;
	s0 =	sadd.s32 @!p6 $0x1A200, s0  }
0x43d: {  	s4 =	sand.u32 @!p1 $0x1FFFFFFC, s4;
	[smem:$0x7B5] =	sst s0;
	s0 =	sshra.s32 @!p4 s1, $0x1F  }
0x43e: {  	[smem:$0x7B7] =	sst s4;
	s4 =	sshll.u32 @!p0 s5, $0x2;
	s0 =	sshrl.u32 @!p4 s0, $0x17  }
0x43f: {  	p3 =	seq.s32 s18, $0x1;
	s4 =	sand.u32 @!p0 $0x1FFFFFFC, s4;
	s0 =	sadd.s32 @!p4 s0, s1;
	[tilespmem:v51+s3+$0x0] =	vst.idx.msk $0xffff, v9  }
0x440: {  	v53 =	vor.u32 $0x19, v5;
	[smem:$0x7B9] =	sst s4;
	s4 =	spop @!p2 (v2sf);
	s0 =	sand.u32 @!p4 $0x1FFFE00, s0;
	v9 =	vld.idx.msk [tilespmem:v52+s26+$0x0], $0xffff  }
0x441: {  	v54 =	vadd.s32 $0x680, v6;
	s21 =	sshra.s32 @!p0 s7, $0x1F;
	s0 =	ssub.s32 @!p4 s1, s0;
	s1 =	sshll.u32 @!p2 s4, $0x2  }
0x442: {  	s4 =	spop @!p3 (v2sf);
	s0 =	sshll.u32 @!p4 s0, $0x7;
	s1 =	sand.u32 @!p2 $0x1FFFFFFC, s1  }
0x443: {  	[smem:$0x7BB] =	sst s1;
	s1 =	sshll.u32 @!p3 s4, $0x2;
	s0 =	sshra.s32 @!p4 s0, $0x2  }
0x444: {  	s1 =	sand.u32 @!p3 $0x1FFFFFFC, s1;
	s22 =	sadd.s32 @!p4 $0x1A200, s0;
	s0 =	rddreg [dreg:$0x3]  }
0x445: {  	s18 =	rddreg [dreg:$0xa];
	s15 =	sadd.s32 @!p3 s0, s1;
	s1 =	sadd.s32 @!p1 $0xB, s30;
	[tilespmem:v53+s3+$0x0] =	vst.idx.msk $0xffff, v9  }
0x446: {  	v55 =	vor.u32 $0x1A, v5;
	s25 =	sadd.s32 @!p3 $0xE, s30;
	s5 =	spop @!p5 (v2sf);
	s4 =	sshra.s32 @!p1 s1, $0x1F;
	v9 =	vld.idx.msk [tilespmem:v54+s26+$0x0], $0xffff  }
0x447: {  	v56 =	vadd.s32 $0x6C0, v6;
	s20 =	simm.s32 @!p3 $0x0;
	s5 =	sshll.u32 @!p5 s5, $0x2;
	s4 =	sshrl.u32 @!p1 s4, $0x17  }
0x448: {  	s17 =	rddreg [dreg:$0x3];
	s23 =	sand.u32 @!p5 $0x1FFFFFFC, s5;
	s4 =	sadd.s32 @!p1 s4, s1  }
0x449: {  	s5 =	sshrl.u32 @!p0 s21, $0x17;
	s21 =	sadd.s32 @!p2 $0xD, s30;
	s4 =	sand.u32 @!p1 $0x1FFFE00, s4  }
0x44a: {  	s0 =	simm.s32 @!p3 $0x80;
	s1 =	ssub.s32 @!p1 s1, s4;
	s4 =	sadd.s32 @!p0 s5, s7  }
0x44b: {  	s5 =	sshra.s32 @!p2 s21, $0x1F;
	s1 =	sshll.u32 @!p1 s1, $0x7;
	s4 =	sand.u32 @!p0 $0x1FFFE00, s4;
	[tilespmem:v55+s3+$0x0] =	vst.idx.msk $0xffff, v9  }
0x44c: {  	v57 =	vor.u32 $0x1B, v5;
	s1 =	sshra.s32 @!p1 s1, $0x2;
	s4 =	ssub.s32 @!p0 s7, s4;
	s7 =	sshrl.u32 @!p2 s5, $0x17;
	v9 =	vld.idx.msk [tilespmem:v56+s26+$0x0], $0xffff  }
0x44d: {  	v58 =	vadd.s32 $0x700, v6;
	s5 =	sadd.s32 @!p1 $0x1A200, s1;
	s1 =	sshll.u32 @!p0 s4, $0x7;
	s4 =	sadd.s32 @!p2 s7, s21  }
0x44e: {  	s0 =	simm.s32 @p3 $0x0;
	s1 =	sshra.s32 @!p0 s1, $0x2;
	s7 =	sand.u32 @!p2 $0x1FFFE00, s4  }
0x44f: {  	s4 =	sadd.s32 @!p0 $0x1A200, s1;
	s1 =	ssub.s32 @!p2 s21, s7;
	s7 =	sshra.s32 @!p3 s25, $0x1F  }
0x450: {  	s21 =	sshra.s32 @!p5 s19, $0x1F;
	p0 =	sge.s32 s18, s2;
	s7 =	sshrl.u32 @!p3 s7, $0x17  }
0x451: {  	s1 =	sshll.u32 @!p2 s1, $0x7;
	s21 =	sshrl.u32 @!p5 s21, $0x17;
	s7 =	sadd.s32 @!p3 s7, s25;
	[tilespmem:v57+s3+$0x0] =	vst.idx.msk $0xffff, v9  }
0x452: {  	v59 =	vor.u32 $0x1C, v5;
	s18 =	simm.s32 @!p0 $0x80;
	s1 =	sshra.s32 @!p2 s1, $0x2;
	s7 =	sand.u32 @!p3 $0x1FFFE00, s7;
	v9 =	vld.idx.msk [tilespmem:v58+s26+$0x0], $0xffff  }
0x453: {  	v60 =	vadd.s32 $0x740, v6;
	s18 =	simm.s32 @p0 $0x0;
	s7 =	ssub.s32 @!p3 s25, s7;
	s25 =	sadd.s32 @!p5 s21, s19  }
0x454: {  	s21 =	sadd.s32 @!p5 s17, s23;
	s17 =	sld [smem:$0x7B2];
	s7 =	sshll.u32 @!p3 s7, $0x7  }
0x455: {  	s1 =	sadd.s32 @!p2 $0x1A200, s1;
	s23 =	sand.u32 @!p5 $0x1FFFE00, s25;
	s7 =	sshra.s32 @!p3 s7, $0x2  }
0x456: {  	s29 =	sadd.s32 @!p3 $0x1A200, s7;
	s7 =	ssub.s32 @!p5 s19, s23;
	s23 =	sld [smem:$0x7B0]  }
0x457: {  	s13 =	sadd.s32 s18, s13;
	s19 =	sld [smem:$0x7A5];
	p2 =	seq.s32 s17, $0x1;
	[tilespmem:v59+s3+$0x0] =	vst.idx.msk $0xffff, v9  }
0x458: {  	v61 =	vor.u32 $0x1D, v5;
	p3 =	por p4, p4;
	s7 =	sshll.u32 @!p5 s7, $0x7;
	s17 =	simm.s32 @!p2 $0x80;
	v9 =	vld.idx.msk [tilespmem:v60+s26+$0x0], $0xffff  }
0x459: {  	v62 =	vadd.s32 $0x780, v6;
	s7 =	sshra.s32 @!p5 s7, $0x2;
	p1 =	seq.s32 s23, $0x1;
	s23 =	sld [smem:$0x7A6]  }
0x45a: {  	s17 =	simm.s32 @p2 $0x0;
	p6 =	seq.s32 s19, $0x1;
	s19 =	simm.s32 @!p1 $0x80  }
0x45b: {  	s25 =	sadd.s32 @!p5 $0x1A200, s7;
	s7 =	simm.s32 @!p6 $0x80;
	s19 =	simm.s32 @p1 $0x0  }
0x45c: {  	p5 =	seq.s32 s23, $0x1;
	s23 =	sadd.s32 @!p0 $0x5, s30;
	s13 =	sadd.s32 s19, s13  }
0x45d: {  	s19 =	sld [smem:$0x7A8];
	s16 =	simm.s32 @!p5 $0x80;
	s31 =	sshra.s32 @!p0 s23, $0x1F;
	[tilespmem:v61+s3+$0x0] =	vst.idx.msk $0xffff, v9  }
0x45e: {  	v63 =	vor.u32 $0x1E, v5;
	s13 =	sadd.s32 s17, s13;
	s31 =	sshrl.u32 @!p0 s31, $0x17;
	s16 =	simm.s32 @p5 $0x0;
	v9 =	vld.idx.msk [tilespmem:v62+s26+$0x0], $0xffff  }
0x45f: {  	v6 =	vadd.s32 $0x7C0, v6;
	s7 =	simm.s32 @p6 $0x0;
	s18 =	sadd.s32 @!p0 s31, s23;
	s13 =	sadd.s32 s16, s13  }
0x460: {  	s16 =	simm.s32 @!p4 $0x80;
	s31 =	sld [smem:$0x7A7];
	s7 =	sadd.s32 s7, s13  }
0x461: {  	s16 =	simm.s32 @p4 $0x0;
	p4 =	seq.s32 s19, $0x1;
	s19 =	rddreg [dreg:$0xd]  }
0x462: {  	s18 =	sand.u32 @!p0 $0x1FFFE00, s18;
	s7 =	sadd.s32 s16, s7;
	s16 =	rddreg [dreg:$0x3]  }
0x463: {  	s17 =	ssub.s32 @!p0 s23, s18;
	s18 =	rddreg [dreg:$0x11];
	[tilespmem:v63+s3+$0x0] =	vst.idx.msk $0xffff, v9  }
0x464: {  	v5 =	vor.u32 $0x1F, v5;
	s23 =	sld [smem:$0x7A9];
	v6 =	vld.idx.msk [tilespmem:v6+s26+$0x0], $0xffff  }
0x465: {  	s17 =	sshll.u32 @!p0 s17, $0x7;
	s7 =	sadd.s32 s9, s7;
	s9 =	rddreg [dreg:$0x3]  }
0x466: {  	s13 =	sshra.s32 @!p0 s17, $0x2;
	s17 =	rddreg [dreg:$0x15]  }
0x467: {  	p2 =	seq.s32 s31, $0x1;
	s7 =	sadd.s32 s10, s7;
	s10 =	sld [smem:$0x7AA]  }
0x468: {  	s16 =	sadd.s32 @!p2 s16, s17;
	s7 =	sadd.s32 s24, s7;
	s24 =	sld [smem:$0x7AC]  }
0x469: {  	(v2sf) =	vpush @!p0 v7, $0x5;
	s17 =	simm.s32 @!p2 $0x0;
	s0 =	sadd.s32 s0, s7;
	s7 =	rddreg [dreg:$0x12];
	[tilespmem:v5+s3+$0x0] =	vst.idx.msk $0xffff, v6  }
0x46a: {  	[hbm4b:s16+s17] =	stream.linear.scatter @!p2 [tilespmem:s10], [sflag:$0x3], $0x20, $0x38;
	[tilespmem:$0x1EA00] =	vst v63  }
0x46b: {  	s9 =	sadd.s32 @!p4 s9, s18;
	p1 =	seq.s32 s23, $0x1;
	s16 =	rddreg [dreg:$0x3]  }
0x46c: {  	s10 =	simm.s32 @!p4 $0x0;
	s16 =	sadd.s32 @!p1 s16, s19;
	s19 =	rddreg [dreg:$0xb]  }
0x46d: {  	[hbm4b:s9+s10] =	stream.linear.scatter @!p4 [tilespmem:s19], [sflag:$0x3], $0x20, $0x38;
	[tilespmem:$0x1EA00] =	vst v63  }
0x46e: {  	s18 =	simm.s32 @!p1 $0x0;
	s10 =	sld [smem:$0x7AB]  }
0x46f: {  	[hbm4b:s16+s18] =	stream.linear.scatter @!p1 [tilespmem:s7], [sflag:$0x3], $0x20, $0x38;
	[tilespmem:$0x1EA00] =	vst v63  }
0x470: {  	s18 =	sld [smem:$0x7AE]  }
0x471: {  	s9 =	rddreg [dreg:$0x3];
	p4 =	seq.s32 s24, $0x1  }
0x472: {  	s31 =	sld [smem:$0x7AD];
	s9 =	sadd.s32 @!p4 s9, s10;
	s10 =	simm.s32 @!p4 $0x0  }
0x473: {  	[hbm4b:s9+s10] =	stream.linear.scatter @!p4 [tilespmem:s18], [sflag:$0x3], $0x20, $0x38;
	[tilespmem:$0x1EA00] =	vst v63  }
0x474: {  	s10 =	sld [smem:$0x7C1]  }
0x475: {  	s7 =	rddreg [dreg:$0x3]  }
0x476: {  	s16 =	rddreg [dreg:$0xe]  }
0x477: {  	p1 =	seq.s32 s31, $0x1;
	p4 =	seq.s32 s10, $0x1;
	s10 =	sld [smem:$0x7AF]  }
0x478: {  	s7 =	sadd.s32 @!p1 s7, s16;
	s16 =	sadd.s32 s28, s0;
	s0 =	spop @!p0 (v2sf)  }
0x479: {  	s0 =	sshll.u32 @!p0 s0, $0x2;
	s9 =	simm.s32 @!p1 $0x0;
	s18 =	sld [smem:$0x7B0]  }
0x47a: {  	[hbm4b:s7+s9] =	stream.linear.scatter @!p1 [tilespmem:s10], [sflag:$0x3], $0x20, $0x38;
	[tilespmem:$0x1EA00] =	vst v63  }
0x47b: {  	s13 =	sadd.s32 @!p0 $0x1A200, s13;
	s0 =	sand.u32 @!p0 $0x1FFFFFFC, s0;
	s7 =	rddreg [dreg:$0x3]  }
0x47c: {  	s9 =	sld [smem:$0x7B1];
	s0 =	sadd.s32 @!p0 s7, s0;
	s7 =	simm.s32 @!p0 $0x0  }
0x47d: {  	[hbm4b:s0+s7] =	stream.linear.scatter @!p0 [tilespmem:s13], [sflag:$0x3], $0x20, $0x38;
	[tilespmem:$0x1EA00] =	vst v63  }
0x47e: {  	s19 =	sld [smem:$0x7B2];
	p0 =	seq.s32 s18, $0x1  }
0x47f: {  	s7 =	rddreg [dreg:$0x13];
	s0 =	simm.s32 @!p0 $0x0  }
0x480: {  	[hbm4b:s7+s0] =	stream.linear.scatter @!p0 [tilespmem:s9], [sflag:$0x3], $0x20, $0x38;
	[tilespmem:$0x1EA00] =	vst v63  }
0x481: {  	s9 =	sld [smem:$0x7B3]  }
0x482: {  	p0 =	seq.s32 s19, $0x1  }
0x483: {  	s7 =	rddreg [dreg:$0x14];
	s0 =	simm.s32 @!p0 $0x0  }
0x484: {  	[hbm4b:s7+s0] =	stream.linear.scatter @!p0 [tilespmem:s9], [sflag:$0x3], $0x20, $0x38;
	[tilespmem:$0x1EA00] =	vst v63  }
0x485: {  	s9 =	sld [smem:$0x7B4];
	_ =	sdelay $0x1  }
0x486: {  	s0 =	simm.s32 @!p5 $0x0;
	s7 =	rddreg [dreg:$0xf]  }
0x487: {  	[hbm4b:s7+s0] =	stream.linear.scatter @!p5 [tilespmem:s9], [sflag:$0x3], $0x20, $0x38;
	[tilespmem:$0x1EA00] =	vst v63  }
0x488: {  	s9 =	sld [smem:$0x7B5]  }
0x489: {  	s23 =	sld [smem:$0x7B6]  }
0x48a: {  	s0 =	simm.s32 @!p6 $0x0;
	s7 =	rddreg [dreg:$0x10]  }
0x48b: {  	[hbm4b:s7+s0] =	stream.linear.scatter @!p6 [tilespmem:s9], [sflag:$0x3], $0x20, $0x38;
	[tilespmem:$0x1EA00] =	vst v63  }
0x48c: {  	s0 =	simm.s32 @!p3 $0x0;
	s7 =	rddreg [dreg:$0xc]  }
0x48d: {  	[hbm4b:s7+s0] =	stream.linear.scatter @!p3 [tilespmem:s22], [sflag:$0x3], $0x20, $0x38;
	[tilespmem:$0x1EA00] =	vst v63  }
0x48e: {  	s22 =	sld [smem:$0x7C5]  }
0x48f: {  	s0 =	sld [smem:$0x7B7];
	_ =	sdelay $0x1  }
0x490: {  	p0 =	seq.s32 s23, $0x1;
	p3 =	seq.s32 s22, $0x1;
	s22 =	rddreg [dreg:$0x3]  }
0x491: {  	s24 =	sld [smem:$0x7B8];
	s7 =	simm.s32 @!p0 $0x0;
	s0 =	sadd.s32 @!p0 s22, s0  }
0x492: {  	[hbm4b:s0+s7] =	stream.linear.scatter @!p0 [tilespmem:s5], [sflag:$0x3], $0x20, $0x38;
	[tilespmem:$0x1EA00] =	vst v63  }
0x493: {  	s0 =	sld [smem:$0x7B9];
	_ =	sdelay $0x1  }
0x494: {  	p0 =	seq.s32 s24, $0x1  }
0x495: {  	s28 =	sld [smem:$0x7BA];
	s5 =	simm.s32 @!p0 $0x0;
	s0 =	sadd.s32 @!p0 s22, s0  }
0x496: {  	[hbm4b:s0+s5] =	stream.linear.scatter @!p0 [tilespmem:s4], [sflag:$0x3], $0x20, $0x38;
	[tilespmem:$0x1EA00] =	vst v63  }
0x497: {  	s0 =	sld [smem:$0x7BB];
	_ =	sdelay $0x1  }
0x498: {  	s31 =	sld [smem:$0x7BC];
	p0 =	seq.s32 s28, $0x1  }
0x499: {  	s4 =	simm.s32 @!p0 $0x0;
	s0 =	sadd.s32 @!p0 s22, s0  }
0x49a: {  	[hbm4b:s0+s4] =	stream.linear.scatter @!p0 [tilespmem:s1], [sflag:$0x3], $0x20, $0x38;
	[tilespmem:$0x1EA00] =	vst v63  }
0x49b: {  	p0 =	seq.s32 s31, $0x1  }
.Ltmp26:
0x49c: {  	_ = 	snop;
	(pc) =	sbr.rel @p0 .LBB2_33-.Ltmp26, $4  }
0x49d: {  	_ = 	snop  }
0x49e: {  	s14 =	smov.u32 s8  }
0x49f: {  	s8 =	sadd.s32 $0xFFFFFFF0, s8;
	s12 =	sadd.s32 $0x10, s12;
	s6 =	sadd.s32 $0x10, s6  }
0x4a0: {  	s11 =	sadd.s32 $0x10, s11;
	s17 =	rddreg [dreg:$0x6];
	p1 =	slt.s32 s14, $0x10  }
.LBB2_34:
.Ltmp27:
0x4a1: {  	(pc) =	sbr.rel .LBB2_35-.Ltmp27, $4  }
0x4a2: {  	[hbm4b:s15+s20] =	stream.linear.scatter @!p3 [tilespmem:s29], [sflag:$0x3], $0x20, $0x38;
	[tilespmem:$0x1EA00] =	vst v63  }
0x4a3: {  	s0 =	simm.s32 @!p4 $0x0  }
0x4a4: {  	s3 =	simm.s32 $0x1E200;
	s31 =	simm.s32 $0x10200;
	s18 =	simm.s32 $0x1A200  }
0x4a5: {  	[hbm4b:s21+s0] =	stream.linear.scatter @!p4 [tilespmem:s25], [sflag:$0x3], $0x20, $0x38;
	[tilespmem:$0x1EA00] =	vst v63  }
.LBB2_11:
.Ltmp28:
0x4a6: {  	(pc) =	sbr.rel .LBB2_35-.Ltmp28, $2  }
0x4a7: {  	_ =	sdelay $0x2  }
0x4a8: {  	[tilespmem:$0x0] =	vst v4;
	s3 =	simm.s32 $0x1E200  }
.LBB2_31:
0x4a9: {  	s3 =	simm.s32 $0x1E200  }
.LBB2_35:
0x4aa: {  	s0 =	sand.u32 $0x7F, s16  }
0x4ab: {  	s1 =	sshra.s32 s16, $0x1F;
	p0 =	slt.s32 s16, $0x1;
	p1 =	sne.s32 s0, $0x0  }
0x4ac: {  	s30 =	sshrl.u32 s1, $0x19;
	p0 =	por !p0, !p1  }
0x4ad: {  	s1 =	simm.s32 $0x1;
	s0 =	sadd.s32 s30, s16;
	p0 =	por !p0, !p0  }
0x4ae: {  	s0 =	sshra.s32 s0, $0x7;
	s1 =	simm.s32 @!p0 $0x0  }
0x4af: {  	s0 =	ssub.s32 s0, s1  }
0x4b0: {  	p0 =	slt.s32 s0, $0x1  }
.Ltmp29:
0x4b1: {  	_ = 	snop;
	(pc) =	sbr.rel @p0 .LBB2_39-.Ltmp29, $2  }
0x4b2: {  	_ =	sdelay $0x2  }
0x4b3: {  	s1 =	sld [smem:$0x7F3]  }
0x4b4: {  	p0 =	sne.s32 s0, $0x1  }
.Ltmp30:
0x4b5: {  	_ = 	snop;
	(pc) =	sbr.rel @!p0 .LBB2_38-.Ltmp30, $4  }
0x4b6: {  	_ = 	snop  }
0x4b7: {  	s1 =	simm.s32 $0x3  }
0x4b8: {  	_ =	swait.ge [sflag:s1], $0x20  }
0x4b9: {  	s0 =	sadd.s32 $0xFFFFFFFF, s0;
	[sflag:s1] =	ssyncset.done $0x0  }
.LBB2_37:
0x4ba: {  	p0 =	sne.s32 s0, $0x1;
	s0 =	sadd.s32 $0xFFFFFFFF, s0;
	[sflag:s1] =	ssyncadd.s32 $0xFFFFFFE0  }
.Ltmp31:
0x4bb: {  	(pc) =	sbr.rel @p0 .LBB2_37-.Ltmp31, $3  }
0x4bc: {  	_ =	sdelay $0x1  }
0x4bd: {  	_ =	swait.ge [sflag:s1], $0x20  }
0x4be: {  	[sflag:s1] =	ssyncset.done $0x0  }
.Ltmp32:
0x4bf: {  	_ = 	snop;
	(pc) =	sbr.rel .LBB2_38-.Ltmp32, $1  }
0x4c0: {  	_ =	sdelay $0x3  }
.LBB2_10:
.Ltmp33:
0x4c1: {  	(pc) =	sbr.rel .LBB2_30-.Ltmp33, $2  }
0x4c2: {  	_ =	sdelay $0x2  }
0x4c3: {  	s2 =	simm.s32 $0x4080;
	s3 =	simm.s32 $0x0  }
.LBB2_28:
.Ltmp34:
0x4c4: {  	(pc) =	sbr.rel .LBB2_30-.Ltmp34, $2  }
0x4c5: {  	_ =	sdelay $0x2  }
0x4c6: {  	s2 =	simm.s32 $0x4080;
	s3 =	simm.s32 $0x0  }
.LBB2_40:
0x4c7: {  	_ =	sfence.sel $0x180000  }
0x4c8: {  	[bflag:$0x0] =	sbarrier.arrive $0xFFFF  }
0x4c9: {  	_ =	strace $0x90000047  }
0x4ca: {  	s0 =	stileid.u32;
	[bflag:$0x2] =	sbarrier.arrive $0xFFFF  }
0x4cb: {  	p0 =	sne.s32 s0, $0x0;
	s0 =	rddreg [dreg:$0x4]  }
0x4cc: {  	s0 =	sadd.s32 @!p0 $0x100000, s0  }
0x4cd: {  	[sflag:s0] =	ssyncadd.tile.s32 @!p0 $0x1;
	_ =	shalt  }
.Lfunc_end2:
_tile_overlayer_lowered:
.L_overlay_start_2:
0x4ce: {  	(tag) =	ssettag $0x2  }
0x4cf: {  	s0 =	rddreg [dreg:$0x0];
	s2 =	stileid.u32  }
0x4d0: {  	s1 =	rddreg [dreg:$0x1];
	p0 =	sne.s32 s2, $0x0  }
0x4d1: {  	s3 =	rddreg [dreg:$0x2];
	[bflag:$0x3] =	sbarrier.arrive $0xFFFF;
	s2 =	simm.s32 @!p0 $0x1C04  }
0x4d2: {  	[timem:s3], [sflag:s2] =	dma.local @!p0 [hbm:s0], s1  }
0x4d3: {  	s0 =	simm.s32 @!p0 $0x4  }
0x4d4: {  	_ =	swait.ge @!p0 [sflag:s0], s1  }
0x4d5: {  	s1 =	ssub.s32 @!p0 $0x0, s1;
	[sflag:s0] =	ssyncset.done @!p0 $0x0  }
0x4d6: {  	[sflag:s0] =	ssyncadd.s32 @!p0 s1  }
0x4d7: {  	[bflag:$0x3] =	sbarrier.arrive $0xFFFF  }
0x4d8: {  	_ =	shalt  }

</sc_bundles>
